<compile_context>
chip_gen: v7x
topology: tpu7x:2x2x1
jax: 0.10.2.dev20260603
libtpu: 0.0.44.dev20260713+nightly
codegen_flags: <defaults>
</compile_context>

<pallas_src>
import functools

import jax
import jax.numpy as jnp
from jax import lax
from jax.experimental import pallas as pl
from jax.experimental.pallas import tpu as pltpu
from jax.experimental.pallas import tpu_sc as plsc

_PAIRS = [(2, 7), (1, 13), (2, 68), (1, 110), (2, 129), (1, 207), (2, 190), (1, 304), (2, 251), (1, 401), (2, 312), (1, 498), (2, 373), (1, 595), (2, 434), (1, 692), (2, 495), (1, 789), (2, 556), (1, 886), (2, 617), (1, 983), (2, 678), (1, 1080), (2, 739), (1, 1177), (2, 800), (1, 1274), (2, 861), (1, 1371), (2, 922), (1, 1468), (2, 983), (1, 1565), (2, 1044), (1, 1662), (2, 1105), (1, 1759), (2, 1166), (1, 1856), (2, 1227), (1, 1953), (2, 1288), (1, 2), (2, 1349), (1, 99), (2, 1410), (1, 196), (2, 1471), (1, 293), (2, 1532), (1, 390), (2, 1593), (1, 487), (2, 1654), (1, 584), (2, 1715), (1, 681), (2, 1776), (1, 778), (2, 1837), (1, 875), (2, 1898), (1, 972)]

assert all(_PAIRS[2 * w] == (2, 7 + 61 * w) for w in range(32))
assert all(_PAIRS[2 * w + 1] == (1, (13 + 97 * w) % 2048) for w in range(32))

_ROWS = 32
_L = 16

_mesh = plsc.VectorSubcoreMesh(core_axis_name="c", subcore_axis_name="s")


@functools.partial(
    pl.kernel,
    out_type=jax.ShapeDtypeStruct((64, _ROWS, 256), jnp.float32),
    mesh=_mesh,
    scratch_types=[
        pltpu.VMEM((1, _ROWS, 256), jnp.float32),
        pltpu.VMEM((1, 1, 256), jnp.float32),
        pltpu.VMEM((1, _ROWS, 256), jnp.float32),
        pltpu.SemaphoreType.DMA,
        pltpu.SemaphoreType.DMA,
        pltpu.SemaphoreType.DMA,
        pltpu.SemaphoreType.DMA,
    ],
)
def _gather(l2_hbm, l1_hbm, out_hbm, slab_v, row_v, bcast_v,
            sem_in2, sem_in1, sem_out2, sem_out1):
    w = lax.axis_index("s") * 2 + lax.axis_index("c")
    o2 = 7 + 61 * w
    o1 = lax.rem(13 + 97 * w, 2048)
    c2in = pltpu.async_copy(l2_hbm.at[pl.ds(o2, 1)], slab_v, sem_in2)
    c1in = pltpu.async_copy(l1_hbm.at[pl.ds(o1, 1)], row_v, sem_in1)
    c1in.wait()
    for k in range(256 // _L):
        chunk = row_v[0, 0, pl.ds(k * _L, _L)]
        for r in range(_ROWS):
            bcast_v[0, r, pl.ds(k * _L, _L)] = chunk
    c1out = pltpu.async_copy(bcast_v, out_hbm.at[pl.ds(2 * w + 1, 1)], sem_out1)
    c2in.wait()
    c2out = pltpu.async_copy(slab_v, out_hbm.at[pl.ds(2 * w, 1)], sem_out2)
    c1out.wait()
    c2out.wait()


@jax.jit
def kernel(layer2, layer1):
    return _gather(layer2, layer1)

# --- scband reference (transcript-rebuilt; emitter-appended) ---
"""Pipeline reference for scband-gather-module-48653389529321 (READ-ONLY COPY).

The authoritative reference and input builder live on the scoring server;
editing this copy changes nothing except your own understanding.
"""

import jax, jax.numpy as jnp
import numpy as np

PAIRS = [(2,7),(1,13),(2,68),(1,110),(2,129),(1,207),(2,190),(1,304),(2,251),(1,401),(2,312),(1,498),(2,373),(1,595),(2,434),(1,692),(2,495),(1,789),(2,556),(1,886),(2,617),(1,983),(2,678),(1,1080),(2,739),(1,1177),(2,800),(1,1274),(2,861),(1,1371),(2,922),(1,1468),(2,983),(1,1565),(2,1044),(1,1662),(2,1105),(1,1759),(2,1166),(1,1856),(2,1227),(1,1953),(2,1288),(1,2),(2,1349),(1,99),(2,1410),(1,196),(2,1471),(1,293),(2,1532),(1,390),(2,1593),(1,487),(2,1654),(1,584),(2,1715),(1,681),(2,1776),(1,778),(2,1837),(1,875),(2,1898),(1,972)]

LAYERS = sorted(set(l for l, _ in PAIRS), reverse=True)
PER_LAYER = {layer: sorted(set(o for l, o in PAIRS if l == layer)) for layer in LAYERS}
_layer_sizes = [len(PER_LAYER[l]) for l in LAYERS]
_prefixes = np.concatenate([[0], np.cumsum(_layer_sizes)[:-1]])
_layers_map = {l: i for i, l in enumerate(LAYERS)}
_o_map = {l: {o: i for i, o in enumerate(PER_LAYER[l])} for l in LAYERS}
CONCAT_ORDS = np.array([_prefixes[_layers_map[l]] + _o_map[l][o] for l, o in PAIRS], dtype=np.int32)
PER_LAYER_IDX = {l: np.array(PER_LAYER[l], dtype=np.int32) for l in LAYERS}


def setup_inputs(seed: int = 0) -> dict:
    key = jax.random.key(seed)
    k1, k2 = jax.random.split(key)
    layer2 = jax.random.normal(k1, (2048, 32, 256), dtype=jnp.float32)
    layer1 = jax.random.normal(k2, (2048, 1, 256), dtype=jnp.float32)
    return {"layer2": layer2, "layer1": layer1}


def reference(layer2, layer1):
    layer_values = {2: layer2, 1: layer1}
    # per-layer gather (torch.index_select on dim 0)
    needed = [jnp.take(layer_values[l], jnp.asarray(PER_LAYER_IDX[l]), axis=0) for l in LAYERS]
    # shape hull + expand (broadcast) to common trailing dims
    H = max(v.shape[1] for v in needed)
    W = max(v.shape[2] for v in needed)
    needed = [jnp.broadcast_to(v, (v.shape[0], H, W)) for v in needed]
    cat = jnp.concatenate(needed, axis=0)
    out = jnp.take(cat, jnp.asarray(CONCAT_ORDS), axis=0)
    return out

if __name__ == "__main__":
    import jax
    _d = setup_inputs()
    print(jax.jit(kernel)(*tuple(_d.values())))

</pallas_src>

<mosaic_0001>
#map = affine_map<(d0, d1) -> (0, 0, 0)>
module attributes {stable_mosaic.version = 14 : i64} {
  func.func @_gather(%arg0: i32, %arg1: i32, %arg2: memref<2048x32x256xf32, #tpu.memory_space<hbm>>, %arg3: memref<2048x1x256xf32, #tpu.memory_space<hbm>>, %arg4: memref<64x32x256xf32, #tpu.memory_space<hbm>>, %arg5: memref<1x32x256xf32, #tpu.memory_space<vmem>>, %arg6: memref<1x1x256xf32, #tpu.memory_space<vmem>>, %arg7: memref<1x32x256xf32, #tpu.memory_space<vmem>>, %arg8: memref<!tpu.dma_semaphore, #tpu.memory_space<semaphore_mem>>, %arg9: memref<!tpu.dma_semaphore, #tpu.memory_space<semaphore_mem>>, %arg10: memref<!tpu.dma_semaphore, #tpu.memory_space<semaphore_mem>>, %arg11: memref<!tpu.dma_semaphore, #tpu.memory_space<semaphore_mem>>) attributes {dimension_semantics = [#tpu.dimension_semantics<core_parallel>, #tpu.dimension_semantics<subcore_parallel>], iteration_bounds = array<i64: 2, 16>, scalar_prefetch = 0 : i64, scratch_operands = 7 : i64, tpu.core_type = #tpu.core_type<sc_vector_subcore>, window_params = [{transform_indices = #map}, {transform_indices = #map}, {transform_indices = #map}]} {
    %mul3A = arith.constant 2 : i32
    %mul3A_0 = arith.muli %arg1, %mul3A : i32
    %add3A = arith.addi %mul3A_0, %arg0 : i32
    %mul3A_1 = arith.constant 61 : i32
    %mul3A_2 = arith.muli %mul3A_1, %add3A : i32
    %add3A_3 = arith.constant 7 : i32
    %add3A_4 = arith.addi %add3A_3, %mul3A_2 : i32
    %mul3A_5 = arith.constant 97 : i32
    %mul3A_6 = arith.muli %mul3A_5, %add3A : i32
    %add3A_7 = arith.constant 13 : i32
    %add3A_8 = arith.addi %add3A_7, %mul3A_6 : i32
    %rem3A = arith.constant 2048 : i32
    %rem3A_9 = arith.remsi %add3A_8, %rem3A : i32
    %dma_start3A = arith.constant 0 : i32
    %dma_start3A_10 = arith.constant 0 : i32
    %dma_start3A_11 = tpu.memref_slice %arg2[%add3A_4, %dma_start3A, %dma_start3A_10] : memref<2048x32x256xf32, #tpu.memory_space<hbm>> -> memref<1x32x256xf32, #tpu.memory_space<hbm>>
    %dma_start3A_12 = arith.constant 0 : i32
    %dma_start3A_13 = arith.constant 0 : i32
    %dma_start3A_14 = tpu.memref_slice %arg2[%add3A_4, %dma_start3A_12, %dma_start3A_13] : memref<2048x32x256xf32, #tpu.memory_space<hbm>> -> memref<1x32x256xf32, #tpu.memory_space<hbm>>
    tpu.enqueue_dma source(%dma_start3A_14 : memref<1x32x256xf32, #tpu.memory_space<hbm>>) target(%arg5 : memref<1x32x256xf32, #tpu.memory_space<vmem>>) target_semaphore(%arg8 : memref<!tpu.dma_semaphore, #tpu.memory_space<semaphore_mem>>)
    %dma_start3A_15 = arith.constant 0 : i32
    %dma_start3A_16 = arith.constant 0 : i32
    %dma_start3A_17 = tpu.memref_slice %arg3[%rem3A_9, %dma_start3A_15, %dma_start3A_16] : memref<2048x1x256xf32, #tpu.memory_space<hbm>> -> memref<1x1x256xf32, #tpu.memory_space<hbm>>
    %dma_start3A_18 = arith.constant 0 : i32
    %dma_start3A_19 = arith.constant 0 : i32
    %dma_start3A_20 = tpu.memref_slice %arg3[%rem3A_9, %dma_start3A_18, %dma_start3A_19] : memref<2048x1x256xf32, #tpu.memory_space<hbm>> -> memref<1x1x256xf32, #tpu.memory_space<hbm>>
    tpu.enqueue_dma source(%dma_start3A_20 : memref<1x1x256xf32, #tpu.memory_space<hbm>>) target(%arg6 : memref<1x1x256xf32, #tpu.memory_space<vmem>>) target_semaphore(%arg9 : memref<!tpu.dma_semaphore, #tpu.memory_space<semaphore_mem>>)
    %dma_wait3A = arith.constant 0 : i32
    %dma_wait3A_21 = arith.constant 0 : i32
    %dma_wait3A_22 = tpu.memref_slice %arg3[%rem3A_9, %dma_wait3A, %dma_wait3A_21] : memref<2048x1x256xf32, #tpu.memory_space<hbm>> -> memref<1x1x256xf32, #tpu.memory_space<hbm>>
    %dma_wait3A_23 = arith.constant 0 : i32
    %dma_wait3A_24 = arith.constant 0 : i32
    %dma_wait3A_25 = tpu.memref_slice %arg3[%rem3A_9, %dma_wait3A_23, %dma_wait3A_24] : memref<2048x1x256xf32, #tpu.memory_space<hbm>> -> memref<1x1x256xf32, #tpu.memory_space<hbm>>
    tpu.wait_dma2 semaphore(%arg9 : memref<!tpu.dma_semaphore, #tpu.memory_space<semaphore_mem>>) src(%dma_wait3A_25 : memref<1x1x256xf32, #tpu.memory_space<hbm>>) dst(%arg6 : memref<1x1x256xf32, #tpu.memory_space<vmem>>)
    %get3A = arith.constant 0 : i32
    %get3A_26 = arith.constant 0 : i32
    %get3A_27 = arith.index_cast %get3A : i32 to index
    %get3A_28 = arith.index_cast %get3A_26 : i32 to index
    %get3A_29 = arith.constant 0 : index
    %get3A_30 = tpu.vector_load %arg6[%get3A_27, %get3A_28, %get3A_29] {strides = array<i32>} : memref<1x1x256xf32, #tpu.memory_space<vmem>>, vector<1x1x16xf32>,
    %get3A_31 = vector.shape_cast %get3A_30 : vector<1x1x16xf32> to vector<16xf32>
    %swap3A = arith.constant 0 : i32
    %swap3A_32 = arith.constant 0 : i32
    %swap3A_33 = arith.index_cast %swap3A : i32 to index
    %swap3A_34 = arith.index_cast %swap3A_32 : i32 to index
    %swap3A_35 = arith.constant 0 : index
    %swap3A_36 = tpu.vector_load %arg7[%swap3A_33, %swap3A_34, %swap3A_35] {strides = array<i32>} : memref<1x32x256xf32, #tpu.memory_space<vmem>>, vector<1x1x16xf32>,
    %swap3A_37 = vector.shape_cast %swap3A_36 : vector<1x1x16xf32> to vector<16xf32>
    %swap3A_38 = vector.shape_cast %get3A_31 : vector<16xf32> to vector<1x1x16xf32>
    tpu.vector_store %arg7[%swap3A_33, %swap3A_34, %swap3A_35], %swap3A_38 {strides = array<i32>} : memref<1x32x256xf32, #tpu.memory_space<vmem>>, vector<1x1x16xf32>,
    %swap3A_39 = arith.constant 0 : i32
    %swap3A_40 = arith.constant 1 : i32
    %swap3A_41 = arith.index_cast %swap3A_39 : i32 to index
    %swap3A_42 = arith.index_cast %swap3A_40 : i32 to index
    %swap3A_43 = arith.constant 0 : index
    %swap3A_44 = tpu.vector_load %arg7[%swap3A_41, %swap3A_42, %swap3A_43] {strides = array<i32>} : memref<1x32x256xf32, #tpu.memory_space<vmem>>, vector<1x1x16xf32>,
    %swap3A_45 = vector.shape_cast %swap3A_44 : vector<1x1x16xf32> to vector<16xf32>
    %swap3A_46 = vector.shape_cast %get3A_31 : vector<16xf32> to vector<1x1x16xf32>
    tpu.vector_store %arg7[%swap3A_41, %swap3A_42, %swap3A_43], %swap3A_46 {strides = array<i32>} : memref<1x32x256xf32, #tpu.memory_space<vmem>>, vector<1x1x16xf32>,
    %swap3A_47 = arith.constant 0 : i32
    %swap3A_48 = arith.constant 2 : i32
    %swap3A_49 = arith.index_cast %swap3A_47 : i32 to index
    %swap3A_50 = arith.index_cast %swap3A_48 : i32 to index
    %swap3A_51 = arith.constant 0 : index
    %swap3A_52 = tpu.vector_load %arg7[%swap3A_49, %swap3A_50, %swap3A_51] {strides = array<i32>} : memref<1x32x256xf32, #tpu.memory_space<vmem>>, vector<1x1x16xf32>,
    %swap3A_53 = vector.shape_cast %swap3A_52 : vector<1x1x16xf32> to vector<16xf32>
    %swap3A_54 = vector.shape_cast %get3A_31 : vector<16xf32> to vector<1x1x16xf32>
    tpu.vector_store %arg7[%swap3A_49, %swap3A_50, %swap3A_51], %swap3A_54 {strides = array<i32>} : memref<1x32x256xf32, #tpu.memory_space<vmem>>, vector<1x1x16xf32>,
    %swap3A_55 = arith.constant 0 : i32
    %swap3A_56 = arith.constant 3 : i32
    %swap3A_57 = arith.index_cast %swap3A_55 : i32 to index
    %swap3A_58 = arith.index_cast %swap3A_56 : i32 to index
    %swap3A_59 = arith.constant 0 : index
    %swap3A_60 = tpu.vector_load %arg7[%swap3A_57, %swap3A_58, %swap3A_59] {strides = array<i32>} : memref<1x32x256xf32, #tpu.memory_space<vmem>>, vector<1x1x16xf32>,
    %swap3A_61 = vector.shape_cast %swap3A_60 : vector<1x1x16xf32> to vector<16xf32>
    %swap3A_62 = vector.shape_cast %get3A_31 : vector<16xf32> to vector<1x1x16xf32>
    tpu.vector_store %arg7[%swap3A_57, %swap3A_58, %swap3A_59], %swap3A_62 {strides = array<i32>} : memref<1x32x256xf32, #tpu.memory_space<vmem>>, vector<1x1x16xf32>,
    %swap3A_63 = arith.constant 0 : i32
    %swap3A_64 = arith.constant 4 : i32
    %swap3A_65 = arith.index_cast %swap3A_63 : i32 to index
    %swap3A_66 = arith.index_cast %swap3A_64 : i32 to index
    %swap3A_67 = arith.constant 0 : index
    %swap3A_68 = tpu.vector_load %arg7[%swap3A_65, %swap3A_66, %swap3A_67] {strides = array<i32>} : memref<1x32x256xf32, #tpu.memory_space<vmem>>, vector<1x1x16xf32>,
    %swap3A_69 = vector.shape_cast %swap3A_68 : vector<1x1x16xf32> to vector<16xf32>
    %swap3A_70 = vector.shape_cast %get3A_31 : vector<16xf32> to vector<1x1x16xf32>
    tpu.vector_store %arg7[%swap3A_65, %swap3A_66, %swap3A_67], %swap3A_70 {strides = array<i32>} : memref<1x32x256xf32, #tpu.memory_space<vmem>>, vector<1x1x16xf32>,
    %swap3A_71 = arith.constant 0 : i32
    %swap3A_72 = arith.constant 5 : i32
    %swap3A_73 = arith.index_cast %swap3A_71 : i32 to index
    %swap3A_74 = arith.index_cast %swap3A_72 : i32 to index
    %swap3A_75 = arith.constant 0 : index
    %swap3A_76 = tpu.vector_load %arg7[%swap3A_73, %swap3A_74, %swap3A_75] {strides = array<i32>} : memref<1x32x256xf32, #tpu.memory_space<vmem>>, vector<1x1x16xf32>,
    %swap3A_77 = vector.shape_cast %swap3A_76 : vector<1x1x16xf32> to vector<16xf32>
    %swap3A_78 = vector.shape_cast %get3A_31 : vector<16xf32> to vector<1x1x16xf32>
    tpu.vector_store %arg7[%swap3A_73, %swap3A_74, %swap3A_75], %swap3A_78 {strides = array<i32>} : memref<1x32x256xf32, #tpu.memory_space<vmem>>, vector<1x1x16xf32>,
    %swap3A_79 = arith.constant 0 : i32
    %swap3A_80 = arith.constant 6 : i32
    %swap3A_81 = arith.index_cast %swap3A_79 : i32 to index
    %swap3A_82 = arith.index_cast %swap3A_80 : i32 to index
    %swap3A_83 = arith.constant 0 : index
    %swap3A_84 = tpu.vector_load %arg7[%swap3A_81, %swap3A_82, %swap3A_83] {strides = array<i32>} : memref<1x32x256xf32, #tpu.memory_space<vmem>>, vector<1x1x16xf32>,
    %swap3A_85 = vector.shape_cast %swap3A_84 : vector<1x1x16xf32> to vector<16xf32>
    %swap3A_86 = vector.shape_cast %get3A_31 : vector<16xf32> to vector<1x1x16xf32>
    tpu.vector_store %arg7[%swap3A_81, %swap3A_82, %swap3A_83], %swap3A_86 {strides = array<i32>} : memref<1x32x256xf32, #tpu.memory_space<vmem>>, vector<1x1x16xf32>,
    %swap3A_87 = arith.constant 0 : i32
    %swap3A_88 = arith.constant 7 : i32
    %swap3A_89 = arith.index_cast %swap3A_87 : i32 to index
    %swap3A_90 = arith.index_cast %swap3A_88 : i32 to index
    %swap3A_91 = arith.constant 0 : index
    %swap3A_92 = tpu.vector_load %arg7[%swap3A_89, %swap3A_90, %swap3A_91] {strides = array<i32>} : memref<1x32x256xf32, #tpu.memory_space<vmem>>, vector<1x1x16xf32>,
    %swap3A_93 = vector.shape_cast %swap3A_92 : vector<1x1x16xf32> to vector<16xf32>
    %swap3A_94 = vector.shape_cast %get3A_31 : vector<16xf32> to vector<1x1x16xf32>
    tpu.vector_store %arg7[%swap3A_89, %swap3A_90, %swap3A_91], %swap3A_94 {strides = array<i32>} : memref<1x32x256xf32, #tpu.memory_space<vmem>>, vector<1x1x16xf32>,
    %swap3A_95 = arith.constant 0 : i32
    %swap3A_96 = arith.constant 8 : i32
    %swap3A_97 = arith.index_cast %swap3A_95 : i32 to index
    %swap3A_98 = arith.index_cast %swap3A_96 : i32 to index
    %swap3A_99 = arith.constant 0 : index
    %swap3A_100 = tpu.vector_load %arg7[%swap3A_97, %swap3A_98, %swap3A_99] {strides = array<i32>} : memref<1x32x256xf32, #tpu.memory_space<vmem>>, vector<1x1x16xf32>,
    %swap3A_101 = vector.shape_cast %swap3A_100 : vector<1x1x16xf32> to vector<16xf32>
    %swap3A_102 = vector.shape_cast %get3A_31 : vector<16xf32> to vector<1x1x16xf32>
    tpu.vector_store %arg7[%swap3A_97, %swap3A_98, %swap3A_99], %swap3A_102 {strides = array<i32>} : memref<1x32x256xf32, #tpu.memory_space<vmem>>, vector<1x1x16xf32>,
    %swap3A_103 = arith.constant 0 : i32
    %swap3A_104 = arith.constant 9 : i32
    %swap3A_105 = arith.index_cast %swap3A_103 : i32 to index
    %swap3A_106 = arith.index_cast %swap3A_104 : i32 to index
    %swap3A_107 = arith.constant 0 : index
    %swap3A_108 = tpu.vector_load %arg7[%swap3A_105, %swap3A_106, %swap3A_107] {strides = array<i32>} : memref<1x32x256xf32, #tpu.memory_space<vmem>>, vector<1x1x16xf32>,
    %swap3A_109 = vector.shape_cast %swap3A_108 : vector<1x1x16xf32> to vector<16xf32>
    %swap3A_110 = vector.shape_cast %get3A_31 : vector<16xf32> to vector<1x1x16xf32>
    tpu.vector_store %arg7[%swap3A_105, %swap3A_106, %swap3A_107], %swap3A_110 {strides = array<i32>} : memref<1x32x256xf32, #tpu.memory_space<vmem>>, vector<1x1x16xf32>,
    %swap3A_111 = arith.constant 0 : i32
    %swap3A_112 = arith.constant 10 : i32
    %swap3A_113 = arith.index_cast %swap3A_111 : i32 to index
    %swap3A_114 = arith.index_cast %swap3A_112 : i32 to index
    %swap3A_115 = arith.constant 0 : index
    %swap3A_116 = tpu.vector_load %arg7[%swap3A_113, %swap3A_114, %swap3A_115] {strides = array<i32>} : memref<1x32x256xf32, #tpu.memory_space<vmem>>, vector<1x1x16xf32>,
    %swap3A_117 = vector.shape_cast %swap3A_116 : vector<1x1x16xf32> to vector<16xf32>
    %swap3A_118 = vector.shape_cast %get3A_31 : vector<16xf32> to vector<1x1x16xf32>
    tpu.vector_store %arg7[%swap3A_113, %swap3A_114, %swap3A_115], %swap3A_118 {strides = array<i32>} : memref<1x32x256xf32, #tpu.memory_space<vmem>>, vector<1x1x16xf32>,
    %swap3A_119 = arith.constant 0 : i32
    %swap3A_120 = arith.constant 11 : i32
    %swap3A_121 = arith.index_cast %swap3A_119 : i32 to index
    %swap3A_122 = arith.index_cast %swap3A_120 : i32 to index
    %swap3A_123 = arith.constant 0 : index
    %swap3A_124 = tpu.vector_load %arg7[%swap3A_121, %swap3A_122, %swap3A_123] {strides = array<i32>} : memref<1x32x256xf32, #tpu.memory_space<vmem>>, vector<1x1x16xf32>,
    %swap3A_125 = vector.shape_cast %swap3A_124 : vector<1x1x16xf32> to vector<16xf32>
    %swap3A_126 = vector.shape_cast %get3A_31 : vector<16xf32> to vector<1x1x16xf32>
    tpu.vector_store %arg7[%swap3A_121, %swap3A_122, %swap3A_123], %swap3A_126 {strides = array<i32>} : memref<1x32x256xf32, #tpu.memory_space<vmem>>, vector<1x1x16xf32>,
    %swap3A_127 = arith.constant 0 : i32
    %swap3A_128 = arith.constant 12 : i32
    %swap3A_129 = arith.index_cast %swap3A_127 : i32 to index
    %swap3A_130 = arith.index_cast %swap3A_128 : i32 to index
    %swap3A_131 = arith.constant 0 : index
    %swap3A_132 = tpu.vector_load %arg7[%swap3A_129, %swap3A_130, %swap3A_131] {strides = array<i32>} : memref<1x32x256xf32, #tpu.memory_space<vmem>>, vector<1x1x16xf32>,
    %swap3A_133 = vector.shape_cast %swap3A_132 : vector<1x1x16xf32> to vector<16xf32>
    %swap3A_134 = vector.shape_cast %get3A_31 : vector<16xf32> to vector<1x1x16xf32>
    tpu.vector_store %arg7[%swap3A_129, %swap3A_130, %swap3A_131], %swap3A_134 {strides = array<i32>} : memref<1x32x256xf32, #tpu.memory_space<vmem>>, vector<1x1x16xf32>,
    %swap3A_135 = arith.constant 0 : i32
    %swap3A_136 = arith.constant 13 : i32
    %swap3A_137 = arith.index_cast %swap3A_135 : i32 to index
    %swap3A_138 = arith.index_cast %swap3A_136 : i32 to index
    %swap3A_139 = arith.constant 0 : index
    %swap3A_140 = tpu.vector_load %arg7[%swap3A_137, %swap3A_138, %swap3A_139] {strides = array<i32>} : memref<1x32x256xf32, #tpu.memory_space<vmem>>, vector<1x1x16xf32>,
    %swap3A_141 = vector.shape_cast %swap3A_140 : vector<1x1x16xf32> to vector<16xf32>
    %swap3A_142 = vector.shape_cast %get3A_31 : vector<16xf32> to vector<1x1x16xf32>
    tpu.vector_store %arg7[%swap3A_137, %swap3A_138, %swap3A_139], %swap3A_142 {strides = array<i32>} : memref<1x32x256xf32, #tpu.memory_space<vmem>>, vector<1x1x16xf32>,
    %swap3A_143 = arith.constant 0 : i32
    %swap3A_144 = arith.constant 14 : i32
    %swap3A_145 = arith.index_cast %swap3A_143 : i32 to index
    %swap3A_146 = arith.index_cast %swap3A_144 : i32 to index
    %swap3A_147 = arith.constant 0 : index
    %swap3A_148 = tpu.vector_load %arg7[%swap3A_145, %swap3A_146, %swap3A_147] {strides = array<i32>} : memref<1x32x256xf32, #tpu.memory_space<vmem>>, vector<1x1x16xf32>,
    %swap3A_149 = vector.shape_cast %swap3A_148 : vector<1x1x16xf32> to vector<16xf32>
    %swap3A_150 = vector.shape_cast %get3A_31 : vector<16xf32> to vector<1x1x16xf32>
    tpu.vector_store %arg7[%swap3A_145, %swap3A_146, %swap3A_147], %swap3A_150 {strides = array<i32>} : memref<1x32x256xf32, #tpu.memory_space<vmem>>, vector<1x1x16xf32>,
    %swap3A_151 = arith.constant 0 : i32
    %swap3A_152 = arith.constant 15 : i32
    %swap3A_153 = arith.index_cast %swap3A_151 : i32 to index
    %swap3A_154 = arith.index_cast %swap3A_152 : i32 to index
    %swap3A_155 = arith.constant 0 : index
    %swap3A_156 = tpu.vector_load %arg7[%swap3A_153, %swap3A_154, %swap3A_155] {strides = array<i32>} : memref<1x32x256xf32, #tpu.memory_space<vmem>>, vector<1x1x16xf32>,
    %swap3A_157 = vector.shape_cast %swap3A_156 : vector<1x1x16xf32> to vector<16xf32>
    %swap3A_158 = vector.shape_cast %get3A_31 : vector<16xf32> to vector<1x1x16xf32>
    tpu.vector_store %arg7[%swap3A_153, %swap3A_154, %swap3A_155], %swap3A_158 {strides = array<i32>} : memref<1x32x256xf32, #tpu.memory_space<vmem>>, vector<1x1x16xf32>,
    %swap3A_159 = arith.constant 0 : i32
    %swap3A_160 = arith.constant 16 : i32
    %swap3A_161 = arith.index_cast %swap3A_159 : i32 to index
    %swap3A_162 = arith.index_cast %swap3A_160 : i32 to index
    %swap3A_163 = arith.constant 0 : index
    %swap3A_164 = tpu.vector_load %arg7[%swap3A_161, %swap3A_162, %swap3A_163] {strides = array<i32>} : memref<1x32x256xf32, #tpu.memory_space<vmem>>, vector<1x1x16xf32>,
    %swap3A_165 = vector.shape_cast %swap3A_164 : vector<1x1x16xf32> to vector<16xf32>
    %swap3A_166 = vector.shape_cast %get3A_31 : vector<16xf32> to vector<1x1x16xf32>
    tpu.vector_store %arg7[%swap3A_161, %swap3A_162, %swap3A_163], %swap3A_166 {strides = array<i32>} : memref<1x32x256xf32, #tpu.memory_space<vmem>>, vector<1x1x16xf32>,
    %swap3A_167 = arith.constant 0 : i32
    %swap3A_168 = arith.constant 17 : i32
    %swap3A_169 = arith.index_cast %swap3A_167 : i32 to index
    %swap3A_170 = arith.index_cast %swap3A_168 : i32 to index
    %swap3A_171 = arith.constant 0 : index
    %swap3A_172 = tpu.vector_load %arg7[%swap3A_169, %swap3A_170, %swap3A_171] {strides = array<i32>} : memref<1x32x256xf32, #tpu.memory_space<vmem>>, vector<1x1x16xf32>,
    %swap3A_173 = vector.shape_cast %swap3A_172 : vector<1x1x16xf32> to vector<16xf32>
    %swap3A_174 = vector.shape_cast %get3A_31 : vector<16xf32> to vector<1x1x16xf32>
    tpu.vector_store %arg7[%swap3A_169, %swap3A_170, %swap3A_171], %swap3A_174 {strides = array<i32>} : memref<1x32x256xf32, #tpu.memory_space<vmem>>, vector<1x1x16xf32>,
    %swap3A_175 = arith.constant 0 : i32
    %swap3A_176 = arith.constant 18 : i32
    %swap3A_177 = arith.index_cast %swap3A_175 : i32 to index
    %swap3A_178 = arith.index_cast %swap3A_176 : i32 to index
    %swap3A_179 = arith.constant 0 : index
    %swap3A_180 = tpu.vector_load %arg7[%swap3A_177, %swap3A_178, %swap3A_179] {strides = array<i32>} : memref<1x32x256xf32, #tpu.memory_space<vmem>>, vector<1x1x16xf32>,
    %swap3A_181 = vector.shape_cast %swap3A_180 : vector<1x1x16xf32> to vector<16xf32>
    %swap3A_182 = vector.shape_cast %get3A_31 : vector<16xf32> to vector<1x1x16xf32>
    tpu.vector_store %arg7[%swap3A_177, %swap3A_178, %swap3A_179], %swap3A_182 {strides = array<i32>} : memref<1x32x256xf32, #tpu.memory_space<vmem>>, vector<1x1x16xf32>,
    %swap3A_183 = arith.constant 0 : i32
    %swap3A_184 = arith.constant 19 : i32
    %swap3A_185 = arith.index_cast %swap3A_183 : i32 to index
    %swap3A_186 = arith.index_cast %swap3A_184 : i32 to index
    %swap3A_187 = arith.constant 0 : index
    %swap3A_188 = tpu.vector_load %arg7[%swap3A_185, %swap3A_186, %swap3A_187] {strides = array<i32>} : memref<1x32x256xf32, #tpu.memory_space<vmem>>, vector<1x1x16xf32>,
    %swap3A_189 = vector.shape_cast %swap3A_188 : vector<1x1x16xf32> to vector<16xf32>
    %swap3A_190 = vector.shape_cast %get3A_31 : vector<16xf32> to vector<1x1x16xf32>
    tpu.vector_store %arg7[%swap3A_185, %swap3A_186, %swap3A_187], %swap3A_190 {strides = array<i32>} : memref<1x32x256xf32, #tpu.memory_space<vmem>>, vector<1x1x16xf32>,
    %swap3A_191 = arith.constant 0 : i32
    %swap3A_192 = arith.constant 20 : i32
    %swap3A_193 = arith.index_cast %swap3A_191 : i32 to index
    %swap3A_194 = arith.index_cast %swap3A_192 : i32 to index
    %swap3A_195 = arith.constant 0 : index
    %swap3A_196 = tpu.vector_load %arg7[%swap3A_193, %swap3A_194, %swap3A_195] {strides = array<i32>} : memref<1x32x256xf32, #tpu.memory_space<vmem>>, vector<1x1x16xf32>,
    %swap3A_197 = vector.shape_cast %swap3A_196 : vector<1x1x16xf32> to vector<16xf32>
    %swap3A_198 = vector.shape_cast %get3A_31 : vector<16xf32> to vector<1x1x16xf32>
    tpu.vector_store %arg7[%swap3A_193, %swap3A_194, %swap3A_195], %swap3A_198 {strides = array<i32>} : memref<1x32x256xf32, #tpu.memory_space<vmem>>, vector<1x1x16xf32>,
    %swap3A_199 = arith.constant 0 : i32
    %swap3A_200 = arith.constant 21 : i32
    %swap3A_201 = arith.index_cast %swap3A_199 : i32 to index
    %swap3A_202 = arith.index_cast %swap3A_200 : i32 to index
    %swap3A_203 = arith.constant 0 : index
    %swap3A_204 = tpu.vector_load %arg7[%swap3A_201, %swap3A_202, %swap3A_203] {strides = array<i32>} : memref<1x32x256xf32, #tpu.memory_space<vmem>>, vector<1x1x16xf32>,
    %swap3A_205 = vector.shape_cast %swap3A_204 : vector<1x1x16xf32> to vector<16xf32>
    %swap3A_206 = vector.shape_cast %get3A_31 : vector<16xf32> to vector<1x1x16xf32>
    tpu.vector_store %arg7[%swap3A_201, %swap3A_202, %swap3A_203], %swap3A_206 {strides = array<i32>} : memref<1x32x256xf32, #tpu.memory_space<vmem>>, vector<1x1x16xf32>,
    %swap3A_207 = arith.constant 0 : i32
    %swap3A_208 = arith.constant 22 : i32
    %swap3A_209 = arith.index_cast %swap3A_207 : i32 to index
    %swap3A_210 = arith.index_cast %swap3A_208 : i32 to index
    %swap3A_211 = arith.constant 0 : index
    %swap3A_212 = tpu.vector_load %arg7[%swap3A_209, %swap3A_210, %swap3A_211] {strides = array<i32>} : memref<1x32x256xf32, #tpu.memory_space<vmem>>, vector<1x1x16xf32>,
    %swap3A_213 = vector.shape_cast %swap3A_212 : vector<1x1x16xf32> to vector<16xf32>
    %swap3A_214 = vector.shape_cast %get3A_31 : vector<16xf32> to vector<1x1x16xf32>
    tpu.vector_store %arg7[%swap3A_209, %swap3A_210, %swap3A_211], %swap3A_214 {strides = array<i32>} : memref<1x32x256xf32, #tpu.memory_space<vmem>>, vector<1x1x16xf32>,
    %swap3A_215 = arith.constant 0 : i32
    %swap3A_216 = arith.constant 23 : i32
    %swap3A_217 = arith.index_cast %swap3A_215 : i32 to index
    %swap3A_218 = arith.index_cast %swap3A_216 : i32 to index
    %swap3A_219 = arith.constant 0 : index
    %swap3A_220 = tpu.vector_load %arg7[%swap3A_217, %swap3A_218, %swap3A_219] {strides = array<i32>} : memref<1x32x256xf32, #tpu.memory_space<vmem>>, vector<1x1x16xf32>,
    %swap3A_221 = vector.shape_cast %swap3A_220 : vector<1x1x16xf32> to vector<16xf32>
    %swap3A_222 = vector.shape_cast %get3A_31 : vector<16xf32> to vector<1x1x16xf32>
    tpu.vector_store %arg7[%swap3A_217, %swap3A_218, %swap3A_219], %swap3A_222 {strides = array<i32>} : memref<1x32x256xf32, #tpu.memory_space<vmem>>, vector<1x1x16xf32>,
    %swap3A_223 = arith.constant 0 : i32
    %swap3A_224 = arith.constant 24 : i32
    %swap3A_225 = arith.index_cast %swap3A_223 : i32 to index
    %swap3A_226 = arith.index_cast %swap3A_224 : i32 to index
    %swap3A_227 = arith.constant 0 : index
    %swap3A_228 = tpu.vector_load %arg7[%swap3A_225, %swap3A_226, %swap3A_227] {strides = array<i32>} : memref<1x32x256xf32, #tpu.memory_space<vmem>>, vector<1x1x16xf32>,
    %swap3A_229 = vector.shape_cast %swap3A_228 : vector<1x1x16xf32> to vector<16xf32>
    %swap3A_230 = vector.shape_cast %get3A_31 : vector<16xf32> to vector<1x1x16xf32>
    tpu.vector_store %arg7[%swap3A_225, %swap3A_226, %swap3A_227], %swap3A_230 {strides = array<i32>} : memref<1x32x256xf32, #tpu.memory_space<vmem>>, vector<1x1x16xf32>,
    %swap3A_231 = arith.constant 0 : i32
    %swap3A_232 = arith.constant 25 : i32
    %swap3A_233 = arith.index_cast %swap3A_231 : i32 to index
    %swap3A_234 = arith.index_cast %swap3A_232 : i32 to index
    %swap3A_235 = arith.constant 0 : index
    %swap3A_236 = tpu.vector_load %arg7[%swap3A_233, %swap3A_234, %swap3A_235] {strides = array<i32>} : memref<1x32x256xf32, #tpu.memory_space<vmem>>, vector<1x1x16xf32>,
    %swap3A_237 = vector.shape_cast %swap3A_236 : vector<1x1x16xf32> to vector<16xf32>
    %swap3A_238 = vector.shape_cast %get3A_31 : vector<16xf32> to vector<1x1x16xf32>
    tpu.vector_store %arg7[%swap3A_233, %swap3A_234, %swap3A_235], %swap3A_238 {strides = array<i32>} : memref<1x32x256xf32, #tpu.memory_space<vmem>>, vector<1x1x16xf32>,
    %swap3A_239 = arith.constant 0 : i32
    %swap3A_240 = arith.constant 26 : i32
    %swap3A_241 = arith.index_cast %swap3A_239 : i32 to index
    %swap3A_242 = arith.index_cast %swap3A_240 : i32 to index
    %swap3A_243 = arith.constant 0 : index
    %swap3A_244 = tpu.vector_load %arg7[%swap3A_241, %swap3A_242, %swap3A_243] {strides = array<i32>} : memref<1x32x256xf32, #tpu.memory_space<vmem>>, vector<1x1x16xf32>,
    %swap3A_245 = vector.shape_cast %swap3A_244 : vector<1x1x16xf32> to vector<16xf32>
    %swap3A_246 = vector.shape_cast %get3A_31 : vector<16xf32> to vector<1x1x16xf32>
    tpu.vector_store %arg7[%swap3A_241, %swap3A_242, %swap3A_243], %swap3A_246 {strides = array<i32>} : memref<1x32x256xf32, #tpu.memory_space<vmem>>, vector<1x1x16xf32>,
    %swap3A_247 = arith.constant 0 : i32
    %swap3A_248 = arith.constant 27 : i32
    %swap3A_249 = arith.index_cast %swap3A_247 : i32 to index
    %swap3A_250 = arith.index_cast %swap3A_248 : i32 to index
    %swap3A_251 = arith.constant 0 : index
    %swap3A_252 = tpu.vector_load %arg7[%swap3A_249, %swap3A_250, %swap3A_251] {strides = array<i32>} : memref<1x32x256xf32, #tpu.memory_space<vmem>>, vector<1x1x16xf32>,
    %swap3A_253 = vector.shape_cast %swap3A_252 : vector<1x1x16xf32> to vector<16xf32>
    %swap3A_254 = vector.shape_cast %get3A_31 : vector<16xf32> to vector<1x1x16xf32>
    tpu.vector_store %arg7[%swap3A_249, %swap3A_250, %swap3A_251], %swap3A_254 {strides = array<i32>} : memref<1x32x256xf32, #tpu.memory_space<vmem>>, vector<1x1x16xf32>,
    %swap3A_255 = arith.constant 0 : i32
    %swap3A_256 = arith.constant 28 : i32
    %swap3A_257 = arith.index_cast %swap3A_255 : i32 to index
    %swap3A_258 = arith.index_cast %swap3A_256 : i32 to index
    %swap3A_259 = arith.constant 0 : index
    %swap3A_260 = tpu.vector_load %arg7[%swap3A_257, %swap3A_258, %swap3A_259] {strides = array<i32>} : memref<1x32x256xf32, #tpu.memory_space<vmem>>, vector<1x1x16xf32>,
    %swap3A_261 = vector.shape_cast %swap3A_260 : vector<1x1x16xf32> to vector<16xf32>
    %swap3A_262 = vector.shape_cast %get3A_31 : vector<16xf32> to vector<1x1x16xf32>
    tpu.vector_store %arg7[%swap3A_257, %swap3A_258, %swap3A_259], %swap3A_262 {strides = array<i32>} : memref<1x32x256xf32, #tpu.memory_space<vmem>>, vector<1x1x16xf32>,
    %swap3A_263 = arith.constant 0 : i32
    %swap3A_264 = arith.constant 29 : i32
    %swap3A_265 = arith.index_cast %swap3A_263 : i32 to index
    %swap3A_266 = arith.index_cast %swap3A_264 : i32 to index
    %swap3A_267 = arith.constant 0 : index
    %swap3A_268 = tpu.vector_load %arg7[%swap3A_265, %swap3A_266, %swap3A_267] {strides = array<i32>} : memref<1x32x256xf32, #tpu.memory_space<vmem>>, vector<1x1x16xf32>,
    %swap3A_269 = vector.shape_cast %swap3A_268 : vector<1x1x16xf32> to vector<16xf32>
    %swap3A_270 = vector.shape_cast %get3A_31 : vector<16xf32> to vector<1x1x16xf32>
    tpu.vector_store %arg7[%swap3A_265, %swap3A_266, %swap3A_267], %swap3A_270 {strides = array<i32>} : memref<1x32x256xf32, #tpu.memory_space<vmem>>, vector<1x1x16xf32>,
    %swap3A_271 = arith.constant 0 : i32
    %swap3A_272 = arith.constant 30 : i32
    %swap3A_273 = arith.index_cast %swap3A_271 : i32 to index
    %swap3A_274 = arith.index_cast %swap3A_272 : i32 to index
    %swap3A_275 = arith.constant 0 : index
    %swap3A_276 = tpu.vector_load %arg7[%swap3A_273, %swap3A_274, %swap3A_275] {strides = array<i32>} : memref<1x32x256xf32, #tpu.memory_space<vmem>>, vector<1x1x16xf32>,
    %swap3A_277 = vector.shape_cast %swap3A_276 : vector<1x1x16xf32> to vector<16xf32>
    %swap3A_278 = vector.shape_cast %get3A_31 : vector<16xf32> to vector<1x1x16xf32>
    tpu.vector_store %arg7[%swap3A_273, %swap3A_274, %swap3A_275], %swap3A_278 {strides = array<i32>} : memref<1x32x256xf32, #tpu.memory_space<vmem>>, vector<1x1x16xf32>,
    %swap3A_279 = arith.constant 0 : i32
    %swap3A_280 = arith.constant 31 : i32
    %swap3A_281 = arith.index_cast %swap3A_279 : i32 to index
    %swap3A_282 = arith.index_cast %swap3A_280 : i32 to index
    %swap3A_283 = arith.constant 0 : index
    %swap3A_284 = tpu.vector_load %arg7[%swap3A_281, %swap3A_282, %swap3A_283] {strides = array<i32>} : memref<1x32x256xf32, #tpu.memory_space<vmem>>, vector<1x1x16xf32>,
    %swap3A_285 = vector.shape_cast %swap3A_284 : vector<1x1x16xf32> to vector<16xf32>
    %swap3A_286 = vector.shape_cast %get3A_31 : vector<16xf32> to vector<1x1x16xf32>
    tpu.vector_store %arg7[%swap3A_281, %swap3A_282, %swap3A_283], %swap3A_286 {strides = array<i32>} : memref<1x32x256xf32, #tpu.memory_space<vmem>>, vector<1x1x16xf32>,
    %get3A_287 = arith.constant 0 : i32
    %get3A_288 = arith.constant 0 : i32
    %get3A_289 = arith.index_cast %get3A_287 : i32 to index
    %get3A_290 = arith.index_cast %get3A_288 : i32 to index
    %get3A_291 = arith.constant 16 : index
    %get3A_292 = tpu.vector_load %arg6[%get3A_289, %get3A_290, %get3A_291] {strides = array<i32>} : memref<1x1x256xf32, #tpu.memory_space<vmem>>, vector<1x1x16xf32>,
    %get3A_293 = vector.shape_cast %get3A_292 : vector<1x1x16xf32> to vector<16xf32>
    %swap3A_294 = arith.constant 0 : i32
    %swap3A_295 = arith.constant 0 : i32
    %swap3A_296 = arith.index_cast %swap3A_294 : i32 to index
    %swap3A_297 = arith.index_cast %swap3A_295 : i32 to index
    %swap3A_298 = arith.constant 16 : index
    %swap3A_299 = tpu.vector_load %arg7[%swap3A_296, %swap3A_297, %swap3A_298] {strides = array<i32>} : memref<1x32x256xf32, #tpu.memory_space<vmem>>, vector<1x1x16xf32>,
    %swap3A_300 = vector.shape_cast %swap3A_299 : vector<1x1x16xf32> to vector<16xf32>
    %swap3A_301 = vector.shape_cast %get3A_293 : vector<16xf32> to vector<1x1x16xf32>
    tpu.vector_store %arg7[%swap3A_296, %swap3A_297, %swap3A_298], %swap3A_301 {strides = array<i32>} : memref<1x32x256xf32, #tpu.memory_space<vmem>>, vector<1x1x16xf32>,
    %swap3A_302 = arith.constant 0 : i32
    %swap3A_303 = arith.constant 1 : i32
    %swap3A_304 = arith.index_cast %swap3A_302 : i32 to index
    %swap3A_305 = arith.index_cast %swap3A_303 : i32 to index
    %swap3A_306 = arith.constant 16 : index
    %swap3A_307 = tpu.vector_load %arg7[%swap3A_304, %swap3A_305, %swap3A_306] {strides = array<i32>} : memref<1x32x256xf32, #tpu.memory_space<vmem>>, vector<1x1x16xf32>,
    %swap3A_308 = vector.shape_cast %swap3A_307 : vector<1x1x16xf32> to vector<16xf32>
    %swap3A_309 = vector.shape_cast %get3A_293 : vector<16xf32> to vector<1x1x16xf32>
    tpu.vector_store %arg7[%swap3A_304, %swap3A_305, %swap3A_306], %swap3A_309 {strides = array<i32>} : memref<1x32x256xf32, #tpu.memory_space<vmem>>, vector<1x1x16xf32>,
    %swap3A_310 = arith.constant 0 : i32
    %swap3A_311 = arith.constant 2 : i32
    %swap3A_312 = arith.index_cast %swap3A_310 : i32 to index
    %swap3A_313 = arith.index_cast %swap3A_311 : i32 to index
    %swap3A_314 = arith.constant 16 : index
    %swap3A_315 = tpu.vector_load %arg7[%swap3A_312, %swap3A_313, %swap3A_314] {strides = array<i32>} : memref<1x32x256xf32, #tpu.memory_space<vmem>>, vector<1x1x16xf32>,
    %swap3A_316 = vector.shape_cast %swap3A_315 : vector<1x1x16xf32> to vector<16xf32>
    %swap3A_317 = vector.shape_cast %get3A_293 : vector<16xf32> to vector<1x1x16xf32>
    tpu.vector_store %arg7[%swap3A_312, %swap3A_313, %swap3A_314], %swap3A_317 {strides = array<i32>} : memref<1x32x256xf32, #tpu.memory_space<vmem>>, vector<1x1x16xf32>,
    %swap3A_318 = arith.constant 0 : i32
    %swap3A_319 = arith.constant 3 : i32
    %swap3A_320 = arith.index_cast %swap3A_318 : i32 to index
    %swap3A_321 = arith.index_cast %swap3A_319 : i32 to index
    %swap3A_322 = arith.constant 16 : index
    %swap3A_323 = tpu.vector_load %arg7[%swap3A_320, %swap3A_321, %swap3A_322] {strides = array<i32>} : memref<1x32x256xf32, #tpu.memory_space<vmem>>, vector<1x1x16xf32>,
    %swap3A_324 = vector.shape_cast %swap3A_323 : vector<1x1x16xf32> to vector<16xf32>
    %swap3A_325 = vector.shape_cast %get3A_293 : vector<16xf32> to vector<1x1x16xf32>
    tpu.vector_store %arg7[%swap3A_320, %swap3A_321, %swap3A_322], %swap3A_325 {strides = array<i32>} : memref<1x32x256xf32, #tpu.memory_space<vmem>>, vector<1x1x16xf32>,
    %swap3A_326 = arith.constant 0 : i32
    %swap3A_327 = arith.constant 4 : i32
    %swap3A_328 = arith.index_cast %swap3A_326 : i32 to index
    %swap3A_329 = arith.index_cast %swap3A_327 : i32 to index
    %swap3A_330 = arith.constant 16 : index
    %swap3A_331 = tpu.vector_load %arg7[%swap3A_328, %swap3A_329, %swap3A_330] {strides = array<i32>} : memref<1x32x256xf32, #tpu.memory_space<vmem>>, vector<1x1x16xf32>,
    %swap3A_332 = vector.shape_cast %swap3A_331 : vector<1x1x16xf32> to vector<16xf32>
    %swap3A_333 = vector.shape_cast %get3A_293 : vector<16xf32> to vector<1x1x16xf32>
    tpu.vector_store %arg7[%swap3A_328, %swap3A_329, %swap3A_330], %swap3A_333 {strides = array<i32>} : memref<1x32x256xf32, #tpu.memory_space<vmem>>, vector<1x1x16xf32>,
    %swap3A_334 = arith.constant 0 : i32
    %swap3A_335 = arith.constant 5 : i32
    %swap3A_336 = arith.index_cast %swap3A_334 : i32 to index
    %swap3A_337 = arith.index_cast %swap3A_335 : i32 to index
    %swap3A_338 = arith.constant 16 : index
    %swap3A_339 = tpu.vector_load %arg7[%swap3A_336, %swap3A_337, %swap3A_338] {strides = array<i32>} : memref<1x32x256xf32, #tpu.memory_space<vmem>>, vector<1x1x16xf32>,
    %swap3A_340 = vector.shape_cast %swap3A_339 : vector<1x1x16xf32> to vector<16xf32>
    %swap3A_341 = vector.shape_cast %get3A_293 : vector<16xf32> to vector<1x1x16xf32>
    tpu.vector_store %arg7[%swap3A_336, %swap3A_337, %swap3A_338], %swap3A_341 {strides = array<i32>} : memref<1x32x256xf32, #tpu.memory_space<vmem>>, vector<1x1x16xf32>,
    %swap3A_342 = arith.constant 0 : i32
    %swap3A_343 = arith.constant 6 : i32
    %swap3A_344 = arith.index_cast %swap3A_342 : i32 to index
    %swap3A_345 = arith.index_cast %swap3A_343 : i32 to index
    %swap3A_346 = arith.constant 16 : index
    %swap3A_347 = tpu.vector_load %arg7[%swap3A_344, %swap3A_345, %swap3A_346] {strides = array<i32>} : memref<1x32x256xf32, #tpu.memory_space<vmem>>, vector<1x1x16xf32>,
    %swap3A_348 = vector.shape_cast %swap3A_347 : vector<1x1x16xf32> to vector<16xf32>
    %swap3A_349 = vector.shape_cast %get3A_293 : vector<16xf32> to vector<1x1x16xf32>
    tpu.vector_store %arg7[%swap3A_344, %swap3A_345, %swap3A_346], %swap3A_349 {strides = array<i32>} : memref<1x32x256xf32, #tpu.memory_space<vmem>>, vector<1x1x16xf32>,
    %swap3A_350 = arith.constant 0 : i32
    %swap3A_351 = arith.constant 7 : i32
    %swap3A_352 = arith.index_cast %swap3A_350 : i32 to index
    %swap3A_353 = arith.index_cast %swap3A_351 : i32 to index
    %swap3A_354 = arith.constant 16 : index
    %swap3A_355 = tpu.vector_load %arg7[%swap3A_352, %swap3A_353, %swap3A_354] {strides = array<i32>} : memref<1x32x256xf32, #tpu.memory_space<vmem>>, vector<1x1x16xf32>,
    %swap3A_356 = vector.shape_cast %swap3A_355 : vector<1x1x16xf32> to vector<16xf32>
    %swap3A_357 = vector.shape_cast %get3A_293 : vector<16xf32> to vector<1x1x16xf32>
    tpu.vector_store %arg7[%swap3A_352, %swap3A_353, %swap3A_354], %swap3A_357 {strides = array<i32>} : memref<1x32x256xf32, #tpu.memory_space<vmem>>, vector<1x1x16xf32>,
    %swap3A_358 = arith.constant 0 : i32
    %swap3A_359 = arith.constant 8 : i32
    %swap3A_360 = arith.index_cast %swap3A_358 : i32 to index
    %swap3A_361 = arith.index_cast %swap3A_359 : i32 to index
    %swap3A_362 = arith.constant 16 : index
    %swap3A_363 = tpu.vector_load %arg7[%swap3A_360, %swap3A_361, %swap3A_362] {strides = array<i32>} : memref<1x32x256xf32, #tpu.memory_space<vmem>>, vector<1x1x16xf32>,
    %swap3A_364 = vector.shape_cast %swap3A_363 : vector<1x1x16xf32> to vector<16xf32>
    %swap3A_365 = vector.shape_cast %get3A_293 : vector<16xf32> to vector<1x1x16xf32>
    tpu.vector_store %arg7[%swap3A_360, %swap3A_361, %swap3A_362], %swap3A_365 {strides = array<i32>} : memref<1x32x256xf32, #tpu.memory_space<vmem>>, vector<1x1x16xf32>,
    %swap3A_366 = arith.constant 0 : i32
    %swap3A_367 = arith.constant 9 : i32
    %swap3A_368 = arith.index_cast %swap3A_366 : i32 to index
    %swap3A_369 = arith.index_cast %swap3A_367 : i32 to index
    %swap3A_370 = arith.constant 16 : index
    %swap3A_371 = tpu.vector_load %arg7[%swap3A_368, %swap3A_369, %swap3A_370] {strides = array<i32>} : memref<1x32x256xf32, #tpu.memory_space<vmem>>, vector<1x1x16xf32>,
    %swap3A_372 = vector.shape_cast %swap3A_371 : vector<1x1x16xf32> to vector<16xf32>
    %swap3A_373 = vector.shape_cast %get3A_293 : vector<16xf32> to vector<1x1x16xf32>
    tpu.vector_store %arg7[%swap3A_368, %swap3A_369, %swap3A_370], %swap3A_373 {strides = array<i32>} : memref<1x32x256xf32, #tpu.memory_space<vmem>>, vector<1x1x16xf32>,
    %swap3A_374 = arith.constant 0 : i32
    %swap3A_375 = arith.constant 10 : i32
    %swap3A_376 = arith.index_cast %swap3A_374 : i32 to index
    %swap3A_377 = arith.index_cast %swap3A_375 : i32 to index
    %swap3A_378 = arith.constant 16 : index
    %swap3A_379 = tpu.vector_load %arg7[%swap3A_376, %swap3A_377, %swap3A_378] {strides = array<i32>} : memref<1x32x256xf32, #tpu.memory_space<vmem>>, vector<1x1x16xf32>,
    %swap3A_380 = vector.shape_cast %swap3A_379 : vector<1x1x16xf32> to vector<16xf32>
    %swap3A_381 = vector.shape_cast %get3A_293 : vector<16xf32> to vector<1x1x16xf32>
    tpu.vector_store %arg7[%swap3A_376, %swap3A_377, %swap3A_378], %swap3A_381 {strides = array<i32>} : memref<1x32x256xf32, #tpu.memory_space<vmem>>, vector<1x1x16xf32>,
    %swap3A_382 = arith.constant 0 : i32
    %swap3A_383 = arith.constant 11 : i32
    %swap3A_384 = arith.index_cast %swap3A_382 : i32 to index
    %swap3A_385 = arith.index_cast %swap3A_383 : i32 to index
    %swap3A_386 = arith.constant 16 : index
    %swap3A_387 = tpu.vector_load %arg7[%swap3A_384, %swap3A_385, %swap3A_386] {strides = array<i32>} : memref<1x32x256xf32, #tpu.memory_space<vmem>>, vector<1x1x16xf32>,
    %swap3A_388 = vector.shape_cast %swap3A_387 : vector<1x1x16xf32> to vector<16xf32>
    %swap3A_389 = vector.shape_cast %get3A_293 : vector<16xf32> to vector<1x1x16xf32>
    tpu.vector_store %arg7[%swap3A_384, %swap3A_385, %swap3A_386], %swap3A_389 {strides = array<i32>} : memref<1x32x256xf32, #tpu.memory_space<vmem>>, vector<1x1x16xf32>,
    %swap3A_390 = arith.constant 0 : i32
    %swap3A_391 = arith.constant 12 : i32
    %swap3A_392 = arith.index_cast %swap3A_390 : i32 to index
    %swap3A_393 = arith.index_cast %swap3A_391 : i32 to index
    %swap3A_394 = arith.constant 16 : index
    %swap3A_395 = tpu.vector_load %arg7[%swap3A_392, %swap3A_393, %swap3A_394] {strides = array<i32>} : memref<1x32x256xf32, #tpu.memory_space<vmem>>, vector<1x1x16xf32>,
    %swap3A_396 = vector.shape_cast %swap3A_395 : vector<1x1x16xf32> to vector<16xf32>
    %swap3A_397 = vector.shape_cast %get3A_293 : vector<16xf32> to vector<1x1x16xf32>
    tpu.vector_store %arg7[%swap3A_392, %swap3A_393, %swap3A_394], %swap3A_397 {strides = array<i32>} : memref<1x32x256xf32, #tpu.memory_space<vmem>>, vector<1x1x16xf32>,
    %swap3A_398 = arith.constant 0 : i32
    %swap3A_399 = arith.constant 13 : i32
    %swap3A_400 = arith.index_cast %swap3A_398 : i32 to index
    %swap3A_401 = arith.index_cast %swap3A_399 : i32 to index
    %swap3A_402 = arith.constant 16 : index
    %swap3A_403 = tpu.vector_load %arg7[%swap3A_400, %swap3A_401, %swap3A_402] {strides = array<i32>} : memref<1x32x256xf32, #tpu.memory_space<vmem>>, vector<1x1x16xf32>,
    %swap3A_404 = vector.shape_cast %swap3A_403 : vector<1x1x16xf32> to vector<16xf32>
    %swap3A_405 = vector.shape_cast %get3A_293 : vector<16xf32> to vector<1x1x16xf32>
    tpu.vector_store %arg7[%swap3A_400, %swap3A_401, %swap3A_402], %swap3A_405 {strides = array<i32>} : memref<1x32x256xf32, #tpu.memory_space<vmem>>, vector<1x1x16xf32>,
    %swap3A_406 = arith.constant 0 : i32
    %swap3A_407 = arith.constant 14 : i32
    %swap3A_408 = arith.index_cast %swap3A_406 : i32 to index
    %swap3A_409 = arith.index_cast %swap3A_407 : i32 to index
    %swap3A_410 = arith.constant 16 : index
    %swap3A_411 = tpu.vector_load %arg7[%swap3A_408, %swap3A_409, %swap3A_410] {strides = array<i32>} : memref<1x32x256xf32, #tpu.memory_space<vmem>>, vector<1x1x16xf32>,
    %swap3A_412 = vector.shape_cast %swap3A_411 : vector<1x1x16xf32> to vector<16xf32>
    %swap3A_413 = vector.shape_cast %get3A_293 : vector<16xf32> to vector<1x1x16xf32>
    tpu.vector_store %arg7[%swap3A_408, %swap3A_409, %swap3A_410], %swap3A_413 {strides = array<i32>} : memref<1x32x256xf32, #tpu.memory_space<vmem>>, vector<1x1x16xf32>,
    %swap3A_414 = arith.constant 0 : i32
    %swap3A_415 = arith.constant 15 : i32
    %swap3A_416 = arith.index_cast %swap3A_414 : i32 to index
    %swap3A_417 = arith.index_cast %swap3A_415 : i32 to index
    %swap3A_418 = arith.constant 16 : index
    %swap3A_419 = tpu.vector_load %arg7[%swap3A_416, %swap3A_417, %swap3A_418] {strides = array<i32>} : memref<1x32x256xf32, #tpu.memory_space<vmem>>, vector<1x1x16xf32>,
    %swap3A_420 = vector.shape_cast %swap3A_419 : vector<1x1x16xf32> to vector<16xf32>
    %swap3A_421 = vector.shape_cast %get3A_293 : vector<16xf32> to vector<1x1x16xf32>
    tpu.vector_store %arg7[%swap3A_416, %swap3A_417, %swap3A_418], %swap3A_421 {strides = array<i32>} : memref<1x32x256xf32, #tpu.memory_space<vmem>>, vector<1x1x16xf32>,
    %swap3A_422 = arith.constant 0 : i32
    %swap3A_423 = arith.constant 16 : i32
    %swap3A_424 = arith.index_cast %swap3A_422 : i32 to index
    %swap3A_425 = arith.index_cast %swap3A_423 : i32 to index
    %swap3A_426 = arith.constant 16 : index
    %swap3A_427 = tpu.vector_load %arg7[%swap3A_424, %swap3A_425, %swap3A_426] {strides = array<i32>} : memref<1x32x256xf32, #tpu.memory_space<vmem>>, vector<1x1x16xf32>,
    %swap3A_428 = vector.shape_cast %swap3A_427 : vector<1x1x16xf32> to vector<16xf32>
    %swap3A_429 = vector.shape_cast %get3A_293 : vector<16xf32> to vector<1x1x16xf32>
    tpu.vector_store %arg7[%swap3A_424, %swap3A_425, %swap3A_426], %swap3A_429 {strides = array<i32>} : memref<1x32x256xf32, #tpu.memory_space<vmem>>, vector<1x1x16xf32>,
    %swap3A_430 = arith.constant 0 : i32
    %swap3A_431 = arith.constant 17 : i32
    %swap3A_432 = arith.index_cast %swap3A_430 : i32 to index
    %swap3A_433 = arith.index_cast %swap3A_431 : i32 to index
    %swap3A_434 = arith.constant 16 : index
    %swap3A_435 = tpu.vector_load %arg7[%swap3A_432, %swap3A_433, %swap3A_434] {strides = array<i32>} : memref<1x32x256xf32, #tpu.memory_space<vmem>>, vector<1x1x16xf32>,
    %swap3A_436 = vector.shape_cast %swap3A_435 : vector<1x1x16xf32> to vector<16xf32>
    %swap3A_437 = vector.shape_cast %get3A_293 : vector<16xf32> to vector<1x1x16xf32>
    tpu.vector_store %arg7[%swap3A_432, %swap3A_433, %swap3A_434], %swap3A_437 {strides = array<i32>} : memref<1x32x256xf32, #tpu.memory_space<vmem>>, vector<1x1x16xf32>,
    %swap3A_438 = arith.constant 0 : i32
    %swap3A_439 = arith.constant 18 : i32
    %swap3A_440 = arith.index_cast %swap3A_438 : i32 to index
    %swap3A_441 = arith.index_cast %swap3A_439 : i32 to index
    %swap3A_442 = arith.constant 16 : index
    %swap3A_443 = tpu.vector_load %arg7[%swap3A_440, %swap3A_441, %swap3A_442] {strides = array<i32>} : memref<1x32x256xf32, #tpu.memory_space<vmem>>, vector<1x1x16xf32>,
    %swap3A_444 = vector.shape_cast %swap3A_443 : vector<1x1x16xf32> to vector<16xf32>
    %swap3A_445 = vector.shape_cast %get3A_293 : vector<16xf32> to vector<1x1x16xf32>
    tpu.vector_store %arg7[%swap3A_440, %swap3A_441, %swap3A_442], %swap3A_445 {strides = array<i32>} : memref<1x32x256xf32, #tpu.memory_space<vmem>>, vector<1x1x16xf32>,
    %swap3A_446 = arith.constant 0 : i32
    %swap3A_447 = arith.constant 19 : i32
    %swap3A_448 = arith.index_cast %swap3A_446 : i32 to index
    %swap3A_449 = arith.index_cast %swap3A_447 : i32 to index
    %swap3A_450 = arith.constant 16 : index
    %swap3A_451 = tpu.vector_load %arg7[%swap3A_448, %swap3A_449, %swap3A_450] {strides = array<i32>} : memref<1x32x256xf32, #tpu.memory_space<vmem>>, vector<1x1x16xf32>,
    %swap3A_452 = vector.shape_cast %swap3A_451 : vector<1x1x16xf32> to vector<16xf32>
    %swap3A_453 = vector.shape_cast %get3A_293 : vector<16xf32> to vector<1x1x16xf32>
    tpu.vector_store %arg7[%swap3A_448, %swap3A_449, %swap3A_450], %swap3A_453 {strides = array<i32>} : memref<1x32x256xf32, #tpu.memory_space<vmem>>, vector<1x1x16xf32>,
    %swap3A_454 = arith.constant 0 : i32
    %swap3A_455 = arith.constant 20 : i32
    %swap3A_456 = arith.index_cast %swap3A_454 : i32 to index
    %swap3A_457 = arith.index_cast %swap3A_455 : i32 to index
    %swap3A_458 = arith.constant 16 : index
    %swap3A_459 = tpu.vector_load %arg7[%swap3A_456, %swap3A_457, %swap3A_458] {strides = array<i32>} : memref<1x32x256xf32, #tpu.memory_space<vmem>>, vector<1x1x16xf32>,
    %swap3A_460 = vector.shape_cast %swap3A_459 : vector<1x1x16xf32> to vector<16xf32>
    %swap3A_461 = vector.shape_cast %get3A_293 : vector<16xf32> to vector<1x1x16xf32>
    tpu.vector_store %arg7[%swap3A_456, %swap3A_457, %swap3A_458], %swap3A_461 {strides = array<i32>} : memref<1x32x256xf32, #tpu.memory_space<vmem>>, vector<1x1x16xf32>,
    %swap3A_462 = arith.constant 0 : i32
    %swap3A_463 = arith.constant 21 : i32
    %swap3A_464 = arith.index_cast %swap3A_462 : i32 to index
    %swap3A_465 = arith.index_cast %swap3A_463 : i32 to index
    %swap3A_466 = arith.constant 16 : index
    %swap3A_467 = tpu.vector_load %arg7[%swap3A_464, %swap3A_465, %swap3A_466] {strides = array<i32>} : memref<1x32x256xf32, #tpu.memory_space<vmem>>, vector<1x1x16xf32>,
    %swap3A_468 = vector.shape_cast %swap3A_467 : vector<1x1x16xf32> to vector<16xf32>
    %swap3A_469 = vector.shape_cast %get3A_293 : vector<16xf32> to vector<1x1x16xf32>
    tpu.vector_store %arg7[%swap3A_464, %swap3A_465, %swap3A_466], %swap3A_469 {strides = array<i32>} : memref<1x32x256xf32, #tpu.memory_space<vmem>>, vector<1x1x16xf32>,
    %swap3A_470 = arith.constant 0 : i32
    %swap3A_471 = arith.constant 22 : i32
    %swap3A_472 = arith.index_cast %swap3A_470 : i32 to index
    %swap3A_473 = arith.index_cast %swap3A_471 : i32 to index
    %swap3A_474 = arith.constant 16 : index
    %swap3A_475 = tpu.vector_load %arg7[%swap3A_472, %swap3A_473, %swap3A_474] {strides = array<i32>} : memref<1x32x256xf32, #tpu.memory_space<vmem>>, vector<1x1x16xf32>,
    %swap3A_476 = vector.shape_cast %swap3A_475 : vector<1x1x16xf32> to vector<16xf32>
    %swap3A_477 = vector.shape_cast %get3A_293 : vector<16xf32> to vector<1x1x16xf32>
    tpu.vector_store %arg7[%swap3A_472, %swap3A_473, %swap3A_474], %swap3A_477 {strides = array<i32>} : memref<1x32x256xf32, #tpu.memory_space<vmem>>, vector<1x1x16xf32>,
    %swap3A_478 = arith.constant 0 : i32
    %swap3A_479 = arith.constant 23 : i32
    %swap3A_480 = arith.index_cast %swap3A_478 : i32 to index
    %swap3A_481 = arith.index_cast %swap3A_479 : i32 to index
    %swap3A_482 = arith.constant 16 : index
    %swap3A_483 = tpu.vector_load %arg7[%swap3A_480, %swap3A_481, %swap3A_482] {strides = array<i32>} : memref<1x32x256xf32, #tpu.memory_space<vmem>>, vector<1x1x16xf32>,
    %swap3A_484 = vector.shape_cast %swap3A_483 : vector<1x1x16xf32> to vector<16xf32>
    %swap3A_485 = vector.shape_cast %get3A_293 : vector<16xf32> to vector<1x1x16xf32>
    tpu.vector_store %arg7[%swap3A_480, %swap3A_481, %swap3A_482], %swap3A_485 {strides = array<i32>} : memref<1x32x256xf32, #tpu.memory_space<vmem>>, vector<1x1x16xf32>,
    %swap3A_486 = arith.constant 0 : i32
    %swap3A_487 = arith.constant 24 : i32
    %swap3A_488 = arith.index_cast %swap3A_486 : i32 to index
    %swap3A_489 = arith.index_cast %swap3A_487 : i32 to index
    %swap3A_490 = arith.constant 16 : index
    %swap3A_491 = tpu.vector_load %arg7[%swap3A_488, %swap3A_489, %swap3A_490] {strides = array<i32>} : memref<1x32x256xf32, #tpu.memory_space<vmem>>, vector<1x1x16xf32>,
    %swap3A_492 = vector.shape_cast %swap3A_491 : vector<1x1x16xf32> to vector<16xf32>
    %swap3A_493 = vector.shape_cast %get3A_293 : vector<16xf32> to vector<1x1x16xf32>
    tpu.vector_store %arg7[%swap3A_488, %swap3A_489, %swap3A_490], %swap3A_493 {strides = array<i32>} : memref<1x32x256xf32, #tpu.memory_space<vmem>>, vector<1x1x16xf32>,
    %swap3A_494 = arith.constant 0 : i32
    %swap3A_495 = arith.constant 25 : i32
    %swap3A_496 = arith.index_cast %swap3A_494 : i32 to index
    %swap3A_497 = arith.index_cast %swap3A_495 : i32 to index
    %swap3A_498 = arith.constant 16 : index
    %swap3A_499 = tpu.vector_load %arg7[%swap3A_496, %swap3A_497, %swap3A_498] {strides = array<i32>} : memref<1x32x256xf32, #tpu.memory_space<vmem>>, vector<1x1x16xf32>,
    %swap3A_500 = vector.shape_cast %swap3A_499 : vector<1x1x16xf32> to vector<16xf32>
    %swap3A_501 = vector.shape_cast %get3A_293 : vector<16xf32> to vector<1x1x16xf32>
    tpu.vector_store %arg7[%swap3A_496, %swap3A_497, %swap3A_498], %swap3A_501 {strides = array<i32>} : memref<1x32x256xf32, #tpu.memory_space<vmem>>, vector<1x1x16xf32>,
    %swap3A_502 = arith.constant 0 : i32
    %swap3A_503 = arith.constant 26 : i32
    %swap3A_504 = arith.index_cast %swap3A_502 : i32 to index
    %swap3A_505 = arith.index_cast %swap3A_503 : i32 to index
    %swap3A_506 = arith.constant 16 : index
    %swap3A_507 = tpu.vector_load %arg7[%swap3A_504, %swap3A_505, %swap3A_506] {strides = array<i32>} : memref<1x32x256xf32, #tpu.memory_space<vmem>>, vector<1x1x16xf32>,
    %swap3A_508 = vector.shape_cast %swap3A_507 : vector<1x1x16xf32> to vector<16xf32>
    %swap3A_509 = vector.shape_cast %get3A_293 : vector<16xf32> to vector<1x1x16xf32>
    tpu.vector_store %arg7[%swap3A_504, %swap3A_505, %swap3A_506], %swap3A_509 {strides = array<i32>} : memref<1x32x256xf32, #tpu.memory_space<vmem>>, vector<1x1x16xf32>,
    %swap3A_510 = arith.constant 0 : i32
    %swap3A_511 = arith.constant 27 : i32
    %swap3A_512 = arith.index_cast %swap3A_510 : i32 to index
    %swap3A_513 = arith.index_cast %swap3A_511 : i32 to index
    %swap3A_514 = arith.constant 16 : index
    %swap3A_515 = tpu.vector_load %arg7[%swap3A_512, %swap3A_513, %swap3A_514] {strides = array<i32>} : memref<1x32x256xf32, #tpu.memory_space<vmem>>, vector<1x1x16xf32>,
    %swap3A_516 = vector.shape_cast %swap3A_515 : vector<1x1x16xf32> to vector<16xf32>
    %swap3A_517 = vector.shape_cast %get3A_293 : vector<16xf32> to vector<1x1x16xf32>
    tpu.vector_store %arg7[%swap3A_512, %swap3A_513, %swap3A_514], %swap3A_517 {strides = array<i32>} : memref<1x32x256xf32, #tpu.memory_space<vmem>>, vector<1x1x16xf32>,
    %swap3A_518 = arith.constant 0 : i32
    %swap3A_519 = arith.constant 28 : i32
    %swap3A_520 = arith.index_cast %swap3A_518 : i32 to index
    %swap3A_521 = arith.index_cast %swap3A_519 : i32 to index
    %swap3A_522 = arith.constant 16 : index
    %swap3A_523 = tpu.vector_load %arg7[%swap3A_520, %swap3A_521, %swap3A_522] {strides = array<i32>} : memref<1x32x256xf32, #tpu.memory_space<vmem>>, vector<1x1x16xf32>,
    %swap3A_524 = vector.shape_cast %swap3A_523 : vector<1x1x16xf32> to vector<16xf32>
    %swap3A_525 = vector.shape_cast %get3A_293 : vector<16xf32> to vector<1x1x16xf32>
    tpu.vector_store %arg7[%swap3A_520, %swap3A_521, %swap3A_522], %swap3A_525 {strides = array<i32>} : memref<1x32x256xf32, #tpu.memory_space<vmem>>, vector<1x1x16xf32>,
    %swap3A_526 = arith.constant 0 : i32
    %swap3A_527 = arith.constant 29 : i32
    %swap3A_528 = arith.index_cast %swap3A_526 : i32 to index
    %swap3A_529 = arith.index_cast %swap3A_527 : i32 to index
    %swap3A_530 = arith.constant 16 : index
    %swap3A_531 = tpu.vector_load %arg7[%swap3A_528, %swap3A_529, %swap3A_530] {strides = array<i32>} : memref<1x32x256xf32, #tpu.memory_space<vmem>>, vector<1x1x16xf32>,
    %swap3A_532 = vector.shape_cast %swap3A_531 : vector<1x1x16xf32> to vector<16xf32>
    %swap3A_533 = vector.shape_cast %get3A_293 : vector<16xf32> to vector<1x1x16xf32>
    tpu.vector_store %arg7[%swap3A_528, %swap3A_529, %swap3A_530], %swap3A_533 {strides = array<i32>} : memref<1x32x256xf32, #tpu.memory_space<vmem>>, vector<1x1x16xf32>,
    %swap3A_534 = arith.constant 0 : i32
    %swap3A_535 = arith.constant 30 : i32
    %swap3A_536 = arith.index_cast %swap3A_534 : i32 to index
    %swap3A_537 = arith.index_cast %swap3A_535 : i32 to index
    %swap3A_538 = arith.constant 16 : index
    %swap3A_539 = tpu.vector_load %arg7[%swap3A_536, %swap3A_537, %swap3A_538] {strides = array<i32>} : memref<1x32x256xf32, #tpu.memory_space<vmem>>, vector<1x1x16xf32>,
    %swap3A_540 = vector.shape_cast %swap3A_539 : vector<1x1x16xf32> to vector<16xf32>
    %swap3A_541 = vector.shape_cast %get3A_293 : vector<16xf32> to vector<1x1x16xf32>
    tpu.vector_store %arg7[%swap3A_536, %swap3A_537, %swap3A_538], %swap3A_541 {strides = array<i32>} : memref<1x32x256xf32, #tpu.memory_space<vmem>>, vector<1x1x16xf32>,
    %swap3A_542 = arith.constant 0 : i32
    %swap3A_543 = arith.constant 31 : i32
    %swap3A_544 = arith.index_cast %swap3A_542 : i32 to index
    %swap3A_545 = arith.index_cast %swap3A_543 : i32 to index
    %swap3A_546 = arith.constant 16 : index
    %swap3A_547 = tpu.vector_load %arg7[%swap3A_544, %swap3A_545, %swap3A_546] {strides = array<i32>} : memref<1x32x256xf32, #tpu.memory_space<vmem>>, vector<1x1x16xf32>,
    %swap3A_548 = vector.shape_cast %swap3A_547 : vector<1x1x16xf32> to vector<16xf32>
    %swap3A_549 = vector.shape_cast %get3A_293 : vector<16xf32> to vector<1x1x16xf32>
    tpu.vector_store %arg7[%swap3A_544, %swap3A_545, %swap3A_546], %swap3A_549 {strides = array<i32>} : memref<1x32x256xf32, #tpu.memory_space<vmem>>, vector<1x1x16xf32>,
    %get3A_550 = arith.constant 0 : i32
    %get3A_551 = arith.constant 0 : i32
    %get3A_552 = arith.index_cast %get3A_550 : i32 to index
    %get3A_553 = arith.index_cast %get3A_551 : i32 to index
    %get3A_554 = arith.constant 32 : index
    %get3A_555 = tpu.vector_load %arg6[%get3A_552, %get3A_553, %get3A_554] {strides = array<i32>} : memref<1x1x256xf32, #tpu.memory_space<vmem>>, vector<1x1x16xf32>,
    %get3A_556 = vector.shape_cast %get3A_555 : vector<1x1x16xf32> to vector<16xf32>
    %swap3A_557 = arith.constant 0 : i32
    %swap3A_558 = arith.constant 0 : i32
    %swap3A_559 = arith.index_cast %swap3A_557 : i32 to index
    %swap3A_560 = arith.index_cast %swap3A_558 : i32 to index
    %swap3A_561 = arith.constant 32 : index
    %swap3A_562 = tpu.vector_load %arg7[%swap3A_559, %swap3A_560, %swap3A_561] {strides = array<i32>} : memref<1x32x256xf32, #tpu.memory_space<vmem>>, vector<1x1x16xf32>,
    %swap3A_563 = vector.shape_cast %swap3A_562 : vector<1x1x16xf32> to vector<16xf32>
    %swap3A_564 = vector.shape_cast %get3A_556 : vector<16xf32> to vector<1x1x16xf32>
    tpu.vector_store %arg7[%swap3A_559, %swap3A_560, %swap3A_561], %swap3A_564 {strides = array<i32>} : memref<1x32x256xf32, #tpu.memory_space<vmem>>, vector<1x1x16xf32>,
    %swap3A_565 = arith.constant 0 : i32
    %swap3A_566 = arith.constant 1 : i32
    %swap3A_567 = arith.index_cast %swap3A_565 : i32 to index
    %swap3A_568 = arith.index_cast %swap3A_566 : i32 to index
    %swap3A_569 = arith.constant 32 : index
    %swap3A_570 = tpu.vector_load %arg7[%swap3A_567, %swap3A_568, %swap3A_569] {strides = array<i32>} : memref<1x32x256xf32, #tpu.memory_space<vmem>>, vector<1x1x16xf32>,
    %swap3A_571 = vector.shape_cast %swap3A_570 : vector<1x1x16xf32> to vector<16xf32>
    %swap3A_572 = vector.shape_cast %get3A_556 : vector<16xf32> to vector<1x1x16xf32>
    tpu.vector_store %arg7[%swap3A_567, %swap3A_568, %swap3A_569], %swap3A_572 {strides = array<i32>} : memref<1x32x256xf32, #tpu.memory_space<vmem>>, vector<1x1x16xf32>,
    %swap3A_573 = arith.constant 0 : i32
    %swap3A_574 = arith.constant 2 : i32
    %swap3A_575 = arith.index_cast %swap3A_573 : i32 to index
    %swap3A_576 = arith.index_cast %swap3A_574 : i32 to index
    %swap3A_577 = arith.constant 32 : index
    %swap3A_578 = tpu.vector_load %arg7[%swap3A_575, %swap3A_576, %swap3A_577] {strides = array<i32>} : memref<1x32x256xf32, #tpu.memory_space<vmem>>, vector<1x1x16xf32>,
    %swap3A_579 = vector.shape_cast %swap3A_578 : vector<1x1x16xf32> to vector<16xf32>
    %swap3A_580 = vector.shape_cast %get3A_556 : vector<16xf32> to vector<1x1x16xf32>
    tpu.vector_store %arg7[%swap3A_575, %swap3A_576, %swap3A_577], %swap3A_580 {strides = array<i32>} : memref<1x32x256xf32, #tpu.memory_space<vmem>>, vector<1x1x16xf32>,
    %swap3A_581 = arith.constant 0 : i32
    %swap3A_582 = arith.constant 3 : i32
    %swap3A_583 = arith.index_cast %swap3A_581 : i32 to index
    %swap3A_584 = arith.index_cast %swap3A_582 : i32 to index
    %swap3A_585 = arith.constant 32 : index
    %swap3A_586 = tpu.vector_load %arg7[%swap3A_583, %swap3A_584, %swap3A_585] {strides = array<i32>} : memref<1x32x256xf32, #tpu.memory_space<vmem>>, vector<1x1x16xf32>,
    %swap3A_587 = vector.shape_cast %swap3A_586 : vector<1x1x16xf32> to vector<16xf32>
    %swap3A_588 = vector.shape_cast %get3A_556 : vector<16xf32> to vector<1x1x16xf32>
    tpu.vector_store %arg7[%swap3A_583, %swap3A_584, %swap3A_585], %swap3A_588 {strides = array<i32>} : memref<1x32x256xf32, #tpu.memory_space<vmem>>, vector<1x1x16xf32>,
    %swap3A_589 = arith.constant 0 : i32
    %swap3A_590 = arith.constant 4 : i32
    %swap3A_591 = arith.index_cast %swap3A_589 : i32 to index
    %swap3A_592 = arith.index_cast %swap3A_590 : i32 to index
    %swap3A_593 = arith.constant 32 : index
    %swap3A_594 = tpu.vector_load %arg7[%swap3A_591, %swap3A_592, %swap3A_593] {strides = array<i32>} : memref<1x32x256xf32, #tpu.memory_space<vmem>>, vector<1x1x16xf32>,
    %swap3A_595 = vector.shape_cast %swap3A_594 : vector<1x1x16xf32> to vector<16xf32>
    %swap3A_596 = vector.shape_cast %get3A_556 : vector<16xf32> to vector<1x1x16xf32>
    tpu.vector_store %arg7[%swap3A_591, %swap3A_592, %swap3A_593], %swap3A_596 {strides = array<i32>} : memref<1x32x256xf32, #tpu.memory_space<vmem>>, vector<1x1x16xf32>,
    %swap3A_597 = arith.constant 0 : i32
    %swap3A_598 = arith.constant 5 : i32
    %swap3A_599 = arith.index_cast %swap3A_597 : i32 to index
    %swap3A_600 = arith.index_cast %swap3A_598 : i32 to index
    %swap3A_601 = arith.constant 32 : index
    %swap3A_602 = tpu.vector_load %arg7[%swap3A_599, %swap3A_600, %swap3A_601] {strides = array<i32>} : memref<1x32x256xf32, #tpu.memory_space<vmem>>, vector<1x1x16xf32>,
    %swap3A_603 = vector.shape_cast %swap3A_602 : vector<1x1x16xf32> to vector<16xf32>
    %swap3A_604 = vector.shape_cast %get3A_556 : vector<16xf32> to vector<1x1x16xf32>
    tpu.vector_store %arg7[%swap3A_599, %swap3A_600, %swap3A_601], %swap3A_604 {strides = array<i32>} : memref<1x32x256xf32, #tpu.memory_space<vmem>>, vector<1x1x16xf32>,
    %swap3A_605 = arith.constant 0 : i32
    %swap3A_606 = arith.constant 6 : i32
    %swap3A_607 = arith.index_cast %swap3A_605 : i32 to index
    %swap3A_608 = arith.index_cast %swap3A_606 : i32 to index
    %swap3A_609 = arith.constant 32 : index
    %swap3A_610 = tpu.vector_load %arg7[%swap3A_607, %swap3A_608, %swap3A_609] {strides = array<i32>} : memref<1x32x256xf32, #tpu.memory_space<vmem>>, vector<1x1x16xf32>,
    %swap3A_611 = vector.shape_cast %swap3A_610 : vector<1x1x16xf32> to vector<16xf32>
    %swap3A_612 = vector.shape_cast %get3A_556 : vector<16xf32> to vector<1x1x16xf32>
    tpu.vector_store %arg7[%swap3A_607, %swap3A_608, %swap3A_609], %swap3A_612 {strides = array<i32>} : memref<1x32x256xf32, #tpu.memory_space<vmem>>, vector<1x1x16xf32>,
    %swap3A_613 = arith.constant 0 : i32
    %swap3A_614 = arith.constant 7 : i32
    %swap3A_615 = arith.index_cast %swap3A_613 : i32 to index
    %swap3A_616 = arith.index_cast %swap3A_614 : i32 to index
    %swap3A_617 = arith.constant 32 : index
    %swap3A_618 = tpu.vector_load %arg7[%swap3A_615, %swap3A_616, %swap3A_617] {strides = array<i32>} : memref<1x32x256xf32, #tpu.memory_space<vmem>>, vector<1x1x16xf32>,
    %swap3A_619 = vector.shape_cast %swap3A_618 : vector<1x1x16xf32> to vector<16xf32>
    %swap3A_620 = vector.shape_cast %get3A_556 : vector<16xf32> to vector<1x1x16xf32>
    tpu.vector_store %arg7[%swap3A_615, %swap3A_616, %swap3A_617], %swap3A_620 {strides = array<i32>} : memref<1x32x256xf32, #tpu.memory_space<vmem>>, vector<1x1x16xf32>,
    %swap3A_621 = arith.constant 0 : i32
    %swap3A_622 = arith.constant 8 : i32
    %swap3A_623 = arith.index_cast %swap3A_621 : i32 to index
    %swap3A_624 = arith.index_cast %swap3A_622 : i32 to index
    %swap3A_625 = arith.constant 32 : index
    %swap3A_626 = tpu.vector_load %arg7[%swap3A_623, %swap3A_624, %swap3A_625] {strides = array<i32>} : memref<1x32x256xf32, #tpu.memory_space<vmem>>, vector<1x1x16xf32>,
    %swap3A_627 = vector.shape_cast %swap3A_626 : vector<1x1x16xf32> to vector<16xf32>
    %swap3A_628 = vector.shape_cast %get3A_556 : vector<16xf32> to vector<1x1x16xf32>
    tpu.vector_store %arg7[%swap3A_623, %swap3A_624, %swap3A_625], %swap3A_628 {strides = array<i32>} : memref<1x32x256xf32, #tpu.memory_space<vmem>>, vector<1x1x16xf32>,
    %swap3A_629 = arith.constant 0 : i32
    %swap3A_630 = arith.constant 9 : i32
    %swap3A_631 = arith.index_cast %swap3A_629 : i32 to index
    %swap3A_632 = arith.index_cast %swap3A_630 : i32 to index
    %swap3A_633 = arith.constant 32 : index
    %swap3A_634 = tpu.vector_load %arg7[%swap3A_631, %swap3A_632, %swap3A_633] {strides = array<i32>} : memref<1x32x256xf32, #tpu.memory_space<vmem>>, vector<1x1x16xf32>,
    %swap3A_635 = vector.shape_cast %swap3A_634 : vector<1x1x16xf32> to vector<16xf32>
    %swap3A_636 = vector.shape_cast %get3A_556 : vector<16xf32> to vector<1x1x16xf32>
    tpu.vector_store %arg7[%swap3A_631, %swap3A_632, %swap3A_633], %swap3A_636 {strides = array<i32>} : memref<1x32x256xf32, #tpu.memory_space<vmem>>, vector<1x1x16xf32>,
    %swap3A_637 = arith.constant 0 : i32
    %swap3A_638 = arith.constant 10 : i32
    %swap3A_639 = arith.index_cast %swap3A_637 : i32 to index
    %swap3A_640 = arith.index_cast %swap3A_638 : i32 to index
    %swap3A_641 = arith.constant 32 : index
    %swap3A_642 = tpu.vector_load %arg7[%swap3A_639, %swap3A_640, %swap3A_641] {strides = array<i32>} : memref<1x32x256xf32, #tpu.memory_space<vmem>>, vector<1x1x16xf32>,
    %swap3A_643 = vector.shape_cast %swap3A_642 : vector<1x1x16xf32> to vector<16xf32>
    %swap3A_644 = vector.shape_cast %get3A_556 : vector<16xf32> to vector<1x1x16xf32>
    tpu.vector_store %arg7[%swap3A_639, %swap3A_640, %swap3A_641], %swap3A_644 {strides = array<i32>} : memref<1x32x256xf32, #tpu.memory_space<vmem>>, vector<1x1x16xf32>,
    %swap3A_645 = arith.constant 0 : i32
    %swap3A_646 = arith.constant 11 : i32
    %swap3A_647 = arith.index_cast %swap3A_645 : i32 to index
    %swap3A_648 = arith.index_cast %swap3A_646 : i32 to index
    %swap3A_649 = arith.constant 32 : index
    %swap3A_650 = tpu.vector_load %arg7[%swap3A_647, %swap3A_648, %swap3A_649] {strides = array<i32>} : memref<1x32x256xf32, #tpu.memory_space<vmem>>, vector<1x1x16xf32>,
    %swap3A_651 = vector.shape_cast %swap3A_650 : vector<1x1x16xf32> to vector<16xf32>
    %swap3A_652 = vector.shape_cast %get3A_556 : vector<16xf32> to vector<1x1x16xf32>
    tpu.vector_store %arg7[%swap3A_647, %swap3A_648, %swap3A_649], %swap3A_652 {strides = array<i32>} : memref<1x32x256xf32, #tpu.memory_space<vmem>>, vector<1x1x16xf32>,
    %swap3A_653 = arith.constant 0 : i32
    %swap3A_654 = arith.constant 12 : i32
    %swap3A_655 = arith.index_cast %swap3A_653 : i32 to index
    %swap3A_656 = arith.index_cast %swap3A_654 : i32 to index
    %swap3A_657 = arith.constant 32 : index
    %swap3A_658 = tpu.vector_load %arg7[%swap3A_655, %swap3A_656, %swap3A_657] {strides = array<i32>} : memref<1x32x256xf32, #tpu.memory_space<vmem>>, vector<1x1x16xf32>,
    %swap3A_659 = vector.shape_cast %swap3A_658 : vector<1x1x16xf32> to vector<16xf32>
    %swap3A_660 = vector.shape_cast %get3A_556 : vector<16xf32> to vector<1x1x16xf32>
    tpu.vector_store %arg7[%swap3A_655, %swap3A_656, %swap3A_657], %swap3A_660 {strides = array<i32>} : memref<1x32x256xf32, #tpu.memory_space<vmem>>, vector<1x1x16xf32>,
    %swap3A_661 = arith.constant 0 : i32
    %swap3A_662 = arith.constant 13 : i32
    %swap3A_663 = arith.index_cast %swap3A_661 : i32 to index
    %swap3A_664 = arith.index_cast %swap3A_662 : i32 to index
    %swap3A_665 = arith.constant 32 : index
    %swap3A_666 = tpu.vector_load %arg7[%swap3A_663, %swap3A_664, %swap3A_665] {strides = array<i32>} : memref<1x32x256xf32, #tpu.memory_space<vmem>>, vector<1x1x16xf32>,
    %swap3A_667 = vector.shape_cast %swap3A_666 : vector<1x1x16xf32> to vector<16xf32>
    %swap3A_668 = vector.shape_cast %get3A_556 : vector<16xf32> to vector<1x1x16xf32>
    tpu.vector_store %arg7[%swap3A_663, %swap3A_664, %swap3A_665], %swap3A_668 {strides = array<i32>} : memref<1x32x256xf32, #tpu.memory_space<vmem>>, vector<1x1x16xf32>,
    %swap3A_669 = arith.constant 0 : i32
    %swap3A_670 = arith.constant 14 : i32
    %swap3A_671 = arith.index_cast %swap3A_669 : i32 to index
    %swap3A_672 = arith.index_cast %swap3A_670 : i32 to index
    %swap3A_673 = arith.constant 32 : index
    %swap3A_674 = tpu.vector_load %arg7[%swap3A_671, %swap3A_672, %swap3A_673] {strides = array<i32>} : memref<1x32x256xf32, #tpu.memory_space<vmem>>, vector<1x1x16xf32>,
    %swap3A_675 = vector.shape_cast %swap3A_674 : vector<1x1x16xf32> to vector<16xf32>
    %swap3A_676 = vector.shape_cast %get3A_556 : vector<16xf32> to vector<1x1x16xf32>
    tpu.vector_store %arg7[%swap3A_671, %swap3A_672, %swap3A_673], %swap3A_676 {strides = array<i32>} : memref<1x32x256xf32, #tpu.memory_space<vmem>>, vector<1x1x16xf32>,
    %swap3A_677 = arith.constant 0 : i32
    %swap3A_678 = arith.constant 15 : i32
    %swap3A_679 = arith.index_cast %swap3A_677 : i32 to index
    %swap3A_680 = arith.index_cast %swap3A_678 : i32 to index
    %swap3A_681 = arith.constant 32 : index
    %swap3A_682 = tpu.vector_load %arg7[%swap3A_679, %swap3A_680, %swap3A_681] {strides = array<i32>} : memref<1x32x256xf32, #tpu.memory_space<vmem>>, vector<1x1x16xf32>,
    %swap3A_683 = vector.shape_cast %swap3A_682 : vector<1x1x16xf32> to vector<16xf32>
    %swap3A_684 = vector.shape_cast %get3A_556 : vector<16xf32> to vector<1x1x16xf32>
    tpu.vector_store %arg7[%swap3A_679, %swap3A_680, %swap3A_681], %swap3A_684 {strides = array<i32>} : memref<1x32x256xf32, #tpu.memory_space<vmem>>, vector<1x1x16xf32>,
    %swap3A_685 = arith.constant 0 : i32
    %swap3A_686 = arith.constant 16 : i32
    %swap3A_687 = arith.index_cast %swap3A_685 : i32 to index
    %swap3A_688 = arith.index_cast %swap3A_686 : i32 to index
    %swap3A_689 = arith.constant 32 : index
    %swap3A_690 = tpu.vector_load %arg7[%swap3A_687, %swap3A_688, %swap3A_689] {strides = array<i32>} : memref<1x32x256xf32, #tpu.memory_space<vmem>>, vector<1x1x16xf32>,
    %swap3A_691 = vector.shape_cast %swap3A_690 : vector<1x1x16xf32> to vector<16xf32>
    %swap3A_692 = vector.shape_cast %get3A_556 : vector<16xf32> to vector<1x1x16xf32>
    tpu.vector_store %arg7[%swap3A_687, %swap3A_688, %swap3A_689], %swap3A_692 {strides = array<i32>} : memref<1x32x256xf32, #tpu.memory_space<vmem>>, vector<1x1x16xf32>,
    %swap3A_693 = arith.constant 0 : i32
    %swap3A_694 = arith.constant 17 : i32
    %swap3A_695 = arith.index_cast %swap3A_693 : i32 to index
    %swap3A_696 = arith.index_cast %swap3A_694 : i32 to index
    %swap3A_697 = arith.constant 32 : index
    %swap3A_698 = tpu.vector_load %arg7[%swap3A_695, %swap3A_696, %swap3A_697] {strides = array<i32>} : memref<1x32x256xf32, #tpu.memory_space<vmem>>, vector<1x1x16xf32>,
    %swap3A_699 = vector.shape_cast %swap3A_698 : vector<1x1x16xf32> to vector<16xf32>
    %swap3A_700 = vector.shape_cast %get3A_556 : vector<16xf32> to vector<1x1x16xf32>
    tpu.vector_store %arg7[%swap3A_695, %swap3A_696, %swap3A_697], %swap3A_700 {strides = array<i32>} : memref<1x32x256xf32, #tpu.memory_space<vmem>>, vector<1x1x16xf32>,
    %swap3A_701 = arith.constant 0 : i32
    %swap3A_702 = arith.constant 18 : i32
    %swap3A_703 = arith.index_cast %swap3A_701 : i32 to index
    %swap3A_704 = arith.index_cast %swap3A_702 : i32 to index
    %swap3A_705 = arith.constant 32 : index
    %swap3A_706 = tpu.vector_load %arg7[%swap3A_703, %swap3A_704, %swap3A_705] {strides = array<i32>} : memref<1x32x256xf32, #tpu.memory_space<vmem>>, vector<1x1x16xf32>,
    %swap3A_707 = vector.shape_cast %swap3A_706 : vector<1x1x16xf32> to vector<16xf32>
    %swap3A_708 = vector.shape_cast %get3A_556 : vector<16xf32> to vector<1x1x16xf32>
    tpu.vector_store %arg7[%swap3A_703, %swap3A_704, %swap3A_705], %swap3A_708 {strides = array<i32>} : memref<1x32x256xf32, #tpu.memory_space<vmem>>, vector<1x1x16xf32>,
    %swap3A_709 = arith.constant 0 : i32
    %swap3A_710 = arith.constant 19 : i32
    %swap3A_711 = arith.index_cast %swap3A_709 : i32 to index
    %swap3A_712 = arith.index_cast %swap3A_710 : i32 to index
    %swap3A_713 = arith.constant 32 : index
    %swap3A_714 = tpu.vector_load %arg7[%swap3A_711, %swap3A_712, %swap3A_713] {strides = array<i32>} : memref<1x32x256xf32, #tpu.memory_space<vmem>>, vector<1x1x16xf32>,
    %swap3A_715 = vector.shape_cast %swap3A_714 : vector<1x1x16xf32> to vector<16xf32>
    %swap3A_716 = vector.shape_cast %get3A_556 : vector<16xf32> to vector<1x1x16xf32>
    tpu.vector_store %arg7[%swap3A_711, %swap3A_712, %swap3A_713], %swap3A_716 {strides = array<i32>} : memref<1x32x256xf32, #tpu.memory_space<vmem>>, vector<1x1x16xf32>,
    %swap3A_717 = arith.constant 0 : i32
    %swap3A_718 = arith.constant 20 : i32
    %swap3A_719 = arith.index_cast %swap3A_717 : i32 to index
    %swap3A_720 = arith.index_cast %swap3A_718 : i32 to index
    %swap3A_721 = arith.constant 32 : index
    %swap3A_722 = tpu.vector_load %arg7[%swap3A_719, %swap3A_720, %swap3A_721] {strides = array<i32>} : memref<1x32x256xf32, #tpu.memory_space<vmem>>, vector<1x1x16xf32>,
    %swap3A_723 = vector.shape_cast %swap3A_722 : vector<1x1x16xf32> to vector<16xf32>
    %swap3A_724 = vector.shape_cast %get3A_556 : vector<16xf32> to vector<1x1x16xf32>
    tpu.vector_store %arg7[%swap3A_719, %swap3A_720, %swap3A_721], %swap3A_724 {strides = array<i32>} : memref<1x32x256xf32, #tpu.memory_space<vmem>>, vector<1x1x16xf32>,
    %swap3A_725 = arith.constant 0 : i32
    %swap3A_726 = arith.constant 21 : i32
    %swap3A_727 = arith.index_cast %swap3A_725 : i32 to index
    %swap3A_728 = arith.index_cast %swap3A_726 : i32 to index
    %swap3A_729 = arith.constant 32 : index
    %swap3A_730 = tpu.vector_load %arg7[%swap3A_727, %swap3A_728, %swap3A_729] {strides = array<i32>} : memref<1x32x256xf32, #tpu.memory_space<vmem>>, vector<1x1x16xf32>,
    %swap3A_731 = vector.shape_cast %swap3A_730 : vector<1x1x16xf32> to vector<16xf32>
    %swap3A_732 = vector.shape_cast %get3A_556 : vector<16xf32> to vector<1x1x16xf32>
    tpu.vector_store %arg7[%swap3A_727, %swap3A_728, %swap3A_729], %swap3A_732 {strides = array<i32>} : memref<1x32x256xf32, #tpu.memory_space<vmem>>, vector<1x1x16xf32>,
    %swap3A_733 = arith.constant 0 : i32
    %swap3A_734 = arith.constant 22 : i32
    %swap3A_735 = arith.index_cast %swap3A_733 : i32 to index
    %swap3A_736 = arith.index_cast %swap3A_734 : i32 to index
    %swap3A_737 = arith.constant 32 : index
    %swap3A_738 = tpu.vector_load %arg7[%swap3A_735, %swap3A_736, %swap3A_737] {strides = array<i32>} : memref<1x32x256xf32, #tpu.memory_space<vmem>>, vector<1x1x16xf32>,
    %swap3A_739 = vector.shape_cast %swap3A_738 : vector<1x1x16xf32> to vector<16xf32>
    %swap3A_740 = vector.shape_cast %get3A_556 : vector<16xf32> to vector<1x1x16xf32>
    tpu.vector_store %arg7[%swap3A_735, %swap3A_736, %swap3A_737], %swap3A_740 {strides = array<i32>} : memref<1x32x256xf32, #tpu.memory_space<vmem>>, vector<1x1x16xf32>,
    %swap3A_741 = arith.constant 0 : i32
    %swap3A_742 = arith.constant 23 : i32
    %swap3A_743 = arith.index_cast %swap3A_741 : i32 to index
    %swap3A_744 = arith.index_cast %swap3A_742 : i32 to index
    %swap3A_745 = arith.constant 32 : index
    %swap3A_746 = tpu.vector_load %arg7[%swap3A_743, %swap3A_744, %swap3A_745] {strides = array<i32>} : memref<1x32x256xf32, #tpu.memory_space<vmem>>, vector<1x1x16xf32>,
    %swap3A_747 = vector.shape_cast %swap3A_746 : vector<1x1x16xf32> to vector<16xf32>
    %swap3A_748 = vector.shape_cast %get3A_556 : vector<16xf32> to vector<1x1x16xf32>
    tpu.vector_store %arg7[%swap3A_743, %swap3A_744, %swap3A_745], %swap3A_748 {strides = array<i32>} : memref<1x32x256xf32, #tpu.memory_space<vmem>>, vector<1x1x16xf32>,
    %swap3A_749 = arith.constant 0 : i32
    %swap3A_750 = arith.constant 24 : i32
    %swap3A_751 = arith.index_cast %swap3A_749 : i32 to index
    %swap3A_752 = arith.index_cast %swap3A_750 : i32 to index
    %swap3A_753 = arith.constant 32 : index
    %swap3A_754 = tpu.vector_load %arg7[%swap3A_751, %swap3A_752, %swap3A_753] {strides = array<i32>} : memref<1x32x256xf32, #tpu.memory_space<vmem>>, vector<1x1x16xf32>,
    %swap3A_755 = vector.shape_cast %swap3A_754 : vector<1x1x16xf32> to vector<16xf32>
    %swap3A_756 = vector.shape_cast %get3A_556 : vector<16xf32> to vector<1x1x16xf32>
    tpu.vector_store %arg7[%swap3A_751, %swap3A_752, %swap3A_753], %swap3A_756 {strides = array<i32>} : memref<1x32x256xf32, #tpu.memory_space<vmem>>, vector<1x1x16xf32>,
    %swap3A_757 = arith.constant 0 : i32
    %swap3A_758 = arith.constant 25 : i32
    %swap3A_759 = arith.index_cast %swap3A_757 : i32 to index
    %swap3A_760 = arith.index_cast %swap3A_758 : i32 to index
    %swap3A_761 = arith.constant 32 : index
    %swap3A_762 = tpu.vector_load %arg7[%swap3A_759, %swap3A_760, %swap3A_761] {strides = array<i32>} : memref<1x32x256xf32, #tpu.memory_space<vmem>>, vector<1x1x16xf32>,
    %swap3A_763 = vector.shape_cast %swap3A_762 : vector<1x1x16xf32> to vector<16xf32>
    %swap3A_764 = vector.shape_cast %get3A_556 : vector<16xf32> to vector<1x1x16xf32>
    tpu.vector_store %arg7[%swap3A_759, %swap3A_760, %swap3A_761], %swap3A_764 {strides = array<i32>} : memref<1x32x256xf32, #tpu.memory_space<vmem>>, vector<1x1x16xf32>,
    %swap3A_765 = arith.constant 0 : i32
    %swap3A_766 = arith.constant 26 : i32
    %swap3A_767 = arith.index_cast %swap3A_765 : i32 to index
    %swap3A_768 = arith.index_cast %swap3A_766 : i32 to index
    %swap3A_769 = arith.constant 32 : index
    %swap3A_770 = tpu.vector_load %arg7[%swap3A_767, %swap3A_768, %swap3A_769] {strides = array<i32>} : memref<1x32x256xf32, #tpu.memory_space<vmem>>, vector<1x1x16xf32>,
    %swap3A_771 = vector.shape_cast %swap3A_770 : vector<1x1x16xf32> to vector<16xf32>
    %swap3A_772 = vector.shape_cast %get3A_556 : vector<16xf32> to vector<1x1x16xf32>
    tpu.vector_store %arg7[%swap3A_767, %swap3A_768, %swap3A_769], %swap3A_772 {strides = array<i32>} : memref<1x32x256xf32, #tpu.memory_space<vmem>>, vector<1x1x16xf32>,
    %swap3A_773 = arith.constant 0 : i32
    %swap3A_774 = arith.constant 27 : i32
    %swap3A_775 = arith.index_cast %swap3A_773 : i32 to index
    %swap3A_776 = arith.index_cast %swap3A_774 : i32 to index
    %swap3A_777 = arith.constant 32 : index
    %swap3A_778 = tpu.vector_load %arg7[%swap3A_775, %swap3A_776, %swap3A_777] {strides = array<i32>} : memref<1x32x256xf32, #tpu.memory_space<vmem>>, vector<1x1x16xf32>,
    %swap3A_779 = vector.shape_cast %swap3A_778 : vector<1x1x16xf32> to vector<16xf32>
    %swap3A_780 = vector.shape_cast %get3A_556 : vector<16xf32> to vector<1x1x16xf32>
    tpu.vector_store %arg7[%swap3A_775, %swap3A_776, %swap3A_777], %swap3A_780 {strides = array<i32>} : memref<1x32x256xf32, #tpu.memory_space<vmem>>, vector<1x1x16xf32>,
    %swap3A_781 = arith.constant 0 : i32
    %swap3A_782 = arith.constant 28 : i32
    %swap3A_783 = arith.index_cast %swap3A_781 : i32 to index
    %swap3A_784 = arith.index_cast %swap3A_782 : i32 to index
    %swap3A_785 = arith.constant 32 : index
    %swap3A_786 = tpu.vector_load %arg7[%swap3A_783, %swap3A_784, %swap3A_785] {strides = array<i32>} : memref<1x32x256xf32, #tpu.memory_space<vmem>>, vector<1x1x16xf32>,
    %swap3A_787 = vector.shape_cast %swap3A_786 : vector<1x1x16xf32> to vector<16xf32>
    %swap3A_788 = vector.shape_cast %get3A_556 : vector<16xf32> to vector<1x1x16xf32>
    tpu.vector_store %arg7[%swap3A_783, %swap3A_784, %swap3A_785], %swap3A_788 {strides = array<i32>} : memref<1x32x256xf32, #tpu.memory_space<vmem>>, vector<1x1x16xf32>,
    %swap3A_789 = arith.constant 0 : i32
    %swap3A_790 = arith.constant 29 : i32
    %swap3A_791 = arith.index_cast %swap3A_789 : i32 to index
    %swap3A_792 = arith.index_cast %swap3A_790 : i32 to index
    %swap3A_793 = arith.constant 32 : index
    %swap3A_794 = tpu.vector_load %arg7[%swap3A_791, %swap3A_792, %swap3A_793] {strides = array<i32>} : memref<1x32x256xf32, #tpu.memory_space<vmem>>, vector<1x1x16xf32>,
    %swap3A_795 = vector.shape_cast %swap3A_794 : vector<1x1x16xf32> to vector<16xf32>
    %swap3A_796 = vector.shape_cast %get3A_556 : vector<16xf32> to vector<1x1x16xf32>
    tpu.vector_store %arg7[%swap3A_791, %swap3A_792, %swap3A_793], %swap3A_796 {strides = array<i32>} : memref<1x32x256xf32, #tpu.memory_space<vmem>>, vector<1x1x16xf32>,
    %swap3A_797 = arith.constant 0 : i32
    %swap3A_798 = arith.constant 30 : i32
    %swap3A_799 = arith.index_cast %swap3A_797 : i32 to index
    %swap3A_800 = arith.index_cast %swap3A_798 : i32 to index
    %swap3A_801 = arith.constant 32 : index
    %swap3A_802 = tpu.vector_load %arg7[%swap3A_799, %swap3A_800, %swap3A_801] {strides = array<i32>} : memref<1x32x256xf32, #tpu.memory_space<vmem>>, vector<1x1x16xf32>,
    %swap3A_803 = vector.shape_cast %swap3A_802 : vector<1x1x16xf32> to vector<16xf32>
    %swap3A_804 = vector.shape_cast %get3A_556 : vector<16xf32> to vector<1x1x16xf32>
    tpu.vector_store %arg7[%swap3A_799, %swap3A_800, %swap3A_801], %swap3A_804 {strides = array<i32>} : memref<1x32x256xf32, #tpu.memory_space<vmem>>, vector<1x1x16xf32>,
    %swap3A_805 = arith.constant 0 : i32
    %swap3A_806 = arith.constant 31 : i32
    %swap3A_807 = arith.index_cast %swap3A_805 : i32 to index
    %swap3A_808 = arith.index_cast %swap3A_806 : i32 to index
    %swap3A_809 = arith.constant 32 : index
    %swap3A_810 = tpu.vector_load %arg7[%swap3A_807, %swap3A_808, %swap3A_809] {strides = array<i32>} : memref<1x32x256xf32, #tpu.memory_space<vmem>>, vector<1x1x16xf32>,
    %swap3A_811 = vector.shape_cast %swap3A_810 : vector<1x1x16xf32> to vector<16xf32>
    %swap3A_812 = vector.shape_cast %get3A_556 : vector<16xf32> to vector<1x1x16xf32>
    tpu.vector_store %arg7[%swap3A_807, %swap3A_808, %swap3A_809], %swap3A_812 {strides = array<i32>} : memref<1x32x256xf32, #tpu.memory_space<vmem>>, vector<1x1x16xf32>,
    %get3A_813 = arith.constant 0 : i32
    %get3A_814 = arith.constant 0 : i32
    %get3A_815 = arith.index_cast %get3A_813 : i32 to index
    %get3A_816 = arith.index_cast %get3A_814 : i32 to index
    %get3A_817 = arith.constant 48 : index
    %get3A_818 = tpu.vector_load %arg6[%get3A_815, %get3A_816, %get3A_817] {strides = array<i32>} : memref<1x1x256xf32, #tpu.memory_space<vmem>>, vector<1x1x16xf32>,
    %get3A_819 = vector.shape_cast %get3A_818 : vector<1x1x16xf32> to vector<16xf32>
    %swap3A_820 = arith.constant 0 : i32
    %swap3A_821 = arith.constant 0 : i32
    %swap3A_822 = arith.index_cast %swap3A_820 : i32 to index
    %swap3A_823 = arith.index_cast %swap3A_821 : i32 to index
    %swap3A_824 = arith.constant 48 : index
    %swap3A_825 = tpu.vector_load %arg7[%swap3A_822, %swap3A_823, %swap3A_824] {strides = array<i32>} : memref<1x32x256xf32, #tpu.memory_space<vmem>>, vector<1x1x16xf32>,
    %swap3A_826 = vector.shape_cast %swap3A_825 : vector<1x1x16xf32> to vector<16xf32>
    %swap3A_827 = vector.shape_cast %get3A_819 : vector<16xf32> to vector<1x1x16xf32>
    tpu.vector_store %arg7[%swap3A_822, %swap3A_823, %swap3A_824], %swap3A_827 {strides = array<i32>} : memref<1x32x256xf32, #tpu.memory_space<vmem>>, vector<1x1x16xf32>,
    %swap3A_828 = arith.constant 0 : i32
    %swap3A_829 = arith.constant 1 : i32
    %swap3A_830 = arith.index_cast %swap3A_828 : i32 to index
    %swap3A_831 = arith.index_cast %swap3A_829 : i32 to index
    %swap3A_832 = arith.constant 48 : index
    %swap3A_833 = tpu.vector_load %arg7[%swap3A_830, %swap3A_831, %swap3A_832] {strides = array<i32>} : memref<1x32x256xf32, #tpu.memory_space<vmem>>, vector<1x1x16xf32>,
    %swap3A_834 = vector.shape_cast %swap3A_833 : vector<1x1x16xf32> to vector<16xf32>
    %swap3A_835 = vector.shape_cast %get3A_819 : vector<16xf32> to vector<1x1x16xf32>
    tpu.vector_store %arg7[%swap3A_830, %swap3A_831, %swap3A_832], %swap3A_835 {strides = array<i32>} : memref<1x32x256xf32, #tpu.memory_space<vmem>>, vector<1x1x16xf32>,
    %swap3A_836 = arith.constant 0 : i32
    %swap3A_837 = arith.constant 2 : i32
    %swap3A_838 = arith.index_cast %swap3A_836 : i32 to index
    %swap3A_839 = arith.index_cast %swap3A_837 : i32 to index
    %swap3A_840 = arith.constant 48 : index
    %swap3A_841 = tpu.vector_load %arg7[%swap3A_838, %swap3A_839, %swap3A_840] {strides = array<i32>} : memref<1x32x256xf32, #tpu.memory_space<vmem>>, vector<1x1x16xf32>,
    %swap3A_842 = vector.shape_cast %swap3A_841 : vector<1x1x16xf32> to vector<16xf32>
    %swap3A_843 = vector.shape_cast %get3A_819 : vector<16xf32> to vector<1x1x16xf32>
    tpu.vector_store %arg7[%swap3A_838, %swap3A_839, %swap3A_840], %swap3A_843 {strides = array<i32>} : memref<1x32x256xf32, #tpu.memory_space<vmem>>, vector<1x1x16xf32>,
    %swap3A_844 = arith.constant 0 : i32
    %swap3A_845 = arith.constant 3 : i32
    %swap3A_846 = arith.index_cast %swap3A_844 : i32 to index
    %swap3A_847 = arith.index_cast %swap3A_845 : i32 to index
    %swap3A_848 = arith.constant 48 : index
    %swap3A_849 = tpu.vector_load %arg7[%swap3A_846, %swap3A_847, %swap3A_848] {strides = array<i32>} : memref<1x32x256xf32, #tpu.memory_space<vmem>>, vector<1x1x16xf32>,
    %swap3A_850 = vector.shape_cast %swap3A_849 : vector<1x1x16xf32> to vector<16xf32>
    %swap3A_851 = vector.shape_cast %get3A_819 : vector<16xf32> to vector<1x1x16xf32>
    tpu.vector_store %arg7[%swap3A_846, %swap3A_847, %swap3A_848], %swap3A_851 {strides = array<i32>} : memref<1x32x256xf32, #tpu.memory_space<vmem>>, vector<1x1x16xf32>,
    %swap3A_852 = arith.constant 0 : i32
    %swap3A_853 = arith.constant 4 : i32
    %swap3A_854 = arith.index_cast %swap3A_852 : i32 to index
    %swap3A_855 = arith.index_cast %swap3A_853 : i32 to index
    %swap3A_856 = arith.constant 48 : index
    %swap3A_857 = tpu.vector_load %arg7[%swap3A_854, %swap3A_855, %swap3A_856] {strides = array<i32>} : memref<1x32x256xf32, #tpu.memory_space<vmem>>, vector<1x1x16xf32>,
    %swap3A_858 = vector.shape_cast %swap3A_857 : vector<1x1x16xf32> to vector<16xf32>
    %swap3A_859 = vector.shape_cast %get3A_819 : vector<16xf32> to vector<1x1x16xf32>
    tpu.vector_store %arg7[%swap3A_854, %swap3A_855, %swap3A_856], %swap3A_859 {strides = array<i32>} : memref<1x32x256xf32, #tpu.memory_space<vmem>>, vector<1x1x16xf32>,
    %swap3A_860 = arith.constant 0 : i32
    %swap3A_861 = arith.constant 5 : i32
    %swap3A_862 = arith.index_cast %swap3A_860 : i32 to index
    %swap3A_863 = arith.index_cast %swap3A_861 : i32 to index
    %swap3A_864 = arith.constant 48 : index
    %swap3A_865 = tpu.vector_load %arg7[%swap3A_862, %swap3A_863, %swap3A_864] {strides = array<i32>} : memref<1x32x256xf32, #tpu.memory_space<vmem>>, vector<1x1x16xf32>,
    %swap3A_866 = vector.shape_cast %swap3A_865 : vector<1x1x16xf32> to vector<16xf32>
    %swap3A_867 = vector.shape_cast %get3A_819 : vector<16xf32> to vector<1x1x16xf32>
    tpu.vector_store %arg7[%swap3A_862, %swap3A_863, %swap3A_864], %swap3A_867 {strides = array<i32>} : memref<1x32x256xf32, #tpu.memory_space<vmem>>, vector<1x1x16xf32>,
    %swap3A_868 = arith.constant 0 : i32
    %swap3A_869 = arith.constant 6 : i32
    %swap3A_870 = arith.index_cast %swap3A_868 : i32 to index
    %swap3A_871 = arith.index_cast %swap3A_869 : i32 to index
    %swap3A_872 = arith.constant 48 : index
    %swap3A_873 = tpu.vector_load %arg7[%swap3A_870, %swap3A_871, %swap3A_872] {strides = array<i32>} : memref<1x32x256xf32, #tpu.memory_space<vmem>>, vector<1x1x16xf32>,
    %swap3A_874 = vector.shape_cast %swap3A_873 : vector<1x1x16xf32> to vector<16xf32>
    %swap3A_875 = vector.shape_cast %get3A_819 : vector<16xf32> to vector<1x1x16xf32>
    tpu.vector_store %arg7[%swap3A_870, %swap3A_871, %swap3A_872], %swap3A_875 {strides = array<i32>} : memref<1x32x256xf32, #tpu.memory_space<vmem>>, vector<1x1x16xf32>,
    %swap3A_876 = arith.constant 0 : i32
    %swap3A_877 = arith.constant 7 : i32
    %swap3A_878 = arith.index_cast %swap3A_876 : i32 to index
    %swap3A_879 = arith.index_cast %swap3A_877 : i32 to index
    %swap3A_880 = arith.constant 48 : index
    %swap3A_881 = tpu.vector_load %arg7[%swap3A_878, %swap3A_879, %swap3A_880] {strides = array<i32>} : memref<1x32x256xf32, #tpu.memory_space<vmem>>, vector<1x1x16xf32>,
    %swap3A_882 = vector.shape_cast %swap3A_881 : vector<1x1x16xf32> to vector<16xf32>
    %swap3A_883 = vector.shape_cast %get3A_819 : vector<16xf32> to vector<1x1x16xf32>
    tpu.vector_store %arg7[%swap3A_878, %swap3A_879, %swap3A_880], %swap3A_883 {strides = array<i32>} : memref<1x32x256xf32, #tpu.memory_space<vmem>>, vector<1x1x16xf32>,
    %swap3A_884 = arith.constant 0 : i32
    %swap3A_885 = arith.constant 8 : i32
    %swap3A_886 = arith.index_cast %swap3A_884 : i32 to index
    %swap3A_887 = arith.index_cast %swap3A_885 : i32 to index
    %swap3A_888 = arith.constant 48 : index
    %swap3A_889 = tpu.vector_load %arg7[%swap3A_886, %swap3A_887, %swap3A_888] {strides = array<i32>} : memref<1x32x256xf32, #tpu.memory_space<vmem>>, vector<1x1x16xf32>,
    %swap3A_890 = vector.shape_cast %swap3A_889 : vector<1x1x16xf32> to vector<16xf32>
    %swap3A_891 = vector.shape_cast %get3A_819 : vector<16xf32> to vector<1x1x16xf32>
    tpu.vector_store %arg7[%swap3A_886, %swap3A_887, %swap3A_888], %swap3A_891 {strides = array<i32>} : memref<1x32x256xf32, #tpu.memory_space<vmem>>, vector<1x1x16xf32>,
    %swap3A_892 = arith.constant 0 : i32
    %swap3A_893 = arith.constant 9 : i32
    %swap3A_894 = arith.index_cast %swap3A_892 : i32 to index
    %swap3A_895 = arith.index_cast %swap3A_893 : i32 to index
    %swap3A_896 = arith.constant 48 : index
    %swap3A_897 = tpu.vector_load %arg7[%swap3A_894, %swap3A_895, %swap3A_896] {strides = array<i32>} : memref<1x32x256xf32, #tpu.memory_space<vmem>>, vector<1x1x16xf32>,
    %swap3A_898 = vector.shape_cast %swap3A_897 : vector<1x1x16xf32> to vector<16xf32>
    %swap3A_899 = vector.shape_cast %get3A_819 : vector<16xf32> to vector<1x1x16xf32>
    tpu.vector_store %arg7[%swap3A_894, %swap3A_895, %swap3A_896], %swap3A_899 {strides = array<i32>} : memref<1x32x256xf32, #tpu.memory_space<vmem>>, vector<1x1x16xf32>,
    %swap3A_900 = arith.constant 0 : i32
    %swap3A_901 = arith.constant 10 : i32
    %swap3A_902 = arith.index_cast %swap3A_900 : i32 to index
    %swap3A_903 = arith.index_cast %swap3A_901 : i32 to index
    %swap3A_904 = arith.constant 48 : index
    %swap3A_905 = tpu.vector_load %arg7[%swap3A_902, %swap3A_903, %swap3A_904] {strides = array<i32>} : memref<1x32x256xf32, #tpu.memory_space<vmem>>, vector<1x1x16xf32>,
    %swap3A_906 = vector.shape_cast %swap3A_905 : vector<1x1x16xf32> to vector<16xf32>
    %swap3A_907 = vector.shape_cast %get3A_819 : vector<16xf32> to vector<1x1x16xf32>
    tpu.vector_store %arg7[%swap3A_902, %swap3A_903, %swap3A_904], %swap3A_907 {strides = array<i32>} : memref<1x32x256xf32, #tpu.memory_space<vmem>>, vector<1x1x16xf32>,
    %swap3A_908 = arith.constant 0 : i32
    %swap3A_909 = arith.constant 11 : i32
    %swap3A_910 = arith.index_cast %swap3A_908 : i32 to index
    %swap3A_911 = arith.index_cast %swap3A_909 : i32 to index
    %swap3A_912 = arith.constant 48 : index
    %swap3A_913 = tpu.vector_load %arg7[%swap3A_910, %swap3A_911, %swap3A_912] {strides = array<i32>} : memref<1x32x256xf32, #tpu.memory_space<vmem>>, vector<1x1x16xf32>,
    %swap3A_914 = vector.shape_cast %swap3A_913 : vector<1x1x16xf32> to vector<16xf32>
    %swap3A_915 = vector.shape_cast %get3A_819 : vector<16xf32> to vector<1x1x16xf32>
    tpu.vector_store %arg7[%swap3A_910, %swap3A_911, %swap3A_912], %swap3A_915 {strides = array<i32>} : memref<1x32x256xf32, #tpu.memory_space<vmem>>, vector<1x1x16xf32>,
    %swap3A_916 = arith.constant 0 : i32
    %swap3A_917 = arith.constant 12 : i32
    %swap3A_918 = arith.index_cast %swap3A_916 : i32 to index
    %swap3A_919 = arith.index_cast %swap3A_917 : i32 to index
    %swap3A_920 = arith.constant 48 : index
    %swap3A_921 = tpu.vector_load %arg7[%swap3A_918, %swap3A_919, %swap3A_920] {strides = array<i32>} : memref<1x32x256xf32, #tpu.memory_space<vmem>>, vector<1x1x16xf32>,
    %swap3A_922 = vector.shape_cast %swap3A_921 : vector<1x1x16xf32> to vector<16xf32>
    %swap3A_923 = vector.shape_cast %get3A_819 : vector<16xf32> to vector<1x1x16xf32>
    tpu.vector_store %arg7[%swap3A_918, %swap3A_919, %swap3A_920], %swap3A_923 {strides = array<i32>} : memref<1x32x256xf32, #tpu.memory_space<vmem>>, vector<1x1x16xf32>,
    %swap3A_924 = arith.constant 0 : i32
    %swap3A_925 = arith.constant 13 : i32
    %swap3A_926 = arith.index_cast %swap3A_924 : i32 to index
    %swap3A_927 = arith.index_cast %swap3A_925 : i32 to index
    %swap3A_928 = arith.constant 48 : index
    %swap3A_929 = tpu.vector_load %arg7[%swap3A_926, %swap3A_927, %swap3A_928] {strides = array<i32>} : memref<1x32x256xf32, #tpu.memory_space<vmem>>, vector<1x1x16xf32>,
    %swap3A_930 = vector.shape_cast %swap3A_929 : vector<1x1x16xf32> to vector<16xf32>
    %swap3A_931 = vector.shape_cast %get3A_819 : vector<16xf32> to vector<1x1x16xf32>
    tpu.vector_store %arg7[%swap3A_926, %swap3A_927, %swap3A_928], %swap3A_931 {strides = array<i32>} : memref<1x32x256xf32, #tpu.memory_space<vmem>>, vector<1x1x16xf32>,
    %swap3A_932 = arith.constant 0 : i32
    %swap3A_933 = arith.constant 14 : i32
    %swap3A_934 = arith.index_cast %swap3A_932 : i32 to index
    %swap3A_935 = arith.index_cast %swap3A_933 : i32 to index
    %swap3A_936 = arith.constant 48 : index
    %swap3A_937 = tpu.vector_load %arg7[%swap3A_934, %swap3A_935, %swap3A_936] {strides = array<i32>} : memref<1x32x256xf32, #tpu.memory_space<vmem>>, vector<1x1x16xf32>,
    %swap3A_938 = vector.shape_cast %swap3A_937 : vector<1x1x16xf32> to vector<16xf32>
    %swap3A_939 = vector.shape_cast %get3A_819 : vector<16xf32> to vector<1x1x16xf32>
    tpu.vector_store %arg7[%swap3A_934, %swap3A_935, %swap3A_936], %swap3A_939 {strides = array<i32>} : memref<1x32x256xf32, #tpu.memory_space<vmem>>, vector<1x1x16xf32>,
    %swap3A_940 = arith.constant 0 : i32
    %swap3A_941 = arith.constant 15 : i32
    %swap3A_942 = arith.index_cast %swap3A_940 : i32 to index
    %swap3A_943 = arith.index_cast %swap3A_941 : i32 to index
    %swap3A_944 = arith.constant 48 : index
    %swap3A_945 = tpu.vector_load %arg7[%swap3A_942, %swap3A_943, %swap3A_944] {strides = array<i32>} : memref<1x32x256xf32, #tpu.memory_space<vmem>>, vector<1x1x16xf32>,
    %swap3A_946 = vector.shape_cast %swap3A_945 : vector<1x1x16xf32> to vector<16xf32>
    %swap3A_947 = vector.shape_cast %get3A_819 : vector<16xf32> to vector<1x1x16xf32>
    tpu.vector_store %arg7[%swap3A_942, %swap3A_943, %swap3A_944], %swap3A_947 {strides = array<i32>} : memref<1x32x256xf32, #tpu.memory_space<vmem>>, vector<1x1x16xf32>,
    %swap3A_948 = arith.constant 0 : i32
    %swap3A_949 = arith.constant 16 : i32
    %swap3A_950 = arith.index_cast %swap3A_948 : i32 to index
    %swap3A_951 = arith.index_cast %swap3A_949 : i32 to index
    %swap3A_952 = arith.constant 48 : index
    %swap3A_953 = tpu.vector_load %arg7[%swap3A_950, %swap3A_951, %swap3A_952] {strides = array<i32>} : memref<1x32x256xf32, #tpu.memory_space<vmem>>, vector<1x1x16xf32>,
    %swap3A_954 = vector.shape_cast %swap3A_953 : vector<1x1x16xf32> to vector<16xf32>
    %swap3A_955 = vector.shape_cast %get3A_819 : vector<16xf32> to vector<1x1x16xf32>
    tpu.vector_store %arg7[%swap3A_950, %swap3A_951, %swap3A_952], %swap3A_955 {strides = array<i32>} : memref<1x32x256xf32, #tpu.memory_space<vmem>>, vector<1x1x16xf32>,
    %swap3A_956 = arith.constant 0 : i32
    %swap3A_957 = arith.constant 17 : i32
    %swap3A_958 = arith.index_cast %swap3A_956 : i32 to index
    %swap3A_959 = arith.index_cast %swap3A_957 : i32 to index
    %swap3A_960 = arith.constant 48 : index
    %swap3A_961 = tpu.vector_load %arg7[%swap3A_958, %swap3A_959, %swap3A_960] {strides = array<i32>} : memref<1x32x256xf32, #tpu.memory_space<vmem>>, vector<1x1x16xf32>,
    %swap3A_962 = vector.shape_cast %swap3A_961 : vector<1x1x16xf32> to vector<16xf32>
    %swap3A_963 = vector.shape_cast %get3A_819 : vector<16xf32> to vector<1x1x16xf32>
    tpu.vector_store %arg7[%swap3A_958, %swap3A_959, %swap3A_960], %swap3A_963 {strides = array<i32>} : memref<1x32x256xf32, #tpu.memory_space<vmem>>, vector<1x1x16xf32>,
    %swap3A_964 = arith.constant 0 : i32
    %swap3A_965 = arith.constant 18 : i32
    %swap3A_966 = arith.index_cast %swap3A_964 : i32 to index
    %swap3A_967 = arith.index_cast %swap3A_965 : i32 to index
    %swap3A_968 = arith.constant 48 : index
    %swap3A_969 = tpu.vector_load %arg7[%swap3A_966, %swap3A_967, %swap3A_968] {strides = array<i32>} : memref<1x32x256xf32, #tpu.memory_space<vmem>>, vector<1x1x16xf32>,
    %swap3A_970 = vector.shape_cast %swap3A_969 : vector<1x1x16xf32> to vector<16xf32>
    %swap3A_971 = vector.shape_cast %get3A_819 : vector<16xf32> to vector<1x1x16xf32>
    tpu.vector_store %arg7[%swap3A_966, %swap3A_967, %swap3A_968], %swap3A_971 {strides = array<i32>} : memref<1x32x256xf32, #tpu.memory_space<vmem>>, vector<1x1x16xf32>,
    %swap3A_972 = arith.constant 0 : i32
    %swap3A_973 = arith.constant 19 : i32
    %swap3A_974 = arith.index_cast %swap3A_972 : i32 to index
    %swap3A_975 = arith.index_cast %swap3A_973 : i32 to index
    %swap3A_976 = arith.constant 48 : index
    %swap3A_977 = tpu.vector_load %arg7[%swap3A_974, %swap3A_975, %swap3A_976] {strides = array<i32>} : memref<1x32x256xf32, #tpu.memory_space<vmem>>, vector<1x1x16xf32>,
    %swap3A_978 = vector.shape_cast %swap3A_977 : vector<1x1x16xf32> to vector<16xf32>
    %swap3A_979 = vector.shape_cast %get3A_819 : vector<16xf32> to vector<1x1x16xf32>
    tpu.vector_store %arg7[%swap3A_974, %swap3A_975, %swap3A_976], %swap3A_979 {strides = array<i32>} : memref<1x32x256xf32, #tpu.memory_space<vmem>>, vector<1x1x16xf32>,
    %swap3A_980 = arith.constant 0 : i32
    %swap3A_981 = arith.constant 20 : i32
    %swap3A_982 = arith.index_cast %swap3A_980 : i32 to index
    %swap3A_983 = arith.index_cast %swap3A_981 : i32 to index
    %swap3A_984 = arith.constant 48 : index
    %swap3A_985 = tpu.vector_load %arg7[%swap3A_982, %swap3A_983, %swap3A_984] {strides = array<i32>} : memref<1x32x256xf32, #tpu.memory_space<vmem>>, vector<1x1x16xf32>,
    %swap3A_986 = vector.shape_cast %swap3A_985 : vector<1x1x16xf32> to vector<16xf32>
    %swap3A_987 = vector.shape_cast %get3A_819 : vector<16xf32> to vector<1x1x16xf32>
    tpu.vector_store %arg7[%swap3A_982, %swap3A_983, %swap3A_984], %swap3A_987 {strides = array<i32>} : memref<1x32x256xf32, #tpu.memory_space<vmem>>, vector<1x1x16xf32>,
    %swap3A_988 = arith.constant 0 : i32
    %swap3A_989 = arith.constant 21 : i32
    %swap3A_990 = arith.index_cast %swap3A_988 : i32 to index
    %swap3A_991 = arith.index_cast %swap3A_989 : i32 to index
    %swap3A_992 = arith.constant 48 : index
    %swap3A_993 = tpu.vector_load %arg7[%swap3A_990, %swap3A_991, %swap3A_992] {strides = array<i32>} : memref<1x32x256xf32, #tpu.memory_space<vmem>>, vector<1x1x16xf32>,
    %swap3A_994 = vector.shape_cast %swap3A_993 : vector<1x1x16xf32> to vector<16xf32>
    %swap3A_995 = vector.shape_cast %get3A_819 : vector<16xf32> to vector<1x1x16xf32>
    tpu.vector_store %arg7[%swap3A_990, %swap3A_991, %swap3A_992], %swap3A_995 {strides = array<i32>} : memref<1x32x256xf32, #tpu.memory_space<vmem>>, vector<1x1x16xf32>,
    %swap3A_996 = arith.constant 0 : i32
    %swap3A_997 = arith.constant 22 : i32
    %swap3A_998 = arith.index_cast %swap3A_996 : i32 to index
    %swap3A_999 = arith.index_cast %swap3A_997 : i32 to index
    %swap3A_1000 = arith.constant 48 : index
    %swap3A_1001 = tpu.vector_load %arg7[%swap3A_998, %swap3A_999, %swap3A_1000] {strides = array<i32>} : memref<1x32x256xf32, #tpu.memory_space<vmem>>, vector<1x1x16xf32>,
    %swap3A_1002 = vector.shape_cast %swap3A_1001 : vector<1x1x16xf32> to vector<16xf32>
    %swap3A_1003 = vector.shape_cast %get3A_819 : vector<16xf32> to vector<1x1x16xf32>
    tpu.vector_store %arg7[%swap3A_998, %swap3A_999, %swap3A_1000], %swap3A_1003 {strides = array<i32>} : memref<1x32x256xf32, #tpu.memory_space<vmem>>, vector<1x1x16xf32>,
    %swap3A_1004 = arith.constant 0 : i32
    %swap3A_1005 = arith.constant 23 : i32
    %swap3A_1006 = arith.index_cast %swap3A_1004 : i32 to index
    %swap3A_1007 = arith.index_cast %swap3A_1005 : i32 to index
    %swap3A_1008 = arith.constant 48 : index
    %swap3A_1009 = tpu.vector_load %arg7[%swap3A_1006, %swap3A_1007, %swap3A_1008] {strides = array<i32>} : memref<1x32x256xf32, #tpu.memory_space<vmem>>, vector<1x1x16xf32>,
    %swap3A_1010 = vector.shape_cast %swap3A_1009 : vector<1x1x16xf32> to vector<16xf32>
    %swap3A_1011 = vector.shape_cast %get3A_819 : vector<16xf32> to vector<1x1x16xf32>
    tpu.vector_store %arg7[%swap3A_1006, %swap3A_1007, %swap3A_1008], %swap3A_1011 {strides = array<i32>} : memref<1x32x256xf32, #tpu.memory_space<vmem>>, vector<1x1x16xf32>,
    %swap3A_1012 = arith.constant 0 : i32
    %swap3A_1013 = arith.constant 24 : i32
    %swap3A_1014 = arith.index_cast %swap3A_1012 : i32 to index
    %swap3A_1015 = arith.index_cast %swap3A_1013 : i32 to index
    %swap3A_1016 = arith.constant 48 : index
    %swap3A_1017 = tpu.vector_load %arg7[%swap3A_1014, %swap3A_1015, %swap3A_1016] {strides = array<i32>} : memref<1x32x256xf32, #tpu.memory_space<vmem>>, vector<1x1x16xf32>,
    %swap3A_1018 = vector.shape_cast %swap3A_1017 : vector<1x1x16xf32> to vector<16xf32>
    %swap3A_1019 = vector.shape_cast %get3A_819 : vector<16xf32> to vector<1x1x16xf32>
    tpu.vector_store %arg7[%swap3A_1014, %swap3A_1015, %swap3A_1016], %swap3A_1019 {strides = array<i32>} : memref<1x32x256xf32, #tpu.memory_space<vmem>>, vector<1x1x16xf32>,
    %swap3A_1020 = arith.constant 0 : i32
    %swap3A_1021 = arith.constant 25 : i32
    %swap3A_1022 = arith.index_cast %swap3A_1020 : i32 to index
    %swap3A_1023 = arith.index_cast %swap3A_1021 : i32 to index
    %swap3A_1024 = arith.constant 48 : index
    %swap3A_1025 = tpu.vector_load %arg7[%swap3A_1022, %swap3A_1023, %swap3A_1024] {strides = array<i32>} : memref<1x32x256xf32, #tpu.memory_space<vmem>>, vector<1x1x16xf32>,
    %swap3A_1026 = vector.shape_cast %swap3A_1025 : vector<1x1x16xf32> to vector<16xf32>
    %swap3A_1027 = vector.shape_cast %get3A_819 : vector<16xf32> to vector<1x1x16xf32>
    tpu.vector_store %arg7[%swap3A_1022, %swap3A_1023, %swap3A_1024], %swap3A_1027 {strides = array<i32>} : memref<1x32x256xf32, #tpu.memory_space<vmem>>, vector<1x1x16xf32>,
    %swap3A_1028 = arith.constant 0 : i32
    %swap3A_1029 = arith.constant 26 : i32
    %swap3A_1030 = arith.index_cast %swap3A_1028 : i32 to index
    %swap3A_1031 = arith.index_cast %swap3A_1029 : i32 to index
    %swap3A_1032 = arith.constant 48 : index
    %swap3A_1033 = tpu.vector_load %arg7[%swap3A_1030, %swap3A_1031, %swap3A_1032] {strides = array<i32>} : memref<1x32x256xf32, #tpu.memory_space<vmem>>, vector<1x1x16xf32>,
    %swap3A_1034 = vector.shape_cast %swap3A_1033 : vector<1x1x16xf32> to vector<16xf32>
    %swap3A_1035 = vector.shape_cast %get3A_819 : vector<16xf32> to vector<1x1x16xf32>
    tpu.vector_store %arg7[%swap3A_1030, %swap3A_1031, %swap3A_1032], %swap3A_1035 {strides = array<i32>} : memref<1x32x256xf32, #tpu.memory_space<vmem>>, vector<1x1x16xf32>,
    %swap3A_1036 = arith.constant 0 : i32
    %swap3A_1037 = arith.constant 27 : i32
    %swap3A_1038 = arith.index_cast %swap3A_1036 : i32 to index
    %swap3A_1039 = arith.index_cast %swap3A_1037 : i32 to index
    %swap3A_1040 = arith.constant 48 : index
    %swap3A_1041 = tpu.vector_load %arg7[%swap3A_1038, %swap3A_1039, %swap3A_1040] {strides = array<i32>} : memref<1x32x256xf32, #tpu.memory_space<vmem>>, vector<1x1x16xf32>,
    %swap3A_1042 = vector.shape_cast %swap3A_1041 : vector<1x1x16xf32> to vector<16xf32>
    %swap3A_1043 = vector.shape_cast %get3A_819 : vector<16xf32> to vector<1x1x16xf32>
    tpu.vector_store %arg7[%swap3A_1038, %swap3A_1039, %swap3A_1040], %swap3A_1043 {strides = array<i32>} : memref<1x32x256xf32, #tpu.memory_space<vmem>>, vector<1x1x16xf32>,
    %swap3A_1044 = arith.constant 0 : i32
    %swap3A_1045 = arith.constant 28 : i32
    %swap3A_1046 = arith.index_cast %swap3A_1044 : i32 to index
    %swap3A_1047 = arith.index_cast %swap3A_1045 : i32 to index
    %swap3A_1048 = arith.constant 48 : index
    %swap3A_1049 = tpu.vector_load %arg7[%swap3A_1046, %swap3A_1047, %swap3A_1048] {strides = array<i32>} : memref<1x32x256xf32, #tpu.memory_space<vmem>>, vector<1x1x16xf32>,
    %swap3A_1050 = vector.shape_cast %swap3A_1049 : vector<1x1x16xf32> to vector<16xf32>
    %swap3A_1051 = vector.shape_cast %get3A_819 : vector<16xf32> to vector<1x1x16xf32>
    tpu.vector_store %arg7[%swap3A_1046, %swap3A_1047, %swap3A_1048], %swap3A_1051 {strides = array<i32>} : memref<1x32x256xf32, #tpu.memory_space<vmem>>, vector<1x1x16xf32>,
    %swap3A_1052 = arith.constant 0 : i32
    %swap3A_1053 = arith.constant 29 : i32
    %swap3A_1054 = arith.index_cast %swap3A_1052 : i32 to index
    %swap3A_1055 = arith.index_cast %swap3A_1053 : i32 to index
    %swap3A_1056 = arith.constant 48 : index
    %swap3A_1057 = tpu.vector_load %arg7[%swap3A_1054, %swap3A_1055, %swap3A_1056] {strides = array<i32>} : memref<1x32x256xf32, #tpu.memory_space<vmem>>, vector<1x1x16xf32>,
    %swap3A_1058 = vector.shape_cast %swap3A_1057 : vector<1x1x16xf32> to vector<16xf32>
    %swap3A_1059 = vector.shape_cast %get3A_819 : vector<16xf32> to vector<1x1x16xf32>
    tpu.vector_store %arg7[%swap3A_1054, %swap3A_1055, %swap3A_1056], %swap3A_1059 {strides = array<i32>} : memref<1x32x256xf32, #tpu.memory_space<vmem>>, vector<1x1x16xf32>,
    %swap3A_1060 = arith.constant 0 : i32
    %swap3A_1061 = arith.constant 30 : i32
    %swap3A_1062 = arith.index_cast %swap3A_1060 : i32 to index
    %swap3A_1063 = arith.index_cast %swap3A_1061 : i32 to index
    %swap3A_1064 = arith.constant 48 : index
    %swap3A_1065 = tpu.vector_load %arg7[%swap3A_1062, %swap3A_1063, %swap3A_1064] {strides = array<i32>} : memref<1x32x256xf32, #tpu.memory_space<vmem>>, vector<1x1x16xf32>,
    %swap3A_1066 = vector.shape_cast %swap3A_1065 : vector<1x1x16xf32> to vector<16xf32>
    %swap3A_1067 = vector.shape_cast %get3A_819 : vector<16xf32> to vector<1x1x16xf32>
    tpu.vector_store %arg7[%swap3A_1062, %swap3A_1063, %swap3A_1064], %swap3A_1067 {strides = array<i32>} : memref<1x32x256xf32, #tpu.memory_space<vmem>>, vector<1x1x16xf32>,
    %swap3A_1068 = arith.constant 0 : i32
    %swap3A_1069 = arith.constant 31 : i32
    %swap3A_1070 = arith.index_cast %swap3A_1068 : i32 to index
    %swap3A_1071 = arith.index_cast %swap3A_1069 : i32 to index
    %swap3A_1072 = arith.constant 48 : index
    %swap3A_1073 = tpu.vector_load %arg7[%swap3A_1070, %swap3A_1071, %swap3A_1072] {strides = array<i32>} : memref<1x32x256xf32, #tpu.memory_space<vmem>>, vector<1x1x16xf32>,
    %swap3A_1074 = vector.shape_cast %swap3A_1073 : vector<1x1x16xf32> to vector<16xf32>
    %swap3A_1075 = vector.shape_cast %get3A_819 : vector<16xf32> to vector<1x1x16xf32>
    tpu.vector_store %arg7[%swap3A_1070, %swap3A_1071, %swap3A_1072], %swap3A_1075 {strides = array<i32>} : memref<1x32x256xf32, #tpu.memory_space<vmem>>, vector<1x1x16xf32>,
    %get3A_1076 = arith.constant 0 : i32
    %get3A_1077 = arith.constant 0 : i32
    %get3A_1078 = arith.index_cast %get3A_1076 : i32 to index
    %get3A_1079 = arith.index_cast %get3A_1077 : i32 to index
    %get3A_1080 = arith.constant 64 : index
    %get3A_1081 = tpu.vector_load %arg6[%get3A_1078, %get3A_1079, %get3A_1080] {strides = array<i32>} : memref<1x1x256xf32, #tpu.memory_space<vmem>>, vector<1x1x16xf32>,
    %get3A_1082 = vector.shape_cast %get3A_1081 : vector<1x1x16xf32> to vector<16xf32>
    %swap3A_1083 = arith.constant 0 : i32
    %swap3A_1084 = arith.constant 0 : i32
    %swap3A_1085 = arith.index_cast %swap3A_1083 : i32 to index
    %swap3A_1086 = arith.index_cast %swap3A_1084 : i32 to index
    %swap3A_1087 = arith.constant 64 : index
    %swap3A_1088 = tpu.vector_load %arg7[%swap3A_1085, %swap3A_1086, %swap3A_1087] {strides = array<i32>} : memref<1x32x256xf32, #tpu.memory_space<vmem>>, vector<1x1x16xf32>,
    %swap3A_1089 = vector.shape_cast %swap3A_1088 : vector<1x1x16xf32> to vector<16xf32>
    %swap3A_1090 = vector.shape_cast %get3A_1082 : vector<16xf32> to vector<1x1x16xf32>
    tpu.vector_store %arg7[%swap3A_1085, %swap3A_1086, %swap3A_1087], %swap3A_1090 {strides = array<i32>} : memref<1x32x256xf32, #tpu.memory_space<vmem>>, vector<1x1x16xf32>,
    %swap3A_1091 = arith.constant 0 : i32
    %swap3A_1092 = arith.constant 1 : i32
    %swap3A_1093 = arith.index_cast %swap3A_1091 : i32 to index
    %swap3A_1094 = arith.index_cast %swap3A_1092 : i32 to index
    %swap3A_1095 = arith.constant 64 : index
    %swap3A_1096 = tpu.vector_load %arg7[%swap3A_1093, %swap3A_1094, %swap3A_1095] {strides = array<i32>} : memref<1x32x256xf32, #tpu.memory_space<vmem>>, vector<1x1x16xf32>,
    %swap3A_1097 = vector.shape_cast %swap3A_1096 : vector<1x1x16xf32> to vector<16xf32>
    %swap3A_1098 = vector.shape_cast %get3A_1082 : vector<16xf32> to vector<1x1x16xf32>
    tpu.vector_store %arg7[%swap3A_1093, %swap3A_1094, %swap3A_1095], %swap3A_1098 {strides = array<i32>} : memref<1x32x256xf32, #tpu.memory_space<vmem>>, vector<1x1x16xf32>,
    %swap3A_1099 = arith.constant 0 : i32
    %swap3A_1100 = arith.constant 2 : i32
    %swap3A_1101 = arith.index_cast %swap3A_1099 : i32 to index
    %swap3A_1102 = arith.index_cast %swap3A_1100 : i32 to index
    %swap3A_1103 = arith.constant 64 : index
    %swap3A_1104 = tpu.vector_load %arg7[%swap3A_1101, %swap3A_1102, %swap3A_1103] {strides = array<i32>} : memref<1x32x256xf32, #tpu.memory_space<vmem>>, vector<1x1x16xf32>,
    %swap3A_1105 = vector.shape_cast %swap3A_1104 : vector<1x1x16xf32> to vector<16xf32>
    %swap3A_1106 = vector.shape_cast %get3A_1082 : vector<16xf32> to vector<1x1x16xf32>
    tpu.vector_store %arg7[%swap3A_1101, %swap3A_1102, %swap3A_1103], %swap3A_1106 {strides = array<i32>} : memref<1x32x256xf32, #tpu.memory_space<vmem>>, vector<1x1x16xf32>,
    %swap3A_1107 = arith.constant 0 : i32
    %swap3A_1108 = arith.constant 3 : i32
    %swap3A_1109 = arith.index_cast %swap3A_1107 : i32 to index
    %swap3A_1110 = arith.index_cast %swap3A_1108 : i32 to index
    %swap3A_1111 = arith.constant 64 : index
    %swap3A_1112 = tpu.vector_load %arg7[%swap3A_1109, %swap3A_1110, %swap3A_1111] {strides = array<i32>} : memref<1x32x256xf32, #tpu.memory_space<vmem>>, vector<1x1x16xf32>,
    %swap3A_1113 = vector.shape_cast %swap3A_1112 : vector<1x1x16xf32> to vector<16xf32>
    %swap3A_1114 = vector.shape_cast %get3A_1082 : vector<16xf32> to vector<1x1x16xf32>
    tpu.vector_store %arg7[%swap3A_1109, %swap3A_1110, %swap3A_1111], %swap3A_1114 {strides = array<i32>} : memref<1x32x256xf32, #tpu.memory_space<vmem>>, vector<1x1x16xf32>,
    %swap3A_1115 = arith.constant 0 : i32
    %swap3A_1116 = arith.constant 4 : i32
    %swap3A_1117 = arith.index_cast %swap3A_1115 : i32 to index
    %swap3A_1118 = arith.index_cast %swap3A_1116 : i32 to index
    %swap3A_1119 = arith.constant 64 : index
    %swap3A_1120 = tpu.vector_load %arg7[%swap3A_1117, %swap3A_1118, %swap3A_1119] {strides = array<i32>} : memref<1x32x256xf32, #tpu.memory_space<vmem>>, vector<1x1x16xf32>,
    %swap3A_1121 = vector.shape_cast %swap3A_1120 : vector<1x1x16xf32> to vector<16xf32>
    %swap3A_1122 = vector.shape_cast %get3A_1082 : vector<16xf32> to vector<1x1x16xf32>
    tpu.vector_store %arg7[%swap3A_1117, %swap3A_1118, %swap3A_1119], %swap3A_1122 {strides = array<i32>} : memref<1x32x256xf32, #tpu.memory_space<vmem>>, vector<1x1x16xf32>,
    %swap3A_1123 = arith.constant 0 : i32
    %swap3A_1124 = arith.constant 5 : i32
    %swap3A_1125 = arith.index_cast %swap3A_1123 : i32 to index
    %swap3A_1126 = arith.index_cast %swap3A_1124 : i32 to index
    %swap3A_1127 = arith.constant 64 : index
    %swap3A_1128 = tpu.vector_load %arg7[%swap3A_1125, %swap3A_1126, %swap3A_1127] {strides = array<i32>} : memref<1x32x256xf32, #tpu.memory_space<vmem>>, vector<1x1x16xf32>,
    %swap3A_1129 = vector.shape_cast %swap3A_1128 : vector<1x1x16xf32> to vector<16xf32>
    %swap3A_1130 = vector.shape_cast %get3A_1082 : vector<16xf32> to vector<1x1x16xf32>
    tpu.vector_store %arg7[%swap3A_1125, %swap3A_1126, %swap3A_1127], %swap3A_1130 {strides = array<i32>} : memref<1x32x256xf32, #tpu.memory_space<vmem>>, vector<1x1x16xf32>,
    %swap3A_1131 = arith.constant 0 : i32
    %swap3A_1132 = arith.constant 6 : i32
    %swap3A_1133 = arith.index_cast %swap3A_1131 : i32 to index
    %swap3A_1134 = arith.index_cast %swap3A_1132 : i32 to index
    %swap3A_1135 = arith.constant 64 : index
    %swap3A_1136 = tpu.vector_load %arg7[%swap3A_1133, %swap3A_1134, %swap3A_1135] {strides = array<i32>} : memref<1x32x256xf32, #tpu.memory_space<vmem>>, vector<1x1x16xf32>,
    %swap3A_1137 = vector.shape_cast %swap3A_1136 : vector<1x1x16xf32> to vector<16xf32>
    %swap3A_1138 = vector.shape_cast %get3A_1082 : vector<16xf32> to vector<1x1x16xf32>
    tpu.vector_store %arg7[%swap3A_1133, %swap3A_1134, %swap3A_1135], %swap3A_1138 {strides = array<i32>} : memref<1x32x256xf32, #tpu.memory_space<vmem>>, vector<1x1x16xf32>,
    %swap3A_1139 = arith.constant 0 : i32
    %swap3A_1140 = arith.constant 7 : i32
    %swap3A_1141 = arith.index_cast %swap3A_1139 : i32 to index
    %swap3A_1142 = arith.index_cast %swap3A_1140 : i32 to index
    %swap3A_1143 = arith.constant 64 : index
    %swap3A_1144 = tpu.vector_load %arg7[%swap3A_1141, %swap3A_1142, %swap3A_1143] {strides = array<i32>} : memref<1x32x256xf32, #tpu.memory_space<vmem>>, vector<1x1x16xf32>,
    %swap3A_1145 = vector.shape_cast %swap3A_1144 : vector<1x1x16xf32> to vector<16xf32>
    %swap3A_1146 = vector.shape_cast %get3A_1082 : vector<16xf32> to vector<1x1x16xf32>
    tpu.vector_store %arg7[%swap3A_1141, %swap3A_1142, %swap3A_1143], %swap3A_1146 {strides = array<i32>} : memref<1x32x256xf32, #tpu.memory_space<vmem>>, vector<1x1x16xf32>,
    %swap3A_1147 = arith.constant 0 : i32
    %swap3A_1148 = arith.constant 8 : i32
    %swap3A_1149 = arith.index_cast %swap3A_1147 : i32 to index
    %swap3A_1150 = arith.index_cast %swap3A_1148 : i32 to index
    %swap3A_1151 = arith.constant 64 : index
    %swap3A_1152 = tpu.vector_load %arg7[%swap3A_1149, %swap3A_1150, %swap3A_1151] {strides = array<i32>} : memref<1x32x256xf32, #tpu.memory_space<vmem>>, vector<1x1x16xf32>,
    %swap3A_1153 = vector.shape_cast %swap3A_1152 : vector<1x1x16xf32> to vector<16xf32>
    %swap3A_1154 = vector.shape_cast %get3A_1082 : vector<16xf32> to vector<1x1x16xf32>
    tpu.vector_store %arg7[%swap3A_1149, %swap3A_1150, %swap3A_1151], %swap3A_1154 {strides = array<i32>} : memref<1x32x256xf32, #tpu.memory_space<vmem>>, vector<1x1x16xf32>,
    %swap3A_1155 = arith.constant 0 : i32
    %swap3A_1156 = arith.constant 9 : i32
    %swap3A_1157 = arith.index_cast %swap3A_1155 : i32 to index
    %swap3A_1158 = arith.index_cast %swap3A_1156 : i32 to index
    %swap3A_1159 = arith.constant 64 : index
    %swap3A_1160 = tpu.vector_load %arg7[%swap3A_1157, %swap3A_1158, %swap3A_1159] {strides = array<i32>} : memref<1x32x256xf32, #tpu.memory_space<vmem>>, vector<1x1x16xf32>,
    %swap3A_1161 = vector.shape_cast %swap3A_1160 : vector<1x1x16xf32> to vector<16xf32>
    %swap3A_1162 = vector.shape_cast %get3A_1082 : vector<16xf32> to vector<1x1x16xf32>
    tpu.vector_store %arg7[%swap3A_1157, %swap3A_1158, %swap3A_1159], %swap3A_1162 {strides = array<i32>} : memref<1x32x256xf32, #tpu.memory_space<vmem>>, vector<1x1x16xf32>,
    %swap3A_1163 = arith.constant 0 : i32
    %swap3A_1164 = arith.constant 10 : i32
    %swap3A_1165 = arith.index_cast %swap3A_1163 : i32 to index
    %swap3A_1166 = arith.index_cast %swap3A_1164 : i32 to index
    %swap3A_1167 = arith.constant 64 : index
    %swap3A_1168 = tpu.vector_load %arg7[%swap3A_1165, %swap3A_1166, %swap3A_1167] {strides = array<i32>} : memref<1x32x256xf32, #tpu.memory_space<vmem>>, vector<1x1x16xf32>,
    %swap3A_1169 = vector.shape_cast %swap3A_1168 : vector<1x1x16xf32> to vector<16xf32>
    %swap3A_1170 = vector.shape_cast %get3A_1082 : vector<16xf32> to vector<1x1x16xf32>
    tpu.vector_store %arg7[%swap3A_1165, %swap3A_1166, %swap3A_1167], %swap3A_1170 {strides = array<i32>} : memref<1x32x256xf32, #tpu.memory_space<vmem>>, vector<1x1x16xf32>,
    %swap3A_1171 = arith.constant 0 : i32
    %swap3A_1172 = arith.constant 11 : i32
    %swap3A_1173 = arith.index_cast %swap3A_1171 : i32 to index
    %swap3A_1174 = arith.index_cast %swap3A_1172 : i32 to index
    %swap3A_1175 = arith.constant 64 : index
    %swap3A_1176 = tpu.vector_load %arg7[%swap3A_1173, %swap3A_1174, %swap3A_1175] {strides = array<i32>} : memref<1x32x256xf32, #tpu.memory_space<vmem>>, vector<1x1x16xf32>,
    %swap3A_1177 = vector.shape_cast %swap3A_1176 : vector<1x1x16xf32> to vector<16xf32>
    %swap3A_1178 = vector.shape_cast %get3A_1082 : vector<16xf32> to vector<1x1x16xf32>
    tpu.vector_store %arg7[%swap3A_1173, %swap3A_1174, %swap3A_1175], %swap3A_1178 {strides = array<i32>} : memref<1x32x256xf32, #tpu.memory_space<vmem>>, vector<1x1x16xf32>,
    %swap3A_1179 = arith.constant 0 : i32
    %swap3A_1180 = arith.constant 12 : i32
    %swap3A_1181 = arith.index_cast %swap3A_1179 : i32 to index
    %swap3A_1182 = arith.index_cast %swap3A_1180 : i32 to index
    %swap3A_1183 = arith.constant 64 : index
    %swap3A_1184 = tpu.vector_load %arg7[%swap3A_1181, %swap3A_1182, %swap3A_1183] {strides = array<i32>} : memref<1x32x256xf32, #tpu.memory_space<vmem>>, vector<1x1x16xf32>,
    %swap3A_1185 = vector.shape_cast %swap3A_1184 : vector<1x1x16xf32> to vector<16xf32>
    %swap3A_1186 = vector.shape_cast %get3A_1082 : vector<16xf32> to vector<1x1x16xf32>
    tpu.vector_store %arg7[%swap3A_1181, %swap3A_1182, %swap3A_1183], %swap3A_1186 {strides = array<i32>} : memref<1x32x256xf32, #tpu.memory_space<vmem>>, vector<1x1x16xf32>,
    %swap3A_1187 = arith.constant 0 : i32
    %swap3A_1188 = arith.constant 13 : i32
    %swap3A_1189 = arith.index_cast %swap3A_1187 : i32 to index
    %swap3A_1190 = arith.index_cast %swap3A_1188 : i32 to index
    %swap3A_1191 = arith.constant 64 : index
    %swap3A_1192 = tpu.vector_load %arg7[%swap3A_1189, %swap3A_1190, %swap3A_1191] {strides = array<i32>} : memref<1x32x256xf32, #tpu.memory_space<vmem>>, vector<1x1x16xf32>,
    %swap3A_1193 = vector.shape_cast %swap3A_1192 : vector<1x1x16xf32> to vector<16xf32>
    %swap3A_1194 = vector.shape_cast %get3A_1082 : vector<16xf32> to vector<1x1x16xf32>
    tpu.vector_store %arg7[%swap3A_1189, %swap3A_1190, %swap3A_1191], %swap3A_1194 {strides = array<i32>} : memref<1x32x256xf32, #tpu.memory_space<vmem>>, vector<1x1x16xf32>,
    %swap3A_1195 = arith.constant 0 : i32
    %swap3A_1196 = arith.constant 14 : i32
    %swap3A_1197 = arith.index_cast %swap3A_1195 : i32 to index
    %swap3A_1198 = arith.index_cast %swap3A_1196 : i32 to index
    %swap3A_1199 = arith.constant 64 : index
    %swap3A_1200 = tpu.vector_load %arg7[%swap3A_1197, %swap3A_1198, %swap3A_1199] {strides = array<i32>} : memref<1x32x256xf32, #tpu.memory_space<vmem>>, vector<1x1x16xf32>,
    %swap3A_1201 = vector.shape_cast %swap3A_1200 : vector<1x1x16xf32> to vector<16xf32>
    %swap3A_1202 = vector.shape_cast %get3A_1082 : vector<16xf32> to vector<1x1x16xf32>
    tpu.vector_store %arg7[%swap3A_1197, %swap3A_1198, %swap3A_1199], %swap3A_1202 {strides = array<i32>} : memref<1x32x256xf32, #tpu.memory_space<vmem>>, vector<1x1x16xf32>,
    %swap3A_1203 = arith.constant 0 : i32
    %swap3A_1204 = arith.constant 15 : i32
    %swap3A_1205 = arith.index_cast %swap3A_1203 : i32 to index
    %swap3A_1206 = arith.index_cast %swap3A_1204 : i32 to index
    %swap3A_1207 = arith.constant 64 : index
    %swap3A_1208 = tpu.vector_load %arg7[%swap3A_1205, %swap3A_1206, %swap3A_1207] {strides = array<i32>} : memref<1x32x256xf32, #tpu.memory_space<vmem>>, vector<1x1x16xf32>,
    %swap3A_1209 = vector.shape_cast %swap3A_1208 : vector<1x1x16xf32> to vector<16xf32>
    %swap3A_1210 = vector.shape_cast %get3A_1082 : vector<16xf32> to vector<1x1x16xf32>
    tpu.vector_store %arg7[%swap3A_1205, %swap3A_1206, %swap3A_1207], %swap3A_1210 {strides = array<i32>} : memref<1x32x256xf32, #tpu.memory_space<vmem>>, vector<1x1x16xf32>,
    %swap3A_1211 = arith.constant 0 : i32
    %swap3A_1212 = arith.constant 16 : i32
    %swap3A_1213 = arith.index_cast %swap3A_1211 : i32 to index
    %swap3A_1214 = arith.index_cast %swap3A_1212 : i32 to index
    %swap3A_1215 = arith.constant 64 : index
    %swap3A_1216 = tpu.vector_load %arg7[%swap3A_1213, %swap3A_1214, %swap3A_1215] {strides = array<i32>} : memref<1x32x256xf32, #tpu.memory_space<vmem>>, vector<1x1x16xf32>,
    %swap3A_1217 = vector.shape_cast %swap3A_1216 : vector<1x1x16xf32> to vector<16xf32>
    %swap3A_1218 = vector.shape_cast %get3A_1082 : vector<16xf32> to vector<1x1x16xf32>
    tpu.vector_store %arg7[%swap3A_1213, %swap3A_1214, %swap3A_1215], %swap3A_1218 {strides = array<i32>} : memref<1x32x256xf32, #tpu.memory_space<vmem>>, vector<1x1x16xf32>,
    %swap3A_1219 = arith.constant 0 : i32
    %swap3A_1220 = arith.constant 17 : i32
    %swap3A_1221 = arith.index_cast %swap3A_1219 : i32 to index
    %swap3A_1222 = arith.index_cast %swap3A_1220 : i32 to index
    %swap3A_1223 = arith.constant 64 : index
    %swap3A_1224 = tpu.vector_load %arg7[%swap3A_1221, %swap3A_1222, %swap3A_1223] {strides = array<i32>} : memref<1x32x256xf32, #tpu.memory_space<vmem>>, vector<1x1x16xf32>,
    %swap3A_1225 = vector.shape_cast %swap3A_1224 : vector<1x1x16xf32> to vector<16xf32>
    %swap3A_1226 = vector.shape_cast %get3A_1082 : vector<16xf32> to vector<1x1x16xf32>
    tpu.vector_store %arg7[%swap3A_1221, %swap3A_1222, %swap3A_1223], %swap3A_1226 {strides = array<i32>} : memref<1x32x256xf32, #tpu.memory_space<vmem>>, vector<1x1x16xf32>,
    %swap3A_1227 = arith.constant 0 : i32
    %swap3A_1228 = arith.constant 18 : i32
    %swap3A_1229 = arith.index_cast %swap3A_1227 : i32 to index
    %swap3A_1230 = arith.index_cast %swap3A_1228 : i32 to index
    %swap3A_1231 = arith.constant 64 : index
    %swap3A_1232 = tpu.vector_load %arg7[%swap3A_1229, %swap3A_1230, %swap3A_1231] {strides = array<i32>} : memref<1x32x256xf32, #tpu.memory_space<vmem>>, vector<1x1x16xf32>,
    %swap3A_1233 = vector.shape_cast %swap3A_1232 : vector<1x1x16xf32> to vector<16xf32>
    %swap3A_1234 = vector.shape_cast %get3A_1082 : vector<16xf32> to vector<1x1x16xf32>
    tpu.vector_store %arg7[%swap3A_1229, %swap3A_1230, %swap3A_1231], %swap3A_1234 {strides = array<i32>} : memref<1x32x256xf32, #tpu.memory_space<vmem>>, vector<1x1x16xf32>,
    %swap3A_1235 = arith.constant 0 : i32
    %swap3A_1236 = arith.constant 19 : i32
    %swap3A_1237 = arith.index_cast %swap3A_1235 : i32 to index
    %swap3A_1238 = arith.index_cast %swap3A_1236 : i32 to index
    %swap3A_1239 = arith.constant 64 : index
    %swap3A_1240 = tpu.vector_load %arg7[%swap3A_1237, %swap3A_1238, %swap3A_1239] {strides = array<i32>} : memref<1x32x256xf32, #tpu.memory_space<vmem>>, vector<1x1x16xf32>,
    %swap3A_1241 = vector.shape_cast %swap3A_1240 : vector<1x1x16xf32> to vector<16xf32>
    %swap3A_1242 = vector.shape_cast %get3A_1082 : vector<16xf32> to vector<1x1x16xf32>
    tpu.vector_store %arg7[%swap3A_1237, %swap3A_1238, %swap3A_1239], %swap3A_1242 {strides = array<i32>} : memref<1x32x256xf32, #tpu.memory_space<vmem>>, vector<1x1x16xf32>,
    %swap3A_1243 = arith.constant 0 : i32
    %swap3A_1244 = arith.constant 20 : i32
    %swap3A_1245 = arith.index_cast %swap3A_1243 : i32 to index
    %swap3A_1246 = arith.index_cast %swap3A_1244 : i32 to index
    %swap3A_1247 = arith.constant 64 : index
    %swap3A_1248 = tpu.vector_load %arg7[%swap3A_1245, %swap3A_1246, %swap3A_1247] {strides = array<i32>} : memref<1x32x256xf32, #tpu.memory_space<vmem>>, vector<1x1x16xf32>,
    %swap3A_1249 = vector.shape_cast %swap3A_1248 : vector<1x1x16xf32> to vector<16xf32>
    %swap3A_1250 = vector.shape_cast %get3A_1082 : vector<16xf32> to vector<1x1x16xf32>
    tpu.vector_store %arg7[%swap3A_1245, %swap3A_1246, %swap3A_1247], %swap3A_1250 {strides = array<i32>} : memref<1x32x256xf32, #tpu.memory_space<vmem>>, vector<1x1x16xf32>,
    %swap3A_1251 = arith.constant 0 : i32
    %swap3A_1252 = arith.constant 21 : i32
    %swap3A_1253 = arith.index_cast %swap3A_1251 : i32 to index
    %swap3A_1254 = arith.index_cast %swap3A_1252 : i32 to index
    %swap3A_1255 = arith.constant 64 : index
    %swap3A_1256 = tpu.vector_load %arg7[%swap3A_1253, %swap3A_1254, %swap3A_1255] {strides = array<i32>} : memref<1x32x256xf32, #tpu.memory_space<vmem>>, vector<1x1x16xf32>,
    %swap3A_1257 = vector.shape_cast %swap3A_1256 : vector<1x1x16xf32> to vector<16xf32>
    %swap3A_1258 = vector.shape_cast %get3A_1082 : vector<16xf32> to vector<1x1x16xf32>
    tpu.vector_store %arg7[%swap3A_1253, %swap3A_1254, %swap3A_1255], %swap3A_1258 {strides = array<i32>} : memref<1x32x256xf32, #tpu.memory_space<vmem>>, vector<1x1x16xf32>,
    %swap3A_1259 = arith.constant 0 : i32
    %swap3A_1260 = arith.constant 22 : i32
    %swap3A_1261 = arith.index_cast %swap3A_1259 : i32 to index
    %swap3A_1262 = arith.index_cast %swap3A_1260 : i32 to index
    %swap3A_1263 = arith.constant 64 : index
    %swap3A_1264 = tpu.vector_load %arg7[%swap3A_1261, %swap3A_1262, %swap3A_1263] {strides = array<i32>} : memref<1x32x256xf32, #tpu.memory_space<vmem>>, vector<1x1x16xf32>,
    %swap3A_1265 = vector.shape_cast %swap3A_1264 : vector<1x1x16xf32> to vector<16xf32>
    %swap3A_1266 = vector.shape_cast %get3A_1082 : vector<16xf32> to vector<1x1x16xf32>
    tpu.vector_store %arg7[%swap3A_1261, %swap3A_1262, %swap3A_1263], %swap3A_1266 {strides = array<i32>} : memref<1x32x256xf32, #tpu.memory_space<vmem>>, vector<1x1x16xf32>,
    %swap3A_1267 = arith.constant 0 : i32
    %swap3A_1268 = arith.constant 23 : i32
    %swap3A_1269 = arith.index_cast %swap3A_1267 : i32 to index
    %swap3A_1270 = arith.index_cast %swap3A_1268 : i32 to index
    %swap3A_1271 = arith.constant 64 : index
    %swap3A_1272 = tpu.vector_load %arg7[%swap3A_1269, %swap3A_1270, %swap3A_1271] {strides = array<i32>} : memref<1x32x256xf32, #tpu.memory_space<vmem>>, vector<1x1x16xf32>,
    %swap3A_1273 = vector.shape_cast %swap3A_1272 : vector<1x1x16xf32> to vector<16xf32>
    %swap3A_1274 = vector.shape_cast %get3A_1082 : vector<16xf32> to vector<1x1x16xf32>
    tpu.vector_store %arg7[%swap3A_1269, %swap3A_1270, %swap3A_1271], %swap3A_1274 {strides = array<i32>} : memref<1x32x256xf32, #tpu.memory_space<vmem>>, vector<1x1x16xf32>,
    %swap3A_1275 = arith.constant 0 : i32
    %swap3A_1276 = arith.constant 24 : i32
    %swap3A_1277 = arith.index_cast %swap3A_1275 : i32 to index
    %swap3A_1278 = arith.index_cast %swap3A_1276 : i32 to index
    %swap3A_1279 = arith.constant 64 : index
    %swap3A_1280 = tpu.vector_load %arg7[%swap3A_1277, %swap3A_1278, %swap3A_1279] {strides = array<i32>} : memref<1x32x256xf32, #tpu.memory_space<vmem>>, vector<1x1x16xf32>,
    %swap3A_1281 = vector.shape_cast %swap3A_1280 : vector<1x1x16xf32> to vector<16xf32>
    %swap3A_1282 = vector.shape_cast %get3A_1082 : vector<16xf32> to vector<1x1x16xf32>
    tpu.vector_store %arg7[%swap3A_1277, %swap3A_1278, %swap3A_1279], %swap3A_1282 {strides = array<i32>} : memref<1x32x256xf32, #tpu.memory_space<vmem>>, vector<1x1x16xf32>,
    %swap3A_1283 = arith.constant 0 : i32
    %swap3A_1284 = arith.constant 25 : i32
    %swap3A_1285 = arith.index_cast %swap3A_1283 : i32 to index
    %swap3A_1286 = arith.index_cast %swap3A_1284 : i32 to index
    %swap3A_1287 = arith.constant 64 : index
    %swap3A_1288 = tpu.vector_load %arg7[%swap3A_1285, %swap3A_1286, %swap3A_1287] {strides = array<i32>} : memref<1x32x256xf32, #tpu.memory_space<vmem>>, vector<1x1x16xf32>,
    %swap3A_1289 = vector.shape_cast %swap3A_1288 : vector<1x1x16xf32> to vector<16xf32>
    %swap3A_1290 = vector.shape_cast %get3A_1082 : vector<16xf32> to vector<1x1x16xf32>
    tpu.vector_store %arg7[%swap3A_1285, %swap3A_1286, %swap3A_1287], %swap3A_1290 {strides = array<i32>} : memref<1x32x256xf32, #tpu.memory_space<vmem>>, vector<1x1x16xf32>,
    %swap3A_1291 = arith.constant 0 : i32
    %swap3A_1292 = arith.constant 26 : i32
    %swap3A_1293 = arith.index_cast %swap3A_1291 : i32 to index
    %swap3A_1294 = arith.index_cast %swap3A_1292 : i32 to index
    %swap3A_1295 = arith.constant 64 : index
    %swap3A_1296 = tpu.vector_load %arg7[%swap3A_1293, %swap3A_1294, %swap3A_1295] {strides = array<i32>} : memref<1x32x256xf32, #tpu.memory_space<vmem>>, vector<1x1x16xf32>,
    %swap3A_1297 = vector.shape_cast %swap3A_1296 : vector<1x1x16xf32> to vector<16xf32>
    %swap3A_1298 = vector.shape_cast %get3A_1082 : vector<16xf32> to vector<1x1x16xf32>
    tpu.vector_store %arg7[%swap3A_1293, %swap3A_1294, %swap3A_1295], %swap3A_1298 {strides = array<i32>} : memref<1x32x256xf32, #tpu.memory_space<vmem>>, vector<1x1x16xf32>,
    %swap3A_1299 = arith.constant 0 : i32
    %swap3A_1300 = arith.constant 27 : i32
    %swap3A_1301 = arith.index_cast %swap3A_1299 : i32 to index
    %swap3A_1302 = arith.index_cast %swap3A_1300 : i32 to index
    %swap3A_1303 = arith.constant 64 : index
    %swap3A_1304 = tpu.vector_load %arg7[%swap3A_1301, %swap3A_1302, %swap3A_1303] {strides = array<i32>} : memref<1x32x256xf32, #tpu.memory_space<vmem>>, vector<1x1x16xf32>,
    %swap3A_1305 = vector.shape_cast %swap3A_1304 : vector<1x1x16xf32> to vector<16xf32>
    %swap3A_1306 = vector.shape_cast %get3A_1082 : vector<16xf32> to vector<1x1x16xf32>
    tpu.vector_store %arg7[%swap3A_1301, %swap3A_1302, %swap3A_1303], %swap3A_1306 {strides = array<i32>} : memref<1x32x256xf32, #tpu.memory_space<vmem>>, vector<1x1x16xf32>,
    %swap3A_1307 = arith.constant 0 : i32
    %swap3A_1308 = arith.constant 28 : i32
    %swap3A_1309 = arith.index_cast %swap3A_1307 : i32 to index
    %swap3A_1310 = arith.index_cast %swap3A_1308 : i32 to index
    %swap3A_1311 = arith.constant 64 : index
    %swap3A_1312 = tpu.vector_load %arg7[%swap3A_1309, %swap3A_1310, %swap3A_1311] {strides = array<i32>} : memref<1x32x256xf32, #tpu.memory_space<vmem>>, vector<1x1x16xf32>,
    %swap3A_1313 = vector.shape_cast %swap3A_1312 : vector<1x1x16xf32> to vector<16xf32>
    %swap3A_1314 = vector.shape_cast %get3A_1082 : vector<16xf32> to vector<1x1x16xf32>
    tpu.vector_store %arg7[%swap3A_1309, %swap3A_1310, %swap3A_1311], %swap3A_1314 {strides = array<i32>} : memref<1x32x256xf32, #tpu.memory_space<vmem>>, vector<1x1x16xf32>,
    %swap3A_1315 = arith.constant 0 : i32
    %swap3A_1316 = arith.constant 29 : i32
    %swap3A_1317 = arith.index_cast %swap3A_1315 : i32 to index
    %swap3A_1318 = arith.index_cast %swap3A_1316 : i32 to index
    %swap3A_1319 = arith.constant 64 : index
    %swap3A_1320 = tpu.vector_load %arg7[%swap3A_1317, %swap3A_1318, %swap3A_1319] {strides = array<i32>} : memref<1x32x256xf32, #tpu.memory_space<vmem>>, vector<1x1x16xf32>,
    %swap3A_1321 = vector.shape_cast %swap3A_1320 : vector<1x1x16xf32> to vector<16xf32>
    %swap3A_1322 = vector.shape_cast %get3A_1082 : vector<16xf32> to vector<1x1x16xf32>
    tpu.vector_store %arg7[%swap3A_1317, %swap3A_1318, %swap3A_1319], %swap3A_1322 {strides = array<i32>} : memref<1x32x256xf32, #tpu.memory_space<vmem>>, vector<1x1x16xf32>,
    %swap3A_1323 = arith.constant 0 : i32
    %swap3A_1324 = arith.constant 30 : i32
    %swap3A_1325 = arith.index_cast %swap3A_1323 : i32 to index
    %swap3A_1326 = arith.index_cast %swap3A_1324 : i32 to index
    %swap3A_1327 = arith.constant 64 : index
    %swap3A_1328 = tpu.vector_load %arg7[%swap3A_1325, %swap3A_1326, %swap3A_1327] {strides = array<i32>} : memref<1x32x256xf32, #tpu.memory_space<vmem>>, vector<1x1x16xf32>,
    %swap3A_1329 = vector.shape_cast %swap3A_1328 : vector<1x1x16xf32> to vector<16xf32>
    %swap3A_1330 = vector.shape_cast %get3A_1082 : vector<16xf32> to vector<1x1x16xf32>
    tpu.vector_store %arg7[%swap3A_1325, %swap3A_1326, %swap3A_1327], %swap3A_1330 {strides = array<i32>} : memref<1x32x256xf32, #tpu.memory_space<vmem>>, vector<1x1x16xf32>,
    %swap3A_1331 = arith.constant 0 : i32
    %swap3A_1332 = arith.constant 31 : i32
    %swap3A_1333 = arith.index_cast %swap3A_1331 : i32 to index
    %swap3A_1334 = arith.index_cast %swap3A_1332 : i32 to index
    %swap3A_1335 = arith.constant 64 : index
    %swap3A_1336 = tpu.vector_load %arg7[%swap3A_1333, %swap3A_1334, %swap3A_1335] {strides = array<i32>} : memref<1x32x256xf32, #tpu.memory_space<vmem>>, vector<1x1x16xf32>,
    %swap3A_1337 = vector.shape_cast %swap3A_1336 : vector<1x1x16xf32> to vector<16xf32>
    %swap3A_1338 = vector.shape_cast %get3A_1082 : vector<16xf32> to vector<1x1x16xf32>
    tpu.vector_store %arg7[%swap3A_1333, %swap3A_1334, %swap3A_1335], %swap3A_1338 {strides = array<i32>} : memref<1x32x256xf32, #tpu.memory_space<vmem>>, vector<1x1x16xf32>,
    %get3A_1339 = arith.constant 0 : i32
    %get3A_1340 = arith.constant 0 : i32
    %get3A_1341 = arith.index_cast %get3A_1339 : i32 to index
    %get3A_1342 = arith.index_cast %get3A_1340 : i32 to index
    %get3A_1343 = arith.constant 80 : index
    %get3A_1344 = tpu.vector_load %arg6[%get3A_1341, %get3A_1342, %get3A_1343] {strides = array<i32>} : memref<1x1x256xf32, #tpu.memory_space<vmem>>, vector<1x1x16xf32>,
    %get3A_1345 = vector.shape_cast %get3A_1344 : vector<1x1x16xf32> to vector<16xf32>
    %swap3A_1346 = arith.constant 0 : i32
    %swap3A_1347 = arith.constant 0 : i32
    %swap3A_1348 = arith.index_cast %swap3A_1346 : i32 to index
    %swap3A_1349 = arith.index_cast %swap3A_1347 : i32 to index
    %swap3A_1350 = arith.constant 80 : index
    %swap3A_1351 = tpu.vector_load %arg7[%swap3A_1348, %swap3A_1349, %swap3A_1350] {strides = array<i32>} : memref<1x32x256xf32, #tpu.memory_space<vmem>>, vector<1x1x16xf32>,
    %swap3A_1352 = vector.shape_cast %swap3A_1351 : vector<1x1x16xf32> to vector<16xf32>
    %swap3A_1353 = vector.shape_cast %get3A_1345 : vector<16xf32> to vector<1x1x16xf32>
    tpu.vector_store %arg7[%swap3A_1348, %swap3A_1349, %swap3A_1350], %swap3A_1353 {strides = array<i32>} : memref<1x32x256xf32, #tpu.memory_space<vmem>>, vector<1x1x16xf32>,
    %swap3A_1354 = arith.constant 0 : i32
    %swap3A_1355 = arith.constant 1 : i32
    %swap3A_1356 = arith.index_cast %swap3A_1354 : i32 to index
    %swap3A_1357 = arith.index_cast %swap3A_1355 : i32 to index
    %swap3A_1358 = arith.constant 80 : index
    %swap3A_1359 = tpu.vector_load %arg7[%swap3A_1356, %swap3A_1357, %swap3A_1358] {strides = array<i32>} : memref<1x32x256xf32, #tpu.memory_space<vmem>>, vector<1x1x16xf32>,
    %swap3A_1360 = vector.shape_cast %swap3A_1359 : vector<1x1x16xf32> to vector<16xf32>
    %swap3A_1361 = vector.shape_cast %get3A_1345 : vector<16xf32> to vector<1x1x16xf32>
    tpu.vector_store %arg7[%swap3A_1356, %swap3A_1357, %swap3A_1358], %swap3A_1361 {strides = array<i32>} : memref<1x32x256xf32, #tpu.memory_space<vmem>>, vector<1x1x16xf32>,
    %swap3A_1362 = arith.constant 0 : i32
    %swap3A_1363 = arith.constant 2 : i32
    %swap3A_1364 = arith.index_cast %swap3A_1362 : i32 to index
    %swap3A_1365 = arith.index_cast %swap3A_1363 : i32 to index
    %swap3A_1366 = arith.constant 80 : index
    %swap3A_1367 = tpu.vector_load %arg7[%swap3A_1364, %swap3A_1365, %swap3A_1366] {strides = array<i32>} : memref<1x32x256xf32, #tpu.memory_space<vmem>>, vector<1x1x16xf32>,
    %swap3A_1368 = vector.shape_cast %swap3A_1367 : vector<1x1x16xf32> to vector<16xf32>
    %swap3A_1369 = vector.shape_cast %get3A_1345 : vector<16xf32> to vector<1x1x16xf32>
    tpu.vector_store %arg7[%swap3A_1364, %swap3A_1365, %swap3A_1366], %swap3A_1369 {strides = array<i32>} : memref<1x32x256xf32, #tpu.memory_space<vmem>>, vector<1x1x16xf32>,
    %swap3A_1370 = arith.constant 0 : i32
    %swap3A_1371 = arith.constant 3 : i32
    %swap3A_1372 = arith.index_cast %swap3A_1370 : i32 to index
    %swap3A_1373 = arith.index_cast %swap3A_1371 : i32 to index
    %swap3A_1374 = arith.constant 80 : index
    %swap3A_1375 = tpu.vector_load %arg7[%swap3A_1372, %swap3A_1373, %swap3A_1374] {strides = array<i32>} : memref<1x32x256xf32, #tpu.memory_space<vmem>>, vector<1x1x16xf32>,
    %swap3A_1376 = vector.shape_cast %swap3A_1375 : vector<1x1x16xf32> to vector<16xf32>
    %swap3A_1377 = vector.shape_cast %get3A_1345 : vector<16xf32> to vector<1x1x16xf32>
    tpu.vector_store %arg7[%swap3A_1372, %swap3A_1373, %swap3A_1374], %swap3A_1377 {strides = array<i32>} : memref<1x32x256xf32, #tpu.memory_space<vmem>>, vector<1x1x16xf32>,
    %swap3A_1378 = arith.constant 0 : i32
    %swap3A_1379 = arith.constant 4 : i32
    %swap3A_1380 = arith.index_cast %swap3A_1378 : i32 to index
    %swap3A_1381 = arith.index_cast %swap3A_1379 : i32 to index
    %swap3A_1382 = arith.constant 80 : index
    %swap3A_1383 = tpu.vector_load %arg7[%swap3A_1380, %swap3A_1381, %swap3A_1382] {strides = array<i32>} : memref<1x32x256xf32, #tpu.memory_space<vmem>>, vector<1x1x16xf32>,
    %swap3A_1384 = vector.shape_cast %swap3A_1383 : vector<1x1x16xf32> to vector<16xf32>
    %swap3A_1385 = vector.shape_cast %get3A_1345 : vector<16xf32> to vector<1x1x16xf32>
    tpu.vector_store %arg7[%swap3A_1380, %swap3A_1381, %swap3A_1382], %swap3A_1385 {strides = array<i32>} : memref<1x32x256xf32, #tpu.memory_space<vmem>>, vector<1x1x16xf32>,
    %swap3A_1386 = arith.constant 0 : i32
    %swap3A_1387 = arith.constant 5 : i32
    %swap3A_1388 = arith.index_cast %swap3A_1386 : i32 to index
    %swap3A_1389 = arith.index_cast %swap3A_1387 : i32 to index
    %swap3A_1390 = arith.constant 80 : index
    %swap3A_1391 = tpu.vector_load %arg7[%swap3A_1388, %swap3A_1389, %swap3A_1390] {strides = array<i32>} : memref<1x32x256xf32, #tpu.memory_space<vmem>>, vector<1x1x16xf32>,
    %swap3A_1392 = vector.shape_cast %swap3A_1391 : vector<1x1x16xf32> to vector<16xf32>
    %swap3A_1393 = vector.shape_cast %get3A_1345 : vector<16xf32> to vector<1x1x16xf32>
    tpu.vector_store %arg7[%swap3A_1388, %swap3A_1389, %swap3A_1390], %swap3A_1393 {strides = array<i32>} : memref<1x32x256xf32, #tpu.memory_space<vmem>>, vector<1x1x16xf32>,
    %swap3A_1394 = arith.constant 0 : i32
    %swap3A_1395 = arith.constant 6 : i32
    %swap3A_1396 = arith.index_cast %swap3A_1394 : i32 to index
    %swap3A_1397 = arith.index_cast %swap3A_1395 : i32 to index
    %swap3A_1398 = arith.constant 80 : index
    %swap3A_1399 = tpu.vector_load %arg7[%swap3A_1396, %swap3A_1397, %swap3A_1398] {strides = array<i32>} : memref<1x32x256xf32, #tpu.memory_space<vmem>>, vector<1x1x16xf32>,
    %swap3A_1400 = vector.shape_cast %swap3A_1399 : vector<1x1x16xf32> to vector<16xf32>
    %swap3A_1401 = vector.shape_cast %get3A_1345 : vector<16xf32> to vector<1x1x16xf32>
    tpu.vector_store %arg7[%swap3A_1396, %swap3A_1397, %swap3A_1398], %swap3A_1401 {strides = array<i32>} : memref<1x32x256xf32, #tpu.memory_space<vmem>>, vector<1x1x16xf32>,
    %swap3A_1402 = arith.constant 0 : i32
    %swap3A_1403 = arith.constant 7 : i32
    %swap3A_1404 = arith.index_cast %swap3A_1402 : i32 to index
    %swap3A_1405 = arith.index_cast %swap3A_1403 : i32 to index
    %swap3A_1406 = arith.constant 80 : index
    %swap3A_1407 = tpu.vector_load %arg7[%swap3A_1404, %swap3A_1405, %swap3A_1406] {strides = array<i32>} : memref<1x32x256xf32, #tpu.memory_space<vmem>>, vector<1x1x16xf32>,
    %swap3A_1408 = vector.shape_cast %swap3A_1407 : vector<1x1x16xf32> to vector<16xf32>
    %swap3A_1409 = vector.shape_cast %get3A_1345 : vector<16xf32> to vector<1x1x16xf32>
    tpu.vector_store %arg7[%swap3A_1404, %swap3A_1405, %swap3A_1406], %swap3A_1409 {strides = array<i32>} : memref<1x32x256xf32, #tpu.memory_space<vmem>>, vector<1x1x16xf32>,
    %swap3A_1410 = arith.constant 0 : i32
    %swap3A_1411 = arith.constant 8 : i32
    %swap3A_1412 = arith.index_cast %swap3A_1410 : i32 to index
    %swap3A_1413 = arith.index_cast %swap3A_1411 : i32 to index
    %swap3A_1414 = arith.constant 80 : index
    %swap3A_1415 = tpu.vector_load %arg7[%swap3A_1412, %swap3A_1413, %swap3A_1414] {strides = array<i32>} : memref<1x32x256xf32, #tpu.memory_space<vmem>>, vector<1x1x16xf32>,
    %swap3A_1416 = vector.shape_cast %swap3A_1415 : vector<1x1x16xf32> to vector<16xf32>
    %swap3A_1417 = vector.shape_cast %get3A_1345 : vector<16xf32> to vector<1x1x16xf32>
    tpu.vector_store %arg7[%swap3A_1412, %swap3A_1413, %swap3A_1414], %swap3A_1417 {strides = array<i32>} : memref<1x32x256xf32, #tpu.memory_space<vmem>>, vector<1x1x16xf32>,
    %swap3A_1418 = arith.constant 0 : i32
    %swap3A_1419 = arith.constant 9 : i32
    %swap3A_1420 = arith.index_cast %swap3A_1418 : i32 to index
    %swap3A_1421 = arith.index_cast %swap3A_1419 : i32 to index
    %swap3A_1422 = arith.constant 80 : index
    %swap3A_1423 = tpu.vector_load %arg7[%swap3A_1420, %swap3A_1421, %swap3A_1422] {strides = array<i32>} : memref<1x32x256xf32, #tpu.memory_space<vmem>>, vector<1x1x16xf32>,
    %swap3A_1424 = vector.shape_cast %swap3A_1423 : vector<1x1x16xf32> to vector<16xf32>
    %swap3A_1425 = vector.shape_cast %get3A_1345 : vector<16xf32> to vector<1x1x16xf32>
    tpu.vector_store %arg7[%swap3A_1420, %swap3A_1421, %swap3A_1422], %swap3A_1425 {strides = array<i32>} : memref<1x32x256xf32, #tpu.memory_space<vmem>>, vector<1x1x16xf32>,
    %swap3A_1426 = arith.constant 0 : i32
    %swap3A_1427 = arith.constant 10 : i32
    %swap3A_1428 = arith.index_cast %swap3A_1426 : i32 to index
    %swap3A_1429 = arith.index_cast %swap3A_1427 : i32 to index
    %swap3A_1430 = arith.constant 80 : index
    %swap3A_1431 = tpu.vector_load %arg7[%swap3A_1428, %swap3A_1429, %swap3A_1430] {strides = array<i32>} : memref<1x32x256xf32, #tpu.memory_space<vmem>>, vector<1x1x16xf32>,
    %swap3A_1432 = vector.shape_cast %swap3A_1431 : vector<1x1x16xf32> to vector<16xf32>
    %swap3A_1433 = vector.shape_cast %get3A_1345 : vector<16xf32> to vector<1x1x16xf32>
    tpu.vector_store %arg7[%swap3A_1428, %swap3A_1429, %swap3A_1430], %swap3A_1433 {strides = array<i32>} : memref<1x32x256xf32, #tpu.memory_space<vmem>>, vector<1x1x16xf32>,
    %swap3A_1434 = arith.constant 0 : i32
    %swap3A_1435 = arith.constant 11 : i32
    %swap3A_1436 = arith.index_cast %swap3A_1434 : i32 to index
    %swap3A_1437 = arith.index_cast %swap3A_1435 : i32 to index
    %swap3A_1438 = arith.constant 80 : index
    %swap3A_1439 = tpu.vector_load %arg7[%swap3A_1436, %swap3A_1437, %swap3A_1438] {strides = array<i32>} : memref<1x32x256xf32, #tpu.memory_space<vmem>>, vector<1x1x16xf32>,
    %swap3A_1440 = vector.shape_cast %swap3A_1439 : vector<1x1x16xf32> to vector<16xf32>
    %swap3A_1441 = vector.shape_cast %get3A_1345 : vector<16xf32> to vector<1x1x16xf32>
    tpu.vector_store %arg7[%swap3A_1436, %swap3A_1437, %swap3A_1438], %swap3A_1441 {strides = array<i32>} : memref<1x32x256xf32, #tpu.memory_space<vmem>>, vector<1x1x16xf32>,
    %swap3A_1442 = arith.constant 0 : i32
    %swap3A_1443 = arith.constant 12 : i32
    %swap3A_1444 = arith.index_cast %swap3A_1442 : i32 to index
    %swap3A_1445 = arith.index_cast %swap3A_1443 : i32 to index
    %swap3A_1446 = arith.constant 80 : index
    %swap3A_1447 = tpu.vector_load %arg7[%swap3A_1444, %swap3A_1445, %swap3A_1446] {strides = array<i32>} : memref<1x32x256xf32, #tpu.memory_space<vmem>>, vector<1x1x16xf32>,
    %swap3A_1448 = vector.shape_cast %swap3A_1447 : vector<1x1x16xf32> to vector<16xf32>
    %swap3A_1449 = vector.shape_cast %get3A_1345 : vector<16xf32> to vector<1x1x16xf32>
    tpu.vector_store %arg7[%swap3A_1444, %swap3A_1445, %swap3A_1446], %swap3A_1449 {strides = array<i32>} : memref<1x32x256xf32, #tpu.memory_space<vmem>>, vector<1x1x16xf32>,
    %swap3A_1450 = arith.constant 0 : i32
    %swap3A_1451 = arith.constant 13 : i32
    %swap3A_1452 = arith.index_cast %swap3A_1450 : i32 to index
    %swap3A_1453 = arith.index_cast %swap3A_1451 : i32 to index
    %swap3A_1454 = arith.constant 80 : index
    %swap3A_1455 = tpu.vector_load %arg7[%swap3A_1452, %swap3A_1453, %swap3A_1454] {strides = array<i32>} : memref<1x32x256xf32, #tpu.memory_space<vmem>>, vector<1x1x16xf32>,
    %swap3A_1456 = vector.shape_cast %swap3A_1455 : vector<1x1x16xf32> to vector<16xf32>
    %swap3A_1457 = vector.shape_cast %get3A_1345 : vector<16xf32> to vector<1x1x16xf32>
    tpu.vector_store %arg7[%swap3A_1452, %swap3A_1453, %swap3A_1454], %swap3A_1457 {strides = array<i32>} : memref<1x32x256xf32, #tpu.memory_space<vmem>>, vector<1x1x16xf32>,
    %swap3A_1458 = arith.constant 0 : i32
    %swap3A_1459 = arith.constant 14 : i32
    %swap3A_1460 = arith.index_cast %swap3A_1458 : i32 to index
    %swap3A_1461 = arith.index_cast %swap3A_1459 : i32 to index
    %swap3A_1462 = arith.constant 80 : index
    %swap3A_1463 = tpu.vector_load %arg7[%swap3A_1460, %swap3A_1461, %swap3A_1462] {strides = array<i32>} : memref<1x32x256xf32, #tpu.memory_space<vmem>>, vector<1x1x16xf32>,
    %swap3A_1464 = vector.shape_cast %swap3A_1463 : vector<1x1x16xf32> to vector<16xf32>
    %swap3A_1465 = vector.shape_cast %get3A_1345 : vector<16xf32> to vector<1x1x16xf32>
    tpu.vector_store %arg7[%swap3A_1460, %swap3A_1461, %swap3A_1462], %swap3A_1465 {strides = array<i32>} : memref<1x32x256xf32, #tpu.memory_space<vmem>>, vector<1x1x16xf32>,
    %swap3A_1466 = arith.constant 0 : i32
    %swap3A_1467 = arith.constant 15 : i32
    %swap3A_1468 = arith.index_cast %swap3A_1466 : i32 to index
    %swap3A_1469 = arith.index_cast %swap3A_1467 : i32 to index
    %swap3A_1470 = arith.constant 80 : index
    %swap3A_1471 = tpu.vector_load %arg7[%swap3A_1468, %swap3A_1469, %swap3A_1470] {strides = array<i32>} : memref<1x32x256xf32, #tpu.memory_space<vmem>>, vector<1x1x16xf32>,
    %swap3A_1472 = vector.shape_cast %swap3A_1471 : vector<1x1x16xf32> to vector<16xf32>
    %swap3A_1473 = vector.shape_cast %get3A_1345 : vector<16xf32> to vector<1x1x16xf32>
    tpu.vector_store %arg7[%swap3A_1468, %swap3A_1469, %swap3A_1470], %swap3A_1473 {strides = array<i32>} : memref<1x32x256xf32, #tpu.memory_space<vmem>>, vector<1x1x16xf32>,
    %swap3A_1474 = arith.constant 0 : i32
    %swap3A_1475 = arith.constant 16 : i32
    %swap3A_1476 = arith.index_cast %swap3A_1474 : i32 to index
    %swap3A_1477 = arith.index_cast %swap3A_1475 : i32 to index
    %swap3A_1478 = arith.constant 80 : index
    %swap3A_1479 = tpu.vector_load %arg7[%swap3A_1476, %swap3A_1477, %swap3A_1478] {strides = array<i32>} : memref<1x32x256xf32, #tpu.memory_space<vmem>>, vector<1x1x16xf32>,
    %swap3A_1480 = vector.shape_cast %swap3A_1479 : vector<1x1x16xf32> to vector<16xf32>
    %swap3A_1481 = vector.shape_cast %get3A_1345 : vector<16xf32> to vector<1x1x16xf32>
    tpu.vector_store %arg7[%swap3A_1476, %swap3A_1477, %swap3A_1478], %swap3A_1481 {strides = array<i32>} : memref<1x32x256xf32, #tpu.memory_space<vmem>>, vector<1x1x16xf32>,
    %swap3A_1482 = arith.constant 0 : i32
    %swap3A_1483 = arith.constant 17 : i32
    %swap3A_1484 = arith.index_cast %swap3A_1482 : i32 to index
    %swap3A_1485 = arith.index_cast %swap3A_1483 : i32 to index
    %swap3A_1486 = arith.constant 80 : index
    %swap3A_1487 = tpu.vector_load %arg7[%swap3A_1484, %swap3A_1485, %swap3A_1486] {strides = array<i32>} : memref<1x32x256xf32, #tpu.memory_space<vmem>>, vector<1x1x16xf32>,
    %swap3A_1488 = vector.shape_cast %swap3A_1487 : vector<1x1x16xf32> to vector<16xf32>
    %swap3A_1489 = vector.shape_cast %get3A_1345 : vector<16xf32> to vector<1x1x16xf32>
    tpu.vector_store %arg7[%swap3A_1484, %swap3A_1485, %swap3A_1486], %swap3A_1489 {strides = array<i32>} : memref<1x32x256xf32, #tpu.memory_space<vmem>>, vector<1x1x16xf32>,
    %swap3A_1490 = arith.constant 0 : i32
    %swap3A_1491 = arith.constant 18 : i32
    %swap3A_1492 = arith.index_cast %swap3A_1490 : i32 to index
    %swap3A_1493 = arith.index_cast %swap3A_1491 : i32 to index
    %swap3A_1494 = arith.constant 80 : index
    %swap3A_1495 = tpu.vector_load %arg7[%swap3A_1492, %swap3A_1493, %swap3A_1494] {strides = array<i32>} : memref<1x32x256xf32, #tpu.memory_space<vmem>>, vector<1x1x16xf32>,
    %swap3A_1496 = vector.shape_cast %swap3A_1495 : vector<1x1x16xf32> to vector<16xf32>
    %swap3A_1497 = vector.shape_cast %get3A_1345 : vector<16xf32> to vector<1x1x16xf32>
    tpu.vector_store %arg7[%swap3A_1492, %swap3A_1493, %swap3A_1494], %swap3A_1497 {strides = array<i32>} : memref<1x32x256xf32, #tpu.memory_space<vmem>>, vector<1x1x16xf32>,
    %swap3A_1498 = arith.constant 0 : i32
    %swap3A_1499 = arith.constant 19 : i32
    %swap3A_1500 = arith.index_cast %swap3A_1498 : i32 to index
    %swap3A_1501 = arith.index_cast %swap3A_1499 : i32 to index
    %swap3A_1502 = arith.constant 80 : index
    %swap3A_1503 = tpu.vector_load %arg7[%swap3A_1500, %swap3A_1501, %swap3A_1502] {strides = array<i32>} : memref<1x32x256xf32, #tpu.memory_space<vmem>>, vector<1x1x16xf32>,
    %swap3A_1504 = vector.shape_cast %swap3A_1503 : vector<1x1x16xf32> to vector<16xf32>
    %swap3A_1505 = vector.shape_cast %get3A_1345 : vector<16xf32> to vector<1x1x16xf32>
    tpu.vector_store %arg7[%swap3A_1500, %swap3A_1501, %swap3A_1502], %swap3A_1505 {strides = array<i32>} : memref<1x32x256xf32, #tpu.memory_space<vmem>>, vector<1x1x16xf32>,
    %swap3A_1506 = arith.constant 0 : i32
    %swap3A_1507 = arith.constant 20 : i32
    %swap3A_1508 = arith.index_cast %swap3A_1506 : i32 to index
    %swap3A_1509 = arith.index_cast %swap3A_1507 : i32 to index
    %swap3A_1510 = arith.constant 80 : index
    %swap3A_1511 = tpu.vector_load %arg7[%swap3A_1508, %swap3A_1509, %swap3A_1510] {strides = array<i32>} : memref<1x32x256xf32, #tpu.memory_space<vmem>>, vector<1x1x16xf32>,
    %swap3A_1512 = vector.shape_cast %swap3A_1511 : vector<1x1x16xf32> to vector<16xf32>
    %swap3A_1513 = vector.shape_cast %get3A_1345 : vector<16xf32> to vector<1x1x16xf32>
    tpu.vector_store %arg7[%swap3A_1508, %swap3A_1509, %swap3A_1510], %swap3A_1513 {strides = array<i32>} : memref<1x32x256xf32, #tpu.memory_space<vmem>>, vector<1x1x16xf32>,
    %swap3A_1514 = arith.constant 0 : i32
    %swap3A_1515 = arith.constant 21 : i32
    %swap3A_1516 = arith.index_cast %swap3A_1514 : i32 to index
    %swap3A_1517 = arith.index_cast %swap3A_1515 : i32 to index
    %swap3A_1518 = arith.constant 80 : index
    %swap3A_1519 = tpu.vector_load %arg7[%swap3A_1516, %swap3A_1517, %swap3A_1518] {strides = array<i32>} : memref<1x32x256xf32, #tpu.memory_space<vmem>>, vector<1x1x16xf32>,
    %swap3A_1520 = vector.shape_cast %swap3A_1519 : vector<1x1x16xf32> to vector<16xf32>
    %swap3A_1521 = vector.shape_cast %get3A_1345 : vector<16xf32> to vector<1x1x16xf32>
    tpu.vector_store %arg7[%swap3A_1516, %swap3A_1517, %swap3A_1518], %swap3A_1521 {strides = array<i32>} : memref<1x32x256xf32, #tpu.memory_space<vmem>>, vector<1x1x16xf32>,
    %swap3A_1522 = arith.constant 0 : i32
    %swap3A_1523 = arith.constant 22 : i32
    %swap3A_1524 = arith.index_cast %swap3A_1522 : i32 to index
    %swap3A_1525 = arith.index_cast %swap3A_1523 : i32 to index
    %swap3A_1526 = arith.constant 80 : index
    %swap3A_1527 = tpu.vector_load %arg7[%swap3A_1524, %swap3A_1525, %swap3A_1526] {strides = array<i32>} : memref<1x32x256xf32, #tpu.memory_space<vmem>>, vector<1x1x16xf32>,
    %swap3A_1528 = vector.shape_cast %swap3A_1527 : vector<1x1x16xf32> to vector<16xf32>
    %swap3A_1529 = vector.shape_cast %get3A_1345 : vector<16xf32> to vector<1x1x16xf32>
    tpu.vector_store %arg7[%swap3A_1524, %swap3A_1525, %swap3A_1526], %swap3A_1529 {strides = array<i32>} : memref<1x32x256xf32, #tpu.memory_space<vmem>>, vector<1x1x16xf32>,
    %swap3A_1530 = arith.constant 0 : i32
    %swap3A_1531 = arith.constant 23 : i32
    %swap3A_1532 = arith.index_cast %swap3A_1530 : i32 to index
    %swap3A_1533 = arith.index_cast %swap3A_1531 : i32 to index
    %swap3A_1534 = arith.constant 80 : index
    %swap3A_1535 = tpu.vector_load %arg7[%swap3A_1532, %swap3A_1533, %swap3A_1534] {strides = array<i32>} : memref<1x32x256xf32, #tpu.memory_space<vmem>>, vector<1x1x16xf32>,
    %swap3A_1536 = vector.shape_cast %swap3A_1535 : vector<1x1x16xf32> to vector<16xf32>
    %swap3A_1537 = vector.shape_cast %get3A_1345 : vector<16xf32> to vector<1x1x16xf32>
    tpu.vector_store %arg7[%swap3A_1532, %swap3A_1533, %swap3A_1534], %swap3A_1537 {strides = array<i32>} : memref<1x32x256xf32, #tpu.memory_space<vmem>>, vector<1x1x16xf32>,
    %swap3A_1538 = arith.constant 0 : i32
    %swap3A_1539 = arith.constant 24 : i32
    %swap3A_1540 = arith.index_cast %swap3A_1538 : i32 to index
    %swap3A_1541 = arith.index_cast %swap3A_1539 : i32 to index
    %swap3A_1542 = arith.constant 80 : index
    %swap3A_1543 = tpu.vector_load %arg7[%swap3A_1540, %swap3A_1541, %swap3A_1542] {strides = array<i32>} : memref<1x32x256xf32, #tpu.memory_space<vmem>>, vector<1x1x16xf32>,
    %swap3A_1544 = vector.shape_cast %swap3A_1543 : vector<1x1x16xf32> to vector<16xf32>
    %swap3A_1545 = vector.shape_cast %get3A_1345 : vector<16xf32> to vector<1x1x16xf32>
    tpu.vector_store %arg7[%swap3A_1540, %swap3A_1541, %swap3A_1542], %swap3A_1545 {strides = array<i32>} : memref<1x32x256xf32, #tpu.memory_space<vmem>>, vector<1x1x16xf32>,
    %swap3A_1546 = arith.constant 0 : i32
    %swap3A_1547 = arith.constant 25 : i32
    %swap3A_1548 = arith.index_cast %swap3A_1546 : i32 to index
    %swap3A_1549 = arith.index_cast %swap3A_1547 : i32 to index
    %swap3A_1550 = arith.constant 80 : index
    %swap3A_1551 = tpu.vector_load %arg7[%swap3A_1548, %swap3A_1549, %swap3A_1550] {strides = array<i32>} : memref<1x32x256xf32, #tpu.memory_space<vmem>>, vector<1x1x16xf32>,
    %swap3A_1552 = vector.shape_cast %swap3A_1551 : vector<1x1x16xf32> to vector<16xf32>
    %swap3A_1553 = vector.shape_cast %get3A_1345 : vector<16xf32> to vector<1x1x16xf32>
    tpu.vector_store %arg7[%swap3A_1548, %swap3A_1549, %swap3A_1550], %swap3A_1553 {strides = array<i32>} : memref<1x32x256xf32, #tpu.memory_space<vmem>>, vector<1x1x16xf32>,
    %swap3A_1554 = arith.constant 0 : i32
    %swap3A_1555 = arith.constant 26 : i32
    %swap3A_1556 = arith.index_cast %swap3A_1554 : i32 to index
    %swap3A_1557 = arith.index_cast %swap3A_1555 : i32 to index
    %swap3A_1558 = arith.constant 80 : index
    %swap3A_1559 = tpu.vector_load %arg7[%swap3A_1556, %swap3A_1557, %swap3A_1558] {strides = array<i32>} : memref<1x32x256xf32, #tpu.memory_space<vmem>>, vector<1x1x16xf32>,
    %swap3A_1560 = vector.shape_cast %swap3A_1559 : vector<1x1x16xf32> to vector<16xf32>
    %swap3A_1561 = vector.shape_cast %get3A_1345 : vector<16xf32> to vector<1x1x16xf32>
    tpu.vector_store %arg7[%swap3A_1556, %swap3A_1557, %swap3A_1558], %swap3A_1561 {strides = array<i32>} : memref<1x32x256xf32, #tpu.memory_space<vmem>>, vector<1x1x16xf32>,
    %swap3A_1562 = arith.constant 0 : i32
    %swap3A_1563 = arith.constant 27 : i32
    %swap3A_1564 = arith.index_cast %swap3A_1562 : i32 to index
    %swap3A_1565 = arith.index_cast %swap3A_1563 : i32 to index
    %swap3A_1566 = arith.constant 80 : index
    %swap3A_1567 = tpu.vector_load %arg7[%swap3A_1564, %swap3A_1565, %swap3A_1566] {strides = array<i32>} : memref<1x32x256xf32, #tpu.memory_space<vmem>>, vector<1x1x16xf32>,
    %swap3A_1568 = vector.shape_cast %swap3A_1567 : vector<1x1x16xf32> to vector<16xf32>
    %swap3A_1569 = vector.shape_cast %get3A_1345 : vector<16xf32> to vector<1x1x16xf32>
    tpu.vector_store %arg7[%swap3A_1564, %swap3A_1565, %swap3A_1566], %swap3A_1569 {strides = array<i32>} : memref<1x32x256xf32, #tpu.memory_space<vmem>>, vector<1x1x16xf32>,
    %swap3A_1570 = arith.constant 0 : i32
    %swap3A_1571 = arith.constant 28 : i32
    %swap3A_1572 = arith.index_cast %swap3A_1570 : i32 to index
    %swap3A_1573 = arith.index_cast %swap3A_1571 : i32 to index
    %swap3A_1574 = arith.constant 80 : index
    %swap3A_1575 = tpu.vector_load %arg7[%swap3A_1572, %swap3A_1573, %swap3A_1574] {strides = array<i32>} : memref<1x32x256xf32, #tpu.memory_space<vmem>>, vector<1x1x16xf32>,
    %swap3A_1576 = vector.shape_cast %swap3A_1575 : vector<1x1x16xf32> to vector<16xf32>
    %swap3A_1577 = vector.shape_cast %get3A_1345 : vector<16xf32> to vector<1x1x16xf32>
    tpu.vector_store %arg7[%swap3A_1572, %swap3A_1573, %swap3A_1574], %swap3A_1577 {strides = array<i32>} : memref<1x32x256xf32, #tpu.memory_space<vmem>>, vector<1x1x16xf32>,
    %swap3A_1578 = arith.constant 0 : i32
    %swap3A_1579 = arith.constant 29 : i32
    %swap3A_1580 = arith.index_cast %swap3A_1578 : i32 to index
    %swap3A_1581 = arith.index_cast %swap3A_1579 : i32 to index
    %swap3A_1582 = arith.constant 80 : index
    %swap3A_1583 = tpu.vector_load %arg7[%swap3A_1580, %swap3A_1581, %swap3A_1582] {strides = array<i32>} : memref<1x32x256xf32, #tpu.memory_space<vmem>>, vector<1x1x16xf32>,
    %swap3A_1584 = vector.shape_cast %swap3A_1583 : vector<1x1x16xf32> to vector<16xf32>
    %swap3A_1585 = vector.shape_cast %get3A_1345 : vector<16xf32> to vector<1x1x16xf32>
    tpu.vector_store %arg7[%swap3A_1580, %swap3A_1581, %swap3A_1582], %swap3A_1585 {strides = array<i32>} : memref<1x32x256xf32, #tpu.memory_space<vmem>>, vector<1x1x16xf32>,
    %swap3A_1586 = arith.constant 0 : i32
    %swap3A_1587 = arith.constant 30 : i32
    %swap3A_1588 = arith.index_cast %swap3A_1586 : i32 to index
    %swap3A_1589 = arith.index_cast %swap3A_1587 : i32 to index
    %swap3A_1590 = arith.constant 80 : index
    %swap3A_1591 = tpu.vector_load %arg7[%swap3A_1588, %swap3A_1589, %swap3A_1590] {strides = array<i32>} : memref<1x32x256xf32, #tpu.memory_space<vmem>>, vector<1x1x16xf32>,
    %swap3A_1592 = vector.shape_cast %swap3A_1591 : vector<1x1x16xf32> to vector<16xf32>
    %swap3A_1593 = vector.shape_cast %get3A_1345 : vector<16xf32> to vector<1x1x16xf32>
    tpu.vector_store %arg7[%swap3A_1588, %swap3A_1589, %swap3A_1590], %swap3A_1593 {strides = array<i32>} : memref<1x32x256xf32, #tpu.memory_space<vmem>>, vector<1x1x16xf32>,
    %swap3A_1594 = arith.constant 0 : i32
    %swap3A_1595 = arith.constant 31 : i32
    %swap3A_1596 = arith.index_cast %swap3A_1594 : i32 to index
    %swap3A_1597 = arith.index_cast %swap3A_1595 : i32 to index
    %swap3A_1598 = arith.constant 80 : index
    %swap3A_1599 = tpu.vector_load %arg7[%swap3A_1596, %swap3A_1597, %swap3A_1598] {strides = array<i32>} : memref<1x32x256xf32, #tpu.memory_space<vmem>>, vector<1x1x16xf32>,
    %swap3A_1600 = vector.shape_cast %swap3A_1599 : vector<1x1x16xf32> to vector<16xf32>
    %swap3A_1601 = vector.shape_cast %get3A_1345 : vector<16xf32> to vector<1x1x16xf32>
    tpu.vector_store %arg7[%swap3A_1596, %swap3A_1597, %swap3A_1598], %swap3A_1601 {strides = array<i32>} : memref<1x32x256xf32, #tpu.memory_space<vmem>>, vector<1x1x16xf32>,
    %get3A_1602 = arith.constant 0 : i32
    %get3A_1603 = arith.constant 0 : i32
    %get3A_1604 = arith.index_cast %get3A_1602 : i32 to index
    %get3A_1605 = arith.index_cast %get3A_1603 : i32 to index
    %get3A_1606 = arith.constant 96 : index
    %get3A_1607 = tpu.vector_load %arg6[%get3A_1604, %get3A_1605, %get3A_1606] {strides = array<i32>} : memref<1x1x256xf32, #tpu.memory_space<vmem>>, vector<1x1x16xf32>,
    %get3A_1608 = vector.shape_cast %get3A_1607 : vector<1x1x16xf32> to vector<16xf32>
    %swap3A_1609 = arith.constant 0 : i32
    %swap3A_1610 = arith.constant 0 : i32
    %swap3A_1611 = arith.index_cast %swap3A_1609 : i32 to index
    %swap3A_1612 = arith.index_cast %swap3A_1610 : i32 to index
    %swap3A_1613 = arith.constant 96 : index
    %swap3A_1614 = tpu.vector_load %arg7[%swap3A_1611, %swap3A_1612, %swap3A_1613] {strides = array<i32>} : memref<1x32x256xf32, #tpu.memory_space<vmem>>, vector<1x1x16xf32>,
    %swap3A_1615 = vector.shape_cast %swap3A_1614 : vector<1x1x16xf32> to vector<16xf32>
    %swap3A_1616 = vector.shape_cast %get3A_1608 : vector<16xf32> to vector<1x1x16xf32>
    tpu.vector_store %arg7[%swap3A_1611, %swap3A_1612, %swap3A_1613], %swap3A_1616 {strides = array<i32>} : memref<1x32x256xf32, #tpu.memory_space<vmem>>, vector<1x1x16xf32>,
    %swap3A_1617 = arith.constant 0 : i32
    %swap3A_1618 = arith.constant 1 : i32
    %swap3A_1619 = arith.index_cast %swap3A_1617 : i32 to index
    %swap3A_1620 = arith.index_cast %swap3A_1618 : i32 to index
    %swap3A_1621 = arith.constant 96 : index
    %swap3A_1622 = tpu.vector_load %arg7[%swap3A_1619, %swap3A_1620, %swap3A_1621] {strides = array<i32>} : memref<1x32x256xf32, #tpu.memory_space<vmem>>, vector<1x1x16xf32>,
    %swap3A_1623 = vector.shape_cast %swap3A_1622 : vector<1x1x16xf32> to vector<16xf32>
    %swap3A_1624 = vector.shape_cast %get3A_1608 : vector<16xf32> to vector<1x1x16xf32>
    tpu.vector_store %arg7[%swap3A_1619, %swap3A_1620, %swap3A_1621], %swap3A_1624 {strides = array<i32>} : memref<1x32x256xf32, #tpu.memory_space<vmem>>, vector<1x1x16xf32>,
    %swap3A_1625 = arith.constant 0 : i32
    %swap3A_1626 = arith.constant 2 : i32
    %swap3A_1627 = arith.index_cast %swap3A_1625 : i32 to index
    %swap3A_1628 = arith.index_cast %swap3A_1626 : i32 to index
    %swap3A_1629 = arith.constant 96 : index
    %swap3A_1630 = tpu.vector_load %arg7[%swap3A_1627, %swap3A_1628, %swap3A_1629] {strides = array<i32>} : memref<1x32x256xf32, #tpu.memory_space<vmem>>, vector<1x1x16xf32>,
    %swap3A_1631 = vector.shape_cast %swap3A_1630 : vector<1x1x16xf32> to vector<16xf32>
    %swap3A_1632 = vector.shape_cast %get3A_1608 : vector<16xf32> to vector<1x1x16xf32>
    tpu.vector_store %arg7[%swap3A_1627, %swap3A_1628, %swap3A_1629], %swap3A_1632 {strides = array<i32>} : memref<1x32x256xf32, #tpu.memory_space<vmem>>, vector<1x1x16xf32>,
    %swap3A_1633 = arith.constant 0 : i32
    %swap3A_1634 = arith.constant 3 : i32
    %swap3A_1635 = arith.index_cast %swap3A_1633 : i32 to index
    %swap3A_1636 = arith.index_cast %swap3A_1634 : i32 to index
    %swap3A_1637 = arith.constant 96 : index
    %swap3A_1638 = tpu.vector_load %arg7[%swap3A_1635, %swap3A_1636, %swap3A_1637] {strides = array<i32>} : memref<1x32x256xf32, #tpu.memory_space<vmem>>, vector<1x1x16xf32>,
    %swap3A_1639 = vector.shape_cast %swap3A_1638 : vector<1x1x16xf32> to vector<16xf32>
    %swap3A_1640 = vector.shape_cast %get3A_1608 : vector<16xf32> to vector<1x1x16xf32>
    tpu.vector_store %arg7[%swap3A_1635, %swap3A_1636, %swap3A_1637], %swap3A_1640 {strides = array<i32>} : memref<1x32x256xf32, #tpu.memory_space<vmem>>, vector<1x1x16xf32>,
    %swap3A_1641 = arith.constant 0 : i32
    %swap3A_1642 = arith.constant 4 : i32
    %swap3A_1643 = arith.index_cast %swap3A_1641 : i32 to index
    %swap3A_1644 = arith.index_cast %swap3A_1642 : i32 to index
    %swap3A_1645 = arith.constant 96 : index
    %swap3A_1646 = tpu.vector_load %arg7[%swap3A_1643, %swap3A_1644, %swap3A_1645] {strides = array<i32>} : memref<1x32x256xf32, #tpu.memory_space<vmem>>, vector<1x1x16xf32>,
    %swap3A_1647 = vector.shape_cast %swap3A_1646 : vector<1x1x16xf32> to vector<16xf32>
    %swap3A_1648 = vector.shape_cast %get3A_1608 : vector<16xf32> to vector<1x1x16xf32>
    tpu.vector_store %arg7[%swap3A_1643, %swap3A_1644, %swap3A_1645], %swap3A_1648 {strides = array<i32>} : memref<1x32x256xf32, #tpu.memory_space<vmem>>, vector<1x1x16xf32>,
    %swap3A_1649 = arith.constant 0 : i32
    %swap3A_1650 = arith.constant 5 : i32
    %swap3A_1651 = arith.index_cast %swap3A_1649 : i32 to index
    %swap3A_1652 = arith.index_cast %swap3A_1650 : i32 to index
    %swap3A_1653 = arith.constant 96 : index
    %swap3A_1654 = tpu.vector_load %arg7[%swap3A_1651, %swap3A_1652, %swap3A_1653] {strides = array<i32>} : memref<1x32x256xf32, #tpu.memory_space<vmem>>, vector<1x1x16xf32>,
    %swap3A_1655 = vector.shape_cast %swap3A_1654 : vector<1x1x16xf32> to vector<16xf32>
    %swap3A_1656 = vector.shape_cast %get3A_1608 : vector<16xf32> to vector<1x1x16xf32>
    tpu.vector_store %arg7[%swap3A_1651, %swap3A_1652, %swap3A_1653], %swap3A_1656 {strides = array<i32>} : memref<1x32x256xf32, #tpu.memory_space<vmem>>, vector<1x1x16xf32>,
    %swap3A_1657 = arith.constant 0 : i32
    %swap3A_1658 = arith.constant 6 : i32
    %swap3A_1659 = arith.index_cast %swap3A_1657 : i32 to index
    %swap3A_1660 = arith.index_cast %swap3A_1658 : i32 to index
    %swap3A_1661 = arith.constant 96 : index
    %swap3A_1662 = tpu.vector_load %arg7[%swap3A_1659, %swap3A_1660, %swap3A_1661] {strides = array<i32>} : memref<1x32x256xf32, #tpu.memory_space<vmem>>, vector<1x1x16xf32>,
    %swap3A_1663 = vector.shape_cast %swap3A_1662 : vector<1x1x16xf32> to vector<16xf32>
    %swap3A_1664 = vector.shape_cast %get3A_1608 : vector<16xf32> to vector<1x1x16xf32>
    tpu.vector_store %arg7[%swap3A_1659, %swap3A_1660, %swap3A_1661], %swap3A_1664 {strides = array<i32>} : memref<1x32x256xf32, #tpu.memory_space<vmem>>, vector<1x1x16xf32>,
    %swap3A_1665 = arith.constant 0 : i32
    %swap3A_1666 = arith.constant 7 : i32
    %swap3A_1667 = arith.index_cast %swap3A_1665 : i32 to index
    %swap3A_1668 = arith.index_cast %swap3A_1666 : i32 to index
    %swap3A_1669 = arith.constant 96 : index
    %swap3A_1670 = tpu.vector_load %arg7[%swap3A_1667, %swap3A_1668, %swap3A_1669] {strides = array<i32>} : memref<1x32x256xf32, #tpu.memory_space<vmem>>, vector<1x1x16xf32>,
    %swap3A_1671 = vector.shape_cast %swap3A_1670 : vector<1x1x16xf32> to vector<16xf32>
    %swap3A_1672 = vector.shape_cast %get3A_1608 : vector<16xf32> to vector<1x1x16xf32>
    tpu.vector_store %arg7[%swap3A_1667, %swap3A_1668, %swap3A_1669], %swap3A_1672 {strides = array<i32>} : memref<1x32x256xf32, #tpu.memory_space<vmem>>, vector<1x1x16xf32>,
    %swap3A_1673 = arith.constant 0 : i32
    %swap3A_1674 = arith.constant 8 : i32
    %swap3A_1675 = arith.index_cast %swap3A_1673 : i32 to index
    %swap3A_1676 = arith.index_cast %swap3A_1674 : i32 to index
    %swap3A_1677 = arith.constant 96 : index
    %swap3A_1678 = tpu.vector_load %arg7[%swap3A_1675, %swap3A_1676, %swap3A_1677] {strides = array<i32>} : memref<1x32x256xf32, #tpu.memory_space<vmem>>, vector<1x1x16xf32>,
    %swap3A_1679 = vector.shape_cast %swap3A_1678 : vector<1x1x16xf32> to vector<16xf32>
    %swap3A_1680 = vector.shape_cast %get3A_1608 : vector<16xf32> to vector<1x1x16xf32>
    tpu.vector_store %arg7[%swap3A_1675, %swap3A_1676, %swap3A_1677], %swap3A_1680 {strides = array<i32>} : memref<1x32x256xf32, #tpu.memory_space<vmem>>, vector<1x1x16xf32>,
    %swap3A_1681 = arith.constant 0 : i32
    %swap3A_1682 = arith.constant 9 : i32
    %swap3A_1683 = arith.index_cast %swap3A_1681 : i32 to index
    %swap3A_1684 = arith.index_cast %swap3A_1682 : i32 to index
    %swap3A_1685 = arith.constant 96 : index
    %swap3A_1686 = tpu.vector_load %arg7[%swap3A_1683, %swap3A_1684, %swap3A_1685] {strides = array<i32>} : memref<1x32x256xf32, #tpu.memory_space<vmem>>, vector<1x1x16xf32>,
    %swap3A_1687 = vector.shape_cast %swap3A_1686 : vector<1x1x16xf32> to vector<16xf32>
    %swap3A_1688 = vector.shape_cast %get3A_1608 : vector<16xf32> to vector<1x1x16xf32>
    tpu.vector_store %arg7[%swap3A_1683, %swap3A_1684, %swap3A_1685], %swap3A_1688 {strides = array<i32>} : memref<1x32x256xf32, #tpu.memory_space<vmem>>, vector<1x1x16xf32>,
    %swap3A_1689 = arith.constant 0 : i32
    %swap3A_1690 = arith.constant 10 : i32
    %swap3A_1691 = arith.index_cast %swap3A_1689 : i32 to index
    %swap3A_1692 = arith.index_cast %swap3A_1690 : i32 to index
    %swap3A_1693 = arith.constant 96 : index
    %swap3A_1694 = tpu.vector_load %arg7[%swap3A_1691, %swap3A_1692, %swap3A_1693] {strides = array<i32>} : memref<1x32x256xf32, #tpu.memory_space<vmem>>, vector<1x1x16xf32>,
    %swap3A_1695 = vector.shape_cast %swap3A_1694 : vector<1x1x16xf32> to vector<16xf32>
    %swap3A_1696 = vector.shape_cast %get3A_1608 : vector<16xf32> to vector<1x1x16xf32>
    tpu.vector_store %arg7[%swap3A_1691, %swap3A_1692, %swap3A_1693], %swap3A_1696 {strides = array<i32>} : memref<1x32x256xf32, #tpu.memory_space<vmem>>, vector<1x1x16xf32>,
    %swap3A_1697 = arith.constant 0 : i32
    %swap3A_1698 = arith.constant 11 : i32
    %swap3A_1699 = arith.index_cast %swap3A_1697 : i32 to index
    %swap3A_1700 = arith.index_cast %swap3A_1698 : i32 to index
    %swap3A_1701 = arith.constant 96 : index
    %swap3A_1702 = tpu.vector_load %arg7[%swap3A_1699, %swap3A_1700, %swap3A_1701] {strides = array<i32>} : memref<1x32x256xf32, #tpu.memory_space<vmem>>, vector<1x1x16xf32>,
    %swap3A_1703 = vector.shape_cast %swap3A_1702 : vector<1x1x16xf32> to vector<16xf32>
    %swap3A_1704 = vector.shape_cast %get3A_1608 : vector<16xf32> to vector<1x1x16xf32>
    tpu.vector_store %arg7[%swap3A_1699, %swap3A_1700, %swap3A_1701], %swap3A_1704 {strides = array<i32>} : memref<1x32x256xf32, #tpu.memory_space<vmem>>, vector<1x1x16xf32>,
    %swap3A_1705 = arith.constant 0 : i32
    %swap3A_1706 = arith.constant 12 : i32
    %swap3A_1707 = arith.index_cast %swap3A_1705 : i32 to index
    %swap3A_1708 = arith.index_cast %swap3A_1706 : i32 to index
    %swap3A_1709 = arith.constant 96 : index
    %swap3A_1710 = tpu.vector_load %arg7[%swap3A_1707, %swap3A_1708, %swap3A_1709] {strides = array<i32>} : memref<1x32x256xf32, #tpu.memory_space<vmem>>, vector<1x1x16xf32>,
    %swap3A_1711 = vector.shape_cast %swap3A_1710 : vector<1x1x16xf32> to vector<16xf32>
    %swap3A_1712 = vector.shape_cast %get3A_1608 : vector<16xf32> to vector<1x1x16xf32>
    tpu.vector_store %arg7[%swap3A_1707, %swap3A_1708, %swap3A_1709], %swap3A_1712 {strides = array<i32>} : memref<1x32x256xf32, #tpu.memory_space<vmem>>, vector<1x1x16xf32>,
    %swap3A_1713 = arith.constant 0 : i32
    %swap3A_1714 = arith.constant 13 : i32
    %swap3A_1715 = arith.index_cast %swap3A_1713 : i32 to index
    %swap3A_1716 = arith.index_cast %swap3A_1714 : i32 to index
    %swap3A_1717 = arith.constant 96 : index
    %swap3A_1718 = tpu.vector_load %arg7[%swap3A_1715, %swap3A_1716, %swap3A_1717] {strides = array<i32>} : memref<1x32x256xf32, #tpu.memory_space<vmem>>, vector<1x1x16xf32>,
    %swap3A_1719 = vector.shape_cast %swap3A_1718 : vector<1x1x16xf32> to vector<16xf32>
    %swap3A_1720 = vector.shape_cast %get3A_1608 : vector<16xf32> to vector<1x1x16xf32>
    tpu.vector_store %arg7[%swap3A_1715, %swap3A_1716, %swap3A_1717], %swap3A_1720 {strides = array<i32>} : memref<1x32x256xf32, #tpu.memory_space<vmem>>, vector<1x1x16xf32>,
    %swap3A_1721 = arith.constant 0 : i32
    %swap3A_1722 = arith.constant 14 : i32
    %swap3A_1723 = arith.index_cast %swap3A_1721 : i32 to index
    %swap3A_1724 = arith.index_cast %swap3A_1722 : i32 to index
    %swap3A_1725 = arith.constant 96 : index
    %swap3A_1726 = tpu.vector_load %arg7[%swap3A_1723, %swap3A_1724, %swap3A_1725] {strides = array<i32>} : memref<1x32x256xf32, #tpu.memory_space<vmem>>, vector<1x1x16xf32>,
    %swap3A_1727 = vector.shape_cast %swap3A_1726 : vector<1x1x16xf32> to vector<16xf32>
    %swap3A_1728 = vector.shape_cast %get3A_1608 : vector<16xf32> to vector<1x1x16xf32>
    tpu.vector_store %arg7[%swap3A_1723, %swap3A_1724, %swap3A_1725], %swap3A_1728 {strides = array<i32>} : memref<1x32x256xf32, #tpu.memory_space<vmem>>, vector<1x1x16xf32>,
    %swap3A_1729 = arith.constant 0 : i32
    %swap3A_1730 = arith.constant 15 : i32
    %swap3A_1731 = arith.index_cast %swap3A_1729 : i32 to index
    %swap3A_1732 = arith.index_cast %swap3A_1730 : i32 to index
    %swap3A_1733 = arith.constant 96 : index
    %swap3A_1734 = tpu.vector_load %arg7[%swap3A_1731, %swap3A_1732, %swap3A_1733] {strides = array<i32>} : memref<1x32x256xf32, #tpu.memory_space<vmem>>, vector<1x1x16xf32>,
    %swap3A_1735 = vector.shape_cast %swap3A_1734 : vector<1x1x16xf32> to vector<16xf32>
    %swap3A_1736 = vector.shape_cast %get3A_1608 : vector<16xf32> to vector<1x1x16xf32>
    tpu.vector_store %arg7[%swap3A_1731, %swap3A_1732, %swap3A_1733], %swap3A_1736 {strides = array<i32>} : memref<1x32x256xf32, #tpu.memory_space<vmem>>, vector<1x1x16xf32>,
    %swap3A_1737 = arith.constant 0 : i32
    %swap3A_1738 = arith.constant 16 : i32
    %swap3A_1739 = arith.index_cast %swap3A_1737 : i32 to index
    %swap3A_1740 = arith.index_cast %swap3A_1738 : i32 to index
    %swap3A_1741 = arith.constant 96 : index
    %swap3A_1742 = tpu.vector_load %arg7[%swap3A_1739, %swap3A_1740, %swap3A_1741] {strides = array<i32>} : memref<1x32x256xf32, #tpu.memory_space<vmem>>, vector<1x1x16xf32>,
    %swap3A_1743 = vector.shape_cast %swap3A_1742 : vector<1x1x16xf32> to vector<16xf32>
    %swap3A_1744 = vector.shape_cast %get3A_1608 : vector<16xf32> to vector<1x1x16xf32>
    tpu.vector_store %arg7[%swap3A_1739, %swap3A_1740, %swap3A_1741], %swap3A_1744 {strides = array<i32>} : memref<1x32x256xf32, #tpu.memory_space<vmem>>, vector<1x1x16xf32>,
    %swap3A_1745 = arith.constant 0 : i32
    %swap3A_1746 = arith.constant 17 : i32
    %swap3A_1747 = arith.index_cast %swap3A_1745 : i32 to index
    %swap3A_1748 = arith.index_cast %swap3A_1746 : i32 to index
    %swap3A_1749 = arith.constant 96 : index
    %swap3A_1750 = tpu.vector_load %arg7[%swap3A_1747, %swap3A_1748, %swap3A_1749] {strides = array<i32>} : memref<1x32x256xf32, #tpu.memory_space<vmem>>, vector<1x1x16xf32>,
    %swap3A_1751 = vector.shape_cast %swap3A_1750 : vector<1x1x16xf32> to vector<16xf32>
    %swap3A_1752 = vector.shape_cast %get3A_1608 : vector<16xf32> to vector<1x1x16xf32>
    tpu.vector_store %arg7[%swap3A_1747, %swap3A_1748, %swap3A_1749], %swap3A_1752 {strides = array<i32>} : memref<1x32x256xf32, #tpu.memory_space<vmem>>, vector<1x1x16xf32>,
    %swap3A_1753 = arith.constant 0 : i32
    %swap3A_1754 = arith.constant 18 : i32
    %swap3A_1755 = arith.index_cast %swap3A_1753 : i32 to index
    %swap3A_1756 = arith.index_cast %swap3A_1754 : i32 to index
    %swap3A_1757 = arith.constant 96 : index
    %swap3A_1758 = tpu.vector_load %arg7[%swap3A_1755, %swap3A_1756, %swap3A_1757] {strides = array<i32>} : memref<1x32x256xf32, #tpu.memory_space<vmem>>, vector<1x1x16xf32>,
    %swap3A_1759 = vector.shape_cast %swap3A_1758 : vector<1x1x16xf32> to vector<16xf32>
    %swap3A_1760 = vector.shape_cast %get3A_1608 : vector<16xf32> to vector<1x1x16xf32>
    tpu.vector_store %arg7[%swap3A_1755, %swap3A_1756, %swap3A_1757], %swap3A_1760 {strides = array<i32>} : memref<1x32x256xf32, #tpu.memory_space<vmem>>, vector<1x1x16xf32>,
    %swap3A_1761 = arith.constant 0 : i32
    %swap3A_1762 = arith.constant 19 : i32
    %swap3A_1763 = arith.index_cast %swap3A_1761 : i32 to index
    %swap3A_1764 = arith.index_cast %swap3A_1762 : i32 to index
    %swap3A_1765 = arith.constant 96 : index
    %swap3A_1766 = tpu.vector_load %arg7[%swap3A_1763, %swap3A_1764, %swap3A_1765] {strides = array<i32>} : memref<1x32x256xf32, #tpu.memory_space<vmem>>, vector<1x1x16xf32>,
    %swap3A_1767 = vector.shape_cast %swap3A_1766 : vector<1x1x16xf32> to vector<16xf32>
    %swap3A_1768 = vector.shape_cast %get3A_1608 : vector<16xf32> to vector<1x1x16xf32>
    tpu.vector_store %arg7[%swap3A_1763, %swap3A_1764, %swap3A_1765], %swap3A_1768 {strides = array<i32>} : memref<1x32x256xf32, #tpu.memory_space<vmem>>, vector<1x1x16xf32>,
    %swap3A_1769 = arith.constant 0 : i32
    %swap3A_1770 = arith.constant 20 : i32
    %swap3A_1771 = arith.index_cast %swap3A_1769 : i32 to index
    %swap3A_1772 = arith.index_cast %swap3A_1770 : i32 to index
    %swap3A_1773 = arith.constant 96 : index
    %swap3A_1774 = tpu.vector_load %arg7[%swap3A_1771, %swap3A_1772, %swap3A_1773] {strides = array<i32>} : memref<1x32x256xf32, #tpu.memory_space<vmem>>, vector<1x1x16xf32>,
    %swap3A_1775 = vector.shape_cast %swap3A_1774 : vector<1x1x16xf32> to vector<16xf32>
    %swap3A_1776 = vector.shape_cast %get3A_1608 : vector<16xf32> to vector<1x1x16xf32>
    tpu.vector_store %arg7[%swap3A_1771, %swap3A_1772, %swap3A_1773], %swap3A_1776 {strides = array<i32>} : memref<1x32x256xf32, #tpu.memory_space<vmem>>, vector<1x1x16xf32>,
    %swap3A_1777 = arith.constant 0 : i32
    %swap3A_1778 = arith.constant 21 : i32
    %swap3A_1779 = arith.index_cast %swap3A_1777 : i32 to index
    %swap3A_1780 = arith.index_cast %swap3A_1778 : i32 to index
    %swap3A_1781 = arith.constant 96 : index
    %swap3A_1782 = tpu.vector_load %arg7[%swap3A_1779, %swap3A_1780, %swap3A_1781] {strides = array<i32>} : memref<1x32x256xf32, #tpu.memory_space<vmem>>, vector<1x1x16xf32>,
    %swap3A_1783 = vector.shape_cast %swap3A_1782 : vector<1x1x16xf32> to vector<16xf32>
    %swap3A_1784 = vector.shape_cast %get3A_1608 : vector<16xf32> to vector<1x1x16xf32>
    tpu.vector_store %arg7[%swap3A_1779, %swap3A_1780, %swap3A_1781], %swap3A_1784 {strides = array<i32>} : memref<1x32x256xf32, #tpu.memory_space<vmem>>, vector<1x1x16xf32>,
    %swap3A_1785 = arith.constant 0 : i32
    %swap3A_1786 = arith.constant 22 : i32
    %swap3A_1787 = arith.index_cast %swap3A_1785 : i32 to index
    %swap3A_1788 = arith.index_cast %swap3A_1786 : i32 to index
    %swap3A_1789 = arith.constant 96 : index
    %swap3A_1790 = tpu.vector_load %arg7[%swap3A_1787, %swap3A_1788, %swap3A_1789] {strides = array<i32>} : memref<1x32x256xf32, #tpu.memory_space<vmem>>, vector<1x1x16xf32>,
    %swap3A_1791 = vector.shape_cast %swap3A_1790 : vector<1x1x16xf32> to vector<16xf32>
    %swap3A_1792 = vector.shape_cast %get3A_1608 : vector<16xf32> to vector<1x1x16xf32>
    tpu.vector_store %arg7[%swap3A_1787, %swap3A_1788, %swap3A_1789], %swap3A_1792 {strides = array<i32>} : memref<1x32x256xf32, #tpu.memory_space<vmem>>, vector<1x1x16xf32>,
    %swap3A_1793 = arith.constant 0 : i32
    %swap3A_1794 = arith.constant 23 : i32
    %swap3A_1795 = arith.index_cast %swap3A_1793 : i32 to index
    %swap3A_1796 = arith.index_cast %swap3A_1794 : i32 to index
    %swap3A_1797 = arith.constant 96 : index
    %swap3A_1798 = tpu.vector_load %arg7[%swap3A_1795, %swap3A_1796, %swap3A_1797] {strides = array<i32>} : memref<1x32x256xf32, #tpu.memory_space<vmem>>, vector<1x1x16xf32>,
    %swap3A_1799 = vector.shape_cast %swap3A_1798 : vector<1x1x16xf32> to vector<16xf32>
    %swap3A_1800 = vector.shape_cast %get3A_1608 : vector<16xf32> to vector<1x1x16xf32>
    tpu.vector_store %arg7[%swap3A_1795, %swap3A_1796, %swap3A_1797], %swap3A_1800 {strides = array<i32>} : memref<1x32x256xf32, #tpu.memory_space<vmem>>, vector<1x1x16xf32>,
    %swap3A_1801 = arith.constant 0 : i32
    %swap3A_1802 = arith.constant 24 : i32
    %swap3A_1803 = arith.index_cast %swap3A_1801 : i32 to index
    %swap3A_1804 = arith.index_cast %swap3A_1802 : i32 to index
    %swap3A_1805 = arith.constant 96 : index
    %swap3A_1806 = tpu.vector_load %arg7[%swap3A_1803, %swap3A_1804, %swap3A_1805] {strides = array<i32>} : memref<1x32x256xf32, #tpu.memory_space<vmem>>, vector<1x1x16xf32>,
    %swap3A_1807 = vector.shape_cast %swap3A_1806 : vector<1x1x16xf32> to vector<16xf32>
    %swap3A_1808 = vector.shape_cast %get3A_1608 : vector<16xf32> to vector<1x1x16xf32>
    tpu.vector_store %arg7[%swap3A_1803, %swap3A_1804, %swap3A_1805], %swap3A_1808 {strides = array<i32>} : memref<1x32x256xf32, #tpu.memory_space<vmem>>, vector<1x1x16xf32>,
    %swap3A_1809 = arith.constant 0 : i32
    %swap3A_1810 = arith.constant 25 : i32
    %swap3A_1811 = arith.index_cast %swap3A_1809 : i32 to index
    %swap3A_1812 = arith.index_cast %swap3A_1810 : i32 to index
    %swap3A_1813 = arith.constant 96 : index
    %swap3A_1814 = tpu.vector_load %arg7[%swap3A_1811, %swap3A_1812, %swap3A_1813] {strides = array<i32>} : memref<1x32x256xf32, #tpu.memory_space<vmem>>, vector<1x1x16xf32>,
    %swap3A_1815 = vector.shape_cast %swap3A_1814 : vector<1x1x16xf32> to vector<16xf32>
    %swap3A_1816 = vector.shape_cast %get3A_1608 : vector<16xf32> to vector<1x1x16xf32>
    tpu.vector_store %arg7[%swap3A_1811, %swap3A_1812, %swap3A_1813], %swap3A_1816 {strides = array<i32>} : memref<1x32x256xf32, #tpu.memory_space<vmem>>, vector<1x1x16xf32>,
    %swap3A_1817 = arith.constant 0 : i32
    %swap3A_1818 = arith.constant 26 : i32
    %swap3A_1819 = arith.index_cast %swap3A_1817 : i32 to index
    %swap3A_1820 = arith.index_cast %swap3A_1818 : i32 to index
    %swap3A_1821 = arith.constant 96 : index
    %swap3A_1822 = tpu.vector_load %arg7[%swap3A_1819, %swap3A_1820, %swap3A_1821] {strides = array<i32>} : memref<1x32x256xf32, #tpu.memory_space<vmem>>, vector<1x1x16xf32>,
    %swap3A_1823 = vector.shape_cast %swap3A_1822 : vector<1x1x16xf32> to vector<16xf32>
    %swap3A_1824 = vector.shape_cast %get3A_1608 : vector<16xf32> to vector<1x1x16xf32>
    tpu.vector_store %arg7[%swap3A_1819, %swap3A_1820, %swap3A_1821], %swap3A_1824 {strides = array<i32>} : memref<1x32x256xf32, #tpu.memory_space<vmem>>, vector<1x1x16xf32>,
    %swap3A_1825 = arith.constant 0 : i32
    %swap3A_1826 = arith.constant 27 : i32
    %swap3A_1827 = arith.index_cast %swap3A_1825 : i32 to index
    %swap3A_1828 = arith.index_cast %swap3A_1826 : i32 to index
    %swap3A_1829 = arith.constant 96 : index
    %swap3A_1830 = tpu.vector_load %arg7[%swap3A_1827, %swap3A_1828, %swap3A_1829] {strides = array<i32>} : memref<1x32x256xf32, #tpu.memory_space<vmem>>, vector<1x1x16xf32>,
    %swap3A_1831 = vector.shape_cast %swap3A_1830 : vector<1x1x16xf32> to vector<16xf32>
    %swap3A_1832 = vector.shape_cast %get3A_1608 : vector<16xf32> to vector<1x1x16xf32>
    tpu.vector_store %arg7[%swap3A_1827, %swap3A_1828, %swap3A_1829], %swap3A_1832 {strides = array<i32>} : memref<1x32x256xf32, #tpu.memory_space<vmem>>, vector<1x1x16xf32>,
    %swap3A_1833 = arith.constant 0 : i32
    %swap3A_1834 = arith.constant 28 : i32
    %swap3A_1835 = arith.index_cast %swap3A_1833 : i32 to index
    %swap3A_1836 = arith.index_cast %swap3A_1834 : i32 to index
    %swap3A_1837 = arith.constant 96 : index
    %swap3A_1838 = tpu.vector_load %arg7[%swap3A_1835, %swap3A_1836, %swap3A_1837] {strides = array<i32>} : memref<1x32x256xf32, #tpu.memory_space<vmem>>, vector<1x1x16xf32>,
    %swap3A_1839 = vector.shape_cast %swap3A_1838 : vector<1x1x16xf32> to vector<16xf32>
    %swap3A_1840 = vector.shape_cast %get3A_1608 : vector<16xf32> to vector<1x1x16xf32>
    tpu.vector_store %arg7[%swap3A_1835, %swap3A_1836, %swap3A_1837], %swap3A_1840 {strides = array<i32>} : memref<1x32x256xf32, #tpu.memory_space<vmem>>, vector<1x1x16xf32>,
    %swap3A_1841 = arith.constant 0 : i32
    %swap3A_1842 = arith.constant 29 : i32
    %swap3A_1843 = arith.index_cast %swap3A_1841 : i32 to index
    %swap3A_1844 = arith.index_cast %swap3A_1842 : i32 to index
    %swap3A_1845 = arith.constant 96 : index
    %swap3A_1846 = tpu.vector_load %arg7[%swap3A_1843, %swap3A_1844, %swap3A_1845] {strides = array<i32>} : memref<1x32x256xf32, #tpu.memory_space<vmem>>, vector<1x1x16xf32>,
    %swap3A_1847 = vector.shape_cast %swap3A_1846 : vector<1x1x16xf32> to vector<16xf32>
    %swap3A_1848 = vector.shape_cast %get3A_1608 : vector<16xf32> to vector<1x1x16xf32>
    tpu.vector_store %arg7[%swap3A_1843, %swap3A_1844, %swap3A_1845], %swap3A_1848 {strides = array<i32>} : memref<1x32x256xf32, #tpu.memory_space<vmem>>, vector<1x1x16xf32>,
    %swap3A_1849 = arith.constant 0 : i32
    %swap3A_1850 = arith.constant 30 : i32
    %swap3A_1851 = arith.index_cast %swap3A_1849 : i32 to index
    %swap3A_1852 = arith.index_cast %swap3A_1850 : i32 to index
    %swap3A_1853 = arith.constant 96 : index
    %swap3A_1854 = tpu.vector_load %arg7[%swap3A_1851, %swap3A_1852, %swap3A_1853] {strides = array<i32>} : memref<1x32x256xf32, #tpu.memory_space<vmem>>, vector<1x1x16xf32>,
    %swap3A_1855 = vector.shape_cast %swap3A_1854 : vector<1x1x16xf32> to vector<16xf32>
    %swap3A_1856 = vector.shape_cast %get3A_1608 : vector<16xf32> to vector<1x1x16xf32>
    tpu.vector_store %arg7[%swap3A_1851, %swap3A_1852, %swap3A_1853], %swap3A_1856 {strides = array<i32>} : memref<1x32x256xf32, #tpu.memory_space<vmem>>, vector<1x1x16xf32>,
    %swap3A_1857 = arith.constant 0 : i32
    %swap3A_1858 = arith.constant 31 : i32
    %swap3A_1859 = arith.index_cast %swap3A_1857 : i32 to index
    %swap3A_1860 = arith.index_cast %swap3A_1858 : i32 to index
    %swap3A_1861 = arith.constant 96 : index
    %swap3A_1862 = tpu.vector_load %arg7[%swap3A_1859, %swap3A_1860, %swap3A_1861] {strides = array<i32>} : memref<1x32x256xf32, #tpu.memory_space<vmem>>, vector<1x1x16xf32>,
    %swap3A_1863 = vector.shape_cast %swap3A_1862 : vector<1x1x16xf32> to vector<16xf32>
    %swap3A_1864 = vector.shape_cast %get3A_1608 : vector<16xf32> to vector<1x1x16xf32>
    tpu.vector_store %arg7[%swap3A_1859, %swap3A_1860, %swap3A_1861], %swap3A_1864 {strides = array<i32>} : memref<1x32x256xf32, #tpu.memory_space<vmem>>, vector<1x1x16xf32>,
    %get3A_1865 = arith.constant 0 : i32
    %get3A_1866 = arith.constant 0 : i32
    %get3A_1867 = arith.index_cast %get3A_1865 : i32 to index
    %get3A_1868 = arith.index_cast %get3A_1866 : i32 to index
    %get3A_1869 = arith.constant 112 : index
    %get3A_1870 = tpu.vector_load %arg6[%get3A_1867, %get3A_1868, %get3A_1869] {strides = array<i32>} : memref<1x1x256xf32, #tpu.memory_space<vmem>>, vector<1x1x16xf32>,
    %get3A_1871 = vector.shape_cast %get3A_1870 : vector<1x1x16xf32> to vector<16xf32>
    %swap3A_1872 = arith.constant 0 : i32
    %swap3A_1873 = arith.constant 0 : i32
    %swap3A_1874 = arith.index_cast %swap3A_1872 : i32 to index
    %swap3A_1875 = arith.index_cast %swap3A_1873 : i32 to index
    %swap3A_1876 = arith.constant 112 : index
    %swap3A_1877 = tpu.vector_load %arg7[%swap3A_1874, %swap3A_1875, %swap3A_1876] {strides = array<i32>} : memref<1x32x256xf32, #tpu.memory_space<vmem>>, vector<1x1x16xf32>,
    %swap3A_1878 = vector.shape_cast %swap3A_1877 : vector<1x1x16xf32> to vector<16xf32>
    %swap3A_1879 = vector.shape_cast %get3A_1871 : vector<16xf32> to vector<1x1x16xf32>
    tpu.vector_store %arg7[%swap3A_1874, %swap3A_1875, %swap3A_1876], %swap3A_1879 {strides = array<i32>} : memref<1x32x256xf32, #tpu.memory_space<vmem>>, vector<1x1x16xf32>,
    %swap3A_1880 = arith.constant 0 : i32
    %swap3A_1881 = arith.constant 1 : i32
    %swap3A_1882 = arith.index_cast %swap3A_1880 : i32 to index
    %swap3A_1883 = arith.index_cast %swap3A_1881 : i32 to index
    %swap3A_1884 = arith.constant 112 : index
    %swap3A_1885 = tpu.vector_load %arg7[%swap3A_1882, %swap3A_1883, %swap3A_1884] {strides = array<i32>} : memref<1x32x256xf32, #tpu.memory_space<vmem>>, vector<1x1x16xf32>,
    %swap3A_1886 = vector.shape_cast %swap3A_1885 : vector<1x1x16xf32> to vector<16xf32>
    %swap3A_1887 = vector.shape_cast %get3A_1871 : vector<16xf32> to vector<1x1x16xf32>
    tpu.vector_store %arg7[%swap3A_1882, %swap3A_1883, %swap3A_1884], %swap3A_1887 {strides = array<i32>} : memref<1x32x256xf32, #tpu.memory_space<vmem>>, vector<1x1x16xf32>,
    %swap3A_1888 = arith.constant 0 : i32
    %swap3A_1889 = arith.constant 2 : i32
    %swap3A_1890 = arith.index_cast %swap3A_1888 : i32 to index
    %swap3A_1891 = arith.index_cast %swap3A_1889 : i32 to index
    %swap3A_1892 = arith.constant 112 : index
    %swap3A_1893 = tpu.vector_load %arg7[%swap3A_1890, %swap3A_1891, %swap3A_1892] {strides = array<i32>} : memref<1x32x256xf32, #tpu.memory_space<vmem>>, vector<1x1x16xf32>,
    %swap3A_1894 = vector.shape_cast %swap3A_1893 : vector<1x1x16xf32> to vector<16xf32>
    %swap3A_1895 = vector.shape_cast %get3A_1871 : vector<16xf32> to vector<1x1x16xf32>
    tpu.vector_store %arg7[%swap3A_1890, %swap3A_1891, %swap3A_1892], %swap3A_1895 {strides = array<i32>} : memref<1x32x256xf32, #tpu.memory_space<vmem>>, vector<1x1x16xf32>,
    %swap3A_1896 = arith.constant 0 : i32
    %swap3A_1897 = arith.constant 3 : i32
    %swap3A_1898 = arith.index_cast %swap3A_1896 : i32 to index
    %swap3A_1899 = arith.index_cast %swap3A_1897 : i32 to index
    %swap3A_1900 = arith.constant 112 : index
    %swap3A_1901 = tpu.vector_load %arg7[%swap3A_1898, %swap3A_1899, %swap3A_1900] {strides = array<i32>} : memref<1x32x256xf32, #tpu.memory_space<vmem>>, vector<1x1x16xf32>,
    %swap3A_1902 = vector.shape_cast %swap3A_1901 : vector<1x1x16xf32> to vector<16xf32>
    %swap3A_1903 = vector.shape_cast %get3A_1871 : vector<16xf32> to vector<1x1x16xf32>
    tpu.vector_store %arg7[%swap3A_1898, %swap3A_1899, %swap3A_1900], %swap3A_1903 {strides = array<i32>} : memref<1x32x256xf32, #tpu.memory_space<vmem>>, vector<1x1x16xf32>,
    %swap3A_1904 = arith.constant 0 : i32
    %swap3A_1905 = arith.constant 4 : i32
    %swap3A_1906 = arith.index_cast %swap3A_1904 : i32 to index
    %swap3A_1907 = arith.index_cast %swap3A_1905 : i32 to index
    %swap3A_1908 = arith.constant 112 : index
    %swap3A_1909 = tpu.vector_load %arg7[%swap3A_1906, %swap3A_1907, %swap3A_1908] {strides = array<i32>} : memref<1x32x256xf32, #tpu.memory_space<vmem>>, vector<1x1x16xf32>,
    %swap3A_1910 = vector.shape_cast %swap3A_1909 : vector<1x1x16xf32> to vector<16xf32>
    %swap3A_1911 = vector.shape_cast %get3A_1871 : vector<16xf32> to vector<1x1x16xf32>
    tpu.vector_store %arg7[%swap3A_1906, %swap3A_1907, %swap3A_1908], %swap3A_1911 {strides = array<i32>} : memref<1x32x256xf32, #tpu.memory_space<vmem>>, vector<1x1x16xf32>,
    %swap3A_1912 = arith.constant 0 : i32
    %swap3A_1913 = arith.constant 5 : i32
    %swap3A_1914 = arith.index_cast %swap3A_1912 : i32 to index
    %swap3A_1915 = arith.index_cast %swap3A_1913 : i32 to index
    %swap3A_1916 = arith.constant 112 : index
    %swap3A_1917 = tpu.vector_load %arg7[%swap3A_1914, %swap3A_1915, %swap3A_1916] {strides = array<i32>} : memref<1x32x256xf32, #tpu.memory_space<vmem>>, vector<1x1x16xf32>,
    %swap3A_1918 = vector.shape_cast %swap3A_1917 : vector<1x1x16xf32> to vector<16xf32>
    %swap3A_1919 = vector.shape_cast %get3A_1871 : vector<16xf32> to vector<1x1x16xf32>
    tpu.vector_store %arg7[%swap3A_1914, %swap3A_1915, %swap3A_1916], %swap3A_1919 {strides = array<i32>} : memref<1x32x256xf32, #tpu.memory_space<vmem>>, vector<1x1x16xf32>,
    %swap3A_1920 = arith.constant 0 : i32
    %swap3A_1921 = arith.constant 6 : i32
    %swap3A_1922 = arith.index_cast %swap3A_1920 : i32 to index
    %swap3A_1923 = arith.index_cast %swap3A_1921 : i32 to index
    %swap3A_1924 = arith.constant 112 : index
    %swap3A_1925 = tpu.vector_load %arg7[%swap3A_1922, %swap3A_1923, %swap3A_1924] {strides = array<i32>} : memref<1x32x256xf32, #tpu.memory_space<vmem>>, vector<1x1x16xf32>,
    %swap3A_1926 = vector.shape_cast %swap3A_1925 : vector<1x1x16xf32> to vector<16xf32>
    %swap3A_1927 = vector.shape_cast %get3A_1871 : vector<16xf32> to vector<1x1x16xf32>
    tpu.vector_store %arg7[%swap3A_1922, %swap3A_1923, %swap3A_1924], %swap3A_1927 {strides = array<i32>} : memref<1x32x256xf32, #tpu.memory_space<vmem>>, vector<1x1x16xf32>,
    %swap3A_1928 = arith.constant 0 : i32
    %swap3A_1929 = arith.constant 7 : i32
    %swap3A_1930 = arith.index_cast %swap3A_1928 : i32 to index
    %swap3A_1931 = arith.index_cast %swap3A_1929 : i32 to index
    %swap3A_1932 = arith.constant 112 : index
    %swap3A_1933 = tpu.vector_load %arg7[%swap3A_1930, %swap3A_1931, %swap3A_1932] {strides = array<i32>} : memref<1x32x256xf32, #tpu.memory_space<vmem>>, vector<1x1x16xf32>,
    %swap3A_1934 = vector.shape_cast %swap3A_1933 : vector<1x1x16xf32> to vector<16xf32>
    %swap3A_1935 = vector.shape_cast %get3A_1871 : vector<16xf32> to vector<1x1x16xf32>
    tpu.vector_store %arg7[%swap3A_1930, %swap3A_1931, %swap3A_1932], %swap3A_1935 {strides = array<i32>} : memref<1x32x256xf32, #tpu.memory_space<vmem>>, vector<1x1x16xf32>,
    %swap3A_1936 = arith.constant 0 : i32
    %swap3A_1937 = arith.constant 8 : i32
    %swap3A_1938 = arith.index_cast %swap3A_1936 : i32 to index
    %swap3A_1939 = arith.index_cast %swap3A_1937 : i32 to index
    %swap3A_1940 = arith.constant 112 : index
    %swap3A_1941 = tpu.vector_load %arg7[%swap3A_1938, %swap3A_1939, %swap3A_1940] {strides = array<i32>} : memref<1x32x256xf32, #tpu.memory_space<vmem>>, vector<1x1x16xf32>,
    %swap3A_1942 = vector.shape_cast %swap3A_1941 : vector<1x1x16xf32> to vector<16xf32>
    %swap3A_1943 = vector.shape_cast %get3A_1871 : vector<16xf32> to vector<1x1x16xf32>
    tpu.vector_store %arg7[%swap3A_1938, %swap3A_1939, %swap3A_1940], %swap3A_1943 {strides = array<i32>} : memref<1x32x256xf32, #tpu.memory_space<vmem>>, vector<1x1x16xf32>,
    %swap3A_1944 = arith.constant 0 : i32
    %swap3A_1945 = arith.constant 9 : i32
    %swap3A_1946 = arith.index_cast %swap3A_1944 : i32 to index
    %swap3A_1947 = arith.index_cast %swap3A_1945 : i32 to index
    %swap3A_1948 = arith.constant 112 : index
    %swap3A_1949 = tpu.vector_load %arg7[%swap3A_1946, %swap3A_1947, %swap3A_1948] {strides = array<i32>} : memref<1x32x256xf32, #tpu.memory_space<vmem>>, vector<1x1x16xf32>,
    %swap3A_1950 = vector.shape_cast %swap3A_1949 : vector<1x1x16xf32> to vector<16xf32>
    %swap3A_1951 = vector.shape_cast %get3A_1871 : vector<16xf32> to vector<1x1x16xf32>
    tpu.vector_store %arg7[%swap3A_1946, %swap3A_1947, %swap3A_1948], %swap3A_1951 {strides = array<i32>} : memref<1x32x256xf32, #tpu.memory_space<vmem>>, vector<1x1x16xf32>,
    %swap3A_1952 = arith.constant 0 : i32
    %swap3A_1953 = arith.constant 10 : i32
    %swap3A_1954 = arith.index_cast %swap3A_1952 : i32 to index
    %swap3A_1955 = arith.index_cast %swap3A_1953 : i32 to index
    %swap3A_1956 = arith.constant 112 : index
    %swap3A_1957 = tpu.vector_load %arg7[%swap3A_1954, %swap3A_1955, %swap3A_1956] {strides = array<i32>} : memref<1x32x256xf32, #tpu.memory_space<vmem>>, vector<1x1x16xf32>,
    %swap3A_1958 = vector.shape_cast %swap3A_1957 : vector<1x1x16xf32> to vector<16xf32>
    %swap3A_1959 = vector.shape_cast %get3A_1871 : vector<16xf32> to vector<1x1x16xf32>
    tpu.vector_store %arg7[%swap3A_1954, %swap3A_1955, %swap3A_1956], %swap3A_1959 {strides = array<i32>} : memref<1x32x256xf32, #tpu.memory_space<vmem>>, vector<1x1x16xf32>,
    %swap3A_1960 = arith.constant 0 : i32
    %swap3A_1961 = arith.constant 11 : i32
    %swap3A_1962 = arith.index_cast %swap3A_1960 : i32 to index
    %swap3A_1963 = arith.index_cast %swap3A_1961 : i32 to index
    %swap3A_1964 = arith.constant 112 : index
    %swap3A_1965 = tpu.vector_load %arg7[%swap3A_1962, %swap3A_1963, %swap3A_1964] {strides = array<i32>} : memref<1x32x256xf32, #tpu.memory_space<vmem>>, vector<1x1x16xf32>,
    %swap3A_1966 = vector.shape_cast %swap3A_1965 : vector<1x1x16xf32> to vector<16xf32>
    %swap3A_1967 = vector.shape_cast %get3A_1871 : vector<16xf32> to vector<1x1x16xf32>
    tpu.vector_store %arg7[%swap3A_1962, %swap3A_1963, %swap3A_1964], %swap3A_1967 {strides = array<i32>} : memref<1x32x256xf32, #tpu.memory_space<vmem>>, vector<1x1x16xf32>,
    %swap3A_1968 = arith.constant 0 : i32
    %swap3A_1969 = arith.constant 12 : i32
    %swap3A_1970 = arith.index_cast %swap3A_1968 : i32 to index
    %swap3A_1971 = arith.index_cast %swap3A_1969 : i32 to index
    %swap3A_1972 = arith.constant 112 : index
    %swap3A_1973 = tpu.vector_load %arg7[%swap3A_1970, %swap3A_1971, %swap3A_1972] {strides = array<i32>} : memref<1x32x256xf32, #tpu.memory_space<vmem>>, vector<1x1x16xf32>,
    %swap3A_1974 = vector.shape_cast %swap3A_1973 : vector<1x1x16xf32> to vector<16xf32>
    %swap3A_1975 = vector.shape_cast %get3A_1871 : vector<16xf32> to vector<1x1x16xf32>
    tpu.vector_store %arg7[%swap3A_1970, %swap3A_1971, %swap3A_1972], %swap3A_1975 {strides = array<i32>} : memref<1x32x256xf32, #tpu.memory_space<vmem>>, vector<1x1x16xf32>,
    %swap3A_1976 = arith.constant 0 : i32
    %swap3A_1977 = arith.constant 13 : i32
    %swap3A_1978 = arith.index_cast %swap3A_1976 : i32 to index
    %swap3A_1979 = arith.index_cast %swap3A_1977 : i32 to index
    %swap3A_1980 = arith.constant 112 : index
    %swap3A_1981 = tpu.vector_load %arg7[%swap3A_1978, %swap3A_1979, %swap3A_1980] {strides = array<i32>} : memref<1x32x256xf32, #tpu.memory_space<vmem>>, vector<1x1x16xf32>,
    %swap3A_1982 = vector.shape_cast %swap3A_1981 : vector<1x1x16xf32> to vector<16xf32>
    %swap3A_1983 = vector.shape_cast %get3A_1871 : vector<16xf32> to vector<1x1x16xf32>
    tpu.vector_store %arg7[%swap3A_1978, %swap3A_1979, %swap3A_1980], %swap3A_1983 {strides = array<i32>} : memref<1x32x256xf32, #tpu.memory_space<vmem>>, vector<1x1x16xf32>,
    %swap3A_1984 = arith.constant 0 : i32
    %swap3A_1985 = arith.constant 14 : i32
    %swap3A_1986 = arith.index_cast %swap3A_1984 : i32 to index
    %swap3A_1987 = arith.index_cast %swap3A_1985 : i32 to index
    %swap3A_1988 = arith.constant 112 : index
    %swap3A_1989 = tpu.vector_load %arg7[%swap3A_1986, %swap3A_1987, %swap3A_1988] {strides = array<i32>} : memref<1x32x256xf32, #tpu.memory_space<vmem>>, vector<1x1x16xf32>,
    %swap3A_1990 = vector.shape_cast %swap3A_1989 : vector<1x1x16xf32> to vector<16xf32>
    %swap3A_1991 = vector.shape_cast %get3A_1871 : vector<16xf32> to vector<1x1x16xf32>
    tpu.vector_store %arg7[%swap3A_1986, %swap3A_1987, %swap3A_1988], %swap3A_1991 {strides = array<i32>} : memref<1x32x256xf32, #tpu.memory_space<vmem>>, vector<1x1x16xf32>,
    %swap3A_1992 = arith.constant 0 : i32
    %swap3A_1993 = arith.constant 15 : i32
    %swap3A_1994 = arith.index_cast %swap3A_1992 : i32 to index
    %swap3A_1995 = arith.index_cast %swap3A_1993 : i32 to index
    %swap3A_1996 = arith.constant 112 : index
    %swap3A_1997 = tpu.vector_load %arg7[%swap3A_1994, %swap3A_1995, %swap3A_1996] {strides = array<i32>} : memref<1x32x256xf32, #tpu.memory_space<vmem>>, vector<1x1x16xf32>,
    %swap3A_1998 = vector.shape_cast %swap3A_1997 : vector<1x1x16xf32> to vector<16xf32>
    %swap3A_1999 = vector.shape_cast %get3A_1871 : vector<16xf32> to vector<1x1x16xf32>
    tpu.vector_store %arg7[%swap3A_1994, %swap3A_1995, %swap3A_1996], %swap3A_1999 {strides = array<i32>} : memref<1x32x256xf32, #tpu.memory_space<vmem>>, vector<1x1x16xf32>,
    %swap3A_2000 = arith.constant 0 : i32
    %swap3A_2001 = arith.constant 16 : i32
    %swap3A_2002 = arith.index_cast %swap3A_2000 : i32 to index
    %swap3A_2003 = arith.index_cast %swap3A_2001 : i32 to index
    %swap3A_2004 = arith.constant 112 : index
    %swap3A_2005 = tpu.vector_load %arg7[%swap3A_2002, %swap3A_2003, %swap3A_2004] {strides = array<i32>} : memref<1x32x256xf32, #tpu.memory_space<vmem>>, vector<1x1x16xf32>,
    %swap3A_2006 = vector.shape_cast %swap3A_2005 : vector<1x1x16xf32> to vector<16xf32>
    %swap3A_2007 = vector.shape_cast %get3A_1871 : vector<16xf32> to vector<1x1x16xf32>
    tpu.vector_store %arg7[%swap3A_2002, %swap3A_2003, %swap3A_2004], %swap3A_2007 {strides = array<i32>} : memref<1x32x256xf32, #tpu.memory_space<vmem>>, vector<1x1x16xf32>,
    %swap3A_2008 = arith.constant 0 : i32
    %swap3A_2009 = arith.constant 17 : i32
    %swap3A_2010 = arith.index_cast %swap3A_2008 : i32 to index
    %swap3A_2011 = arith.index_cast %swap3A_2009 : i32 to index
    %swap3A_2012 = arith.constant 112 : index
    %swap3A_2013 = tpu.vector_load %arg7[%swap3A_2010, %swap3A_2011, %swap3A_2012] {strides = array<i32>} : memref<1x32x256xf32, #tpu.memory_space<vmem>>, vector<1x1x16xf32>,
    %swap3A_2014 = vector.shape_cast %swap3A_2013 : vector<1x1x16xf32> to vector<16xf32>
    %swap3A_2015 = vector.shape_cast %get3A_1871 : vector<16xf32> to vector<1x1x16xf32>
    tpu.vector_store %arg7[%swap3A_2010, %swap3A_2011, %swap3A_2012], %swap3A_2015 {strides = array<i32>} : memref<1x32x256xf32, #tpu.memory_space<vmem>>, vector<1x1x16xf32>,
    %swap3A_2016 = arith.constant 0 : i32
    %swap3A_2017 = arith.constant 18 : i32
    %swap3A_2018 = arith.index_cast %swap3A_2016 : i32 to index
    %swap3A_2019 = arith.index_cast %swap3A_2017 : i32 to index
    %swap3A_2020 = arith.constant 112 : index
    %swap3A_2021 = tpu.vector_load %arg7[%swap3A_2018, %swap3A_2019, %swap3A_2020] {strides = array<i32>} : memref<1x32x256xf32, #tpu.memory_space<vmem>>, vector<1x1x16xf32>,
    %swap3A_2022 = vector.shape_cast %swap3A_2021 : vector<1x1x16xf32> to vector<16xf32>
    %swap3A_2023 = vector.shape_cast %get3A_1871 : vector<16xf32> to vector<1x1x16xf32>
    tpu.vector_store %arg7[%swap3A_2018, %swap3A_2019, %swap3A_2020], %swap3A_2023 {strides = array<i32>} : memref<1x32x256xf32, #tpu.memory_space<vmem>>, vector<1x1x16xf32>,
    %swap3A_2024 = arith.constant 0 : i32
    %swap3A_2025 = arith.constant 19 : i32
    %swap3A_2026 = arith.index_cast %swap3A_2024 : i32 to index
    %swap3A_2027 = arith.index_cast %swap3A_2025 : i32 to index
    %swap3A_2028 = arith.constant 112 : index
    %swap3A_2029 = tpu.vector_load %arg7[%swap3A_2026, %swap3A_2027, %swap3A_2028] {strides = array<i32>} : memref<1x32x256xf32, #tpu.memory_space<vmem>>, vector<1x1x16xf32>,
    %swap3A_2030 = vector.shape_cast %swap3A_2029 : vector<1x1x16xf32> to vector<16xf32>
    %swap3A_2031 = vector.shape_cast %get3A_1871 : vector<16xf32> to vector<1x1x16xf32>
    tpu.vector_store %arg7[%swap3A_2026, %swap3A_2027, %swap3A_2028], %swap3A_2031 {strides = array<i32>} : memref<1x32x256xf32, #tpu.memory_space<vmem>>, vector<1x1x16xf32>,
    %swap3A_2032 = arith.constant 0 : i32
    %swap3A_2033 = arith.constant 20 : i32
    %swap3A_2034 = arith.index_cast %swap3A_2032 : i32 to index
    %swap3A_2035 = arith.index_cast %swap3A_2033 : i32 to index
    %swap3A_2036 = arith.constant 112 : index
    %swap3A_2037 = tpu.vector_load %arg7[%swap3A_2034, %swap3A_2035, %swap3A_2036] {strides = array<i32>} : memref<1x32x256xf32, #tpu.memory_space<vmem>>, vector<1x1x16xf32>,
    %swap3A_2038 = vector.shape_cast %swap3A_2037 : vector<1x1x16xf32> to vector<16xf32>
    %swap3A_2039 = vector.shape_cast %get3A_1871 : vector<16xf32> to vector<1x1x16xf32>
    tpu.vector_store %arg7[%swap3A_2034, %swap3A_2035, %swap3A_2036], %swap3A_2039 {strides = array<i32>} : memref<1x32x256xf32, #tpu.memory_space<vmem>>, vector<1x1x16xf32>,
    %swap3A_2040 = arith.constant 0 : i32
    %swap3A_2041 = arith.constant 21 : i32
    %swap3A_2042 = arith.index_cast %swap3A_2040 : i32 to index
    %swap3A_2043 = arith.index_cast %swap3A_2041 : i32 to index
    %swap3A_2044 = arith.constant 112 : index
    %swap3A_2045 = tpu.vector_load %arg7[%swap3A_2042, %swap3A_2043, %swap3A_2044] {strides = array<i32>} : memref<1x32x256xf32, #tpu.memory_space<vmem>>, vector<1x1x16xf32>,
    %swap3A_2046 = vector.shape_cast %swap3A_2045 : vector<1x1x16xf32> to vector<16xf32>
    %swap3A_2047 = vector.shape_cast %get3A_1871 : vector<16xf32> to vector<1x1x16xf32>
    tpu.vector_store %arg7[%swap3A_2042, %swap3A_2043, %swap3A_2044], %swap3A_2047 {strides = array<i32>} : memref<1x32x256xf32, #tpu.memory_space<vmem>>, vector<1x1x16xf32>,
    %swap3A_2048 = arith.constant 0 : i32
    %swap3A_2049 = arith.constant 22 : i32
    %swap3A_2050 = arith.index_cast %swap3A_2048 : i32 to index
    %swap3A_2051 = arith.index_cast %swap3A_2049 : i32 to index
    %swap3A_2052 = arith.constant 112 : index
    %swap3A_2053 = tpu.vector_load %arg7[%swap3A_2050, %swap3A_2051, %swap3A_2052] {strides = array<i32>} : memref<1x32x256xf32, #tpu.memory_space<vmem>>, vector<1x1x16xf32>,
    %swap3A_2054 = vector.shape_cast %swap3A_2053 : vector<1x1x16xf32> to vector<16xf32>
    %swap3A_2055 = vector.shape_cast %get3A_1871 : vector<16xf32> to vector<1x1x16xf32>
    tpu.vector_store %arg7[%swap3A_2050, %swap3A_2051, %swap3A_2052], %swap3A_2055 {strides = array<i32>} : memref<1x32x256xf32, #tpu.memory_space<vmem>>, vector<1x1x16xf32>,
    %swap3A_2056 = arith.constant 0 : i32
    %swap3A_2057 = arith.constant 23 : i32
    %swap3A_2058 = arith.index_cast %swap3A_2056 : i32 to index
    %swap3A_2059 = arith.index_cast %swap3A_2057 : i32 to index
    %swap3A_2060 = arith.constant 112 : index
    %swap3A_2061 = tpu.vector_load %arg7[%swap3A_2058, %swap3A_2059, %swap3A_2060] {strides = array<i32>} : memref<1x32x256xf32, #tpu.memory_space<vmem>>, vector<1x1x16xf32>,
    %swap3A_2062 = vector.shape_cast %swap3A_2061 : vector<1x1x16xf32> to vector<16xf32>
    %swap3A_2063 = vector.shape_cast %get3A_1871 : vector<16xf32> to vector<1x1x16xf32>
    tpu.vector_store %arg7[%swap3A_2058, %swap3A_2059, %swap3A_2060], %swap3A_2063 {strides = array<i32>} : memref<1x32x256xf32, #tpu.memory_space<vmem>>, vector<1x1x16xf32>,
    %swap3A_2064 = arith.constant 0 : i32
    %swap3A_2065 = arith.constant 24 : i32
    %swap3A_2066 = arith.index_cast %swap3A_2064 : i32 to index
    %swap3A_2067 = arith.index_cast %swap3A_2065 : i32 to index
    %swap3A_2068 = arith.constant 112 : index
    %swap3A_2069 = tpu.vector_load %arg7[%swap3A_2066, %swap3A_2067, %swap3A_2068] {strides = array<i32>} : memref<1x32x256xf32, #tpu.memory_space<vmem>>, vector<1x1x16xf32>,
    %swap3A_2070 = vector.shape_cast %swap3A_2069 : vector<1x1x16xf32> to vector<16xf32>
    %swap3A_2071 = vector.shape_cast %get3A_1871 : vector<16xf32> to vector<1x1x16xf32>
    tpu.vector_store %arg7[%swap3A_2066, %swap3A_2067, %swap3A_2068], %swap3A_2071 {strides = array<i32>} : memref<1x32x256xf32, #tpu.memory_space<vmem>>, vector<1x1x16xf32>,
    %swap3A_2072 = arith.constant 0 : i32
    %swap3A_2073 = arith.constant 25 : i32
    %swap3A_2074 = arith.index_cast %swap3A_2072 : i32 to index
    %swap3A_2075 = arith.index_cast %swap3A_2073 : i32 to index
    %swap3A_2076 = arith.constant 112 : index
    %swap3A_2077 = tpu.vector_load %arg7[%swap3A_2074, %swap3A_2075, %swap3A_2076] {strides = array<i32>} : memref<1x32x256xf32, #tpu.memory_space<vmem>>, vector<1x1x16xf32>,
    %swap3A_2078 = vector.shape_cast %swap3A_2077 : vector<1x1x16xf32> to vector<16xf32>
    %swap3A_2079 = vector.shape_cast %get3A_1871 : vector<16xf32> to vector<1x1x16xf32>
    tpu.vector_store %arg7[%swap3A_2074, %swap3A_2075, %swap3A_2076], %swap3A_2079 {strides = array<i32>} : memref<1x32x256xf32, #tpu.memory_space<vmem>>, vector<1x1x16xf32>,
    %swap3A_2080 = arith.constant 0 : i32
    %swap3A_2081 = arith.constant 26 : i32
    %swap3A_2082 = arith.index_cast %swap3A_2080 : i32 to index
    %swap3A_2083 = arith.index_cast %swap3A_2081 : i32 to index
    %swap3A_2084 = arith.constant 112 : index
    %swap3A_2085 = tpu.vector_load %arg7[%swap3A_2082, %swap3A_2083, %swap3A_2084] {strides = array<i32>} : memref<1x32x256xf32, #tpu.memory_space<vmem>>, vector<1x1x16xf32>,
    %swap3A_2086 = vector.shape_cast %swap3A_2085 : vector<1x1x16xf32> to vector<16xf32>
    %swap3A_2087 = vector.shape_cast %get3A_1871 : vector<16xf32> to vector<1x1x16xf32>
    tpu.vector_store %arg7[%swap3A_2082, %swap3A_2083, %swap3A_2084], %swap3A_2087 {strides = array<i32>} : memref<1x32x256xf32, #tpu.memory_space<vmem>>, vector<1x1x16xf32>,
    %swap3A_2088 = arith.constant 0 : i32
    %swap3A_2089 = arith.constant 27 : i32
    %swap3A_2090 = arith.index_cast %swap3A_2088 : i32 to index
    %swap3A_2091 = arith.index_cast %swap3A_2089 : i32 to index
    %swap3A_2092 = arith.constant 112 : index
    %swap3A_2093 = tpu.vector_load %arg7[%swap3A_2090, %swap3A_2091, %swap3A_2092] {strides = array<i32>} : memref<1x32x256xf32, #tpu.memory_space<vmem>>, vector<1x1x16xf32>,
    %swap3A_2094 = vector.shape_cast %swap3A_2093 : vector<1x1x16xf32> to vector<16xf32>
    %swap3A_2095 = vector.shape_cast %get3A_1871 : vector<16xf32> to vector<1x1x16xf32>
    tpu.vector_store %arg7[%swap3A_2090, %swap3A_2091, %swap3A_2092], %swap3A_2095 {strides = array<i32>} : memref<1x32x256xf32, #tpu.memory_space<vmem>>, vector<1x1x16xf32>,
    %swap3A_2096 = arith.constant 0 : i32
    %swap3A_2097 = arith.constant 28 : i32
    %swap3A_2098 = arith.index_cast %swap3A_2096 : i32 to index
    %swap3A_2099 = arith.index_cast %swap3A_2097 : i32 to index
    %swap3A_2100 = arith.constant 112 : index
    %swap3A_2101 = tpu.vector_load %arg7[%swap3A_2098, %swap3A_2099, %swap3A_2100] {strides = array<i32>} : memref<1x32x256xf32, #tpu.memory_space<vmem>>, vector<1x1x16xf32>,
    %swap3A_2102 = vector.shape_cast %swap3A_2101 : vector<1x1x16xf32> to vector<16xf32>
    %swap3A_2103 = vector.shape_cast %get3A_1871 : vector<16xf32> to vector<1x1x16xf32>
    tpu.vector_store %arg7[%swap3A_2098, %swap3A_2099, %swap3A_2100], %swap3A_2103 {strides = array<i32>} : memref<1x32x256xf32, #tpu.memory_space<vmem>>, vector<1x1x16xf32>,
    %swap3A_2104 = arith.constant 0 : i32
    %swap3A_2105 = arith.constant 29 : i32
    %swap3A_2106 = arith.index_cast %swap3A_2104 : i32 to index
    %swap3A_2107 = arith.index_cast %swap3A_2105 : i32 to index
    %swap3A_2108 = arith.constant 112 : index
    %swap3A_2109 = tpu.vector_load %arg7[%swap3A_2106, %swap3A_2107, %swap3A_2108] {strides = array<i32>} : memref<1x32x256xf32, #tpu.memory_space<vmem>>, vector<1x1x16xf32>,
    %swap3A_2110 = vector.shape_cast %swap3A_2109 : vector<1x1x16xf32> to vector<16xf32>
    %swap3A_2111 = vector.shape_cast %get3A_1871 : vector<16xf32> to vector<1x1x16xf32>
    tpu.vector_store %arg7[%swap3A_2106, %swap3A_2107, %swap3A_2108], %swap3A_2111 {strides = array<i32>} : memref<1x32x256xf32, #tpu.memory_space<vmem>>, vector<1x1x16xf32>,
    %swap3A_2112 = arith.constant 0 : i32
    %swap3A_2113 = arith.constant 30 : i32
    %swap3A_2114 = arith.index_cast %swap3A_2112 : i32 to index
    %swap3A_2115 = arith.index_cast %swap3A_2113 : i32 to index
    %swap3A_2116 = arith.constant 112 : index
    %swap3A_2117 = tpu.vector_load %arg7[%swap3A_2114, %swap3A_2115, %swap3A_2116] {strides = array<i32>} : memref<1x32x256xf32, #tpu.memory_space<vmem>>, vector<1x1x16xf32>,
    %swap3A_2118 = vector.shape_cast %swap3A_2117 : vector<1x1x16xf32> to vector<16xf32>
    %swap3A_2119 = vector.shape_cast %get3A_1871 : vector<16xf32> to vector<1x1x16xf32>
    tpu.vector_store %arg7[%swap3A_2114, %swap3A_2115, %swap3A_2116], %swap3A_2119 {strides = array<i32>} : memref<1x32x256xf32, #tpu.memory_space<vmem>>, vector<1x1x16xf32>,
    %swap3A_2120 = arith.constant 0 : i32
    %swap3A_2121 = arith.constant 31 : i32
    %swap3A_2122 = arith.index_cast %swap3A_2120 : i32 to index
    %swap3A_2123 = arith.index_cast %swap3A_2121 : i32 to index
    %swap3A_2124 = arith.constant 112 : index
    %swap3A_2125 = tpu.vector_load %arg7[%swap3A_2122, %swap3A_2123, %swap3A_2124] {strides = array<i32>} : memref<1x32x256xf32, #tpu.memory_space<vmem>>, vector<1x1x16xf32>,
    %swap3A_2126 = vector.shape_cast %swap3A_2125 : vector<1x1x16xf32> to vector<16xf32>
    %swap3A_2127 = vector.shape_cast %get3A_1871 : vector<16xf32> to vector<1x1x16xf32>
    tpu.vector_store %arg7[%swap3A_2122, %swap3A_2123, %swap3A_2124], %swap3A_2127 {strides = array<i32>} : memref<1x32x256xf32, #tpu.memory_space<vmem>>, vector<1x1x16xf32>,
    %get3A_2128 = arith.constant 0 : i32
    %get3A_2129 = arith.constant 0 : i32
    %get3A_2130 = arith.index_cast %get3A_2128 : i32 to index
    %get3A_2131 = arith.index_cast %get3A_2129 : i32 to index
    %get3A_2132 = arith.constant 128 : index
    %get3A_2133 = tpu.vector_load %arg6[%get3A_2130, %get3A_2131, %get3A_2132] {strides = array<i32>} : memref<1x1x256xf32, #tpu.memory_space<vmem>>, vector<1x1x16xf32>,
    %get3A_2134 = vector.shape_cast %get3A_2133 : vector<1x1x16xf32> to vector<16xf32>
    %swap3A_2135 = arith.constant 0 : i32
    %swap3A_2136 = arith.constant 0 : i32
    %swap3A_2137 = arith.index_cast %swap3A_2135 : i32 to index
    %swap3A_2138 = arith.index_cast %swap3A_2136 : i32 to index
    %swap3A_2139 = arith.constant 128 : index
    %swap3A_2140 = tpu.vector_load %arg7[%swap3A_2137, %swap3A_2138, %swap3A_2139] {strides = array<i32>} : memref<1x32x256xf32, #tpu.memory_space<vmem>>, vector<1x1x16xf32>,
    %swap3A_2141 = vector.shape_cast %swap3A_2140 : vector<1x1x16xf32> to vector<16xf32>
    %swap3A_2142 = vector.shape_cast %get3A_2134 : vector<16xf32> to vector<1x1x16xf32>
    tpu.vector_store %arg7[%swap3A_2137, %swap3A_2138, %swap3A_2139], %swap3A_2142 {strides = array<i32>} : memref<1x32x256xf32, #tpu.memory_space<vmem>>, vector<1x1x16xf32>,
    %swap3A_2143 = arith.constant 0 : i32
    %swap3A_2144 = arith.constant 1 : i32
    %swap3A_2145 = arith.index_cast %swap3A_2143 : i32 to index
    %swap3A_2146 = arith.index_cast %swap3A_2144 : i32 to index
    %swap3A_2147 = arith.constant 128 : index
    %swap3A_2148 = tpu.vector_load %arg7[%swap3A_2145, %swap3A_2146, %swap3A_2147] {strides = array<i32>} : memref<1x32x256xf32, #tpu.memory_space<vmem>>, vector<1x1x16xf32>,
    %swap3A_2149 = vector.shape_cast %swap3A_2148 : vector<1x1x16xf32> to vector<16xf32>
    %swap3A_2150 = vector.shape_cast %get3A_2134 : vector<16xf32> to vector<1x1x16xf32>
    tpu.vector_store %arg7[%swap3A_2145, %swap3A_2146, %swap3A_2147], %swap3A_2150 {strides = array<i32>} : memref<1x32x256xf32, #tpu.memory_space<vmem>>, vector<1x1x16xf32>,
    %swap3A_2151 = arith.constant 0 : i32
    %swap3A_2152 = arith.constant 2 : i32
    %swap3A_2153 = arith.index_cast %swap3A_2151 : i32 to index
    %swap3A_2154 = arith.index_cast %swap3A_2152 : i32 to index
    %swap3A_2155 = arith.constant 128 : index
    %swap3A_2156 = tpu.vector_load %arg7[%swap3A_2153, %swap3A_2154, %swap3A_2155] {strides = array<i32>} : memref<1x32x256xf32, #tpu.memory_space<vmem>>, vector<1x1x16xf32>,
    %swap3A_2157 = vector.shape_cast %swap3A_2156 : vector<1x1x16xf32> to vector<16xf32>
    %swap3A_2158 = vector.shape_cast %get3A_2134 : vector<16xf32> to vector<1x1x16xf32>
    tpu.vector_store %arg7[%swap3A_2153, %swap3A_2154, %swap3A_2155], %swap3A_2158 {strides = array<i32>} : memref<1x32x256xf32, #tpu.memory_space<vmem>>, vector<1x1x16xf32>,
    %swap3A_2159 = arith.constant 0 : i32
    %swap3A_2160 = arith.constant 3 : i32
    %swap3A_2161 = arith.index_cast %swap3A_2159 : i32 to index
    %swap3A_2162 = arith.index_cast %swap3A_2160 : i32 to index
    %swap3A_2163 = arith.constant 128 : index
    %swap3A_2164 = tpu.vector_load %arg7[%swap3A_2161, %swap3A_2162, %swap3A_2163] {strides = array<i32>} : memref<1x32x256xf32, #tpu.memory_space<vmem>>, vector<1x1x16xf32>,
    %swap3A_2165 = vector.shape_cast %swap3A_2164 : vector<1x1x16xf32> to vector<16xf32>
    %swap3A_2166 = vector.shape_cast %get3A_2134 : vector<16xf32> to vector<1x1x16xf32>
    tpu.vector_store %arg7[%swap3A_2161, %swap3A_2162, %swap3A_2163], %swap3A_2166 {strides = array<i32>} : memref<1x32x256xf32, #tpu.memory_space<vmem>>, vector<1x1x16xf32>,
    %swap3A_2167 = arith.constant 0 : i32
    %swap3A_2168 = arith.constant 4 : i32
    %swap3A_2169 = arith.index_cast %swap3A_2167 : i32 to index
    %swap3A_2170 = arith.index_cast %swap3A_2168 : i32 to index
    %swap3A_2171 = arith.constant 128 : index
    %swap3A_2172 = tpu.vector_load %arg7[%swap3A_2169, %swap3A_2170, %swap3A_2171] {strides = array<i32>} : memref<1x32x256xf32, #tpu.memory_space<vmem>>, vector<1x1x16xf32>,
    %swap3A_2173 = vector.shape_cast %swap3A_2172 : vector<1x1x16xf32> to vector<16xf32>
    %swap3A_2174 = vector.shape_cast %get3A_2134 : vector<16xf32> to vector<1x1x16xf32>
    tpu.vector_store %arg7[%swap3A_2169, %swap3A_2170, %swap3A_2171], %swap3A_2174 {strides = array<i32>} : memref<1x32x256xf32, #tpu.memory_space<vmem>>, vector<1x1x16xf32>,
    %swap3A_2175 = arith.constant 0 : i32
    %swap3A_2176 = arith.constant 5 : i32
    %swap3A_2177 = arith.index_cast %swap3A_2175 : i32 to index
    %swap3A_2178 = arith.index_cast %swap3A_2176 : i32 to index
    %swap3A_2179 = arith.constant 128 : index
    %swap3A_2180 = tpu.vector_load %arg7[%swap3A_2177, %swap3A_2178, %swap3A_2179] {strides = array<i32>} : memref<1x32x256xf32, #tpu.memory_space<vmem>>, vector<1x1x16xf32>,
    %swap3A_2181 = vector.shape_cast %swap3A_2180 : vector<1x1x16xf32> to vector<16xf32>
    %swap3A_2182 = vector.shape_cast %get3A_2134 : vector<16xf32> to vector<1x1x16xf32>
    tpu.vector_store %arg7[%swap3A_2177, %swap3A_2178, %swap3A_2179], %swap3A_2182 {strides = array<i32>} : memref<1x32x256xf32, #tpu.memory_space<vmem>>, vector<1x1x16xf32>,
    %swap3A_2183 = arith.constant 0 : i32
    %swap3A_2184 = arith.constant 6 : i32
    %swap3A_2185 = arith.index_cast %swap3A_2183 : i32 to index
    %swap3A_2186 = arith.index_cast %swap3A_2184 : i32 to index
    %swap3A_2187 = arith.constant 128 : index
    %swap3A_2188 = tpu.vector_load %arg7[%swap3A_2185, %swap3A_2186, %swap3A_2187] {strides = array<i32>} : memref<1x32x256xf32, #tpu.memory_space<vmem>>, vector<1x1x16xf32>,
    %swap3A_2189 = vector.shape_cast %swap3A_2188 : vector<1x1x16xf32> to vector<16xf32>
    %swap3A_2190 = vector.shape_cast %get3A_2134 : vector<16xf32> to vector<1x1x16xf32>
    tpu.vector_store %arg7[%swap3A_2185, %swap3A_2186, %swap3A_2187], %swap3A_2190 {strides = array<i32>} : memref<1x32x256xf32, #tpu.memory_space<vmem>>, vector<1x1x16xf32>,
    %swap3A_2191 = arith.constant 0 : i32
    %swap3A_2192 = arith.constant 7 : i32
    %swap3A_2193 = arith.index_cast %swap3A_2191 : i32 to index
    %swap3A_2194 = arith.index_cast %swap3A_2192 : i32 to index
    %swap3A_2195 = arith.constant 128 : index
    %swap3A_2196 = tpu.vector_load %arg7[%swap3A_2193, %swap3A_2194, %swap3A_2195] {strides = array<i32>} : memref<1x32x256xf32, #tpu.memory_space<vmem>>, vector<1x1x16xf32>,
    %swap3A_2197 = vector.shape_cast %swap3A_2196 : vector<1x1x16xf32> to vector<16xf32>
    %swap3A_2198 = vector.shape_cast %get3A_2134 : vector<16xf32> to vector<1x1x16xf32>
    tpu.vector_store %arg7[%swap3A_2193, %swap3A_2194, %swap3A_2195], %swap3A_2198 {strides = array<i32>} : memref<1x32x256xf32, #tpu.memory_space<vmem>>, vector<1x1x16xf32>,
    %swap3A_2199 = arith.constant 0 : i32
    %swap3A_2200 = arith.constant 8 : i32
    %swap3A_2201 = arith.index_cast %swap3A_2199 : i32 to index
    %swap3A_2202 = arith.index_cast %swap3A_2200 : i32 to index
    %swap3A_2203 = arith.constant 128 : index
    %swap3A_2204 = tpu.vector_load %arg7[%swap3A_2201, %swap3A_2202, %swap3A_2203] {strides = array<i32>} : memref<1x32x256xf32, #tpu.memory_space<vmem>>, vector<1x1x16xf32>,
    %swap3A_2205 = vector.shape_cast %swap3A_2204 : vector<1x1x16xf32> to vector<16xf32>
    %swap3A_2206 = vector.shape_cast %get3A_2134 : vector<16xf32> to vector<1x1x16xf32>
    tpu.vector_store %arg7[%swap3A_2201, %swap3A_2202, %swap3A_2203], %swap3A_2206 {strides = array<i32>} : memref<1x32x256xf32, #tpu.memory_space<vmem>>, vector<1x1x16xf32>,
    %swap3A_2207 = arith.constant 0 : i32
    %swap3A_2208 = arith.constant 9 : i32
    %swap3A_2209 = arith.index_cast %swap3A_2207 : i32 to index
    %swap3A_2210 = arith.index_cast %swap3A_2208 : i32 to index
    %swap3A_2211 = arith.constant 128 : index
    %swap3A_2212 = tpu.vector_load %arg7[%swap3A_2209, %swap3A_2210, %swap3A_2211] {strides = array<i32>} : memref<1x32x256xf32, #tpu.memory_space<vmem>>, vector<1x1x16xf32>,
    %swap3A_2213 = vector.shape_cast %swap3A_2212 : vector<1x1x16xf32> to vector<16xf32>
    %swap3A_2214 = vector.shape_cast %get3A_2134 : vector<16xf32> to vector<1x1x16xf32>
    tpu.vector_store %arg7[%swap3A_2209, %swap3A_2210, %swap3A_2211], %swap3A_2214 {strides = array<i32>} : memref<1x32x256xf32, #tpu.memory_space<vmem>>, vector<1x1x16xf32>,
    %swap3A_2215 = arith.constant 0 : i32
    %swap3A_2216 = arith.constant 10 : i32
    %swap3A_2217 = arith.index_cast %swap3A_2215 : i32 to index
    %swap3A_2218 = arith.index_cast %swap3A_2216 : i32 to index
    %swap3A_2219 = arith.constant 128 : index
    %swap3A_2220 = tpu.vector_load %arg7[%swap3A_2217, %swap3A_2218, %swap3A_2219] {strides = array<i32>} : memref<1x32x256xf32, #tpu.memory_space<vmem>>, vector<1x1x16xf32>,
    %swap3A_2221 = vector.shape_cast %swap3A_2220 : vector<1x1x16xf32> to vector<16xf32>
    %swap3A_2222 = vector.shape_cast %get3A_2134 : vector<16xf32> to vector<1x1x16xf32>
    tpu.vector_store %arg7[%swap3A_2217, %swap3A_2218, %swap3A_2219], %swap3A_2222 {strides = array<i32>} : memref<1x32x256xf32, #tpu.memory_space<vmem>>, vector<1x1x16xf32>,
    %swap3A_2223 = arith.constant 0 : i32
    %swap3A_2224 = arith.constant 11 : i32
    %swap3A_2225 = arith.index_cast %swap3A_2223 : i32 to index
    %swap3A_2226 = arith.index_cast %swap3A_2224 : i32 to index
    %swap3A_2227 = arith.constant 128 : index
    %swap3A_2228 = tpu.vector_load %arg7[%swap3A_2225, %swap3A_2226, %swap3A_2227] {strides = array<i32>} : memref<1x32x256xf32, #tpu.memory_space<vmem>>, vector<1x1x16xf32>,
    %swap3A_2229 = vector.shape_cast %swap3A_2228 : vector<1x1x16xf32> to vector<16xf32>
    %swap3A_2230 = vector.shape_cast %get3A_2134 : vector<16xf32> to vector<1x1x16xf32>
    tpu.vector_store %arg7[%swap3A_2225, %swap3A_2226, %swap3A_2227], %swap3A_2230 {strides = array<i32>} : memref<1x32x256xf32, #tpu.memory_space<vmem>>, vector<1x1x16xf32>,
    %swap3A_2231 = arith.constant 0 : i32
    %swap3A_2232 = arith.constant 12 : i32
    %swap3A_2233 = arith.index_cast %swap3A_2231 : i32 to index
    %swap3A_2234 = arith.index_cast %swap3A_2232 : i32 to index
    %swap3A_2235 = arith.constant 128 : index
    %swap3A_2236 = tpu.vector_load %arg7[%swap3A_2233, %swap3A_2234, %swap3A_2235] {strides = array<i32>} : memref<1x32x256xf32, #tpu.memory_space<vmem>>, vector<1x1x16xf32>,
    %swap3A_2237 = vector.shape_cast %swap3A_2236 : vector<1x1x16xf32> to vector<16xf32>
    %swap3A_2238 = vector.shape_cast %get3A_2134 : vector<16xf32> to vector<1x1x16xf32>
    tpu.vector_store %arg7[%swap3A_2233, %swap3A_2234, %swap3A_2235], %swap3A_2238 {strides = array<i32>} : memref<1x32x256xf32, #tpu.memory_space<vmem>>, vector<1x1x16xf32>,
    %swap3A_2239 = arith.constant 0 : i32
    %swap3A_2240 = arith.constant 13 : i32
    %swap3A_2241 = arith.index_cast %swap3A_2239 : i32 to index
    %swap3A_2242 = arith.index_cast %swap3A_2240 : i32 to index
    %swap3A_2243 = arith.constant 128 : index
    %swap3A_2244 = tpu.vector_load %arg7[%swap3A_2241, %swap3A_2242, %swap3A_2243] {strides = array<i32>} : memref<1x32x256xf32, #tpu.memory_space<vmem>>, vector<1x1x16xf32>,
    %swap3A_2245 = vector.shape_cast %swap3A_2244 : vector<1x1x16xf32> to vector<16xf32>
    %swap3A_2246 = vector.shape_cast %get3A_2134 : vector<16xf32> to vector<1x1x16xf32>
    tpu.vector_store %arg7[%swap3A_2241, %swap3A_2242, %swap3A_2243], %swap3A_2246 {strides = array<i32>} : memref<1x32x256xf32, #tpu.memory_space<vmem>>, vector<1x1x16xf32>,
    %swap3A_2247 = arith.constant 0 : i32
    %swap3A_2248 = arith.constant 14 : i32
    %swap3A_2249 = arith.index_cast %swap3A_2247 : i32 to index
    %swap3A_2250 = arith.index_cast %swap3A_2248 : i32 to index
    %swap3A_2251 = arith.constant 128 : index
    %swap3A_2252 = tpu.vector_load %arg7[%swap3A_2249, %swap3A_2250, %swap3A_2251] {strides = array<i32>} : memref<1x32x256xf32, #tpu.memory_space<vmem>>, vector<1x1x16xf32>,
    %swap3A_2253 = vector.shape_cast %swap3A_2252 : vector<1x1x16xf32> to vector<16xf32>
    %swap3A_2254 = vector.shape_cast %get3A_2134 : vector<16xf32> to vector<1x1x16xf32>
    tpu.vector_store %arg7[%swap3A_2249, %swap3A_2250, %swap3A_2251], %swap3A_2254 {strides = array<i32>} : memref<1x32x256xf32, #tpu.memory_space<vmem>>, vector<1x1x16xf32>,
    %swap3A_2255 = arith.constant 0 : i32
    %swap3A_2256 = arith.constant 15 : i32
    %swap3A_2257 = arith.index_cast %swap3A_2255 : i32 to index
    %swap3A_2258 = arith.index_cast %swap3A_2256 : i32 to index
    %swap3A_2259 = arith.constant 128 : index
    %swap3A_2260 = tpu.vector_load %arg7[%swap3A_2257, %swap3A_2258, %swap3A_2259] {strides = array<i32>} : memref<1x32x256xf32, #tpu.memory_space<vmem>>, vector<1x1x16xf32>,
    %swap3A_2261 = vector.shape_cast %swap3A_2260 : vector<1x1x16xf32> to vector<16xf32>
    %swap3A_2262 = vector.shape_cast %get3A_2134 : vector<16xf32> to vector<1x1x16xf32>
    tpu.vector_store %arg7[%swap3A_2257, %swap3A_2258, %swap3A_2259], %swap3A_2262 {strides = array<i32>} : memref<1x32x256xf32, #tpu.memory_space<vmem>>, vector<1x1x16xf32>,
    %swap3A_2263 = arith.constant 0 : i32
    %swap3A_2264 = arith.constant 16 : i32
    %swap3A_2265 = arith.index_cast %swap3A_2263 : i32 to index
    %swap3A_2266 = arith.index_cast %swap3A_2264 : i32 to index
    %swap3A_2267 = arith.constant 128 : index
    %swap3A_2268 = tpu.vector_load %arg7[%swap3A_2265, %swap3A_2266, %swap3A_2267] {strides = array<i32>} : memref<1x32x256xf32, #tpu.memory_space<vmem>>, vector<1x1x16xf32>,
    %swap3A_2269 = vector.shape_cast %swap3A_2268 : vector<1x1x16xf32> to vector<16xf32>
    %swap3A_2270 = vector.shape_cast %get3A_2134 : vector<16xf32> to vector<1x1x16xf32>
    tpu.vector_store %arg7[%swap3A_2265, %swap3A_2266, %swap3A_2267], %swap3A_2270 {strides = array<i32>} : memref<1x32x256xf32, #tpu.memory_space<vmem>>, vector<1x1x16xf32>,
    %swap3A_2271 = arith.constant 0 : i32
    %swap3A_2272 = arith.constant 17 : i32
    %swap3A_2273 = arith.index_cast %swap3A_2271 : i32 to index
    %swap3A_2274 = arith.index_cast %swap3A_2272 : i32 to index
    %swap3A_2275 = arith.constant 128 : index
    %swap3A_2276 = tpu.vector_load %arg7[%swap3A_2273, %swap3A_2274, %swap3A_2275] {strides = array<i32>} : memref<1x32x256xf32, #tpu.memory_space<vmem>>, vector<1x1x16xf32>,
    %swap3A_2277 = vector.shape_cast %swap3A_2276 : vector<1x1x16xf32> to vector<16xf32>
    %swap3A_2278 = vector.shape_cast %get3A_2134 : vector<16xf32> to vector<1x1x16xf32>
    tpu.vector_store %arg7[%swap3A_2273, %swap3A_2274, %swap3A_2275], %swap3A_2278 {strides = array<i32>} : memref<1x32x256xf32, #tpu.memory_space<vmem>>, vector<1x1x16xf32>,
    %swap3A_2279 = arith.constant 0 : i32
    %swap3A_2280 = arith.constant 18 : i32
    %swap3A_2281 = arith.index_cast %swap3A_2279 : i32 to index
    %swap3A_2282 = arith.index_cast %swap3A_2280 : i32 to index
    %swap3A_2283 = arith.constant 128 : index
    %swap3A_2284 = tpu.vector_load %arg7[%swap3A_2281, %swap3A_2282, %swap3A_2283] {strides = array<i32>} : memref<1x32x256xf32, #tpu.memory_space<vmem>>, vector<1x1x16xf32>,
    %swap3A_2285 = vector.shape_cast %swap3A_2284 : vector<1x1x16xf32> to vector<16xf32>
    %swap3A_2286 = vector.shape_cast %get3A_2134 : vector<16xf32> to vector<1x1x16xf32>
    tpu.vector_store %arg7[%swap3A_2281, %swap3A_2282, %swap3A_2283], %swap3A_2286 {strides = array<i32>} : memref<1x32x256xf32, #tpu.memory_space<vmem>>, vector<1x1x16xf32>,
    %swap3A_2287 = arith.constant 0 : i32
    %swap3A_2288 = arith.constant 19 : i32
    %swap3A_2289 = arith.index_cast %swap3A_2287 : i32 to index
    %swap3A_2290 = arith.index_cast %swap3A_2288 : i32 to index
    %swap3A_2291 = arith.constant 128 : index
    %swap3A_2292 = tpu.vector_load %arg7[%swap3A_2289, %swap3A_2290, %swap3A_2291] {strides = array<i32>} : memref<1x32x256xf32, #tpu.memory_space<vmem>>, vector<1x1x16xf32>,
    %swap3A_2293 = vector.shape_cast %swap3A_2292 : vector<1x1x16xf32> to vector<16xf32>
    %swap3A_2294 = vector.shape_cast %get3A_2134 : vector<16xf32> to vector<1x1x16xf32>
    tpu.vector_store %arg7[%swap3A_2289, %swap3A_2290, %swap3A_2291], %swap3A_2294 {strides = array<i32>} : memref<1x32x256xf32, #tpu.memory_space<vmem>>, vector<1x1x16xf32>,
    %swap3A_2295 = arith.constant 0 : i32
    %swap3A_2296 = arith.constant 20 : i32
    %swap3A_2297 = arith.index_cast %swap3A_2295 : i32 to index
    %swap3A_2298 = arith.index_cast %swap3A_2296 : i32 to index
    %swap3A_2299 = arith.constant 128 : index
    %swap3A_2300 = tpu.vector_load %arg7[%swap3A_2297, %swap3A_2298, %swap3A_2299] {strides = array<i32>} : memref<1x32x256xf32, #tpu.memory_space<vmem>>, vector<1x1x16xf32>,
    %swap3A_2301 = vector.shape_cast %swap3A_2300 : vector<1x1x16xf32> to vector<16xf32>
    %swap3A_2302 = vector.shape_cast %get3A_2134 : vector<16xf32> to vector<1x1x16xf32>
    tpu.vector_store %arg7[%swap3A_2297, %swap3A_2298, %swap3A_2299], %swap3A_2302 {strides = array<i32>} : memref<1x32x256xf32, #tpu.memory_space<vmem>>, vector<1x1x16xf32>,
    %swap3A_2303 = arith.constant 0 : i32
    %swap3A_2304 = arith.constant 21 : i32
    %swap3A_2305 = arith.index_cast %swap3A_2303 : i32 to index
    %swap3A_2306 = arith.index_cast %swap3A_2304 : i32 to index
    %swap3A_2307 = arith.constant 128 : index
    %swap3A_2308 = tpu.vector_load %arg7[%swap3A_2305, %swap3A_2306, %swap3A_2307] {strides = array<i32>} : memref<1x32x256xf32, #tpu.memory_space<vmem>>, vector<1x1x16xf32>,
    %swap3A_2309 = vector.shape_cast %swap3A_2308 : vector<1x1x16xf32> to vector<16xf32>
    %swap3A_2310 = vector.shape_cast %get3A_2134 : vector<16xf32> to vector<1x1x16xf32>
    tpu.vector_store %arg7[%swap3A_2305, %swap3A_2306, %swap3A_2307], %swap3A_2310 {strides = array<i32>} : memref<1x32x256xf32, #tpu.memory_space<vmem>>, vector<1x1x16xf32>,
    %swap3A_2311 = arith.constant 0 : i32
    %swap3A_2312 = arith.constant 22 : i32
    %swap3A_2313 = arith.index_cast %swap3A_2311 : i32 to index
    %swap3A_2314 = arith.index_cast %swap3A_2312 : i32 to index
    %swap3A_2315 = arith.constant 128 : index
    %swap3A_2316 = tpu.vector_load %arg7[%swap3A_2313, %swap3A_2314, %swap3A_2315] {strides = array<i32>} : memref<1x32x256xf32, #tpu.memory_space<vmem>>, vector<1x1x16xf32>,
    %swap3A_2317 = vector.shape_cast %swap3A_2316 : vector<1x1x16xf32> to vector<16xf32>
    %swap3A_2318 = vector.shape_cast %get3A_2134 : vector<16xf32> to vector<1x1x16xf32>
    tpu.vector_store %arg7[%swap3A_2313, %swap3A_2314, %swap3A_2315], %swap3A_2318 {strides = array<i32>} : memref<1x32x256xf32, #tpu.memory_space<vmem>>, vector<1x1x16xf32>,
    %swap3A_2319 = arith.constant 0 : i32
    %swap3A_2320 = arith.constant 23 : i32
    %swap3A_2321 = arith.index_cast %swap3A_2319 : i32 to index
    %swap3A_2322 = arith.index_cast %swap3A_2320 : i32 to index
    %swap3A_2323 = arith.constant 128 : index
    %swap3A_2324 = tpu.vector_load %arg7[%swap3A_2321, %swap3A_2322, %swap3A_2323] {strides = array<i32>} : memref<1x32x256xf32, #tpu.memory_space<vmem>>, vector<1x1x16xf32>,
    %swap3A_2325 = vector.shape_cast %swap3A_2324 : vector<1x1x16xf32> to vector<16xf32>
    %swap3A_2326 = vector.shape_cast %get3A_2134 : vector<16xf32> to vector<1x1x16xf32>
    tpu.vector_store %arg7[%swap3A_2321, %swap3A_2322, %swap3A_2323], %swap3A_2326 {strides = array<i32>} : memref<1x32x256xf32, #tpu.memory_space<vmem>>, vector<1x1x16xf32>,
    %swap3A_2327 = arith.constant 0 : i32
    %swap3A_2328 = arith.constant 24 : i32
    %swap3A_2329 = arith.index_cast %swap3A_2327 : i32 to index
    %swap3A_2330 = arith.index_cast %swap3A_2328 : i32 to index
    %swap3A_2331 = arith.constant 128 : index
    %swap3A_2332 = tpu.vector_load %arg7[%swap3A_2329, %swap3A_2330, %swap3A_2331] {strides = array<i32>} : memref<1x32x256xf32, #tpu.memory_space<vmem>>, vector<1x1x16xf32>,
    %swap3A_2333 = vector.shape_cast %swap3A_2332 : vector<1x1x16xf32> to vector<16xf32>
    %swap3A_2334 = vector.shape_cast %get3A_2134 : vector<16xf32> to vector<1x1x16xf32>
    tpu.vector_store %arg7[%swap3A_2329, %swap3A_2330, %swap3A_2331], %swap3A_2334 {strides = array<i32>} : memref<1x32x256xf32, #tpu.memory_space<vmem>>, vector<1x1x16xf32>,
    %swap3A_2335 = arith.constant 0 : i32
    %swap3A_2336 = arith.constant 25 : i32
    %swap3A_2337 = arith.index_cast %swap3A_2335 : i32 to index
    %swap3A_2338 = arith.index_cast %swap3A_2336 : i32 to index
    %swap3A_2339 = arith.constant 128 : index
    %swap3A_2340 = tpu.vector_load %arg7[%swap3A_2337, %swap3A_2338, %swap3A_2339] {strides = array<i32>} : memref<1x32x256xf32, #tpu.memory_space<vmem>>, vector<1x1x16xf32>,
    %swap3A_2341 = vector.shape_cast %swap3A_2340 : vector<1x1x16xf32> to vector<16xf32>
    %swap3A_2342 = vector.shape_cast %get3A_2134 : vector<16xf32> to vector<1x1x16xf32>
    tpu.vector_store %arg7[%swap3A_2337, %swap3A_2338, %swap3A_2339], %swap3A_2342 {strides = array<i32>} : memref<1x32x256xf32, #tpu.memory_space<vmem>>, vector<1x1x16xf32>,
    %swap3A_2343 = arith.constant 0 : i32
    %swap3A_2344 = arith.constant 26 : i32
    %swap3A_2345 = arith.index_cast %swap3A_2343 : i32 to index
    %swap3A_2346 = arith.index_cast %swap3A_2344 : i32 to index
    %swap3A_2347 = arith.constant 128 : index
    %swap3A_2348 = tpu.vector_load %arg7[%swap3A_2345, %swap3A_2346, %swap3A_2347] {strides = array<i32>} : memref<1x32x256xf32, #tpu.memory_space<vmem>>, vector<1x1x16xf32>,
    %swap3A_2349 = vector.shape_cast %swap3A_2348 : vector<1x1x16xf32> to vector<16xf32>
    %swap3A_2350 = vector.shape_cast %get3A_2134 : vector<16xf32> to vector<1x1x16xf32>
    tpu.vector_store %arg7[%swap3A_2345, %swap3A_2346, %swap3A_2347], %swap3A_2350 {strides = array<i32>} : memref<1x32x256xf32, #tpu.memory_space<vmem>>, vector<1x1x16xf32>,
    %swap3A_2351 = arith.constant 0 : i32
    %swap3A_2352 = arith.constant 27 : i32
    %swap3A_2353 = arith.index_cast %swap3A_2351 : i32 to index
    %swap3A_2354 = arith.index_cast %swap3A_2352 : i32 to index
    %swap3A_2355 = arith.constant 128 : index
    %swap3A_2356 = tpu.vector_load %arg7[%swap3A_2353, %swap3A_2354, %swap3A_2355] {strides = array<i32>} : memref<1x32x256xf32, #tpu.memory_space<vmem>>, vector<1x1x16xf32>,
    %swap3A_2357 = vector.shape_cast %swap3A_2356 : vector<1x1x16xf32> to vector<16xf32>
    %swap3A_2358 = vector.shape_cast %get3A_2134 : vector<16xf32> to vector<1x1x16xf32>
    tpu.vector_store %arg7[%swap3A_2353, %swap3A_2354, %swap3A_2355], %swap3A_2358 {strides = array<i32>} : memref<1x32x256xf32, #tpu.memory_space<vmem>>, vector<1x1x16xf32>,
    %swap3A_2359 = arith.constant 0 : i32
    %swap3A_2360 = arith.constant 28 : i32
    %swap3A_2361 = arith.index_cast %swap3A_2359 : i32 to index
    %swap3A_2362 = arith.index_cast %swap3A_2360 : i32 to index
    %swap3A_2363 = arith.constant 128 : index
    %swap3A_2364 = tpu.vector_load %arg7[%swap3A_2361, %swap3A_2362, %swap3A_2363] {strides = array<i32>} : memref<1x32x256xf32, #tpu.memory_space<vmem>>, vector<1x1x16xf32>,
    %swap3A_2365 = vector.shape_cast %swap3A_2364 : vector<1x1x16xf32> to vector<16xf32>
    %swap3A_2366 = vector.shape_cast %get3A_2134 : vector<16xf32> to vector<1x1x16xf32>
    tpu.vector_store %arg7[%swap3A_2361, %swap3A_2362, %swap3A_2363], %swap3A_2366 {strides = array<i32>} : memref<1x32x256xf32, #tpu.memory_space<vmem>>, vector<1x1x16xf32>,
    %swap3A_2367 = arith.constant 0 : i32
    %swap3A_2368 = arith.constant 29 : i32
    %swap3A_2369 = arith.index_cast %swap3A_2367 : i32 to index
    %swap3A_2370 = arith.index_cast %swap3A_2368 : i32 to index
    %swap3A_2371 = arith.constant 128 : index
    %swap3A_2372 = tpu.vector_load %arg7[%swap3A_2369, %swap3A_2370, %swap3A_2371] {strides = array<i32>} : memref<1x32x256xf32, #tpu.memory_space<vmem>>, vector<1x1x16xf32>,
    %swap3A_2373 = vector.shape_cast %swap3A_2372 : vector<1x1x16xf32> to vector<16xf32>
    %swap3A_2374 = vector.shape_cast %get3A_2134 : vector<16xf32> to vector<1x1x16xf32>
    tpu.vector_store %arg7[%swap3A_2369, %swap3A_2370, %swap3A_2371], %swap3A_2374 {strides = array<i32>} : memref<1x32x256xf32, #tpu.memory_space<vmem>>, vector<1x1x16xf32>,
    %swap3A_2375 = arith.constant 0 : i32
    %swap3A_2376 = arith.constant 30 : i32
    %swap3A_2377 = arith.index_cast %swap3A_2375 : i32 to index
    %swap3A_2378 = arith.index_cast %swap3A_2376 : i32 to index
    %swap3A_2379 = arith.constant 128 : index
    %swap3A_2380 = tpu.vector_load %arg7[%swap3A_2377, %swap3A_2378, %swap3A_2379] {strides = array<i32>} : memref<1x32x256xf32, #tpu.memory_space<vmem>>, vector<1x1x16xf32>,
    %swap3A_2381 = vector.shape_cast %swap3A_2380 : vector<1x1x16xf32> to vector<16xf32>
    %swap3A_2382 = vector.shape_cast %get3A_2134 : vector<16xf32> to vector<1x1x16xf32>
    tpu.vector_store %arg7[%swap3A_2377, %swap3A_2378, %swap3A_2379], %swap3A_2382 {strides = array<i32>} : memref<1x32x256xf32, #tpu.memory_space<vmem>>, vector<1x1x16xf32>,
    %swap3A_2383 = arith.constant 0 : i32
    %swap3A_2384 = arith.constant 31 : i32
    %swap3A_2385 = arith.index_cast %swap3A_2383 : i32 to index
    %swap3A_2386 = arith.index_cast %swap3A_2384 : i32 to index
    %swap3A_2387 = arith.constant 128 : index
    %swap3A_2388 = tpu.vector_load %arg7[%swap3A_2385, %swap3A_2386, %swap3A_2387] {strides = array<i32>} : memref<1x32x256xf32, #tpu.memory_space<vmem>>, vector<1x1x16xf32>,
    %swap3A_2389 = vector.shape_cast %swap3A_2388 : vector<1x1x16xf32> to vector<16xf32>
    %swap3A_2390 = vector.shape_cast %get3A_2134 : vector<16xf32> to vector<1x1x16xf32>
    tpu.vector_store %arg7[%swap3A_2385, %swap3A_2386, %swap3A_2387], %swap3A_2390 {strides = array<i32>} : memref<1x32x256xf32, #tpu.memory_space<vmem>>, vector<1x1x16xf32>,
    %get3A_2391 = arith.constant 0 : i32
    %get3A_2392 = arith.constant 0 : i32
    %get3A_2393 = arith.index_cast %get3A_2391 : i32 to index
    %get3A_2394 = arith.index_cast %get3A_2392 : i32 to index
    %get3A_2395 = arith.constant 144 : index
    %get3A_2396 = tpu.vector_load %arg6[%get3A_2393, %get3A_2394, %get3A_2395] {strides = array<i32>} : memref<1x1x256xf32, #tpu.memory_space<vmem>>, vector<1x1x16xf32>,
    %get3A_2397 = vector.shape_cast %get3A_2396 : vector<1x1x16xf32> to vector<16xf32>
    %swap3A_2398 = arith.constant 0 : i32
    %swap3A_2399 = arith.constant 0 : i32
    %swap3A_2400 = arith.index_cast %swap3A_2398 : i32 to index
    %swap3A_2401 = arith.index_cast %swap3A_2399 : i32 to index
    %swap3A_2402 = arith.constant 144 : index
    %swap3A_2403 = tpu.vector_load %arg7[%swap3A_2400, %swap3A_2401, %swap3A_2402] {strides = array<i32>} : memref<1x32x256xf32, #tpu.memory_space<vmem>>, vector<1x1x16xf32>,
    %swap3A_2404 = vector.shape_cast %swap3A_2403 : vector<1x1x16xf32> to vector<16xf32>
    %swap3A_2405 = vector.shape_cast %get3A_2397 : vector<16xf32> to vector<1x1x16xf32>
    tpu.vector_store %arg7[%swap3A_2400, %swap3A_2401, %swap3A_2402], %swap3A_2405 {strides = array<i32>} : memref<1x32x256xf32, #tpu.memory_space<vmem>>, vector<1x1x16xf32>,
    %swap3A_2406 = arith.constant 0 : i32
    %swap3A_2407 = arith.constant 1 : i32
    %swap3A_2408 = arith.index_cast %swap3A_2406 : i32 to index
    %swap3A_2409 = arith.index_cast %swap3A_2407 : i32 to index
    %swap3A_2410 = arith.constant 144 : index
    %swap3A_2411 = tpu.vector_load %arg7[%swap3A_2408, %swap3A_2409, %swap3A_2410] {strides = array<i32>} : memref<1x32x256xf32, #tpu.memory_space<vmem>>, vector<1x1x16xf32>,
    %swap3A_2412 = vector.shape_cast %swap3A_2411 : vector<1x1x16xf32> to vector<16xf32>
    %swap3A_2413 = vector.shape_cast %get3A_2397 : vector<16xf32> to vector<1x1x16xf32>
    tpu.vector_store %arg7[%swap3A_2408, %swap3A_2409, %swap3A_2410], %swap3A_2413 {strides = array<i32>} : memref<1x32x256xf32, #tpu.memory_space<vmem>>, vector<1x1x16xf32>,
    %swap3A_2414 = arith.constant 0 : i32
    %swap3A_2415 = arith.constant 2 : i32
    %swap3A_2416 = arith.index_cast %swap3A_2414 : i32 to index
    %swap3A_2417 = arith.index_cast %swap3A_2415 : i32 to index
    %swap3A_2418 = arith.constant 144 : index
    %swap3A_2419 = tpu.vector_load %arg7[%swap3A_2416, %swap3A_2417, %swap3A_2418] {strides = array<i32>} : memref<1x32x256xf32, #tpu.memory_space<vmem>>, vector<1x1x16xf32>,
    %swap3A_2420 = vector.shape_cast %swap3A_2419 : vector<1x1x16xf32> to vector<16xf32>
    %swap3A_2421 = vector.shape_cast %get3A_2397 : vector<16xf32> to vector<1x1x16xf32>
    tpu.vector_store %arg7[%swap3A_2416, %swap3A_2417, %swap3A_2418], %swap3A_2421 {strides = array<i32>} : memref<1x32x256xf32, #tpu.memory_space<vmem>>, vector<1x1x16xf32>,
    %swap3A_2422 = arith.constant 0 : i32
    %swap3A_2423 = arith.constant 3 : i32
    %swap3A_2424 = arith.index_cast %swap3A_2422 : i32 to index
    %swap3A_2425 = arith.index_cast %swap3A_2423 : i32 to index
    %swap3A_2426 = arith.constant 144 : index
    %swap3A_2427 = tpu.vector_load %arg7[%swap3A_2424, %swap3A_2425, %swap3A_2426] {strides = array<i32>} : memref<1x32x256xf32, #tpu.memory_space<vmem>>, vector<1x1x16xf32>,
    %swap3A_2428 = vector.shape_cast %swap3A_2427 : vector<1x1x16xf32> to vector<16xf32>
    %swap3A_2429 = vector.shape_cast %get3A_2397 : vector<16xf32> to vector<1x1x16xf32>
    tpu.vector_store %arg7[%swap3A_2424, %swap3A_2425, %swap3A_2426], %swap3A_2429 {strides = array<i32>} : memref<1x32x256xf32, #tpu.memory_space<vmem>>, vector<1x1x16xf32>,
    %swap3A_2430 = arith.constant 0 : i32
    %swap3A_2431 = arith.constant 4 : i32
    %swap3A_2432 = arith.index_cast %swap3A_2430 : i32 to index
    %swap3A_2433 = arith.index_cast %swap3A_2431 : i32 to index
    %swap3A_2434 = arith.constant 144 : index
    %swap3A_2435 = tpu.vector_load %arg7[%swap3A_2432, %swap3A_2433, %swap3A_2434] {strides = array<i32>} : memref<1x32x256xf32, #tpu.memory_space<vmem>>, vector<1x1x16xf32>,
    %swap3A_2436 = vector.shape_cast %swap3A_2435 : vector<1x1x16xf32> to vector<16xf32>
    %swap3A_2437 = vector.shape_cast %get3A_2397 : vector<16xf32> to vector<1x1x16xf32>
    tpu.vector_store %arg7[%swap3A_2432, %swap3A_2433, %swap3A_2434], %swap3A_2437 {strides = array<i32>} : memref<1x32x256xf32, #tpu.memory_space<vmem>>, vector<1x1x16xf32>,
    %swap3A_2438 = arith.constant 0 : i32
    %swap3A_2439 = arith.constant 5 : i32
    %swap3A_2440 = arith.index_cast %swap3A_2438 : i32 to index
    %swap3A_2441 = arith.index_cast %swap3A_2439 : i32 to index
    %swap3A_2442 = arith.constant 144 : index
    %swap3A_2443 = tpu.vector_load %arg7[%swap3A_2440, %swap3A_2441, %swap3A_2442] {strides = array<i32>} : memref<1x32x256xf32, #tpu.memory_space<vmem>>, vector<1x1x16xf32>,
    %swap3A_2444 = vector.shape_cast %swap3A_2443 : vector<1x1x16xf32> to vector<16xf32>
    %swap3A_2445 = vector.shape_cast %get3A_2397 : vector<16xf32> to vector<1x1x16xf32>
    tpu.vector_store %arg7[%swap3A_2440, %swap3A_2441, %swap3A_2442], %swap3A_2445 {strides = array<i32>} : memref<1x32x256xf32, #tpu.memory_space<vmem>>, vector<1x1x16xf32>,
    %swap3A_2446 = arith.constant 0 : i32
    %swap3A_2447 = arith.constant 6 : i32
    %swap3A_2448 = arith.index_cast %swap3A_2446 : i32 to index
    %swap3A_2449 = arith.index_cast %swap3A_2447 : i32 to index
    %swap3A_2450 = arith.constant 144 : index
    %swap3A_2451 = tpu.vector_load %arg7[%swap3A_2448, %swap3A_2449, %swap3A_2450] {strides = array<i32>} : memref<1x32x256xf32, #tpu.memory_space<vmem>>, vector<1x1x16xf32>,
    %swap3A_2452 = vector.shape_cast %swap3A_2451 : vector<1x1x16xf32> to vector<16xf32>
    %swap3A_2453 = vector.shape_cast %get3A_2397 : vector<16xf32> to vector<1x1x16xf32>
    tpu.vector_store %arg7[%swap3A_2448, %swap3A_2449, %swap3A_2450], %swap3A_2453 {strides = array<i32>} : memref<1x32x256xf32, #tpu.memory_space<vmem>>, vector<1x1x16xf32>,
    %swap3A_2454 = arith.constant 0 : i32
    %swap3A_2455 = arith.constant 7 : i32
    %swap3A_2456 = arith.index_cast %swap3A_2454 : i32 to index
    %swap3A_2457 = arith.index_cast %swap3A_2455 : i32 to index
    %swap3A_2458 = arith.constant 144 : index
    %swap3A_2459 = tpu.vector_load %arg7[%swap3A_2456, %swap3A_2457, %swap3A_2458] {strides = array<i32>} : memref<1x32x256xf32, #tpu.memory_space<vmem>>, vector<1x1x16xf32>,
    %swap3A_2460 = vector.shape_cast %swap3A_2459 : vector<1x1x16xf32> to vector<16xf32>
    %swap3A_2461 = vector.shape_cast %get3A_2397 : vector<16xf32> to vector<1x1x16xf32>
    tpu.vector_store %arg7[%swap3A_2456, %swap3A_2457, %swap3A_2458], %swap3A_2461 {strides = array<i32>} : memref<1x32x256xf32, #tpu.memory_space<vmem>>, vector<1x1x16xf32>,
    %swap3A_2462 = arith.constant 0 : i32
    %swap3A_2463 = arith.constant 8 : i32
    %swap3A_2464 = arith.index_cast %swap3A_2462 : i32 to index
    %swap3A_2465 = arith.index_cast %swap3A_2463 : i32 to index
    %swap3A_2466 = arith.constant 144 : index
    %swap3A_2467 = tpu.vector_load %arg7[%swap3A_2464, %swap3A_2465, %swap3A_2466] {strides = array<i32>} : memref<1x32x256xf32, #tpu.memory_space<vmem>>, vector<1x1x16xf32>,
    %swap3A_2468 = vector.shape_cast %swap3A_2467 : vector<1x1x16xf32> to vector<16xf32>
    %swap3A_2469 = vector.shape_cast %get3A_2397 : vector<16xf32> to vector<1x1x16xf32>
    tpu.vector_store %arg7[%swap3A_2464, %swap3A_2465, %swap3A_2466], %swap3A_2469 {strides = array<i32>} : memref<1x32x256xf32, #tpu.memory_space<vmem>>, vector<1x1x16xf32>,
    %swap3A_2470 = arith.constant 0 : i32
    %swap3A_2471 = arith.constant 9 : i32
    %swap3A_2472 = arith.index_cast %swap3A_2470 : i32 to index
    %swap3A_2473 = arith.index_cast %swap3A_2471 : i32 to index
    %swap3A_2474 = arith.constant 144 : index
    %swap3A_2475 = tpu.vector_load %arg7[%swap3A_2472, %swap3A_2473, %swap3A_2474] {strides = array<i32>} : memref<1x32x256xf32, #tpu.memory_space<vmem>>, vector<1x1x16xf32>,
    %swap3A_2476 = vector.shape_cast %swap3A_2475 : vector<1x1x16xf32> to vector<16xf32>
    %swap3A_2477 = vector.shape_cast %get3A_2397 : vector<16xf32> to vector<1x1x16xf32>
    tpu.vector_store %arg7[%swap3A_2472, %swap3A_2473, %swap3A_2474], %swap3A_2477 {strides = array<i32>} : memref<1x32x256xf32, #tpu.memory_space<vmem>>, vector<1x1x16xf32>,
    %swap3A_2478 = arith.constant 0 : i32
    %swap3A_2479 = arith.constant 10 : i32
    %swap3A_2480 = arith.index_cast %swap3A_2478 : i32 to index
    %swap3A_2481 = arith.index_cast %swap3A_2479 : i32 to index
    %swap3A_2482 = arith.constant 144 : index
    %swap3A_2483 = tpu.vector_load %arg7[%swap3A_2480, %swap3A_2481, %swap3A_2482] {strides = array<i32>} : memref<1x32x256xf32, #tpu.memory_space<vmem>>, vector<1x1x16xf32>,
    %swap3A_2484 = vector.shape_cast %swap3A_2483 : vector<1x1x16xf32> to vector<16xf32>
    %swap3A_2485 = vector.shape_cast %get3A_2397 : vector<16xf32> to vector<1x1x16xf32>
    tpu.vector_store %arg7[%swap3A_2480, %swap3A_2481, %swap3A_2482], %swap3A_2485 {strides = array<i32>} : memref<1x32x256xf32, #tpu.memory_space<vmem>>, vector<1x1x16xf32>,
    %swap3A_2486 = arith.constant 0 : i32
    %swap3A_2487 = arith.constant 11 : i32
    %swap3A_2488 = arith.index_cast %swap3A_2486 : i32 to index
    %swap3A_2489 = arith.index_cast %swap3A_2487 : i32 to index
    %swap3A_2490 = arith.constant 144 : index
    %swap3A_2491 = tpu.vector_load %arg7[%swap3A_2488, %swap3A_2489, %swap3A_2490] {strides = array<i32>} : memref<1x32x256xf32, #tpu.memory_space<vmem>>, vector<1x1x16xf32>,
    %swap3A_2492 = vector.shape_cast %swap3A_2491 : vector<1x1x16xf32> to vector<16xf32>
    %swap3A_2493 = vector.shape_cast %get3A_2397 : vector<16xf32> to vector<1x1x16xf32>
    tpu.vector_store %arg7[%swap3A_2488, %swap3A_2489, %swap3A_2490], %swap3A_2493 {strides = array<i32>} : memref<1x32x256xf32, #tpu.memory_space<vmem>>, vector<1x1x16xf32>,
    %swap3A_2494 = arith.constant 0 : i32
    %swap3A_2495 = arith.constant 12 : i32
    %swap3A_2496 = arith.index_cast %swap3A_2494 : i32 to index
    %swap3A_2497 = arith.index_cast %swap3A_2495 : i32 to index
    %swap3A_2498 = arith.constant 144 : index
    %swap3A_2499 = tpu.vector_load %arg7[%swap3A_2496, %swap3A_2497, %swap3A_2498] {strides = array<i32>} : memref<1x32x256xf32, #tpu.memory_space<vmem>>, vector<1x1x16xf32>,
    %swap3A_2500 = vector.shape_cast %swap3A_2499 : vector<1x1x16xf32> to vector<16xf32>
    %swap3A_2501 = vector.shape_cast %get3A_2397 : vector<16xf32> to vector<1x1x16xf32>
    tpu.vector_store %arg7[%swap3A_2496, %swap3A_2497, %swap3A_2498], %swap3A_2501 {strides = array<i32>} : memref<1x32x256xf32, #tpu.memory_space<vmem>>, vector<1x1x16xf32>,
    %swap3A_2502 = arith.constant 0 : i32
    %swap3A_2503 = arith.constant 13 : i32
    %swap3A_2504 = arith.index_cast %swap3A_2502 : i32 to index
    %swap3A_2505 = arith.index_cast %swap3A_2503 : i32 to index
    %swap3A_2506 = arith.constant 144 : index
    %swap3A_2507 = tpu.vector_load %arg7[%swap3A_2504, %swap3A_2505, %swap3A_2506] {strides = array<i32>} : memref<1x32x256xf32, #tpu.memory_space<vmem>>, vector<1x1x16xf32>,
    %swap3A_2508 = vector.shape_cast %swap3A_2507 : vector<1x1x16xf32> to vector<16xf32>
    %swap3A_2509 = vector.shape_cast %get3A_2397 : vector<16xf32> to vector<1x1x16xf32>
    tpu.vector_store %arg7[%swap3A_2504, %swap3A_2505, %swap3A_2506], %swap3A_2509 {strides = array<i32>} : memref<1x32x256xf32, #tpu.memory_space<vmem>>, vector<1x1x16xf32>,
    %swap3A_2510 = arith.constant 0 : i32
    %swap3A_2511 = arith.constant 14 : i32
    %swap3A_2512 = arith.index_cast %swap3A_2510 : i32 to index
    %swap3A_2513 = arith.index_cast %swap3A_2511 : i32 to index
    %swap3A_2514 = arith.constant 144 : index
    %swap3A_2515 = tpu.vector_load %arg7[%swap3A_2512, %swap3A_2513, %swap3A_2514] {strides = array<i32>} : memref<1x32x256xf32, #tpu.memory_space<vmem>>, vector<1x1x16xf32>,
    %swap3A_2516 = vector.shape_cast %swap3A_2515 : vector<1x1x16xf32> to vector<16xf32>
    %swap3A_2517 = vector.shape_cast %get3A_2397 : vector<16xf32> to vector<1x1x16xf32>
    tpu.vector_store %arg7[%swap3A_2512, %swap3A_2513, %swap3A_2514], %swap3A_2517 {strides = array<i32>} : memref<1x32x256xf32, #tpu.memory_space<vmem>>, vector<1x1x16xf32>,
    %swap3A_2518 = arith.constant 0 : i32
    %swap3A_2519 = arith.constant 15 : i32
    %swap3A_2520 = arith.index_cast %swap3A_2518 : i32 to index
    %swap3A_2521 = arith.index_cast %swap3A_2519 : i32 to index
    %swap3A_2522 = arith.constant 144 : index
    %swap3A_2523 = tpu.vector_load %arg7[%swap3A_2520, %swap3A_2521, %swap3A_2522] {strides = array<i32>} : memref<1x32x256xf32, #tpu.memory_space<vmem>>, vector<1x1x16xf32>,
    %swap3A_2524 = vector.shape_cast %swap3A_2523 : vector<1x1x16xf32> to vector<16xf32>
    %swap3A_2525 = vector.shape_cast %get3A_2397 : vector<16xf32> to vector<1x1x16xf32>
    tpu.vector_store %arg7[%swap3A_2520, %swap3A_2521, %swap3A_2522], %swap3A_2525 {strides = array<i32>} : memref<1x32x256xf32, #tpu.memory_space<vmem>>, vector<1x1x16xf32>,
    %swap3A_2526 = arith.constant 0 : i32
    %swap3A_2527 = arith.constant 16 : i32
    %swap3A_2528 = arith.index_cast %swap3A_2526 : i32 to index
    %swap3A_2529 = arith.index_cast %swap3A_2527 : i32 to index
    %swap3A_2530 = arith.constant 144 : index
    %swap3A_2531 = tpu.vector_load %arg7[%swap3A_2528, %swap3A_2529, %swap3A_2530] {strides = array<i32>} : memref<1x32x256xf32, #tpu.memory_space<vmem>>, vector<1x1x16xf32>,
    %swap3A_2532 = vector.shape_cast %swap3A_2531 : vector<1x1x16xf32> to vector<16xf32>
    %swap3A_2533 = vector.shape_cast %get3A_2397 : vector<16xf32> to vector<1x1x16xf32>
    tpu.vector_store %arg7[%swap3A_2528, %swap3A_2529, %swap3A_2530], %swap3A_2533 {strides = array<i32>} : memref<1x32x256xf32, #tpu.memory_space<vmem>>, vector<1x1x16xf32>,
    %swap3A_2534 = arith.constant 0 : i32
    %swap3A_2535 = arith.constant 17 : i32
    %swap3A_2536 = arith.index_cast %swap3A_2534 : i32 to index
    %swap3A_2537 = arith.index_cast %swap3A_2535 : i32 to index
    %swap3A_2538 = arith.constant 144 : index
    %swap3A_2539 = tpu.vector_load %arg7[%swap3A_2536, %swap3A_2537, %swap3A_2538] {strides = array<i32>} : memref<1x32x256xf32, #tpu.memory_space<vmem>>, vector<1x1x16xf32>,
    %swap3A_2540 = vector.shape_cast %swap3A_2539 : vector<1x1x16xf32> to vector<16xf32>
    %swap3A_2541 = vector.shape_cast %get3A_2397 : vector<16xf32> to vector<1x1x16xf32>
    tpu.vector_store %arg7[%swap3A_2536, %swap3A_2537, %swap3A_2538], %swap3A_2541 {strides = array<i32>} : memref<1x32x256xf32, #tpu.memory_space<vmem>>, vector<1x1x16xf32>,
    %swap3A_2542 = arith.constant 0 : i32
    %swap3A_2543 = arith.constant 18 : i32
    %swap3A_2544 = arith.index_cast %swap3A_2542 : i32 to index
    %swap3A_2545 = arith.index_cast %swap3A_2543 : i32 to index
    %swap3A_2546 = arith.constant 144 : index
    %swap3A_2547 = tpu.vector_load %arg7[%swap3A_2544, %swap3A_2545, %swap3A_2546] {strides = array<i32>} : memref<1x32x256xf32, #tpu.memory_space<vmem>>, vector<1x1x16xf32>,
    %swap3A_2548 = vector.shape_cast %swap3A_2547 : vector<1x1x16xf32> to vector<16xf32>
    %swap3A_2549 = vector.shape_cast %get3A_2397 : vector<16xf32> to vector<1x1x16xf32>
    tpu.vector_store %arg7[%swap3A_2544, %swap3A_2545, %swap3A_2546], %swap3A_2549 {strides = array<i32>} : memref<1x32x256xf32, #tpu.memory_space<vmem>>, vector<1x1x16xf32>,
    %swap3A_2550 = arith.constant 0 : i32
    %swap3A_2551 = arith.constant 19 : i32
    %swap3A_2552 = arith.index_cast %swap3A_2550 : i32 to index
    %swap3A_2553 = arith.index_cast %swap3A_2551 : i32 to index
    %swap3A_2554 = arith.constant 144 : index
    %swap3A_2555 = tpu.vector_load %arg7[%swap3A_2552, %swap3A_2553, %swap3A_2554] {strides = array<i32>} : memref<1x32x256xf32, #tpu.memory_space<vmem>>, vector<1x1x16xf32>,
    %swap3A_2556 = vector.shape_cast %swap3A_2555 : vector<1x1x16xf32> to vector<16xf32>
    %swap3A_2557 = vector.shape_cast %get3A_2397 : vector<16xf32> to vector<1x1x16xf32>
    tpu.vector_store %arg7[%swap3A_2552, %swap3A_2553, %swap3A_2554], %swap3A_2557 {strides = array<i32>} : memref<1x32x256xf32, #tpu.memory_space<vmem>>, vector<1x1x16xf32>,
    %swap3A_2558 = arith.constant 0 : i32
    %swap3A_2559 = arith.constant 20 : i32
    %swap3A_2560 = arith.index_cast %swap3A_2558 : i32 to index
    %swap3A_2561 = arith.index_cast %swap3A_2559 : i32 to index
    %swap3A_2562 = arith.constant 144 : index
    %swap3A_2563 = tpu.vector_load %arg7[%swap3A_2560, %swap3A_2561, %swap3A_2562] {strides = array<i32>} : memref<1x32x256xf32, #tpu.memory_space<vmem>>, vector<1x1x16xf32>,
    %swap3A_2564 = vector.shape_cast %swap3A_2563 : vector<1x1x16xf32> to vector<16xf32>
    %swap3A_2565 = vector.shape_cast %get3A_2397 : vector<16xf32> to vector<1x1x16xf32>
    tpu.vector_store %arg7[%swap3A_2560, %swap3A_2561, %swap3A_2562], %swap3A_2565 {strides = array<i32>} : memref<1x32x256xf32, #tpu.memory_space<vmem>>, vector<1x1x16xf32>,
    %swap3A_2566 = arith.constant 0 : i32
    %swap3A_2567 = arith.constant 21 : i32
    %swap3A_2568 = arith.index_cast %swap3A_2566 : i32 to index
    %swap3A_2569 = arith.index_cast %swap3A_2567 : i32 to index
    %swap3A_2570 = arith.constant 144 : index
    %swap3A_2571 = tpu.vector_load %arg7[%swap3A_2568, %swap3A_2569, %swap3A_2570] {strides = array<i32>} : memref<1x32x256xf32, #tpu.memory_space<vmem>>, vector<1x1x16xf32>,
    %swap3A_2572 = vector.shape_cast %swap3A_2571 : vector<1x1x16xf32> to vector<16xf32>
    %swap3A_2573 = vector.shape_cast %get3A_2397 : vector<16xf32> to vector<1x1x16xf32>
    tpu.vector_store %arg7[%swap3A_2568, %swap3A_2569, %swap3A_2570], %swap3A_2573 {strides = array<i32>} : memref<1x32x256xf32, #tpu.memory_space<vmem>>, vector<1x1x16xf32>,
    %swap3A_2574 = arith.constant 0 : i32
    %swap3A_2575 = arith.constant 22 : i32
    %swap3A_2576 = arith.index_cast %swap3A_2574 : i32 to index
    %swap3A_2577 = arith.index_cast %swap3A_2575 : i32 to index
    %swap3A_2578 = arith.constant 144 : index
    %swap3A_2579 = tpu.vector_load %arg7[%swap3A_2576, %swap3A_2577, %swap3A_2578] {strides = array<i32>} : memref<1x32x256xf32, #tpu.memory_space<vmem>>, vector<1x1x16xf32>,
    %swap3A_2580 = vector.shape_cast %swap3A_2579 : vector<1x1x16xf32> to vector<16xf32>
    %swap3A_2581 = vector.shape_cast %get3A_2397 : vector<16xf32> to vector<1x1x16xf32>
    tpu.vector_store %arg7[%swap3A_2576, %swap3A_2577, %swap3A_2578], %swap3A_2581 {strides = array<i32>} : memref<1x32x256xf32, #tpu.memory_space<vmem>>, vector<1x1x16xf32>,
    %swap3A_2582 = arith.constant 0 : i32
    %swap3A_2583 = arith.constant 23 : i32
    %swap3A_2584 = arith.index_cast %swap3A_2582 : i32 to index
    %swap3A_2585 = arith.index_cast %swap3A_2583 : i32 to index
    %swap3A_2586 = arith.constant 144 : index
    %swap3A_2587 = tpu.vector_load %arg7[%swap3A_2584, %swap3A_2585, %swap3A_2586] {strides = array<i32>} : memref<1x32x256xf32, #tpu.memory_space<vmem>>, vector<1x1x16xf32>,
    %swap3A_2588 = vector.shape_cast %swap3A_2587 : vector<1x1x16xf32> to vector<16xf32>
    %swap3A_2589 = vector.shape_cast %get3A_2397 : vector<16xf32> to vector<1x1x16xf32>
    tpu.vector_store %arg7[%swap3A_2584, %swap3A_2585, %swap3A_2586], %swap3A_2589 {strides = array<i32>} : memref<1x32x256xf32, #tpu.memory_space<vmem>>, vector<1x1x16xf32>,
    %swap3A_2590 = arith.constant 0 : i32
    %swap3A_2591 = arith.constant 24 : i32
    %swap3A_2592 = arith.index_cast %swap3A_2590 : i32 to index
    %swap3A_2593 = arith.index_cast %swap3A_2591 : i32 to index
    %swap3A_2594 = arith.constant 144 : index
    %swap3A_2595 = tpu.vector_load %arg7[%swap3A_2592, %swap3A_2593, %swap3A_2594] {strides = array<i32>} : memref<1x32x256xf32, #tpu.memory_space<vmem>>, vector<1x1x16xf32>,
    %swap3A_2596 = vector.shape_cast %swap3A_2595 : vector<1x1x16xf32> to vector<16xf32>
    %swap3A_2597 = vector.shape_cast %get3A_2397 : vector<16xf32> to vector<1x1x16xf32>
    tpu.vector_store %arg7[%swap3A_2592, %swap3A_2593, %swap3A_2594], %swap3A_2597 {strides = array<i32>} : memref<1x32x256xf32, #tpu.memory_space<vmem>>, vector<1x1x16xf32>,
    %swap3A_2598 = arith.constant 0 : i32
    %swap3A_2599 = arith.constant 25 : i32
    %swap3A_2600 = arith.index_cast %swap3A_2598 : i32 to index
    %swap3A_2601 = arith.index_cast %swap3A_2599 : i32 to index
    %swap3A_2602 = arith.constant 144 : index
    %swap3A_2603 = tpu.vector_load %arg7[%swap3A_2600, %swap3A_2601, %swap3A_2602] {strides = array<i32>} : memref<1x32x256xf32, #tpu.memory_space<vmem>>, vector<1x1x16xf32>,
    %swap3A_2604 = vector.shape_cast %swap3A_2603 : vector<1x1x16xf32> to vector<16xf32>
    %swap3A_2605 = vector.shape_cast %get3A_2397 : vector<16xf32> to vector<1x1x16xf32>
    tpu.vector_store %arg7[%swap3A_2600, %swap3A_2601, %swap3A_2602], %swap3A_2605 {strides = array<i32>} : memref<1x32x256xf32, #tpu.memory_space<vmem>>, vector<1x1x16xf32>,
    %swap3A_2606 = arith.constant 0 : i32
    %swap3A_2607 = arith.constant 26 : i32
    %swap3A_2608 = arith.index_cast %swap3A_2606 : i32 to index
    %swap3A_2609 = arith.index_cast %swap3A_2607 : i32 to index
    %swap3A_2610 = arith.constant 144 : index
    %swap3A_2611 = tpu.vector_load %arg7[%swap3A_2608, %swap3A_2609, %swap3A_2610] {strides = array<i32>} : memref<1x32x256xf32, #tpu.memory_space<vmem>>, vector<1x1x16xf32>,
    %swap3A_2612 = vector.shape_cast %swap3A_2611 : vector<1x1x16xf32> to vector<16xf32>
    %swap3A_2613 = vector.shape_cast %get3A_2397 : vector<16xf32> to vector<1x1x16xf32>
    tpu.vector_store %arg7[%swap3A_2608, %swap3A_2609, %swap3A_2610], %swap3A_2613 {strides = array<i32>} : memref<1x32x256xf32, #tpu.memory_space<vmem>>, vector<1x1x16xf32>,
    %swap3A_2614 = arith.constant 0 : i32
    %swap3A_2615 = arith.constant 27 : i32
    %swap3A_2616 = arith.index_cast %swap3A_2614 : i32 to index
    %swap3A_2617 = arith.index_cast %swap3A_2615 : i32 to index
    %swap3A_2618 = arith.constant 144 : index
    %swap3A_2619 = tpu.vector_load %arg7[%swap3A_2616, %swap3A_2617, %swap3A_2618] {strides = array<i32>} : memref<1x32x256xf32, #tpu.memory_space<vmem>>, vector<1x1x16xf32>,
    %swap3A_2620 = vector.shape_cast %swap3A_2619 : vector<1x1x16xf32> to vector<16xf32>
    %swap3A_2621 = vector.shape_cast %get3A_2397 : vector<16xf32> to vector<1x1x16xf32>
    tpu.vector_store %arg7[%swap3A_2616, %swap3A_2617, %swap3A_2618], %swap3A_2621 {strides = array<i32>} : memref<1x32x256xf32, #tpu.memory_space<vmem>>, vector<1x1x16xf32>,
    %swap3A_2622 = arith.constant 0 : i32
    %swap3A_2623 = arith.constant 28 : i32
    %swap3A_2624 = arith.index_cast %swap3A_2622 : i32 to index
    %swap3A_2625 = arith.index_cast %swap3A_2623 : i32 to index
    %swap3A_2626 = arith.constant 144 : index
    %swap3A_2627 = tpu.vector_load %arg7[%swap3A_2624, %swap3A_2625, %swap3A_2626] {strides = array<i32>} : memref<1x32x256xf32, #tpu.memory_space<vmem>>, vector<1x1x16xf32>,
    %swap3A_2628 = vector.shape_cast %swap3A_2627 : vector<1x1x16xf32> to vector<16xf32>
    %swap3A_2629 = vector.shape_cast %get3A_2397 : vector<16xf32> to vector<1x1x16xf32>
    tpu.vector_store %arg7[%swap3A_2624, %swap3A_2625, %swap3A_2626], %swap3A_2629 {strides = array<i32>} : memref<1x32x256xf32, #tpu.memory_space<vmem>>, vector<1x1x16xf32>,
    %swap3A_2630 = arith.constant 0 : i32
    %swap3A_2631 = arith.constant 29 : i32
    %swap3A_2632 = arith.index_cast %swap3A_2630 : i32 to index
    %swap3A_2633 = arith.index_cast %swap3A_2631 : i32 to index
    %swap3A_2634 = arith.constant 144 : index
    %swap3A_2635 = tpu.vector_load %arg7[%swap3A_2632, %swap3A_2633, %swap3A_2634] {strides = array<i32>} : memref<1x32x256xf32, #tpu.memory_space<vmem>>, vector<1x1x16xf32>,
    %swap3A_2636 = vector.shape_cast %swap3A_2635 : vector<1x1x16xf32> to vector<16xf32>
    %swap3A_2637 = vector.shape_cast %get3A_2397 : vector<16xf32> to vector<1x1x16xf32>
    tpu.vector_store %arg7[%swap3A_2632, %swap3A_2633, %swap3A_2634], %swap3A_2637 {strides = array<i32>} : memref<1x32x256xf32, #tpu.memory_space<vmem>>, vector<1x1x16xf32>,
    %swap3A_2638 = arith.constant 0 : i32
    %swap3A_2639 = arith.constant 30 : i32
    %swap3A_2640 = arith.index_cast %swap3A_2638 : i32 to index
    %swap3A_2641 = arith.index_cast %swap3A_2639 : i32 to index
    %swap3A_2642 = arith.constant 144 : index
    %swap3A_2643 = tpu.vector_load %arg7[%swap3A_2640, %swap3A_2641, %swap3A_2642] {strides = array<i32>} : memref<1x32x256xf32, #tpu.memory_space<vmem>>, vector<1x1x16xf32>,
    %swap3A_2644 = vector.shape_cast %swap3A_2643 : vector<1x1x16xf32> to vector<16xf32>
    %swap3A_2645 = vector.shape_cast %get3A_2397 : vector<16xf32> to vector<1x1x16xf32>
    tpu.vector_store %arg7[%swap3A_2640, %swap3A_2641, %swap3A_2642], %swap3A_2645 {strides = array<i32>} : memref<1x32x256xf32, #tpu.memory_space<vmem>>, vector<1x1x16xf32>,
    %swap3A_2646 = arith.constant 0 : i32
    %swap3A_2647 = arith.constant 31 : i32
    %swap3A_2648 = arith.index_cast %swap3A_2646 : i32 to index
    %swap3A_2649 = arith.index_cast %swap3A_2647 : i32 to index
    %swap3A_2650 = arith.constant 144 : index
    %swap3A_2651 = tpu.vector_load %arg7[%swap3A_2648, %swap3A_2649, %swap3A_2650] {strides = array<i32>} : memref<1x32x256xf32, #tpu.memory_space<vmem>>, vector<1x1x16xf32>,
    %swap3A_2652 = vector.shape_cast %swap3A_2651 : vector<1x1x16xf32> to vector<16xf32>
    %swap3A_2653 = vector.shape_cast %get3A_2397 : vector<16xf32> to vector<1x1x16xf32>
    tpu.vector_store %arg7[%swap3A_2648, %swap3A_2649, %swap3A_2650], %swap3A_2653 {strides = array<i32>} : memref<1x32x256xf32, #tpu.memory_space<vmem>>, vector<1x1x16xf32>,
    %get3A_2654 = arith.constant 0 : i32
    %get3A_2655 = arith.constant 0 : i32
    %get3A_2656 = arith.index_cast %get3A_2654 : i32 to index
    %get3A_2657 = arith.index_cast %get3A_2655 : i32 to index
    %get3A_2658 = arith.constant 160 : index
    %get3A_2659 = tpu.vector_load %arg6[%get3A_2656, %get3A_2657, %get3A_2658] {strides = array<i32>} : memref<1x1x256xf32, #tpu.memory_space<vmem>>, vector<1x1x16xf32>,
    %get3A_2660 = vector.shape_cast %get3A_2659 : vector<1x1x16xf32> to vector<16xf32>
    %swap3A_2661 = arith.constant 0 : i32
    %swap3A_2662 = arith.constant 0 : i32
    %swap3A_2663 = arith.index_cast %swap3A_2661 : i32 to index
    %swap3A_2664 = arith.index_cast %swap3A_2662 : i32 to index
    %swap3A_2665 = arith.constant 160 : index
    %swap3A_2666 = tpu.vector_load %arg7[%swap3A_2663, %swap3A_2664, %swap3A_2665] {strides = array<i32>} : memref<1x32x256xf32, #tpu.memory_space<vmem>>, vector<1x1x16xf32>,
    %swap3A_2667 = vector.shape_cast %swap3A_2666 : vector<1x1x16xf32> to vector<16xf32>
    %swap3A_2668 = vector.shape_cast %get3A_2660 : vector<16xf32> to vector<1x1x16xf32>
    tpu.vector_store %arg7[%swap3A_2663, %swap3A_2664, %swap3A_2665], %swap3A_2668 {strides = array<i32>} : memref<1x32x256xf32, #tpu.memory_space<vmem>>, vector<1x1x16xf32>,
    %swap3A_2669 = arith.constant 0 : i32
    %swap3A_2670 = arith.constant 1 : i32
    %swap3A_2671 = arith.index_cast %swap3A_2669 : i32 to index
    %swap3A_2672 = arith.index_cast %swap3A_2670 : i32 to index
    %swap3A_2673 = arith.constant 160 : index
    %swap3A_2674 = tpu.vector_load %arg7[%swap3A_2671, %swap3A_2672, %swap3A_2673] {strides = array<i32>} : memref<1x32x256xf32, #tpu.memory_space<vmem>>, vector<1x1x16xf32>,
    %swap3A_2675 = vector.shape_cast %swap3A_2674 : vector<1x1x16xf32> to vector<16xf32>
    %swap3A_2676 = vector.shape_cast %get3A_2660 : vector<16xf32> to vector<1x1x16xf32>
    tpu.vector_store %arg7[%swap3A_2671, %swap3A_2672, %swap3A_2673], %swap3A_2676 {strides = array<i32>} : memref<1x32x256xf32, #tpu.memory_space<vmem>>, vector<1x1x16xf32>,
    %swap3A_2677 = arith.constant 0 : i32
    %swap3A_2678 = arith.constant 2 : i32
    %swap3A_2679 = arith.index_cast %swap3A_2677 : i32 to index
    %swap3A_2680 = arith.index_cast %swap3A_2678 : i32 to index
    %swap3A_2681 = arith.constant 160 : index
    %swap3A_2682 = tpu.vector_load %arg7[%swap3A_2679, %swap3A_2680, %swap3A_2681] {strides = array<i32>} : memref<1x32x256xf32, #tpu.memory_space<vmem>>, vector<1x1x16xf32>,
    %swap3A_2683 = vector.shape_cast %swap3A_2682 : vector<1x1x16xf32> to vector<16xf32>
    %swap3A_2684 = vector.shape_cast %get3A_2660 : vector<16xf32> to vector<1x1x16xf32>
    tpu.vector_store %arg7[%swap3A_2679, %swap3A_2680, %swap3A_2681], %swap3A_2684 {strides = array<i32>} : memref<1x32x256xf32, #tpu.memory_space<vmem>>, vector<1x1x16xf32>,
    %swap3A_2685 = arith.constant 0 : i32
    %swap3A_2686 = arith.constant 3 : i32
    %swap3A_2687 = arith.index_cast %swap3A_2685 : i32 to index
    %swap3A_2688 = arith.index_cast %swap3A_2686 : i32 to index
    %swap3A_2689 = arith.constant 160 : index
    %swap3A_2690 = tpu.vector_load %arg7[%swap3A_2687, %swap3A_2688, %swap3A_2689] {strides = array<i32>} : memref<1x32x256xf32, #tpu.memory_space<vmem>>, vector<1x1x16xf32>,
    %swap3A_2691 = vector.shape_cast %swap3A_2690 : vector<1x1x16xf32> to vector<16xf32>
    %swap3A_2692 = vector.shape_cast %get3A_2660 : vector<16xf32> to vector<1x1x16xf32>
    tpu.vector_store %arg7[%swap3A_2687, %swap3A_2688, %swap3A_2689], %swap3A_2692 {strides = array<i32>} : memref<1x32x256xf32, #tpu.memory_space<vmem>>, vector<1x1x16xf32>,
    %swap3A_2693 = arith.constant 0 : i32
    %swap3A_2694 = arith.constant 4 : i32
    %swap3A_2695 = arith.index_cast %swap3A_2693 : i32 to index
    %swap3A_2696 = arith.index_cast %swap3A_2694 : i32 to index
    %swap3A_2697 = arith.constant 160 : index
    %swap3A_2698 = tpu.vector_load %arg7[%swap3A_2695, %swap3A_2696, %swap3A_2697] {strides = array<i32>} : memref<1x32x256xf32, #tpu.memory_space<vmem>>, vector<1x1x16xf32>,
    %swap3A_2699 = vector.shape_cast %swap3A_2698 : vector<1x1x16xf32> to vector<16xf32>
    %swap3A_2700 = vector.shape_cast %get3A_2660 : vector<16xf32> to vector<1x1x16xf32>
    tpu.vector_store %arg7[%swap3A_2695, %swap3A_2696, %swap3A_2697], %swap3A_2700 {strides = array<i32>} : memref<1x32x256xf32, #tpu.memory_space<vmem>>, vector<1x1x16xf32>,
    %swap3A_2701 = arith.constant 0 : i32
    %swap3A_2702 = arith.constant 5 : i32
    %swap3A_2703 = arith.index_cast %swap3A_2701 : i32 to index
    %swap3A_2704 = arith.index_cast %swap3A_2702 : i32 to index
    %swap3A_2705 = arith.constant 160 : index
    %swap3A_2706 = tpu.vector_load %arg7[%swap3A_2703, %swap3A_2704, %swap3A_2705] {strides = array<i32>} : memref<1x32x256xf32, #tpu.memory_space<vmem>>, vector<1x1x16xf32>,
    %swap3A_2707 = vector.shape_cast %swap3A_2706 : vector<1x1x16xf32> to vector<16xf32>
    %swap3A_2708 = vector.shape_cast %get3A_2660 : vector<16xf32> to vector<1x1x16xf32>
    tpu.vector_store %arg7[%swap3A_2703, %swap3A_2704, %swap3A_2705], %swap3A_2708 {strides = array<i32>} : memref<1x32x256xf32, #tpu.memory_space<vmem>>, vector<1x1x16xf32>,
    %swap3A_2709 = arith.constant 0 : i32
    %swap3A_2710 = arith.constant 6 : i32
    %swap3A_2711 = arith.index_cast %swap3A_2709 : i32 to index
    %swap3A_2712 = arith.index_cast %swap3A_2710 : i32 to index
    %swap3A_2713 = arith.constant 160 : index
    %swap3A_2714 = tpu.vector_load %arg7[%swap3A_2711, %swap3A_2712, %swap3A_2713] {strides = array<i32>} : memref<1x32x256xf32, #tpu.memory_space<vmem>>, vector<1x1x16xf32>,
    %swap3A_2715 = vector.shape_cast %swap3A_2714 : vector<1x1x16xf32> to vector<16xf32>
    %swap3A_2716 = vector.shape_cast %get3A_2660 : vector<16xf32> to vector<1x1x16xf32>
    tpu.vector_store %arg7[%swap3A_2711, %swap3A_2712, %swap3A_2713], %swap3A_2716 {strides = array<i32>} : memref<1x32x256xf32, #tpu.memory_space<vmem>>, vector<1x1x16xf32>,
    %swap3A_2717 = arith.constant 0 : i32
    %swap3A_2718 = arith.constant 7 : i32
    %swap3A_2719 = arith.index_cast %swap3A_2717 : i32 to index
    %swap3A_2720 = arith.index_cast %swap3A_2718 : i32 to index
    %swap3A_2721 = arith.constant 160 : index
    %swap3A_2722 = tpu.vector_load %arg7[%swap3A_2719, %swap3A_2720, %swap3A_2721] {strides = array<i32>} : memref<1x32x256xf32, #tpu.memory_space<vmem>>, vector<1x1x16xf32>,
    %swap3A_2723 = vector.shape_cast %swap3A_2722 : vector<1x1x16xf32> to vector<16xf32>
    %swap3A_2724 = vector.shape_cast %get3A_2660 : vector<16xf32> to vector<1x1x16xf32>
    tpu.vector_store %arg7[%swap3A_2719, %swap3A_2720, %swap3A_2721], %swap3A_2724 {strides = array<i32>} : memref<1x32x256xf32, #tpu.memory_space<vmem>>, vector<1x1x16xf32>,
    %swap3A_2725 = arith.constant 0 : i32
    %swap3A_2726 = arith.constant 8 : i32
    %swap3A_2727 = arith.index_cast %swap3A_2725 : i32 to index
    %swap3A_2728 = arith.index_cast %swap3A_2726 : i32 to index
    %swap3A_2729 = arith.constant 160 : index
    %swap3A_2730 = tpu.vector_load %arg7[%swap3A_2727, %swap3A_2728, %swap3A_2729] {strides = array<i32>} : memref<1x32x256xf32, #tpu.memory_space<vmem>>, vector<1x1x16xf32>,
    %swap3A_2731 = vector.shape_cast %swap3A_2730 : vector<1x1x16xf32> to vector<16xf32>
    %swap3A_2732 = vector.shape_cast %get3A_2660 : vector<16xf32> to vector<1x1x16xf32>
    tpu.vector_store %arg7[%swap3A_2727, %swap3A_2728, %swap3A_2729], %swap3A_2732 {strides = array<i32>} : memref<1x32x256xf32, #tpu.memory_space<vmem>>, vector<1x1x16xf32>,
    %swap3A_2733 = arith.constant 0 : i32
    %swap3A_2734 = arith.constant 9 : i32
    %swap3A_2735 = arith.index_cast %swap3A_2733 : i32 to index
    %swap3A_2736 = arith.index_cast %swap3A_2734 : i32 to index
    %swap3A_2737 = arith.constant 160 : index
    %swap3A_2738 = tpu.vector_load %arg7[%swap3A_2735, %swap3A_2736, %swap3A_2737] {strides = array<i32>} : memref<1x32x256xf32, #tpu.memory_space<vmem>>, vector<1x1x16xf32>,
    %swap3A_2739 = vector.shape_cast %swap3A_2738 : vector<1x1x16xf32> to vector<16xf32>
    %swap3A_2740 = vector.shape_cast %get3A_2660 : vector<16xf32> to vector<1x1x16xf32>
    tpu.vector_store %arg7[%swap3A_2735, %swap3A_2736, %swap3A_2737], %swap3A_2740 {strides = array<i32>} : memref<1x32x256xf32, #tpu.memory_space<vmem>>, vector<1x1x16xf32>,
    %swap3A_2741 = arith.constant 0 : i32
    %swap3A_2742 = arith.constant 10 : i32
    %swap3A_2743 = arith.index_cast %swap3A_2741 : i32 to index
    %swap3A_2744 = arith.index_cast %swap3A_2742 : i32 to index
    %swap3A_2745 = arith.constant 160 : index
    %swap3A_2746 = tpu.vector_load %arg7[%swap3A_2743, %swap3A_2744, %swap3A_2745] {strides = array<i32>} : memref<1x32x256xf32, #tpu.memory_space<vmem>>, vector<1x1x16xf32>,
    %swap3A_2747 = vector.shape_cast %swap3A_2746 : vector<1x1x16xf32> to vector<16xf32>
    %swap3A_2748 = vector.shape_cast %get3A_2660 : vector<16xf32> to vector<1x1x16xf32>
    tpu.vector_store %arg7[%swap3A_2743, %swap3A_2744, %swap3A_2745], %swap3A_2748 {strides = array<i32>} : memref<1x32x256xf32, #tpu.memory_space<vmem>>, vector<1x1x16xf32>,
    %swap3A_2749 = arith.constant 0 : i32
    %swap3A_2750 = arith.constant 11 : i32
    %swap3A_2751 = arith.index_cast %swap3A_2749 : i32 to index
    %swap3A_2752 = arith.index_cast %swap3A_2750 : i32 to index
    %swap3A_2753 = arith.constant 160 : index
    %swap3A_2754 = tpu.vector_load %arg7[%swap3A_2751, %swap3A_2752, %swap3A_2753] {strides = array<i32>} : memref<1x32x256xf32, #tpu.memory_space<vmem>>, vector<1x1x16xf32>,
    %swap3A_2755 = vector.shape_cast %swap3A_2754 : vector<1x1x16xf32> to vector<16xf32>
    %swap3A_2756 = vector.shape_cast %get3A_2660 : vector<16xf32> to vector<1x1x16xf32>
    tpu.vector_store %arg7[%swap3A_2751, %swap3A_2752, %swap3A_2753], %swap3A_2756 {strides = array<i32>} : memref<1x32x256xf32, #tpu.memory_space<vmem>>, vector<1x1x16xf32>,
    %swap3A_2757 = arith.constant 0 : i32
    %swap3A_2758 = arith.constant 12 : i32
    %swap3A_2759 = arith.index_cast %swap3A_2757 : i32 to index
    %swap3A_2760 = arith.index_cast %swap3A_2758 : i32 to index
    %swap3A_2761 = arith.constant 160 : index
    %swap3A_2762 = tpu.vector_load %arg7[%swap3A_2759, %swap3A_2760, %swap3A_2761] {strides = array<i32>} : memref<1x32x256xf32, #tpu.memory_space<vmem>>, vector<1x1x16xf32>,
    %swap3A_2763 = vector.shape_cast %swap3A_2762 : vector<1x1x16xf32> to vector<16xf32>
    %swap3A_2764 = vector.shape_cast %get3A_2660 : vector<16xf32> to vector<1x1x16xf32>
    tpu.vector_store %arg7[%swap3A_2759, %swap3A_2760, %swap3A_2761], %swap3A_2764 {strides = array<i32>} : memref<1x32x256xf32, #tpu.memory_space<vmem>>, vector<1x1x16xf32>,
    %swap3A_2765 = arith.constant 0 : i32
    %swap3A_2766 = arith.constant 13 : i32
    %swap3A_2767 = arith.index_cast %swap3A_2765 : i32 to index
    %swap3A_2768 = arith.index_cast %swap3A_2766 : i32 to index
    %swap3A_2769 = arith.constant 160 : index
    %swap3A_2770 = tpu.vector_load %arg7[%swap3A_2767, %swap3A_2768, %swap3A_2769] {strides = array<i32>} : memref<1x32x256xf32, #tpu.memory_space<vmem>>, vector<1x1x16xf32>,
    %swap3A_2771 = vector.shape_cast %swap3A_2770 : vector<1x1x16xf32> to vector<16xf32>
    %swap3A_2772 = vector.shape_cast %get3A_2660 : vector<16xf32> to vector<1x1x16xf32>
    tpu.vector_store %arg7[%swap3A_2767, %swap3A_2768, %swap3A_2769], %swap3A_2772 {strides = array<i32>} : memref<1x32x256xf32, #tpu.memory_space<vmem>>, vector<1x1x16xf32>,
    %swap3A_2773 = arith.constant 0 : i32
    %swap3A_2774 = arith.constant 14 : i32
    %swap3A_2775 = arith.index_cast %swap3A_2773 : i32 to index
    %swap3A_2776 = arith.index_cast %swap3A_2774 : i32 to index
    %swap3A_2777 = arith.constant 160 : index
    %swap3A_2778 = tpu.vector_load %arg7[%swap3A_2775, %swap3A_2776, %swap3A_2777] {strides = array<i32>} : memref<1x32x256xf32, #tpu.memory_space<vmem>>, vector<1x1x16xf32>,
    %swap3A_2779 = vector.shape_cast %swap3A_2778 : vector<1x1x16xf32> to vector<16xf32>
    %swap3A_2780 = vector.shape_cast %get3A_2660 : vector<16xf32> to vector<1x1x16xf32>
    tpu.vector_store %arg7[%swap3A_2775, %swap3A_2776, %swap3A_2777], %swap3A_2780 {strides = array<i32>} : memref<1x32x256xf32, #tpu.memory_space<vmem>>, vector<1x1x16xf32>,
    %swap3A_2781 = arith.constant 0 : i32
    %swap3A_2782 = arith.constant 15 : i32
    %swap3A_2783 = arith.index_cast %swap3A_2781 : i32 to index
    %swap3A_2784 = arith.index_cast %swap3A_2782 : i32 to index
    %swap3A_2785 = arith.constant 160 : index
    %swap3A_2786 = tpu.vector_load %arg7[%swap3A_2783, %swap3A_2784, %swap3A_2785] {strides = array<i32>} : memref<1x32x256xf32, #tpu.memory_space<vmem>>, vector<1x1x16xf32>,
    %swap3A_2787 = vector.shape_cast %swap3A_2786 : vector<1x1x16xf32> to vector<16xf32>
    %swap3A_2788 = vector.shape_cast %get3A_2660 : vector<16xf32> to vector<1x1x16xf32>
    tpu.vector_store %arg7[%swap3A_2783, %swap3A_2784, %swap3A_2785], %swap3A_2788 {strides = array<i32>} : memref<1x32x256xf32, #tpu.memory_space<vmem>>, vector<1x1x16xf32>,
    %swap3A_2789 = arith.constant 0 : i32
    %swap3A_2790 = arith.constant 16 : i32
    %swap3A_2791 = arith.index_cast %swap3A_2789 : i32 to index
    %swap3A_2792 = arith.index_cast %swap3A_2790 : i32 to index
    %swap3A_2793 = arith.constant 160 : index
    %swap3A_2794 = tpu.vector_load %arg7[%swap3A_2791, %swap3A_2792, %swap3A_2793] {strides = array<i32>} : memref<1x32x256xf32, #tpu.memory_space<vmem>>, vector<1x1x16xf32>,
    %swap3A_2795 = vector.shape_cast %swap3A_2794 : vector<1x1x16xf32> to vector<16xf32>
    %swap3A_2796 = vector.shape_cast %get3A_2660 : vector<16xf32> to vector<1x1x16xf32>
    tpu.vector_store %arg7[%swap3A_2791, %swap3A_2792, %swap3A_2793], %swap3A_2796 {strides = array<i32>} : memref<1x32x256xf32, #tpu.memory_space<vmem>>, vector<1x1x16xf32>,
    %swap3A_2797 = arith.constant 0 : i32
    %swap3A_2798 = arith.constant 17 : i32
    %swap3A_2799 = arith.index_cast %swap3A_2797 : i32 to index
    %swap3A_2800 = arith.index_cast %swap3A_2798 : i32 to index
    %swap3A_2801 = arith.constant 160 : index
    %swap3A_2802 = tpu.vector_load %arg7[%swap3A_2799, %swap3A_2800, %swap3A_2801] {strides = array<i32>} : memref<1x32x256xf32, #tpu.memory_space<vmem>>, vector<1x1x16xf32>,
    %swap3A_2803 = vector.shape_cast %swap3A_2802 : vector<1x1x16xf32> to vector<16xf32>
    %swap3A_2804 = vector.shape_cast %get3A_2660 : vector<16xf32> to vector<1x1x16xf32>
    tpu.vector_store %arg7[%swap3A_2799, %swap3A_2800, %swap3A_2801], %swap3A_2804 {strides = array<i32>} : memref<1x32x256xf32, #tpu.memory_space<vmem>>, vector<1x1x16xf32>,
    %swap3A_2805 = arith.constant 0 : i32
    %swap3A_2806 = arith.constant 18 : i32
    %swap3A_2807 = arith.index_cast %swap3A_2805 : i32 to index
    %swap3A_2808 = arith.index_cast %swap3A_2806 : i32 to index
    %swap3A_2809 = arith.constant 160 : index
    %swap3A_2810 = tpu.vector_load %arg7[%swap3A_2807, %swap3A_2808, %swap3A_2809] {strides = array<i32>} : memref<1x32x256xf32, #tpu.memory_space<vmem>>, vector<1x1x16xf32>,
    %swap3A_2811 = vector.shape_cast %swap3A_2810 : vector<1x1x16xf32> to vector<16xf32>
    %swap3A_2812 = vector.shape_cast %get3A_2660 : vector<16xf32> to vector<1x1x16xf32>
    tpu.vector_store %arg7[%swap3A_2807, %swap3A_2808, %swap3A_2809], %swap3A_2812 {strides = array<i32>} : memref<1x32x256xf32, #tpu.memory_space<vmem>>, vector<1x1x16xf32>,
    %swap3A_2813 = arith.constant 0 : i32
    %swap3A_2814 = arith.constant 19 : i32
    %swap3A_2815 = arith.index_cast %swap3A_2813 : i32 to index
    %swap3A_2816 = arith.index_cast %swap3A_2814 : i32 to index
    %swap3A_2817 = arith.constant 160 : index
    %swap3A_2818 = tpu.vector_load %arg7[%swap3A_2815, %swap3A_2816, %swap3A_2817] {strides = array<i32>} : memref<1x32x256xf32, #tpu.memory_space<vmem>>, vector<1x1x16xf32>,
    %swap3A_2819 = vector.shape_cast %swap3A_2818 : vector<1x1x16xf32> to vector<16xf32>
    %swap3A_2820 = vector.shape_cast %get3A_2660 : vector<16xf32> to vector<1x1x16xf32>
    tpu.vector_store %arg7[%swap3A_2815, %swap3A_2816, %swap3A_2817], %swap3A_2820 {strides = array<i32>} : memref<1x32x256xf32, #tpu.memory_space<vmem>>, vector<1x1x16xf32>,
    %swap3A_2821 = arith.constant 0 : i32
    %swap3A_2822 = arith.constant 20 : i32
    %swap3A_2823 = arith.index_cast %swap3A_2821 : i32 to index
    %swap3A_2824 = arith.index_cast %swap3A_2822 : i32 to index
    %swap3A_2825 = arith.constant 160 : index
    %swap3A_2826 = tpu.vector_load %arg7[%swap3A_2823, %swap3A_2824, %swap3A_2825] {strides = array<i32>} : memref<1x32x256xf32, #tpu.memory_space<vmem>>, vector<1x1x16xf32>,
    %swap3A_2827 = vector.shape_cast %swap3A_2826 : vector<1x1x16xf32> to vector<16xf32>
    %swap3A_2828 = vector.shape_cast %get3A_2660 : vector<16xf32> to vector<1x1x16xf32>
    tpu.vector_store %arg7[%swap3A_2823, %swap3A_2824, %swap3A_2825], %swap3A_2828 {strides = array<i32>} : memref<1x32x256xf32, #tpu.memory_space<vmem>>, vector<1x1x16xf32>,
    %swap3A_2829 = arith.constant 0 : i32
    %swap3A_2830 = arith.constant 21 : i32
    %swap3A_2831 = arith.index_cast %swap3A_2829 : i32 to index
    %swap3A_2832 = arith.index_cast %swap3A_2830 : i32 to index
    %swap3A_2833 = arith.constant 160 : index
    %swap3A_2834 = tpu.vector_load %arg7[%swap3A_2831, %swap3A_2832, %swap3A_2833] {strides = array<i32>} : memref<1x32x256xf32, #tpu.memory_space<vmem>>, vector<1x1x16xf32>,
    %swap3A_2835 = vector.shape_cast %swap3A_2834 : vector<1x1x16xf32> to vector<16xf32>
    %swap3A_2836 = vector.shape_cast %get3A_2660 : vector<16xf32> to vector<1x1x16xf32>
    tpu.vector_store %arg7[%swap3A_2831, %swap3A_2832, %swap3A_2833], %swap3A_2836 {strides = array<i32>} : memref<1x32x256xf32, #tpu.memory_space<vmem>>, vector<1x1x16xf32>,
    %swap3A_2837 = arith.constant 0 : i32
    %swap3A_2838 = arith.constant 22 : i32
    %swap3A_2839 = arith.index_cast %swap3A_2837 : i32 to index
    %swap3A_2840 = arith.index_cast %swap3A_2838 : i32 to index
    %swap3A_2841 = arith.constant 160 : index
    %swap3A_2842 = tpu.vector_load %arg7[%swap3A_2839, %swap3A_2840, %swap3A_2841] {strides = array<i32>} : memref<1x32x256xf32, #tpu.memory_space<vmem>>, vector<1x1x16xf32>,
    %swap3A_2843 = vector.shape_cast %swap3A_2842 : vector<1x1x16xf32> to vector<16xf32>
    %swap3A_2844 = vector.shape_cast %get3A_2660 : vector<16xf32> to vector<1x1x16xf32>
    tpu.vector_store %arg7[%swap3A_2839, %swap3A_2840, %swap3A_2841], %swap3A_2844 {strides = array<i32>} : memref<1x32x256xf32, #tpu.memory_space<vmem>>, vector<1x1x16xf32>,
    %swap3A_2845 = arith.constant 0 : i32
    %swap3A_2846 = arith.constant 23 : i32
    %swap3A_2847 = arith.index_cast %swap3A_2845 : i32 to index
    %swap3A_2848 = arith.index_cast %swap3A_2846 : i32 to index
    %swap3A_2849 = arith.constant 160 : index
    %swap3A_2850 = tpu.vector_load %arg7[%swap3A_2847, %swap3A_2848, %swap3A_2849] {strides = array<i32>} : memref<1x32x256xf32, #tpu.memory_space<vmem>>, vector<1x1x16xf32>,
    %swap3A_2851 = vector.shape_cast %swap3A_2850 : vector<1x1x16xf32> to vector<16xf32>
    %swap3A_2852 = vector.shape_cast %get3A_2660 : vector<16xf32> to vector<1x1x16xf32>
    tpu.vector_store %arg7[%swap3A_2847, %swap3A_2848, %swap3A_2849], %swap3A_2852 {strides = array<i32>} : memref<1x32x256xf32, #tpu.memory_space<vmem>>, vector<1x1x16xf32>,
    %swap3A_2853 = arith.constant 0 : i32
    %swap3A_2854 = arith.constant 24 : i32
    %swap3A_2855 = arith.index_cast %swap3A_2853 : i32 to index
    %swap3A_2856 = arith.index_cast %swap3A_2854 : i32 to index
    %swap3A_2857 = arith.constant 160 : index
    %swap3A_2858 = tpu.vector_load %arg7[%swap3A_2855, %swap3A_2856, %swap3A_2857] {strides = array<i32>} : memref<1x32x256xf32, #tpu.memory_space<vmem>>, vector<1x1x16xf32>,
    %swap3A_2859 = vector.shape_cast %swap3A_2858 : vector<1x1x16xf32> to vector<16xf32>
    %swap3A_2860 = vector.shape_cast %get3A_2660 : vector<16xf32> to vector<1x1x16xf32>
    tpu.vector_store %arg7[%swap3A_2855, %swap3A_2856, %swap3A_2857], %swap3A_2860 {strides = array<i32>} : memref<1x32x256xf32, #tpu.memory_space<vmem>>, vector<1x1x16xf32>,
    %swap3A_2861 = arith.constant 0 : i32
    %swap3A_2862 = arith.constant 25 : i32
    %swap3A_2863 = arith.index_cast %swap3A_2861 : i32 to index
    %swap3A_2864 = arith.index_cast %swap3A_2862 : i32 to index
    %swap3A_2865 = arith.constant 160 : index
    %swap3A_2866 = tpu.vector_load %arg7[%swap3A_2863, %swap3A_2864, %swap3A_2865] {strides = array<i32>} : memref<1x32x256xf32, #tpu.memory_space<vmem>>, vector<1x1x16xf32>,
    %swap3A_2867 = vector.shape_cast %swap3A_2866 : vector<1x1x16xf32> to vector<16xf32>
    %swap3A_2868 = vector.shape_cast %get3A_2660 : vector<16xf32> to vector<1x1x16xf32>
    tpu.vector_store %arg7[%swap3A_2863, %swap3A_2864, %swap3A_2865], %swap3A_2868 {strides = array<i32>} : memref<1x32x256xf32, #tpu.memory_space<vmem>>, vector<1x1x16xf32>,
    %swap3A_2869 = arith.constant 0 : i32
    %swap3A_2870 = arith.constant 26 : i32
    %swap3A_2871 = arith.index_cast %swap3A_2869 : i32 to index
    %swap3A_2872 = arith.index_cast %swap3A_2870 : i32 to index
    %swap3A_2873 = arith.constant 160 : index
    %swap3A_2874 = tpu.vector_load %arg7[%swap3A_2871, %swap3A_2872, %swap3A_2873] {strides = array<i32>} : memref<1x32x256xf32, #tpu.memory_space<vmem>>, vector<1x1x16xf32>,
    %swap3A_2875 = vector.shape_cast %swap3A_2874 : vector<1x1x16xf32> to vector<16xf32>
    %swap3A_2876 = vector.shape_cast %get3A_2660 : vector<16xf32> to vector<1x1x16xf32>
    tpu.vector_store %arg7[%swap3A_2871, %swap3A_2872, %swap3A_2873], %swap3A_2876 {strides = array<i32>} : memref<1x32x256xf32, #tpu.memory_space<vmem>>, vector<1x1x16xf32>,
    %swap3A_2877 = arith.constant 0 : i32
    %swap3A_2878 = arith.constant 27 : i32
    %swap3A_2879 = arith.index_cast %swap3A_2877 : i32 to index
    %swap3A_2880 = arith.index_cast %swap3A_2878 : i32 to index
    %swap3A_2881 = arith.constant 160 : index
    %swap3A_2882 = tpu.vector_load %arg7[%swap3A_2879, %swap3A_2880, %swap3A_2881] {strides = array<i32>} : memref<1x32x256xf32, #tpu.memory_space<vmem>>, vector<1x1x16xf32>,
    %swap3A_2883 = vector.shape_cast %swap3A_2882 : vector<1x1x16xf32> to vector<16xf32>
    %swap3A_2884 = vector.shape_cast %get3A_2660 : vector<16xf32> to vector<1x1x16xf32>
    tpu.vector_store %arg7[%swap3A_2879, %swap3A_2880, %swap3A_2881], %swap3A_2884 {strides = array<i32>} : memref<1x32x256xf32, #tpu.memory_space<vmem>>, vector<1x1x16xf32>,
    %swap3A_2885 = arith.constant 0 : i32
    %swap3A_2886 = arith.constant 28 : i32
    %swap3A_2887 = arith.index_cast %swap3A_2885 : i32 to index
    %swap3A_2888 = arith.index_cast %swap3A_2886 : i32 to index
    %swap3A_2889 = arith.constant 160 : index
    %swap3A_2890 = tpu.vector_load %arg7[%swap3A_2887, %swap3A_2888, %swap3A_2889] {strides = array<i32>} : memref<1x32x256xf32, #tpu.memory_space<vmem>>, vector<1x1x16xf32>,
    %swap3A_2891 = vector.shape_cast %swap3A_2890 : vector<1x1x16xf32> to vector<16xf32>
    %swap3A_2892 = vector.shape_cast %get3A_2660 : vector<16xf32> to vector<1x1x16xf32>
    tpu.vector_store %arg7[%swap3A_2887, %swap3A_2888, %swap3A_2889], %swap3A_2892 {strides = array<i32>} : memref<1x32x256xf32, #tpu.memory_space<vmem>>, vector<1x1x16xf32>,
    %swap3A_2893 = arith.constant 0 : i32
    %swap3A_2894 = arith.constant 29 : i32
    %swap3A_2895 = arith.index_cast %swap3A_2893 : i32 to index
    %swap3A_2896 = arith.index_cast %swap3A_2894 : i32 to index
    %swap3A_2897 = arith.constant 160 : index
    %swap3A_2898 = tpu.vector_load %arg7[%swap3A_2895, %swap3A_2896, %swap3A_2897] {strides = array<i32>} : memref<1x32x256xf32, #tpu.memory_space<vmem>>, vector<1x1x16xf32>,
    %swap3A_2899 = vector.shape_cast %swap3A_2898 : vector<1x1x16xf32> to vector<16xf32>
    %swap3A_2900 = vector.shape_cast %get3A_2660 : vector<16xf32> to vector<1x1x16xf32>
    tpu.vector_store %arg7[%swap3A_2895, %swap3A_2896, %swap3A_2897], %swap3A_2900 {strides = array<i32>} : memref<1x32x256xf32, #tpu.memory_space<vmem>>, vector<1x1x16xf32>,
    %swap3A_2901 = arith.constant 0 : i32
    %swap3A_2902 = arith.constant 30 : i32
    %swap3A_2903 = arith.index_cast %swap3A_2901 : i32 to index
    %swap3A_2904 = arith.index_cast %swap3A_2902 : i32 to index
    %swap3A_2905 = arith.constant 160 : index
    %swap3A_2906 = tpu.vector_load %arg7[%swap3A_2903, %swap3A_2904, %swap3A_2905] {strides = array<i32>} : memref<1x32x256xf32, #tpu.memory_space<vmem>>, vector<1x1x16xf32>,
    %swap3A_2907 = vector.shape_cast %swap3A_2906 : vector<1x1x16xf32> to vector<16xf32>
    %swap3A_2908 = vector.shape_cast %get3A_2660 : vector<16xf32> to vector<1x1x16xf32>
    tpu.vector_store %arg7[%swap3A_2903, %swap3A_2904, %swap3A_2905], %swap3A_2908 {strides = array<i32>} : memref<1x32x256xf32, #tpu.memory_space<vmem>>, vector<1x1x16xf32>,
    %swap3A_2909 = arith.constant 0 : i32
    %swap3A_2910 = arith.constant 31 : i32
    %swap3A_2911 = arith.index_cast %swap3A_2909 : i32 to index
    %swap3A_2912 = arith.index_cast %swap3A_2910 : i32 to index
    %swap3A_2913 = arith.constant 160 : index
    %swap3A_2914 = tpu.vector_load %arg7[%swap3A_2911, %swap3A_2912, %swap3A_2913] {strides = array<i32>} : memref<1x32x256xf32, #tpu.memory_space<vmem>>, vector<1x1x16xf32>,
    %swap3A_2915 = vector.shape_cast %swap3A_2914 : vector<1x1x16xf32> to vector<16xf32>
    %swap3A_2916 = vector.shape_cast %get3A_2660 : vector<16xf32> to vector<1x1x16xf32>
    tpu.vector_store %arg7[%swap3A_2911, %swap3A_2912, %swap3A_2913], %swap3A_2916 {strides = array<i32>} : memref<1x32x256xf32, #tpu.memory_space<vmem>>, vector<1x1x16xf32>,
    %get3A_2917 = arith.constant 0 : i32
    %get3A_2918 = arith.constant 0 : i32
    %get3A_2919 = arith.index_cast %get3A_2917 : i32 to index
    %get3A_2920 = arith.index_cast %get3A_2918 : i32 to index
    %get3A_2921 = arith.constant 176 : index
    %get3A_2922 = tpu.vector_load %arg6[%get3A_2919, %get3A_2920, %get3A_2921] {strides = array<i32>} : memref<1x1x256xf32, #tpu.memory_space<vmem>>, vector<1x1x16xf32>,
    %get3A_2923 = vector.shape_cast %get3A_2922 : vector<1x1x16xf32> to vector<16xf32>
    %swap3A_2924 = arith.constant 0 : i32
    %swap3A_2925 = arith.constant 0 : i32
    %swap3A_2926 = arith.index_cast %swap3A_2924 : i32 to index
    %swap3A_2927 = arith.index_cast %swap3A_2925 : i32 to index
    %swap3A_2928 = arith.constant 176 : index
    %swap3A_2929 = tpu.vector_load %arg7[%swap3A_2926, %swap3A_2927, %swap3A_2928] {strides = array<i32>} : memref<1x32x256xf32, #tpu.memory_space<vmem>>, vector<1x1x16xf32>,
    %swap3A_2930 = vector.shape_cast %swap3A_2929 : vector<1x1x16xf32> to vector<16xf32>
    %swap3A_2931 = vector.shape_cast %get3A_2923 : vector<16xf32> to vector<1x1x16xf32>
    tpu.vector_store %arg7[%swap3A_2926, %swap3A_2927, %swap3A_2928], %swap3A_2931 {strides = array<i32>} : memref<1x32x256xf32, #tpu.memory_space<vmem>>, vector<1x1x16xf32>,
    %swap3A_2932 = arith.constant 0 : i32
    %swap3A_2933 = arith.constant 1 : i32
    %swap3A_2934 = arith.index_cast %swap3A_2932 : i32 to index
    %swap3A_2935 = arith.index_cast %swap3A_2933 : i32 to index
    %swap3A_2936 = arith.constant 176 : index
    %swap3A_2937 = tpu.vector_load %arg7[%swap3A_2934, %swap3A_2935, %swap3A_2936] {strides = array<i32>} : memref<1x32x256xf32, #tpu.memory_space<vmem>>, vector<1x1x16xf32>,
    %swap3A_2938 = vector.shape_cast %swap3A_2937 : vector<1x1x16xf32> to vector<16xf32>
    %swap3A_2939 = vector.shape_cast %get3A_2923 : vector<16xf32> to vector<1x1x16xf32>
    tpu.vector_store %arg7[%swap3A_2934, %swap3A_2935, %swap3A_2936], %swap3A_2939 {strides = array<i32>} : memref<1x32x256xf32, #tpu.memory_space<vmem>>, vector<1x1x16xf32>,
    %swap3A_2940 = arith.constant 0 : i32
    %swap3A_2941 = arith.constant 2 : i32
    %swap3A_2942 = arith.index_cast %swap3A_2940 : i32 to index
    %swap3A_2943 = arith.index_cast %swap3A_2941 : i32 to index
    %swap3A_2944 = arith.constant 176 : index
    %swap3A_2945 = tpu.vector_load %arg7[%swap3A_2942, %swap3A_2943, %swap3A_2944] {strides = array<i32>} : memref<1x32x256xf32, #tpu.memory_space<vmem>>, vector<1x1x16xf32>,
    %swap3A_2946 = vector.shape_cast %swap3A_2945 : vector<1x1x16xf32> to vector<16xf32>
    %swap3A_2947 = vector.shape_cast %get3A_2923 : vector<16xf32> to vector<1x1x16xf32>
    tpu.vector_store %arg7[%swap3A_2942, %swap3A_2943, %swap3A_2944], %swap3A_2947 {strides = array<i32>} : memref<1x32x256xf32, #tpu.memory_space<vmem>>, vector<1x1x16xf32>,
    %swap3A_2948 = arith.constant 0 : i32
    %swap3A_2949 = arith.constant 3 : i32
    %swap3A_2950 = arith.index_cast %swap3A_2948 : i32 to index
    %swap3A_2951 = arith.index_cast %swap3A_2949 : i32 to index
    %swap3A_2952 = arith.constant 176 : index
    %swap3A_2953 = tpu.vector_load %arg7[%swap3A_2950, %swap3A_2951, %swap3A_2952] {strides = array<i32>} : memref<1x32x256xf32, #tpu.memory_space<vmem>>, vector<1x1x16xf32>,
    %swap3A_2954 = vector.shape_cast %swap3A_2953 : vector<1x1x16xf32> to vector<16xf32>
    %swap3A_2955 = vector.shape_cast %get3A_2923 : vector<16xf32> to vector<1x1x16xf32>
    tpu.vector_store %arg7[%swap3A_2950, %swap3A_2951, %swap3A_2952], %swap3A_2955 {strides = array<i32>} : memref<1x32x256xf32, #tpu.memory_space<vmem>>, vector<1x1x16xf32>,
    %swap3A_2956 = arith.constant 0 : i32
    %swap3A_2957 = arith.constant 4 : i32
    %swap3A_2958 = arith.index_cast %swap3A_2956 : i32 to index
    %swap3A_2959 = arith.index_cast %swap3A_2957 : i32 to index
    %swap3A_2960 = arith.constant 176 : index
    %swap3A_2961 = tpu.vector_load %arg7[%swap3A_2958, %swap3A_2959, %swap3A_2960] {strides = array<i32>} : memref<1x32x256xf32, #tpu.memory_space<vmem>>, vector<1x1x16xf32>,
    %swap3A_2962 = vector.shape_cast %swap3A_2961 : vector<1x1x16xf32> to vector<16xf32>
    %swap3A_2963 = vector.shape_cast %get3A_2923 : vector<16xf32> to vector<1x1x16xf32>
    tpu.vector_store %arg7[%swap3A_2958, %swap3A_2959, %swap3A_2960], %swap3A_2963 {strides = array<i32>} : memref<1x32x256xf32, #tpu.memory_space<vmem>>, vector<1x1x16xf32>,
    %swap3A_2964 = arith.constant 0 : i32
    %swap3A_2965 = arith.constant 5 : i32
    %swap3A_2966 = arith.index_cast %swap3A_2964 : i32 to index
    %swap3A_2967 = arith.index_cast %swap3A_2965 : i32 to index
    %swap3A_2968 = arith.constant 176 : index
    %swap3A_2969 = tpu.vector_load %arg7[%swap3A_2966, %swap3A_2967, %swap3A_2968] {strides = array<i32>} : memref<1x32x256xf32, #tpu.memory_space<vmem>>, vector<1x1x16xf32>,
    %swap3A_2970 = vector.shape_cast %swap3A_2969 : vector<1x1x16xf32> to vector<16xf32>
    %swap3A_2971 = vector.shape_cast %get3A_2923 : vector<16xf32> to vector<1x1x16xf32>
    tpu.vector_store %arg7[%swap3A_2966, %swap3A_2967, %swap3A_2968], %swap3A_2971 {strides = array<i32>} : memref<1x32x256xf32, #tpu.memory_space<vmem>>, vector<1x1x16xf32>,
    %swap3A_2972 = arith.constant 0 : i32
    %swap3A_2973 = arith.constant 6 : i32
    %swap3A_2974 = arith.index_cast %swap3A_2972 : i32 to index
    %swap3A_2975 = arith.index_cast %swap3A_2973 : i32 to index
    %swap3A_2976 = arith.constant 176 : index
    %swap3A_2977 = tpu.vector_load %arg7[%swap3A_2974, %swap3A_2975, %swap3A_2976] {strides = array<i32>} : memref<1x32x256xf32, #tpu.memory_space<vmem>>, vector<1x1x16xf32>,
    %swap3A_2978 = vector.shape_cast %swap3A_2977 : vector<1x1x16xf32> to vector<16xf32>
    %swap3A_2979 = vector.shape_cast %get3A_2923 : vector<16xf32> to vector<1x1x16xf32>
    tpu.vector_store %arg7[%swap3A_2974, %swap3A_2975, %swap3A_2976], %swap3A_2979 {strides = array<i32>} : memref<1x32x256xf32, #tpu.memory_space<vmem>>, vector<1x1x16xf32>,
    %swap3A_2980 = arith.constant 0 : i32
    %swap3A_2981 = arith.constant 7 : i32
    %swap3A_2982 = arith.index_cast %swap3A_2980 : i32 to index
    %swap3A_2983 = arith.index_cast %swap3A_2981 : i32 to index
    %swap3A_2984 = arith.constant 176 : index
    %swap3A_2985 = tpu.vector_load %arg7[%swap3A_2982, %swap3A_2983, %swap3A_2984] {strides = array<i32>} : memref<1x32x256xf32, #tpu.memory_space<vmem>>, vector<1x1x16xf32>,
    %swap3A_2986 = vector.shape_cast %swap3A_2985 : vector<1x1x16xf32> to vector<16xf32>
    %swap3A_2987 = vector.shape_cast %get3A_2923 : vector<16xf32> to vector<1x1x16xf32>
    tpu.vector_store %arg7[%swap3A_2982, %swap3A_2983, %swap3A_2984], %swap3A_2987 {strides = array<i32>} : memref<1x32x256xf32, #tpu.memory_space<vmem>>, vector<1x1x16xf32>,
    %swap3A_2988 = arith.constant 0 : i32
    %swap3A_2989 = arith.constant 8 : i32
    %swap3A_2990 = arith.index_cast %swap3A_2988 : i32 to index
    %swap3A_2991 = arith.index_cast %swap3A_2989 : i32 to index
    %swap3A_2992 = arith.constant 176 : index
    %swap3A_2993 = tpu.vector_load %arg7[%swap3A_2990, %swap3A_2991, %swap3A_2992] {strides = array<i32>} : memref<1x32x256xf32, #tpu.memory_space<vmem>>, vector<1x1x16xf32>,
    %swap3A_2994 = vector.shape_cast %swap3A_2993 : vector<1x1x16xf32> to vector<16xf32>
    %swap3A_2995 = vector.shape_cast %get3A_2923 : vector<16xf32> to vector<1x1x16xf32>
    tpu.vector_store %arg7[%swap3A_2990, %swap3A_2991, %swap3A_2992], %swap3A_2995 {strides = array<i32>} : memref<1x32x256xf32, #tpu.memory_space<vmem>>, vector<1x1x16xf32>,
    %swap3A_2996 = arith.constant 0 : i32
    %swap3A_2997 = arith.constant 9 : i32
    %swap3A_2998 = arith.index_cast %swap3A_2996 : i32 to index
    %swap3A_2999 = arith.index_cast %swap3A_2997 : i32 to index
    %swap3A_3000 = arith.constant 176 : index
    %swap3A_3001 = tpu.vector_load %arg7[%swap3A_2998, %swap3A_2999, %swap3A_3000] {strides = array<i32>} : memref<1x32x256xf32, #tpu.memory_space<vmem>>, vector<1x1x16xf32>,
    %swap3A_3002 = vector.shape_cast %swap3A_3001 : vector<1x1x16xf32> to vector<16xf32>
    %swap3A_3003 = vector.shape_cast %get3A_2923 : vector<16xf32> to vector<1x1x16xf32>
    tpu.vector_store %arg7[%swap3A_2998, %swap3A_2999, %swap3A_3000], %swap3A_3003 {strides = array<i32>} : memref<1x32x256xf32, #tpu.memory_space<vmem>>, vector<1x1x16xf32>,
    %swap3A_3004 = arith.constant 0 : i32
    %swap3A_3005 = arith.constant 10 : i32
    %swap3A_3006 = arith.index_cast %swap3A_3004 : i32 to index
    %swap3A_3007 = arith.index_cast %swap3A_3005 : i32 to index
    %swap3A_3008 = arith.constant 176 : index
    %swap3A_3009 = tpu.vector_load %arg7[%swap3A_3006, %swap3A_3007, %swap3A_3008] {strides = array<i32>} : memref<1x32x256xf32, #tpu.memory_space<vmem>>, vector<1x1x16xf32>,
    %swap3A_3010 = vector.shape_cast %swap3A_3009 : vector<1x1x16xf32> to vector<16xf32>
    %swap3A_3011 = vector.shape_cast %get3A_2923 : vector<16xf32> to vector<1x1x16xf32>
    tpu.vector_store %arg7[%swap3A_3006, %swap3A_3007, %swap3A_3008], %swap3A_3011 {strides = array<i32>} : memref<1x32x256xf32, #tpu.memory_space<vmem>>, vector<1x1x16xf32>,
    %swap3A_3012 = arith.constant 0 : i32
    %swap3A_3013 = arith.constant 11 : i32
    %swap3A_3014 = arith.index_cast %swap3A_3012 : i32 to index
    %swap3A_3015 = arith.index_cast %swap3A_3013 : i32 to index
    %swap3A_3016 = arith.constant 176 : index
    %swap3A_3017 = tpu.vector_load %arg7[%swap3A_3014, %swap3A_3015, %swap3A_3016] {strides = array<i32>} : memref<1x32x256xf32, #tpu.memory_space<vmem>>, vector<1x1x16xf32>,
    %swap3A_3018 = vector.shape_cast %swap3A_3017 : vector<1x1x16xf32> to vector<16xf32>
    %swap3A_3019 = vector.shape_cast %get3A_2923 : vector<16xf32> to vector<1x1x16xf32>
    tpu.vector_store %arg7[%swap3A_3014, %swap3A_3015, %swap3A_3016], %swap3A_3019 {strides = array<i32>} : memref<1x32x256xf32, #tpu.memory_space<vmem>>, vector<1x1x16xf32>,
    %swap3A_3020 = arith.constant 0 : i32
    %swap3A_3021 = arith.constant 12 : i32
    %swap3A_3022 = arith.index_cast %swap3A_3020 : i32 to index
    %swap3A_3023 = arith.index_cast %swap3A_3021 : i32 to index
    %swap3A_3024 = arith.constant 176 : index
    %swap3A_3025 = tpu.vector_load %arg7[%swap3A_3022, %swap3A_3023, %swap3A_3024] {strides = array<i32>} : memref<1x32x256xf32, #tpu.memory_space<vmem>>, vector<1x1x16xf32>,
    %swap3A_3026 = vector.shape_cast %swap3A_3025 : vector<1x1x16xf32> to vector<16xf32>
    %swap3A_3027 = vector.shape_cast %get3A_2923 : vector<16xf32> to vector<1x1x16xf32>
    tpu.vector_store %arg7[%swap3A_3022, %swap3A_3023, %swap3A_3024], %swap3A_3027 {strides = array<i32>} : memref<1x32x256xf32, #tpu.memory_space<vmem>>, vector<1x1x16xf32>,
    %swap3A_3028 = arith.constant 0 : i32
    %swap3A_3029 = arith.constant 13 : i32
    %swap3A_3030 = arith.index_cast %swap3A_3028 : i32 to index
    %swap3A_3031 = arith.index_cast %swap3A_3029 : i32 to index
    %swap3A_3032 = arith.constant 176 : index
    %swap3A_3033 = tpu.vector_load %arg7[%swap3A_3030, %swap3A_3031, %swap3A_3032] {strides = array<i32>} : memref<1x32x256xf32, #tpu.memory_space<vmem>>, vector<1x1x16xf32>,
    %swap3A_3034 = vector.shape_cast %swap3A_3033 : vector<1x1x16xf32> to vector<16xf32>
    %swap3A_3035 = vector.shape_cast %get3A_2923 : vector<16xf32> to vector<1x1x16xf32>
    tpu.vector_store %arg7[%swap3A_3030, %swap3A_3031, %swap3A_3032], %swap3A_3035 {strides = array<i32>} : memref<1x32x256xf32, #tpu.memory_space<vmem>>, vector<1x1x16xf32>,
    %swap3A_3036 = arith.constant 0 : i32
    %swap3A_3037 = arith.constant 14 : i32
    %swap3A_3038 = arith.index_cast %swap3A_3036 : i32 to index
    %swap3A_3039 = arith.index_cast %swap3A_3037 : i32 to index
    %swap3A_3040 = arith.constant 176 : index
    %swap3A_3041 = tpu.vector_load %arg7[%swap3A_3038, %swap3A_3039, %swap3A_3040] {strides = array<i32>} : memref<1x32x256xf32, #tpu.memory_space<vmem>>, vector<1x1x16xf32>,
    %swap3A_3042 = vector.shape_cast %swap3A_3041 : vector<1x1x16xf32> to vector<16xf32>
    %swap3A_3043 = vector.shape_cast %get3A_2923 : vector<16xf32> to vector<1x1x16xf32>
    tpu.vector_store %arg7[%swap3A_3038, %swap3A_3039, %swap3A_3040], %swap3A_3043 {strides = array<i32>} : memref<1x32x256xf32, #tpu.memory_space<vmem>>, vector<1x1x16xf32>,
    %swap3A_3044 = arith.constant 0 : i32
    %swap3A_3045 = arith.constant 15 : i32
    %swap3A_3046 = arith.index_cast %swap3A_3044 : i32 to index
    %swap3A_3047 = arith.index_cast %swap3A_3045 : i32 to index
    %swap3A_3048 = arith.constant 176 : index
    %swap3A_3049 = tpu.vector_load %arg7[%swap3A_3046, %swap3A_3047, %swap3A_3048] {strides = array<i32>} : memref<1x32x256xf32, #tpu.memory_space<vmem>>, vector<1x1x16xf32>,
    %swap3A_3050 = vector.shape_cast %swap3A_3049 : vector<1x1x16xf32> to vector<16xf32>
    %swap3A_3051 = vector.shape_cast %get3A_2923 : vector<16xf32> to vector<1x1x16xf32>
    tpu.vector_store %arg7[%swap3A_3046, %swap3A_3047, %swap3A_3048], %swap3A_3051 {strides = array<i32>} : memref<1x32x256xf32, #tpu.memory_space<vmem>>, vector<1x1x16xf32>,
    %swap3A_3052 = arith.constant 0 : i32
    %swap3A_3053 = arith.constant 16 : i32
    %swap3A_3054 = arith.index_cast %swap3A_3052 : i32 to index
    %swap3A_3055 = arith.index_cast %swap3A_3053 : i32 to index
    %swap3A_3056 = arith.constant 176 : index
    %swap3A_3057 = tpu.vector_load %arg7[%swap3A_3054, %swap3A_3055, %swap3A_3056] {strides = array<i32>} : memref<1x32x256xf32, #tpu.memory_space<vmem>>, vector<1x1x16xf32>,
    %swap3A_3058 = vector.shape_cast %swap3A_3057 : vector<1x1x16xf32> to vector<16xf32>
    %swap3A_3059 = vector.shape_cast %get3A_2923 : vector<16xf32> to vector<1x1x16xf32>
    tpu.vector_store %arg7[%swap3A_3054, %swap3A_3055, %swap3A_3056], %swap3A_3059 {strides = array<i32>} : memref<1x32x256xf32, #tpu.memory_space<vmem>>, vector<1x1x16xf32>,
    %swap3A_3060 = arith.constant 0 : i32
    %swap3A_3061 = arith.constant 17 : i32
    %swap3A_3062 = arith.index_cast %swap3A_3060 : i32 to index
    %swap3A_3063 = arith.index_cast %swap3A_3061 : i32 to index
    %swap3A_3064 = arith.constant 176 : index
    %swap3A_3065 = tpu.vector_load %arg7[%swap3A_3062, %swap3A_3063, %swap3A_3064] {strides = array<i32>} : memref<1x32x256xf32, #tpu.memory_space<vmem>>, vector<1x1x16xf32>,
    %swap3A_3066 = vector.shape_cast %swap3A_3065 : vector<1x1x16xf32> to vector<16xf32>
    %swap3A_3067 = vector.shape_cast %get3A_2923 : vector<16xf32> to vector<1x1x16xf32>
    tpu.vector_store %arg7[%swap3A_3062, %swap3A_3063, %swap3A_3064], %swap3A_3067 {strides = array<i32>} : memref<1x32x256xf32, #tpu.memory_space<vmem>>, vector<1x1x16xf32>,
    %swap3A_3068 = arith.constant 0 : i32
    %swap3A_3069 = arith.constant 18 : i32
    %swap3A_3070 = arith.index_cast %swap3A_3068 : i32 to index
    %swap3A_3071 = arith.index_cast %swap3A_3069 : i32 to index
    %swap3A_3072 = arith.constant 176 : index
    %swap3A_3073 = tpu.vector_load %arg7[%swap3A_3070, %swap3A_3071, %swap3A_3072] {strides = array<i32>} : memref<1x32x256xf32, #tpu.memory_space<vmem>>, vector<1x1x16xf32>,
    %swap3A_3074 = vector.shape_cast %swap3A_3073 : vector<1x1x16xf32> to vector<16xf32>
    %swap3A_3075 = vector.shape_cast %get3A_2923 : vector<16xf32> to vector<1x1x16xf32>
    tpu.vector_store %arg7[%swap3A_3070, %swap3A_3071, %swap3A_3072], %swap3A_3075 {strides = array<i32>} : memref<1x32x256xf32, #tpu.memory_space<vmem>>, vector<1x1x16xf32>,
    %swap3A_3076 = arith.constant 0 : i32
    %swap3A_3077 = arith.constant 19 : i32
    %swap3A_3078 = arith.index_cast %swap3A_3076 : i32 to index
    %swap3A_3079 = arith.index_cast %swap3A_3077 : i32 to index
    %swap3A_3080 = arith.constant 176 : index
    %swap3A_3081 = tpu.vector_load %arg7[%swap3A_3078, %swap3A_3079, %swap3A_3080] {strides = array<i32>} : memref<1x32x256xf32, #tpu.memory_space<vmem>>, vector<1x1x16xf32>,
    %swap3A_3082 = vector.shape_cast %swap3A_3081 : vector<1x1x16xf32> to vector<16xf32>
    %swap3A_3083 = vector.shape_cast %get3A_2923 : vector<16xf32> to vector<1x1x16xf32>
    tpu.vector_store %arg7[%swap3A_3078, %swap3A_3079, %swap3A_3080], %swap3A_3083 {strides = array<i32>} : memref<1x32x256xf32, #tpu.memory_space<vmem>>, vector<1x1x16xf32>,
    %swap3A_3084 = arith.constant 0 : i32
    %swap3A_3085 = arith.constant 20 : i32
    %swap3A_3086 = arith.index_cast %swap3A_3084 : i32 to index
    %swap3A_3087 = arith.index_cast %swap3A_3085 : i32 to index
    %swap3A_3088 = arith.constant 176 : index
    %swap3A_3089 = tpu.vector_load %arg7[%swap3A_3086, %swap3A_3087, %swap3A_3088] {strides = array<i32>} : memref<1x32x256xf32, #tpu.memory_space<vmem>>, vector<1x1x16xf32>,
    %swap3A_3090 = vector.shape_cast %swap3A_3089 : vector<1x1x16xf32> to vector<16xf32>
    %swap3A_3091 = vector.shape_cast %get3A_2923 : vector<16xf32> to vector<1x1x16xf32>
    tpu.vector_store %arg7[%swap3A_3086, %swap3A_3087, %swap3A_3088], %swap3A_3091 {strides = array<i32>} : memref<1x32x256xf32, #tpu.memory_space<vmem>>, vector<1x1x16xf32>,
    %swap3A_3092 = arith.constant 0 : i32
    %swap3A_3093 = arith.constant 21 : i32
    %swap3A_3094 = arith.index_cast %swap3A_3092 : i32 to index
    %swap3A_3095 = arith.index_cast %swap3A_3093 : i32 to index
    %swap3A_3096 = arith.constant 176 : index
    %swap3A_3097 = tpu.vector_load %arg7[%swap3A_3094, %swap3A_3095, %swap3A_3096] {strides = array<i32>} : memref<1x32x256xf32, #tpu.memory_space<vmem>>, vector<1x1x16xf32>,
    %swap3A_3098 = vector.shape_cast %swap3A_3097 : vector<1x1x16xf32> to vector<16xf32>
    %swap3A_3099 = vector.shape_cast %get3A_2923 : vector<16xf32> to vector<1x1x16xf32>
    tpu.vector_store %arg7[%swap3A_3094, %swap3A_3095, %swap3A_3096], %swap3A_3099 {strides = array<i32>} : memref<1x32x256xf32, #tpu.memory_space<vmem>>, vector<1x1x16xf32>,
    %swap3A_3100 = arith.constant 0 : i32
    %swap3A_3101 = arith.constant 22 : i32
    %swap3A_3102 = arith.index_cast %swap3A_3100 : i32 to index
    %swap3A_3103 = arith.index_cast %swap3A_3101 : i32 to index
    %swap3A_3104 = arith.constant 176 : index
    %swap3A_3105 = tpu.vector_load %arg7[%swap3A_3102, %swap3A_3103, %swap3A_3104] {strides = array<i32>} : memref<1x32x256xf32, #tpu.memory_space<vmem>>, vector<1x1x16xf32>,
    %swap3A_3106 = vector.shape_cast %swap3A_3105 : vector<1x1x16xf32> to vector<16xf32>
    %swap3A_3107 = vector.shape_cast %get3A_2923 : vector<16xf32> to vector<1x1x16xf32>
    tpu.vector_store %arg7[%swap3A_3102, %swap3A_3103, %swap3A_3104], %swap3A_3107 {strides = array<i32>} : memref<1x32x256xf32, #tpu.memory_space<vmem>>, vector<1x1x16xf32>,
    %swap3A_3108 = arith.constant 0 : i32
    %swap3A_3109 = arith.constant 23 : i32
    %swap3A_3110 = arith.index_cast %swap3A_3108 : i32 to index
    %swap3A_3111 = arith.index_cast %swap3A_3109 : i32 to index
    %swap3A_3112 = arith.constant 176 : index
    %swap3A_3113 = tpu.vector_load %arg7[%swap3A_3110, %swap3A_3111, %swap3A_3112] {strides = array<i32>} : memref<1x32x256xf32, #tpu.memory_space<vmem>>, vector<1x1x16xf32>,
    %swap3A_3114 = vector.shape_cast %swap3A_3113 : vector<1x1x16xf32> to vector<16xf32>
    %swap3A_3115 = vector.shape_cast %get3A_2923 : vector<16xf32> to vector<1x1x16xf32>
    tpu.vector_store %arg7[%swap3A_3110, %swap3A_3111, %swap3A_3112], %swap3A_3115 {strides = array<i32>} : memref<1x32x256xf32, #tpu.memory_space<vmem>>, vector<1x1x16xf32>,
    %swap3A_3116 = arith.constant 0 : i32
    %swap3A_3117 = arith.constant 24 : i32
    %swap3A_3118 = arith.index_cast %swap3A_3116 : i32 to index
    %swap3A_3119 = arith.index_cast %swap3A_3117 : i32 to index
    %swap3A_3120 = arith.constant 176 : index
    %swap3A_3121 = tpu.vector_load %arg7[%swap3A_3118, %swap3A_3119, %swap3A_3120] {strides = array<i32>} : memref<1x32x256xf32, #tpu.memory_space<vmem>>, vector<1x1x16xf32>,
    %swap3A_3122 = vector.shape_cast %swap3A_3121 : vector<1x1x16xf32> to vector<16xf32>
    %swap3A_3123 = vector.shape_cast %get3A_2923 : vector<16xf32> to vector<1x1x16xf32>
    tpu.vector_store %arg7[%swap3A_3118, %swap3A_3119, %swap3A_3120], %swap3A_3123 {strides = array<i32>} : memref<1x32x256xf32, #tpu.memory_space<vmem>>, vector<1x1x16xf32>,
    %swap3A_3124 = arith.constant 0 : i32
    %swap3A_3125 = arith.constant 25 : i32
    %swap3A_3126 = arith.index_cast %swap3A_3124 : i32 to index
    %swap3A_3127 = arith.index_cast %swap3A_3125 : i32 to index
    %swap3A_3128 = arith.constant 176 : index
    %swap3A_3129 = tpu.vector_load %arg7[%swap3A_3126, %swap3A_3127, %swap3A_3128] {strides = array<i32>} : memref<1x32x256xf32, #tpu.memory_space<vmem>>, vector<1x1x16xf32>,
    %swap3A_3130 = vector.shape_cast %swap3A_3129 : vector<1x1x16xf32> to vector<16xf32>
    %swap3A_3131 = vector.shape_cast %get3A_2923 : vector<16xf32> to vector<1x1x16xf32>
    tpu.vector_store %arg7[%swap3A_3126, %swap3A_3127, %swap3A_3128], %swap3A_3131 {strides = array<i32>} : memref<1x32x256xf32, #tpu.memory_space<vmem>>, vector<1x1x16xf32>,
    %swap3A_3132 = arith.constant 0 : i32
    %swap3A_3133 = arith.constant 26 : i32
    %swap3A_3134 = arith.index_cast %swap3A_3132 : i32 to index
    %swap3A_3135 = arith.index_cast %swap3A_3133 : i32 to index
    %swap3A_3136 = arith.constant 176 : index
    %swap3A_3137 = tpu.vector_load %arg7[%swap3A_3134, %swap3A_3135, %swap3A_3136] {strides = array<i32>} : memref<1x32x256xf32, #tpu.memory_space<vmem>>, vector<1x1x16xf32>,
    %swap3A_3138 = vector.shape_cast %swap3A_3137 : vector<1x1x16xf32> to vector<16xf32>
    %swap3A_3139 = vector.shape_cast %get3A_2923 : vector<16xf32> to vector<1x1x16xf32>
    tpu.vector_store %arg7[%swap3A_3134, %swap3A_3135, %swap3A_3136], %swap3A_3139 {strides = array<i32>} : memref<1x32x256xf32, #tpu.memory_space<vmem>>, vector<1x1x16xf32>,
    %swap3A_3140 = arith.constant 0 : i32
    %swap3A_3141 = arith.constant 27 : i32
    %swap3A_3142 = arith.index_cast %swap3A_3140 : i32 to index
    %swap3A_3143 = arith.index_cast %swap3A_3141 : i32 to index
    %swap3A_3144 = arith.constant 176 : index
    %swap3A_3145 = tpu.vector_load %arg7[%swap3A_3142, %swap3A_3143, %swap3A_3144] {strides = array<i32>} : memref<1x32x256xf32, #tpu.memory_space<vmem>>, vector<1x1x16xf32>,
    %swap3A_3146 = vector.shape_cast %swap3A_3145 : vector<1x1x16xf32> to vector<16xf32>
    %swap3A_3147 = vector.shape_cast %get3A_2923 : vector<16xf32> to vector<1x1x16xf32>
    tpu.vector_store %arg7[%swap3A_3142, %swap3A_3143, %swap3A_3144], %swap3A_3147 {strides = array<i32>} : memref<1x32x256xf32, #tpu.memory_space<vmem>>, vector<1x1x16xf32>,
    %swap3A_3148 = arith.constant 0 : i32
    %swap3A_3149 = arith.constant 28 : i32
    %swap3A_3150 = arith.index_cast %swap3A_3148 : i32 to index
    %swap3A_3151 = arith.index_cast %swap3A_3149 : i32 to index
    %swap3A_3152 = arith.constant 176 : index
    %swap3A_3153 = tpu.vector_load %arg7[%swap3A_3150, %swap3A_3151, %swap3A_3152] {strides = array<i32>} : memref<1x32x256xf32, #tpu.memory_space<vmem>>, vector<1x1x16xf32>,
    %swap3A_3154 = vector.shape_cast %swap3A_3153 : vector<1x1x16xf32> to vector<16xf32>
    %swap3A_3155 = vector.shape_cast %get3A_2923 : vector<16xf32> to vector<1x1x16xf32>
    tpu.vector_store %arg7[%swap3A_3150, %swap3A_3151, %swap3A_3152], %swap3A_3155 {strides = array<i32>} : memref<1x32x256xf32, #tpu.memory_space<vmem>>, vector<1x1x16xf32>,
    %swap3A_3156 = arith.constant 0 : i32
    %swap3A_3157 = arith.constant 29 : i32
    %swap3A_3158 = arith.index_cast %swap3A_3156 : i32 to index
    %swap3A_3159 = arith.index_cast %swap3A_3157 : i32 to index
    %swap3A_3160 = arith.constant 176 : index
    %swap3A_3161 = tpu.vector_load %arg7[%swap3A_3158, %swap3A_3159, %swap3A_3160] {strides = array<i32>} : memref<1x32x256xf32, #tpu.memory_space<vmem>>, vector<1x1x16xf32>,
    %swap3A_3162 = vector.shape_cast %swap3A_3161 : vector<1x1x16xf32> to vector<16xf32>
    %swap3A_3163 = vector.shape_cast %get3A_2923 : vector<16xf32> to vector<1x1x16xf32>
    tpu.vector_store %arg7[%swap3A_3158, %swap3A_3159, %swap3A_3160], %swap3A_3163 {strides = array<i32>} : memref<1x32x256xf32, #tpu.memory_space<vmem>>, vector<1x1x16xf32>,
    %swap3A_3164 = arith.constant 0 : i32
    %swap3A_3165 = arith.constant 30 : i32
    %swap3A_3166 = arith.index_cast %swap3A_3164 : i32 to index
    %swap3A_3167 = arith.index_cast %swap3A_3165 : i32 to index
    %swap3A_3168 = arith.constant 176 : index
    %swap3A_3169 = tpu.vector_load %arg7[%swap3A_3166, %swap3A_3167, %swap3A_3168] {strides = array<i32>} : memref<1x32x256xf32, #tpu.memory_space<vmem>>, vector<1x1x16xf32>,
    %swap3A_3170 = vector.shape_cast %swap3A_3169 : vector<1x1x16xf32> to vector<16xf32>
    %swap3A_3171 = vector.shape_cast %get3A_2923 : vector<16xf32> to vector<1x1x16xf32>
    tpu.vector_store %arg7[%swap3A_3166, %swap3A_3167, %swap3A_3168], %swap3A_3171 {strides = array<i32>} : memref<1x32x256xf32, #tpu.memory_space<vmem>>, vector<1x1x16xf32>,
    %swap3A_3172 = arith.constant 0 : i32
    %swap3A_3173 = arith.constant 31 : i32
    %swap3A_3174 = arith.index_cast %swap3A_3172 : i32 to index
    %swap3A_3175 = arith.index_cast %swap3A_3173 : i32 to index
    %swap3A_3176 = arith.constant 176 : index
    %swap3A_3177 = tpu.vector_load %arg7[%swap3A_3174, %swap3A_3175, %swap3A_3176] {strides = array<i32>} : memref<1x32x256xf32, #tpu.memory_space<vmem>>, vector<1x1x16xf32>,
    %swap3A_3178 = vector.shape_cast %swap3A_3177 : vector<1x1x16xf32> to vector<16xf32>
    %swap3A_3179 = vector.shape_cast %get3A_2923 : vector<16xf32> to vector<1x1x16xf32>
    tpu.vector_store %arg7[%swap3A_3174, %swap3A_3175, %swap3A_3176], %swap3A_3179 {strides = array<i32>} : memref<1x32x256xf32, #tpu.memory_space<vmem>>, vector<1x1x16xf32>,
    %get3A_3180 = arith.constant 0 : i32
    %get3A_3181 = arith.constant 0 : i32
    %get3A_3182 = arith.index_cast %get3A_3180 : i32 to index
    %get3A_3183 = arith.index_cast %get3A_3181 : i32 to index
    %get3A_3184 = arith.constant 192 : index
    %get3A_3185 = tpu.vector_load %arg6[%get3A_3182, %get3A_3183, %get3A_3184] {strides = array<i32>} : memref<1x1x256xf32, #tpu.memory_space<vmem>>, vector<1x1x16xf32>,
    %get3A_3186 = vector.shape_cast %get3A_3185 : vector<1x1x16xf32> to vector<16xf32>
    %swap3A_3187 = arith.constant 0 : i32
    %swap3A_3188 = arith.constant 0 : i32
    %swap3A_3189 = arith.index_cast %swap3A_3187 : i32 to index
    %swap3A_3190 = arith.index_cast %swap3A_3188 : i32 to index
    %swap3A_3191 = arith.constant 192 : index
    %swap3A_3192 = tpu.vector_load %arg7[%swap3A_3189, %swap3A_3190, %swap3A_3191] {strides = array<i32>} : memref<1x32x256xf32, #tpu.memory_space<vmem>>, vector<1x1x16xf32>,
    %swap3A_3193 = vector.shape_cast %swap3A_3192 : vector<1x1x16xf32> to vector<16xf32>
    %swap3A_3194 = vector.shape_cast %get3A_3186 : vector<16xf32> to vector<1x1x16xf32>
    tpu.vector_store %arg7[%swap3A_3189, %swap3A_3190, %swap3A_3191], %swap3A_3194 {strides = array<i32>} : memref<1x32x256xf32, #tpu.memory_space<vmem>>, vector<1x1x16xf32>,
    %swap3A_3195 = arith.constant 0 : i32
    %swap3A_3196 = arith.constant 1 : i32
    %swap3A_3197 = arith.index_cast %swap3A_3195 : i32 to index
    %swap3A_3198 = arith.index_cast %swap3A_3196 : i32 to index
    %swap3A_3199 = arith.constant 192 : index
    %swap3A_3200 = tpu.vector_load %arg7[%swap3A_3197, %swap3A_3198, %swap3A_3199] {strides = array<i32>} : memref<1x32x256xf32, #tpu.memory_space<vmem>>, vector<1x1x16xf32>,
    %swap3A_3201 = vector.shape_cast %swap3A_3200 : vector<1x1x16xf32> to vector<16xf32>
    %swap3A_3202 = vector.shape_cast %get3A_3186 : vector<16xf32> to vector<1x1x16xf32>
    tpu.vector_store %arg7[%swap3A_3197, %swap3A_3198, %swap3A_3199], %swap3A_3202 {strides = array<i32>} : memref<1x32x256xf32, #tpu.memory_space<vmem>>, vector<1x1x16xf32>,
    %swap3A_3203 = arith.constant 0 : i32
    %swap3A_3204 = arith.constant 2 : i32
    %swap3A_3205 = arith.index_cast %swap3A_3203 : i32 to index
    %swap3A_3206 = arith.index_cast %swap3A_3204 : i32 to index
    %swap3A_3207 = arith.constant 192 : index
    %swap3A_3208 = tpu.vector_load %arg7[%swap3A_3205, %swap3A_3206, %swap3A_3207] {strides = array<i32>} : memref<1x32x256xf32, #tpu.memory_space<vmem>>, vector<1x1x16xf32>,
    %swap3A_3209 = vector.shape_cast %swap3A_3208 : vector<1x1x16xf32> to vector<16xf32>
    %swap3A_3210 = vector.shape_cast %get3A_3186 : vector<16xf32> to vector<1x1x16xf32>
    tpu.vector_store %arg7[%swap3A_3205, %swap3A_3206, %swap3A_3207], %swap3A_3210 {strides = array<i32>} : memref<1x32x256xf32, #tpu.memory_space<vmem>>, vector<1x1x16xf32>,
    %swap3A_3211 = arith.constant 0 : i32
    %swap3A_3212 = arith.constant 3 : i32
    %swap3A_3213 = arith.index_cast %swap3A_3211 : i32 to index
    %swap3A_3214 = arith.index_cast %swap3A_3212 : i32 to index
    %swap3A_3215 = arith.constant 192 : index
    %swap3A_3216 = tpu.vector_load %arg7[%swap3A_3213, %swap3A_3214, %swap3A_3215] {strides = array<i32>} : memref<1x32x256xf32, #tpu.memory_space<vmem>>, vector<1x1x16xf32>,
    %swap3A_3217 = vector.shape_cast %swap3A_3216 : vector<1x1x16xf32> to vector<16xf32>
    %swap3A_3218 = vector.shape_cast %get3A_3186 : vector<16xf32> to vector<1x1x16xf32>
    tpu.vector_store %arg7[%swap3A_3213, %swap3A_3214, %swap3A_3215], %swap3A_3218 {strides = array<i32>} : memref<1x32x256xf32, #tpu.memory_space<vmem>>, vector<1x1x16xf32>,
    %swap3A_3219 = arith.constant 0 : i32
    %swap3A_3220 = arith.constant 4 : i32
    %swap3A_3221 = arith.index_cast %swap3A_3219 : i32 to index
    %swap3A_3222 = arith.index_cast %swap3A_3220 : i32 to index
    %swap3A_3223 = arith.constant 192 : index
    %swap3A_3224 = tpu.vector_load %arg7[%swap3A_3221, %swap3A_3222, %swap3A_3223] {strides = array<i32>} : memref<1x32x256xf32, #tpu.memory_space<vmem>>, vector<1x1x16xf32>,
    %swap3A_3225 = vector.shape_cast %swap3A_3224 : vector<1x1x16xf32> to vector<16xf32>
    %swap3A_3226 = vector.shape_cast %get3A_3186 : vector<16xf32> to vector<1x1x16xf32>
    tpu.vector_store %arg7[%swap3A_3221, %swap3A_3222, %swap3A_3223], %swap3A_3226 {strides = array<i32>} : memref<1x32x256xf32, #tpu.memory_space<vmem>>, vector<1x1x16xf32>,
    %swap3A_3227 = arith.constant 0 : i32
    %swap3A_3228 = arith.constant 5 : i32
    %swap3A_3229 = arith.index_cast %swap3A_3227 : i32 to index
    %swap3A_3230 = arith.index_cast %swap3A_3228 : i32 to index
    %swap3A_3231 = arith.constant 192 : index
    %swap3A_3232 = tpu.vector_load %arg7[%swap3A_3229, %swap3A_3230, %swap3A_3231] {strides = array<i32>} : memref<1x32x256xf32, #tpu.memory_space<vmem>>, vector<1x1x16xf32>,
    %swap3A_3233 = vector.shape_cast %swap3A_3232 : vector<1x1x16xf32> to vector<16xf32>
    %swap3A_3234 = vector.shape_cast %get3A_3186 : vector<16xf32> to vector<1x1x16xf32>
    tpu.vector_store %arg7[%swap3A_3229, %swap3A_3230, %swap3A_3231], %swap3A_3234 {strides = array<i32>} : memref<1x32x256xf32, #tpu.memory_space<vmem>>, vector<1x1x16xf32>,
    %swap3A_3235 = arith.constant 0 : i32
    %swap3A_3236 = arith.constant 6 : i32
    %swap3A_3237 = arith.index_cast %swap3A_3235 : i32 to index
    %swap3A_3238 = arith.index_cast %swap3A_3236 : i32 to index
    %swap3A_3239 = arith.constant 192 : index
    %swap3A_3240 = tpu.vector_load %arg7[%swap3A_3237, %swap3A_3238, %swap3A_3239] {strides = array<i32>} : memref<1x32x256xf32, #tpu.memory_space<vmem>>, vector<1x1x16xf32>,
    %swap3A_3241 = vector.shape_cast %swap3A_3240 : vector<1x1x16xf32> to vector<16xf32>
    %swap3A_3242 = vector.shape_cast %get3A_3186 : vector<16xf32> to vector<1x1x16xf32>
    tpu.vector_store %arg7[%swap3A_3237, %swap3A_3238, %swap3A_3239], %swap3A_3242 {strides = array<i32>} : memref<1x32x256xf32, #tpu.memory_space<vmem>>, vector<1x1x16xf32>,
    %swap3A_3243 = arith.constant 0 : i32
    %swap3A_3244 = arith.constant 7 : i32
    %swap3A_3245 = arith.index_cast %swap3A_3243 : i32 to index
    %swap3A_3246 = arith.index_cast %swap3A_3244 : i32 to index
    %swap3A_3247 = arith.constant 192 : index
    %swap3A_3248 = tpu.vector_load %arg7[%swap3A_3245, %swap3A_3246, %swap3A_3247] {strides = array<i32>} : memref<1x32x256xf32, #tpu.memory_space<vmem>>, vector<1x1x16xf32>,
    %swap3A_3249 = vector.shape_cast %swap3A_3248 : vector<1x1x16xf32> to vector<16xf32>
    %swap3A_3250 = vector.shape_cast %get3A_3186 : vector<16xf32> to vector<1x1x16xf32>
    tpu.vector_store %arg7[%swap3A_3245, %swap3A_3246, %swap3A_3247], %swap3A_3250 {strides = array<i32>} : memref<1x32x256xf32, #tpu.memory_space<vmem>>, vector<1x1x16xf32>,
    %swap3A_3251 = arith.constant 0 : i32
    %swap3A_3252 = arith.constant 8 : i32
    %swap3A_3253 = arith.index_cast %swap3A_3251 : i32 to index
    %swap3A_3254 = arith.index_cast %swap3A_3252 : i32 to index
    %swap3A_3255 = arith.constant 192 : index
    %swap3A_3256 = tpu.vector_load %arg7[%swap3A_3253, %swap3A_3254, %swap3A_3255] {strides = array<i32>} : memref<1x32x256xf32, #tpu.memory_space<vmem>>, vector<1x1x16xf32>,
    %swap3A_3257 = vector.shape_cast %swap3A_3256 : vector<1x1x16xf32> to vector<16xf32>
    %swap3A_3258 = vector.shape_cast %get3A_3186 : vector<16xf32> to vector<1x1x16xf32>
    tpu.vector_store %arg7[%swap3A_3253, %swap3A_3254, %swap3A_3255], %swap3A_3258 {strides = array<i32>} : memref<1x32x256xf32, #tpu.memory_space<vmem>>, vector<1x1x16xf32>,
    %swap3A_3259 = arith.constant 0 : i32
    %swap3A_3260 = arith.constant 9 : i32
    %swap3A_3261 = arith.index_cast %swap3A_3259 : i32 to index
    %swap3A_3262 = arith.index_cast %swap3A_3260 : i32 to index
    %swap3A_3263 = arith.constant 192 : index
    %swap3A_3264 = tpu.vector_load %arg7[%swap3A_3261, %swap3A_3262, %swap3A_3263] {strides = array<i32>} : memref<1x32x256xf32, #tpu.memory_space<vmem>>, vector<1x1x16xf32>,
    %swap3A_3265 = vector.shape_cast %swap3A_3264 : vector<1x1x16xf32> to vector<16xf32>
    %swap3A_3266 = vector.shape_cast %get3A_3186 : vector<16xf32> to vector<1x1x16xf32>
    tpu.vector_store %arg7[%swap3A_3261, %swap3A_3262, %swap3A_3263], %swap3A_3266 {strides = array<i32>} : memref<1x32x256xf32, #tpu.memory_space<vmem>>, vector<1x1x16xf32>,
    %swap3A_3267 = arith.constant 0 : i32
    %swap3A_3268 = arith.constant 10 : i32
    %swap3A_3269 = arith.index_cast %swap3A_3267 : i32 to index
    %swap3A_3270 = arith.index_cast %swap3A_3268 : i32 to index
    %swap3A_3271 = arith.constant 192 : index
    %swap3A_3272 = tpu.vector_load %arg7[%swap3A_3269, %swap3A_3270, %swap3A_3271] {strides = array<i32>} : memref<1x32x256xf32, #tpu.memory_space<vmem>>, vector<1x1x16xf32>,
    %swap3A_3273 = vector.shape_cast %swap3A_3272 : vector<1x1x16xf32> to vector<16xf32>
    %swap3A_3274 = vector.shape_cast %get3A_3186 : vector<16xf32> to vector<1x1x16xf32>
    tpu.vector_store %arg7[%swap3A_3269, %swap3A_3270, %swap3A_3271], %swap3A_3274 {strides = array<i32>} : memref<1x32x256xf32, #tpu.memory_space<vmem>>, vector<1x1x16xf32>,
    %swap3A_3275 = arith.constant 0 : i32
    %swap3A_3276 = arith.constant 11 : i32
    %swap3A_3277 = arith.index_cast %swap3A_3275 : i32 to index
    %swap3A_3278 = arith.index_cast %swap3A_3276 : i32 to index
    %swap3A_3279 = arith.constant 192 : index
    %swap3A_3280 = tpu.vector_load %arg7[%swap3A_3277, %swap3A_3278, %swap3A_3279] {strides = array<i32>} : memref<1x32x256xf32, #tpu.memory_space<vmem>>, vector<1x1x16xf32>,
    %swap3A_3281 = vector.shape_cast %swap3A_3280 : vector<1x1x16xf32> to vector<16xf32>
    %swap3A_3282 = vector.shape_cast %get3A_3186 : vector<16xf32> to vector<1x1x16xf32>
    tpu.vector_store %arg7[%swap3A_3277, %swap3A_3278, %swap3A_3279], %swap3A_3282 {strides = array<i32>} : memref<1x32x256xf32, #tpu.memory_space<vmem>>, vector<1x1x16xf32>,
    %swap3A_3283 = arith.constant 0 : i32
    %swap3A_3284 = arith.constant 12 : i32
    %swap3A_3285 = arith.index_cast %swap3A_3283 : i32 to index
    %swap3A_3286 = arith.index_cast %swap3A_3284 : i32 to index
    %swap3A_3287 = arith.constant 192 : index
    %swap3A_3288 = tpu.vector_load %arg7[%swap3A_3285, %swap3A_3286, %swap3A_3287] {strides = array<i32>} : memref<1x32x256xf32, #tpu.memory_space<vmem>>, vector<1x1x16xf32>,
    %swap3A_3289 = vector.shape_cast %swap3A_3288 : vector<1x1x16xf32> to vector<16xf32>
    %swap3A_3290 = vector.shape_cast %get3A_3186 : vector<16xf32> to vector<1x1x16xf32>
    tpu.vector_store %arg7[%swap3A_3285, %swap3A_3286, %swap3A_3287], %swap3A_3290 {strides = array<i32>} : memref<1x32x256xf32, #tpu.memory_space<vmem>>, vector<1x1x16xf32>,
    %swap3A_3291 = arith.constant 0 : i32
    %swap3A_3292 = arith.constant 13 : i32
    %swap3A_3293 = arith.index_cast %swap3A_3291 : i32 to index
    %swap3A_3294 = arith.index_cast %swap3A_3292 : i32 to index
    %swap3A_3295 = arith.constant 192 : index
    %swap3A_3296 = tpu.vector_load %arg7[%swap3A_3293, %swap3A_3294, %swap3A_3295] {strides = array<i32>} : memref<1x32x256xf32, #tpu.memory_space<vmem>>, vector<1x1x16xf32>,
    %swap3A_3297 = vector.shape_cast %swap3A_3296 : vector<1x1x16xf32> to vector<16xf32>
    %swap3A_3298 = vector.shape_cast %get3A_3186 : vector<16xf32> to vector<1x1x16xf32>
    tpu.vector_store %arg7[%swap3A_3293, %swap3A_3294, %swap3A_3295], %swap3A_3298 {strides = array<i32>} : memref<1x32x256xf32, #tpu.memory_space<vmem>>, vector<1x1x16xf32>,
    %swap3A_3299 = arith.constant 0 : i32
    %swap3A_3300 = arith.constant 14 : i32
    %swap3A_3301 = arith.index_cast %swap3A_3299 : i32 to index
    %swap3A_3302 = arith.index_cast %swap3A_3300 : i32 to index
    %swap3A_3303 = arith.constant 192 : index
    %swap3A_3304 = tpu.vector_load %arg7[%swap3A_3301, %swap3A_3302, %swap3A_3303] {strides = array<i32>} : memref<1x32x256xf32, #tpu.memory_space<vmem>>, vector<1x1x16xf32>,
    %swap3A_3305 = vector.shape_cast %swap3A_3304 : vector<1x1x16xf32> to vector<16xf32>
    %swap3A_3306 = vector.shape_cast %get3A_3186 : vector<16xf32> to vector<1x1x16xf32>
    tpu.vector_store %arg7[%swap3A_3301, %swap3A_3302, %swap3A_3303], %swap3A_3306 {strides = array<i32>} : memref<1x32x256xf32, #tpu.memory_space<vmem>>, vector<1x1x16xf32>,
    %swap3A_3307 = arith.constant 0 : i32
    %swap3A_3308 = arith.constant 15 : i32
    %swap3A_3309 = arith.index_cast %swap3A_3307 : i32 to index
    %swap3A_3310 = arith.index_cast %swap3A_3308 : i32 to index
    %swap3A_3311 = arith.constant 192 : index
    %swap3A_3312 = tpu.vector_load %arg7[%swap3A_3309, %swap3A_3310, %swap3A_3311] {strides = array<i32>} : memref<1x32x256xf32, #tpu.memory_space<vmem>>, vector<1x1x16xf32>,
    %swap3A_3313 = vector.shape_cast %swap3A_3312 : vector<1x1x16xf32> to vector<16xf32>
    %swap3A_3314 = vector.shape_cast %get3A_3186 : vector<16xf32> to vector<1x1x16xf32>
    tpu.vector_store %arg7[%swap3A_3309, %swap3A_3310, %swap3A_3311], %swap3A_3314 {strides = array<i32>} : memref<1x32x256xf32, #tpu.memory_space<vmem>>, vector<1x1x16xf32>,
    %swap3A_3315 = arith.constant 0 : i32
    %swap3A_3316 = arith.constant 16 : i32
    %swap3A_3317 = arith.index_cast %swap3A_3315 : i32 to index
    %swap3A_3318 = arith.index_cast %swap3A_3316 : i32 to index
    %swap3A_3319 = arith.constant 192 : index
    %swap3A_3320 = tpu.vector_load %arg7[%swap3A_3317, %swap3A_3318, %swap3A_3319] {strides = array<i32>} : memref<1x32x256xf32, #tpu.memory_space<vmem>>, vector<1x1x16xf32>,
    %swap3A_3321 = vector.shape_cast %swap3A_3320 : vector<1x1x16xf32> to vector<16xf32>
    %swap3A_3322 = vector.shape_cast %get3A_3186 : vector<16xf32> to vector<1x1x16xf32>
    tpu.vector_store %arg7[%swap3A_3317, %swap3A_3318, %swap3A_3319], %swap3A_3322 {strides = array<i32>} : memref<1x32x256xf32, #tpu.memory_space<vmem>>, vector<1x1x16xf32>,
    %swap3A_3323 = arith.constant 0 : i32
    %swap3A_3324 = arith.constant 17 : i32
    %swap3A_3325 = arith.index_cast %swap3A_3323 : i32 to index
    %swap3A_3326 = arith.index_cast %swap3A_3324 : i32 to index
    %swap3A_3327 = arith.constant 192 : index
    %swap3A_3328 = tpu.vector_load %arg7[%swap3A_3325, %swap3A_3326, %swap3A_3327] {strides = array<i32>} : memref<1x32x256xf32, #tpu.memory_space<vmem>>, vector<1x1x16xf32>,
    %swap3A_3329 = vector.shape_cast %swap3A_3328 : vector<1x1x16xf32> to vector<16xf32>
    %swap3A_3330 = vector.shape_cast %get3A_3186 : vector<16xf32> to vector<1x1x16xf32>
    tpu.vector_store %arg7[%swap3A_3325, %swap3A_3326, %swap3A_3327], %swap3A_3330 {strides = array<i32>} : memref<1x32x256xf32, #tpu.memory_space<vmem>>, vector<1x1x16xf32>,
    %swap3A_3331 = arith.constant 0 : i32
    %swap3A_3332 = arith.constant 18 : i32
    %swap3A_3333 = arith.index_cast %swap3A_3331 : i32 to index
    %swap3A_3334 = arith.index_cast %swap3A_3332 : i32 to index
    %swap3A_3335 = arith.constant 192 : index
    %swap3A_3336 = tpu.vector_load %arg7[%swap3A_3333, %swap3A_3334, %swap3A_3335] {strides = array<i32>} : memref<1x32x256xf32, #tpu.memory_space<vmem>>, vector<1x1x16xf32>,
    %swap3A_3337 = vector.shape_cast %swap3A_3336 : vector<1x1x16xf32> to vector<16xf32>
    %swap3A_3338 = vector.shape_cast %get3A_3186 : vector<16xf32> to vector<1x1x16xf32>
    tpu.vector_store %arg7[%swap3A_3333, %swap3A_3334, %swap3A_3335], %swap3A_3338 {strides = array<i32>} : memref<1x32x256xf32, #tpu.memory_space<vmem>>, vector<1x1x16xf32>,
    %swap3A_3339 = arith.constant 0 : i32
    %swap3A_3340 = arith.constant 19 : i32
    %swap3A_3341 = arith.index_cast %swap3A_3339 : i32 to index
    %swap3A_3342 = arith.index_cast %swap3A_3340 : i32 to index
    %swap3A_3343 = arith.constant 192 : index
    %swap3A_3344 = tpu.vector_load %arg7[%swap3A_3341, %swap3A_3342, %swap3A_3343] {strides = array<i32>} : memref<1x32x256xf32, #tpu.memory_space<vmem>>, vector<1x1x16xf32>,
    %swap3A_3345 = vector.shape_cast %swap3A_3344 : vector<1x1x16xf32> to vector<16xf32>
    %swap3A_3346 = vector.shape_cast %get3A_3186 : vector<16xf32> to vector<1x1x16xf32>
    tpu.vector_store %arg7[%swap3A_3341, %swap3A_3342, %swap3A_3343], %swap3A_3346 {strides = array<i32>} : memref<1x32x256xf32, #tpu.memory_space<vmem>>, vector<1x1x16xf32>,
    %swap3A_3347 = arith.constant 0 : i32
    %swap3A_3348 = arith.constant 20 : i32
    %swap3A_3349 = arith.index_cast %swap3A_3347 : i32 to index
    %swap3A_3350 = arith.index_cast %swap3A_3348 : i32 to index
    %swap3A_3351 = arith.constant 192 : index
    %swap3A_3352 = tpu.vector_load %arg7[%swap3A_3349, %swap3A_3350, %swap3A_3351] {strides = array<i32>} : memref<1x32x256xf32, #tpu.memory_space<vmem>>, vector<1x1x16xf32>,
    %swap3A_3353 = vector.shape_cast %swap3A_3352 : vector<1x1x16xf32> to vector<16xf32>
    %swap3A_3354 = vector.shape_cast %get3A_3186 : vector<16xf32> to vector<1x1x16xf32>
    tpu.vector_store %arg7[%swap3A_3349, %swap3A_3350, %swap3A_3351], %swap3A_3354 {strides = array<i32>} : memref<1x32x256xf32, #tpu.memory_space<vmem>>, vector<1x1x16xf32>,
    %swap3A_3355 = arith.constant 0 : i32
    %swap3A_3356 = arith.constant 21 : i32
    %swap3A_3357 = arith.index_cast %swap3A_3355 : i32 to index
    %swap3A_3358 = arith.index_cast %swap3A_3356 : i32 to index
    %swap3A_3359 = arith.constant 192 : index
    %swap3A_3360 = tpu.vector_load %arg7[%swap3A_3357, %swap3A_3358, %swap3A_3359] {strides = array<i32>} : memref<1x32x256xf32, #tpu.memory_space<vmem>>, vector<1x1x16xf32>,
    %swap3A_3361 = vector.shape_cast %swap3A_3360 : vector<1x1x16xf32> to vector<16xf32>
    %swap3A_3362 = vector.shape_cast %get3A_3186 : vector<16xf32> to vector<1x1x16xf32>
    tpu.vector_store %arg7[%swap3A_3357, %swap3A_3358, %swap3A_3359], %swap3A_3362 {strides = array<i32>} : memref<1x32x256xf32, #tpu.memory_space<vmem>>, vector<1x1x16xf32>,
    %swap3A_3363 = arith.constant 0 : i32
    %swap3A_3364 = arith.constant 22 : i32
    %swap3A_3365 = arith.index_cast %swap3A_3363 : i32 to index
    %swap3A_3366 = arith.index_cast %swap3A_3364 : i32 to index
    %swap3A_3367 = arith.constant 192 : index
    %swap3A_3368 = tpu.vector_load %arg7[%swap3A_3365, %swap3A_3366, %swap3A_3367] {strides = array<i32>} : memref<1x32x256xf32, #tpu.memory_space<vmem>>, vector<1x1x16xf32>,
    %swap3A_3369 = vector.shape_cast %swap3A_3368 : vector<1x1x16xf32> to vector<16xf32>
    %swap3A_3370 = vector.shape_cast %get3A_3186 : vector<16xf32> to vector<1x1x16xf32>
    tpu.vector_store %arg7[%swap3A_3365, %swap3A_3366, %swap3A_3367], %swap3A_3370 {strides = array<i32>} : memref<1x32x256xf32, #tpu.memory_space<vmem>>, vector<1x1x16xf32>,
    %swap3A_3371 = arith.constant 0 : i32
    %swap3A_3372 = arith.constant 23 : i32
    %swap3A_3373 = arith.index_cast %swap3A_3371 : i32 to index
    %swap3A_3374 = arith.index_cast %swap3A_3372 : i32 to index
    %swap3A_3375 = arith.constant 192 : index
    %swap3A_3376 = tpu.vector_load %arg7[%swap3A_3373, %swap3A_3374, %swap3A_3375] {strides = array<i32>} : memref<1x32x256xf32, #tpu.memory_space<vmem>>, vector<1x1x16xf32>,
    %swap3A_3377 = vector.shape_cast %swap3A_3376 : vector<1x1x16xf32> to vector<16xf32>
    %swap3A_3378 = vector.shape_cast %get3A_3186 : vector<16xf32> to vector<1x1x16xf32>
    tpu.vector_store %arg7[%swap3A_3373, %swap3A_3374, %swap3A_3375], %swap3A_3378 {strides = array<i32>} : memref<1x32x256xf32, #tpu.memory_space<vmem>>, vector<1x1x16xf32>,
    %swap3A_3379 = arith.constant 0 : i32
    %swap3A_3380 = arith.constant 24 : i32
    %swap3A_3381 = arith.index_cast %swap3A_3379 : i32 to index
    %swap3A_3382 = arith.index_cast %swap3A_3380 : i32 to index
    %swap3A_3383 = arith.constant 192 : index
    %swap3A_3384 = tpu.vector_load %arg7[%swap3A_3381, %swap3A_3382, %swap3A_3383] {strides = array<i32>} : memref<1x32x256xf32, #tpu.memory_space<vmem>>, vector<1x1x16xf32>,
    %swap3A_3385 = vector.shape_cast %swap3A_3384 : vector<1x1x16xf32> to vector<16xf32>
    %swap3A_3386 = vector.shape_cast %get3A_3186 : vector<16xf32> to vector<1x1x16xf32>
    tpu.vector_store %arg7[%swap3A_3381, %swap3A_3382, %swap3A_3383], %swap3A_3386 {strides = array<i32>} : memref<1x32x256xf32, #tpu.memory_space<vmem>>, vector<1x1x16xf32>,
    %swap3A_3387 = arith.constant 0 : i32
    %swap3A_3388 = arith.constant 25 : i32
    %swap3A_3389 = arith.index_cast %swap3A_3387 : i32 to index
    %swap3A_3390 = arith.index_cast %swap3A_3388 : i32 to index
    %swap3A_3391 = arith.constant 192 : index
    %swap3A_3392 = tpu.vector_load %arg7[%swap3A_3389, %swap3A_3390, %swap3A_3391] {strides = array<i32>} : memref<1x32x256xf32, #tpu.memory_space<vmem>>, vector<1x1x16xf32>,
    %swap3A_3393 = vector.shape_cast %swap3A_3392 : vector<1x1x16xf32> to vector<16xf32>
    %swap3A_3394 = vector.shape_cast %get3A_3186 : vector<16xf32> to vector<1x1x16xf32>
    tpu.vector_store %arg7[%swap3A_3389, %swap3A_3390, %swap3A_3391], %swap3A_3394 {strides = array<i32>} : memref<1x32x256xf32, #tpu.memory_space<vmem>>, vector<1x1x16xf32>,
    %swap3A_3395 = arith.constant 0 : i32
    %swap3A_3396 = arith.constant 26 : i32
    %swap3A_3397 = arith.index_cast %swap3A_3395 : i32 to index
    %swap3A_3398 = arith.index_cast %swap3A_3396 : i32 to index
    %swap3A_3399 = arith.constant 192 : index
    %swap3A_3400 = tpu.vector_load %arg7[%swap3A_3397, %swap3A_3398, %swap3A_3399] {strides = array<i32>} : memref<1x32x256xf32, #tpu.memory_space<vmem>>, vector<1x1x16xf32>,
    %swap3A_3401 = vector.shape_cast %swap3A_3400 : vector<1x1x16xf32> to vector<16xf32>
    %swap3A_3402 = vector.shape_cast %get3A_3186 : vector<16xf32> to vector<1x1x16xf32>
    tpu.vector_store %arg7[%swap3A_3397, %swap3A_3398, %swap3A_3399], %swap3A_3402 {strides = array<i32>} : memref<1x32x256xf32, #tpu.memory_space<vmem>>, vector<1x1x16xf32>,
    %swap3A_3403 = arith.constant 0 : i32
    %swap3A_3404 = arith.constant 27 : i32
    %swap3A_3405 = arith.index_cast %swap3A_3403 : i32 to index
    %swap3A_3406 = arith.index_cast %swap3A_3404 : i32 to index
    %swap3A_3407 = arith.constant 192 : index
    %swap3A_3408 = tpu.vector_load %arg7[%swap3A_3405, %swap3A_3406, %swap3A_3407] {strides = array<i32>} : memref<1x32x256xf32, #tpu.memory_space<vmem>>, vector<1x1x16xf32>,
    %swap3A_3409 = vector.shape_cast %swap3A_3408 : vector<1x1x16xf32> to vector<16xf32>
    %swap3A_3410 = vector.shape_cast %get3A_3186 : vector<16xf32> to vector<1x1x16xf32>
    tpu.vector_store %arg7[%swap3A_3405, %swap3A_3406, %swap3A_3407], %swap3A_3410 {strides = array<i32>} : memref<1x32x256xf32, #tpu.memory_space<vmem>>, vector<1x1x16xf32>,
    %swap3A_3411 = arith.constant 0 : i32
    %swap3A_3412 = arith.constant 28 : i32
    %swap3A_3413 = arith.index_cast %swap3A_3411 : i32 to index
    %swap3A_3414 = arith.index_cast %swap3A_3412 : i32 to index
    %swap3A_3415 = arith.constant 192 : index
    %swap3A_3416 = tpu.vector_load %arg7[%swap3A_3413, %swap3A_3414, %swap3A_3415] {strides = array<i32>} : memref<1x32x256xf32, #tpu.memory_space<vmem>>, vector<1x1x16xf32>,
    %swap3A_3417 = vector.shape_cast %swap3A_3416 : vector<1x1x16xf32> to vector<16xf32>
    %swap3A_3418 = vector.shape_cast %get3A_3186 : vector<16xf32> to vector<1x1x16xf32>
    tpu.vector_store %arg7[%swap3A_3413, %swap3A_3414, %swap3A_3415], %swap3A_3418 {strides = array<i32>} : memref<1x32x256xf32, #tpu.memory_space<vmem>>, vector<1x1x16xf32>,
    %swap3A_3419 = arith.constant 0 : i32
    %swap3A_3420 = arith.constant 29 : i32
    %swap3A_3421 = arith.index_cast %swap3A_3419 : i32 to index
    %swap3A_3422 = arith.index_cast %swap3A_3420 : i32 to index
    %swap3A_3423 = arith.constant 192 : index
    %swap3A_3424 = tpu.vector_load %arg7[%swap3A_3421, %swap3A_3422, %swap3A_3423] {strides = array<i32>} : memref<1x32x256xf32, #tpu.memory_space<vmem>>, vector<1x1x16xf32>,
    %swap3A_3425 = vector.shape_cast %swap3A_3424 : vector<1x1x16xf32> to vector<16xf32>
    %swap3A_3426 = vector.shape_cast %get3A_3186 : vector<16xf32> to vector<1x1x16xf32>
    tpu.vector_store %arg7[%swap3A_3421, %swap3A_3422, %swap3A_3423], %swap3A_3426 {strides = array<i32>} : memref<1x32x256xf32, #tpu.memory_space<vmem>>, vector<1x1x16xf32>,
    %swap3A_3427 = arith.constant 0 : i32
    %swap3A_3428 = arith.constant 30 : i32
    %swap3A_3429 = arith.index_cast %swap3A_3427 : i32 to index
    %swap3A_3430 = arith.index_cast %swap3A_3428 : i32 to index
    %swap3A_3431 = arith.constant 192 : index
    %swap3A_3432 = tpu.vector_load %arg7[%swap3A_3429, %swap3A_3430, %swap3A_3431] {strides = array<i32>} : memref<1x32x256xf32, #tpu.memory_space<vmem>>, vector<1x1x16xf32>,
    %swap3A_3433 = vector.shape_cast %swap3A_3432 : vector<1x1x16xf32> to vector<16xf32>
    %swap3A_3434 = vector.shape_cast %get3A_3186 : vector<16xf32> to vector<1x1x16xf32>
    tpu.vector_store %arg7[%swap3A_3429, %swap3A_3430, %swap3A_3431], %swap3A_3434 {strides = array<i32>} : memref<1x32x256xf32, #tpu.memory_space<vmem>>, vector<1x1x16xf32>,
    %swap3A_3435 = arith.constant 0 : i32
    %swap3A_3436 = arith.constant 31 : i32
    %swap3A_3437 = arith.index_cast %swap3A_3435 : i32 to index
    %swap3A_3438 = arith.index_cast %swap3A_3436 : i32 to index
    %swap3A_3439 = arith.constant 192 : index
    %swap3A_3440 = tpu.vector_load %arg7[%swap3A_3437, %swap3A_3438, %swap3A_3439] {strides = array<i32>} : memref<1x32x256xf32, #tpu.memory_space<vmem>>, vector<1x1x16xf32>,
    %swap3A_3441 = vector.shape_cast %swap3A_3440 : vector<1x1x16xf32> to vector<16xf32>
    %swap3A_3442 = vector.shape_cast %get3A_3186 : vector<16xf32> to vector<1x1x16xf32>
    tpu.vector_store %arg7[%swap3A_3437, %swap3A_3438, %swap3A_3439], %swap3A_3442 {strides = array<i32>} : memref<1x32x256xf32, #tpu.memory_space<vmem>>, vector<1x1x16xf32>,
    %get3A_3443 = arith.constant 0 : i32
    %get3A_3444 = arith.constant 0 : i32
    %get3A_3445 = arith.index_cast %get3A_3443 : i32 to index
    %get3A_3446 = arith.index_cast %get3A_3444 : i32 to index
    %get3A_3447 = arith.constant 208 : index
    %get3A_3448 = tpu.vector_load %arg6[%get3A_3445, %get3A_3446, %get3A_3447] {strides = array<i32>} : memref<1x1x256xf32, #tpu.memory_space<vmem>>, vector<1x1x16xf32>,
    %get3A_3449 = vector.shape_cast %get3A_3448 : vector<1x1x16xf32> to vector<16xf32>
    %swap3A_3450 = arith.constant 0 : i32
    %swap3A_3451 = arith.constant 0 : i32
    %swap3A_3452 = arith.index_cast %swap3A_3450 : i32 to index
    %swap3A_3453 = arith.index_cast %swap3A_3451 : i32 to index
    %swap3A_3454 = arith.constant 208 : index
    %swap3A_3455 = tpu.vector_load %arg7[%swap3A_3452, %swap3A_3453, %swap3A_3454] {strides = array<i32>} : memref<1x32x256xf32, #tpu.memory_space<vmem>>, vector<1x1x16xf32>,
    %swap3A_3456 = vector.shape_cast %swap3A_3455 : vector<1x1x16xf32> to vector<16xf32>
    %swap3A_3457 = vector.shape_cast %get3A_3449 : vector<16xf32> to vector<1x1x16xf32>
    tpu.vector_store %arg7[%swap3A_3452, %swap3A_3453, %swap3A_3454], %swap3A_3457 {strides = array<i32>} : memref<1x32x256xf32, #tpu.memory_space<vmem>>, vector<1x1x16xf32>,
    %swap3A_3458 = arith.constant 0 : i32
    %swap3A_3459 = arith.constant 1 : i32
    %swap3A_3460 = arith.index_cast %swap3A_3458 : i32 to index
    %swap3A_3461 = arith.index_cast %swap3A_3459 : i32 to index
    %swap3A_3462 = arith.constant 208 : index
    %swap3A_3463 = tpu.vector_load %arg7[%swap3A_3460, %swap3A_3461, %swap3A_3462] {strides = array<i32>} : memref<1x32x256xf32, #tpu.memory_space<vmem>>, vector<1x1x16xf32>,
    %swap3A_3464 = vector.shape_cast %swap3A_3463 : vector<1x1x16xf32> to vector<16xf32>
    %swap3A_3465 = vector.shape_cast %get3A_3449 : vector<16xf32> to vector<1x1x16xf32>
    tpu.vector_store %arg7[%swap3A_3460, %swap3A_3461, %swap3A_3462], %swap3A_3465 {strides = array<i32>} : memref<1x32x256xf32, #tpu.memory_space<vmem>>, vector<1x1x16xf32>,
    %swap3A_3466 = arith.constant 0 : i32
    %swap3A_3467 = arith.constant 2 : i32
    %swap3A_3468 = arith.index_cast %swap3A_3466 : i32 to index
    %swap3A_3469 = arith.index_cast %swap3A_3467 : i32 to index
    %swap3A_3470 = arith.constant 208 : index
    %swap3A_3471 = tpu.vector_load %arg7[%swap3A_3468, %swap3A_3469, %swap3A_3470] {strides = array<i32>} : memref<1x32x256xf32, #tpu.memory_space<vmem>>, vector<1x1x16xf32>,
    %swap3A_3472 = vector.shape_cast %swap3A_3471 : vector<1x1x16xf32> to vector<16xf32>
    %swap3A_3473 = vector.shape_cast %get3A_3449 : vector<16xf32> to vector<1x1x16xf32>
    tpu.vector_store %arg7[%swap3A_3468, %swap3A_3469, %swap3A_3470], %swap3A_3473 {strides = array<i32>} : memref<1x32x256xf32, #tpu.memory_space<vmem>>, vector<1x1x16xf32>,
    %swap3A_3474 = arith.constant 0 : i32
    %swap3A_3475 = arith.constant 3 : i32
    %swap3A_3476 = arith.index_cast %swap3A_3474 : i32 to index
    %swap3A_3477 = arith.index_cast %swap3A_3475 : i32 to index
    %swap3A_3478 = arith.constant 208 : index
    %swap3A_3479 = tpu.vector_load %arg7[%swap3A_3476, %swap3A_3477, %swap3A_3478] {strides = array<i32>} : memref<1x32x256xf32, #tpu.memory_space<vmem>>, vector<1x1x16xf32>,
    %swap3A_3480 = vector.shape_cast %swap3A_3479 : vector<1x1x16xf32> to vector<16xf32>
    %swap3A_3481 = vector.shape_cast %get3A_3449 : vector<16xf32> to vector<1x1x16xf32>
    tpu.vector_store %arg7[%swap3A_3476, %swap3A_3477, %swap3A_3478], %swap3A_3481 {strides = array<i32>} : memref<1x32x256xf32, #tpu.memory_space<vmem>>, vector<1x1x16xf32>,
    %swap3A_3482 = arith.constant 0 : i32
    %swap3A_3483 = arith.constant 4 : i32
    %swap3A_3484 = arith.index_cast %swap3A_3482 : i32 to index
    %swap3A_3485 = arith.index_cast %swap3A_3483 : i32 to index
    %swap3A_3486 = arith.constant 208 : index
    %swap3A_3487 = tpu.vector_load %arg7[%swap3A_3484, %swap3A_3485, %swap3A_3486] {strides = array<i32>} : memref<1x32x256xf32, #tpu.memory_space<vmem>>, vector<1x1x16xf32>,
    %swap3A_3488 = vector.shape_cast %swap3A_3487 : vector<1x1x16xf32> to vector<16xf32>
    %swap3A_3489 = vector.shape_cast %get3A_3449 : vector<16xf32> to vector<1x1x16xf32>
    tpu.vector_store %arg7[%swap3A_3484, %swap3A_3485, %swap3A_3486], %swap3A_3489 {strides = array<i32>} : memref<1x32x256xf32, #tpu.memory_space<vmem>>, vector<1x1x16xf32>,
    %swap3A_3490 = arith.constant 0 : i32
    %swap3A_3491 = arith.constant 5 : i32
    %swap3A_3492 = arith.index_cast %swap3A_3490 : i32 to index
    %swap3A_3493 = arith.index_cast %swap3A_3491 : i32 to index
    %swap3A_3494 = arith.constant 208 : index
    %swap3A_3495 = tpu.vector_load %arg7[%swap3A_3492, %swap3A_3493, %swap3A_3494] {strides = array<i32>} : memref<1x32x256xf32, #tpu.memory_space<vmem>>, vector<1x1x16xf32>,
    %swap3A_3496 = vector.shape_cast %swap3A_3495 : vector<1x1x16xf32> to vector<16xf32>
    %swap3A_3497 = vector.shape_cast %get3A_3449 : vector<16xf32> to vector<1x1x16xf32>
    tpu.vector_store %arg7[%swap3A_3492, %swap3A_3493, %swap3A_3494], %swap3A_3497 {strides = array<i32>} : memref<1x32x256xf32, #tpu.memory_space<vmem>>, vector<1x1x16xf32>,
    %swap3A_3498 = arith.constant 0 : i32
    %swap3A_3499 = arith.constant 6 : i32
    %swap3A_3500 = arith.index_cast %swap3A_3498 : i32 to index
    %swap3A_3501 = arith.index_cast %swap3A_3499 : i32 to index
    %swap3A_3502 = arith.constant 208 : index
    %swap3A_3503 = tpu.vector_load %arg7[%swap3A_3500, %swap3A_3501, %swap3A_3502] {strides = array<i32>} : memref<1x32x256xf32, #tpu.memory_space<vmem>>, vector<1x1x16xf32>,
    %swap3A_3504 = vector.shape_cast %swap3A_3503 : vector<1x1x16xf32> to vector<16xf32>
    %swap3A_3505 = vector.shape_cast %get3A_3449 : vector<16xf32> to vector<1x1x16xf32>
    tpu.vector_store %arg7[%swap3A_3500, %swap3A_3501, %swap3A_3502], %swap3A_3505 {strides = array<i32>} : memref<1x32x256xf32, #tpu.memory_space<vmem>>, vector<1x1x16xf32>,
    %swap3A_3506 = arith.constant 0 : i32
    %swap3A_3507 = arith.constant 7 : i32
    %swap3A_3508 = arith.index_cast %swap3A_3506 : i32 to index
    %swap3A_3509 = arith.index_cast %swap3A_3507 : i32 to index
    %swap3A_3510 = arith.constant 208 : index
    %swap3A_3511 = tpu.vector_load %arg7[%swap3A_3508, %swap3A_3509, %swap3A_3510] {strides = array<i32>} : memref<1x32x256xf32, #tpu.memory_space<vmem>>, vector<1x1x16xf32>,
    %swap3A_3512 = vector.shape_cast %swap3A_3511 : vector<1x1x16xf32> to vector<16xf32>
    %swap3A_3513 = vector.shape_cast %get3A_3449 : vector<16xf32> to vector<1x1x16xf32>
    tpu.vector_store %arg7[%swap3A_3508, %swap3A_3509, %swap3A_3510], %swap3A_3513 {strides = array<i32>} : memref<1x32x256xf32, #tpu.memory_space<vmem>>, vector<1x1x16xf32>,
    %swap3A_3514 = arith.constant 0 : i32
    %swap3A_3515 = arith.constant 8 : i32
    %swap3A_3516 = arith.index_cast %swap3A_3514 : i32 to index
    %swap3A_3517 = arith.index_cast %swap3A_3515 : i32 to index
    %swap3A_3518 = arith.constant 208 : index
    %swap3A_3519 = tpu.vector_load %arg7[%swap3A_3516, %swap3A_3517, %swap3A_3518] {strides = array<i32>} : memref<1x32x256xf32, #tpu.memory_space<vmem>>, vector<1x1x16xf32>,
    %swap3A_3520 = vector.shape_cast %swap3A_3519 : vector<1x1x16xf32> to vector<16xf32>
    %swap3A_3521 = vector.shape_cast %get3A_3449 : vector<16xf32> to vector<1x1x16xf32>
    tpu.vector_store %arg7[%swap3A_3516, %swap3A_3517, %swap3A_3518], %swap3A_3521 {strides = array<i32>} : memref<1x32x256xf32, #tpu.memory_space<vmem>>, vector<1x1x16xf32>,
    %swap3A_3522 = arith.constant 0 : i32
    %swap3A_3523 = arith.constant 9 : i32
    %swap3A_3524 = arith.index_cast %swap3A_3522 : i32 to index
    %swap3A_3525 = arith.index_cast %swap3A_3523 : i32 to index
    %swap3A_3526 = arith.constant 208 : index
    %swap3A_3527 = tpu.vector_load %arg7[%swap3A_3524, %swap3A_3525, %swap3A_3526] {strides = array<i32>} : memref<1x32x256xf32, #tpu.memory_space<vmem>>, vector<1x1x16xf32>,
    %swap3A_3528 = vector.shape_cast %swap3A_3527 : vector<1x1x16xf32> to vector<16xf32>
    %swap3A_3529 = vector.shape_cast %get3A_3449 : vector<16xf32> to vector<1x1x16xf32>
    tpu.vector_store %arg7[%swap3A_3524, %swap3A_3525, %swap3A_3526], %swap3A_3529 {strides = array<i32>} : memref<1x32x256xf32, #tpu.memory_space<vmem>>, vector<1x1x16xf32>,
    %swap3A_3530 = arith.constant 0 : i32
    %swap3A_3531 = arith.constant 10 : i32
    %swap3A_3532 = arith.index_cast %swap3A_3530 : i32 to index
    %swap3A_3533 = arith.index_cast %swap3A_3531 : i32 to index
    %swap3A_3534 = arith.constant 208 : index
    %swap3A_3535 = tpu.vector_load %arg7[%swap3A_3532, %swap3A_3533, %swap3A_3534] {strides = array<i32>} : memref<1x32x256xf32, #tpu.memory_space<vmem>>, vector<1x1x16xf32>,
    %swap3A_3536 = vector.shape_cast %swap3A_3535 : vector<1x1x16xf32> to vector<16xf32>
    %swap3A_3537 = vector.shape_cast %get3A_3449 : vector<16xf32> to vector<1x1x16xf32>
    tpu.vector_store %arg7[%swap3A_3532, %swap3A_3533, %swap3A_3534], %swap3A_3537 {strides = array<i32>} : memref<1x32x256xf32, #tpu.memory_space<vmem>>, vector<1x1x16xf32>,
    %swap3A_3538 = arith.constant 0 : i32
    %swap3A_3539 = arith.constant 11 : i32
    %swap3A_3540 = arith.index_cast %swap3A_3538 : i32 to index
    %swap3A_3541 = arith.index_cast %swap3A_3539 : i32 to index
    %swap3A_3542 = arith.constant 208 : index
    %swap3A_3543 = tpu.vector_load %arg7[%swap3A_3540, %swap3A_3541, %swap3A_3542] {strides = array<i32>} : memref<1x32x256xf32, #tpu.memory_space<vmem>>, vector<1x1x16xf32>,
    %swap3A_3544 = vector.shape_cast %swap3A_3543 : vector<1x1x16xf32> to vector<16xf32>
    %swap3A_3545 = vector.shape_cast %get3A_3449 : vector<16xf32> to vector<1x1x16xf32>
    tpu.vector_store %arg7[%swap3A_3540, %swap3A_3541, %swap3A_3542], %swap3A_3545 {strides = array<i32>} : memref<1x32x256xf32, #tpu.memory_space<vmem>>, vector<1x1x16xf32>,
    %swap3A_3546 = arith.constant 0 : i32
    %swap3A_3547 = arith.constant 12 : i32
    %swap3A_3548 = arith.index_cast %swap3A_3546 : i32 to index
    %swap3A_3549 = arith.index_cast %swap3A_3547 : i32 to index
    %swap3A_3550 = arith.constant 208 : index
    %swap3A_3551 = tpu.vector_load %arg7[%swap3A_3548, %swap3A_3549, %swap3A_3550] {strides = array<i32>} : memref<1x32x256xf32, #tpu.memory_space<vmem>>, vector<1x1x16xf32>,
    %swap3A_3552 = vector.shape_cast %swap3A_3551 : vector<1x1x16xf32> to vector<16xf32>
    %swap3A_3553 = vector.shape_cast %get3A_3449 : vector<16xf32> to vector<1x1x16xf32>
    tpu.vector_store %arg7[%swap3A_3548, %swap3A_3549, %swap3A_3550], %swap3A_3553 {strides = array<i32>} : memref<1x32x256xf32, #tpu.memory_space<vmem>>, vector<1x1x16xf32>,
    %swap3A_3554 = arith.constant 0 : i32
    %swap3A_3555 = arith.constant 13 : i32
    %swap3A_3556 = arith.index_cast %swap3A_3554 : i32 to index
    %swap3A_3557 = arith.index_cast %swap3A_3555 : i32 to index
    %swap3A_3558 = arith.constant 208 : index
    %swap3A_3559 = tpu.vector_load %arg7[%swap3A_3556, %swap3A_3557, %swap3A_3558] {strides = array<i32>} : memref<1x32x256xf32, #tpu.memory_space<vmem>>, vector<1x1x16xf32>,
    %swap3A_3560 = vector.shape_cast %swap3A_3559 : vector<1x1x16xf32> to vector<16xf32>
    %swap3A_3561 = vector.shape_cast %get3A_3449 : vector<16xf32> to vector<1x1x16xf32>
    tpu.vector_store %arg7[%swap3A_3556, %swap3A_3557, %swap3A_3558], %swap3A_3561 {strides = array<i32>} : memref<1x32x256xf32, #tpu.memory_space<vmem>>, vector<1x1x16xf32>,
    %swap3A_3562 = arith.constant 0 : i32
    %swap3A_3563 = arith.constant 14 : i32
    %swap3A_3564 = arith.index_cast %swap3A_3562 : i32 to index
    %swap3A_3565 = arith.index_cast %swap3A_3563 : i32 to index
    %swap3A_3566 = arith.constant 208 : index
    %swap3A_3567 = tpu.vector_load %arg7[%swap3A_3564, %swap3A_3565, %swap3A_3566] {strides = array<i32>} : memref<1x32x256xf32, #tpu.memory_space<vmem>>, vector<1x1x16xf32>,
    %swap3A_3568 = vector.shape_cast %swap3A_3567 : vector<1x1x16xf32> to vector<16xf32>
    %swap3A_3569 = vector.shape_cast %get3A_3449 : vector<16xf32> to vector<1x1x16xf32>
    tpu.vector_store %arg7[%swap3A_3564, %swap3A_3565, %swap3A_3566], %swap3A_3569 {strides = array<i32>} : memref<1x32x256xf32, #tpu.memory_space<vmem>>, vector<1x1x16xf32>,
    %swap3A_3570 = arith.constant 0 : i32
    %swap3A_3571 = arith.constant 15 : i32
    %swap3A_3572 = arith.index_cast %swap3A_3570 : i32 to index
    %swap3A_3573 = arith.index_cast %swap3A_3571 : i32 to index
    %swap3A_3574 = arith.constant 208 : index
    %swap3A_3575 = tpu.vector_load %arg7[%swap3A_3572, %swap3A_3573, %swap3A_3574] {strides = array<i32>} : memref<1x32x256xf32, #tpu.memory_space<vmem>>, vector<1x1x16xf32>,
    %swap3A_3576 = vector.shape_cast %swap3A_3575 : vector<1x1x16xf32> to vector<16xf32>
    %swap3A_3577 = vector.shape_cast %get3A_3449 : vector<16xf32> to vector<1x1x16xf32>
    tpu.vector_store %arg7[%swap3A_3572, %swap3A_3573, %swap3A_3574], %swap3A_3577 {strides = array<i32>} : memref<1x32x256xf32, #tpu.memory_space<vmem>>, vector<1x1x16xf32>,
    %swap3A_3578 = arith.constant 0 : i32
    %swap3A_3579 = arith.constant 16 : i32
    %swap3A_3580 = arith.index_cast %swap3A_3578 : i32 to index
    %swap3A_3581 = arith.index_cast %swap3A_3579 : i32 to index
    %swap3A_3582 = arith.constant 208 : index
    %swap3A_3583 = tpu.vector_load %arg7[%swap3A_3580, %swap3A_3581, %swap3A_3582] {strides = array<i32>} : memref<1x32x256xf32, #tpu.memory_space<vmem>>, vector<1x1x16xf32>,
    %swap3A_3584 = vector.shape_cast %swap3A_3583 : vector<1x1x16xf32> to vector<16xf32>
    %swap3A_3585 = vector.shape_cast %get3A_3449 : vector<16xf32> to vector<1x1x16xf32>
    tpu.vector_store %arg7[%swap3A_3580, %swap3A_3581, %swap3A_3582], %swap3A_3585 {strides = array<i32>} : memref<1x32x256xf32, #tpu.memory_space<vmem>>, vector<1x1x16xf32>,
    %swap3A_3586 = arith.constant 0 : i32
    %swap3A_3587 = arith.constant 17 : i32
    %swap3A_3588 = arith.index_cast %swap3A_3586 : i32 to index
    %swap3A_3589 = arith.index_cast %swap3A_3587 : i32 to index
    %swap3A_3590 = arith.constant 208 : index
    %swap3A_3591 = tpu.vector_load %arg7[%swap3A_3588, %swap3A_3589, %swap3A_3590] {strides = array<i32>} : memref<1x32x256xf32, #tpu.memory_space<vmem>>, vector<1x1x16xf32>,
    %swap3A_3592 = vector.shape_cast %swap3A_3591 : vector<1x1x16xf32> to vector<16xf32>
    %swap3A_3593 = vector.shape_cast %get3A_3449 : vector<16xf32> to vector<1x1x16xf32>
    tpu.vector_store %arg7[%swap3A_3588, %swap3A_3589, %swap3A_3590], %swap3A_3593 {strides = array<i32>} : memref<1x32x256xf32, #tpu.memory_space<vmem>>, vector<1x1x16xf32>,
    %swap3A_3594 = arith.constant 0 : i32
    %swap3A_3595 = arith.constant 18 : i32
    %swap3A_3596 = arith.index_cast %swap3A_3594 : i32 to index
    %swap3A_3597 = arith.index_cast %swap3A_3595 : i32 to index
    %swap3A_3598 = arith.constant 208 : index
    %swap3A_3599 = tpu.vector_load %arg7[%swap3A_3596, %swap3A_3597, %swap3A_3598] {strides = array<i32>} : memref<1x32x256xf32, #tpu.memory_space<vmem>>, vector<1x1x16xf32>,
    %swap3A_3600 = vector.shape_cast %swap3A_3599 : vector<1x1x16xf32> to vector<16xf32>
    %swap3A_3601 = vector.shape_cast %get3A_3449 : vector<16xf32> to vector<1x1x16xf32>
    tpu.vector_store %arg7[%swap3A_3596, %swap3A_3597, %swap3A_3598], %swap3A_3601 {strides = array<i32>} : memref<1x32x256xf32, #tpu.memory_space<vmem>>, vector<1x1x16xf32>,
    %swap3A_3602 = arith.constant 0 : i32
    %swap3A_3603 = arith.constant 19 : i32
    %swap3A_3604 = arith.index_cast %swap3A_3602 : i32 to index
    %swap3A_3605 = arith.index_cast %swap3A_3603 : i32 to index
    %swap3A_3606 = arith.constant 208 : index
    %swap3A_3607 = tpu.vector_load %arg7[%swap3A_3604, %swap3A_3605, %swap3A_3606] {strides = array<i32>} : memref<1x32x256xf32, #tpu.memory_space<vmem>>, vector<1x1x16xf32>,
    %swap3A_3608 = vector.shape_cast %swap3A_3607 : vector<1x1x16xf32> to vector<16xf32>
    %swap3A_3609 = vector.shape_cast %get3A_3449 : vector<16xf32> to vector<1x1x16xf32>
    tpu.vector_store %arg7[%swap3A_3604, %swap3A_3605, %swap3A_3606], %swap3A_3609 {strides = array<i32>} : memref<1x32x256xf32, #tpu.memory_space<vmem>>, vector<1x1x16xf32>,
    %swap3A_3610 = arith.constant 0 : i32
    %swap3A_3611 = arith.constant 20 : i32
    %swap3A_3612 = arith.index_cast %swap3A_3610 : i32 to index
    %swap3A_3613 = arith.index_cast %swap3A_3611 : i32 to index
    %swap3A_3614 = arith.constant 208 : index
    %swap3A_3615 = tpu.vector_load %arg7[%swap3A_3612, %swap3A_3613, %swap3A_3614] {strides = array<i32>} : memref<1x32x256xf32, #tpu.memory_space<vmem>>, vector<1x1x16xf32>,
    %swap3A_3616 = vector.shape_cast %swap3A_3615 : vector<1x1x16xf32> to vector<16xf32>
    %swap3A_3617 = vector.shape_cast %get3A_3449 : vector<16xf32> to vector<1x1x16xf32>
    tpu.vector_store %arg7[%swap3A_3612, %swap3A_3613, %swap3A_3614], %swap3A_3617 {strides = array<i32>} : memref<1x32x256xf32, #tpu.memory_space<vmem>>, vector<1x1x16xf32>,
    %swap3A_3618 = arith.constant 0 : i32
    %swap3A_3619 = arith.constant 21 : i32
    %swap3A_3620 = arith.index_cast %swap3A_3618 : i32 to index
    %swap3A_3621 = arith.index_cast %swap3A_3619 : i32 to index
    %swap3A_3622 = arith.constant 208 : index
    %swap3A_3623 = tpu.vector_load %arg7[%swap3A_3620, %swap3A_3621, %swap3A_3622] {strides = array<i32>} : memref<1x32x256xf32, #tpu.memory_space<vmem>>, vector<1x1x16xf32>,
    %swap3A_3624 = vector.shape_cast %swap3A_3623 : vector<1x1x16xf32> to vector<16xf32>
    %swap3A_3625 = vector.shape_cast %get3A_3449 : vector<16xf32> to vector<1x1x16xf32>
    tpu.vector_store %arg7[%swap3A_3620, %swap3A_3621, %swap3A_3622], %swap3A_3625 {strides = array<i32>} : memref<1x32x256xf32, #tpu.memory_space<vmem>>, vector<1x1x16xf32>,
    %swap3A_3626 = arith.constant 0 : i32
    %swap3A_3627 = arith.constant 22 : i32
    %swap3A_3628 = arith.index_cast %swap3A_3626 : i32 to index
    %swap3A_3629 = arith.index_cast %swap3A_3627 : i32 to index
    %swap3A_3630 = arith.constant 208 : index
    %swap3A_3631 = tpu.vector_load %arg7[%swap3A_3628, %swap3A_3629, %swap3A_3630] {strides = array<i32>} : memref<1x32x256xf32, #tpu.memory_space<vmem>>, vector<1x1x16xf32>,
    %swap3A_3632 = vector.shape_cast %swap3A_3631 : vector<1x1x16xf32> to vector<16xf32>
    %swap3A_3633 = vector.shape_cast %get3A_3449 : vector<16xf32> to vector<1x1x16xf32>
    tpu.vector_store %arg7[%swap3A_3628, %swap3A_3629, %swap3A_3630], %swap3A_3633 {strides = array<i32>} : memref<1x32x256xf32, #tpu.memory_space<vmem>>, vector<1x1x16xf32>,
    %swap3A_3634 = arith.constant 0 : i32
    %swap3A_3635 = arith.constant 23 : i32
    %swap3A_3636 = arith.index_cast %swap3A_3634 : i32 to index
    %swap3A_3637 = arith.index_cast %swap3A_3635 : i32 to index
    %swap3A_3638 = arith.constant 208 : index
    %swap3A_3639 = tpu.vector_load %arg7[%swap3A_3636, %swap3A_3637, %swap3A_3638] {strides = array<i32>} : memref<1x32x256xf32, #tpu.memory_space<vmem>>, vector<1x1x16xf32>,
    %swap3A_3640 = vector.shape_cast %swap3A_3639 : vector<1x1x16xf32> to vector<16xf32>
    %swap3A_3641 = vector.shape_cast %get3A_3449 : vector<16xf32> to vector<1x1x16xf32>
    tpu.vector_store %arg7[%swap3A_3636, %swap3A_3637, %swap3A_3638], %swap3A_3641 {strides = array<i32>} : memref<1x32x256xf32, #tpu.memory_space<vmem>>, vector<1x1x16xf32>,
    %swap3A_3642 = arith.constant 0 : i32
    %swap3A_3643 = arith.constant 24 : i32
    %swap3A_3644 = arith.index_cast %swap3A_3642 : i32 to index
    %swap3A_3645 = arith.index_cast %swap3A_3643 : i32 to index
    %swap3A_3646 = arith.constant 208 : index
    %swap3A_3647 = tpu.vector_load %arg7[%swap3A_3644, %swap3A_3645, %swap3A_3646] {strides = array<i32>} : memref<1x32x256xf32, #tpu.memory_space<vmem>>, vector<1x1x16xf32>,
    %swap3A_3648 = vector.shape_cast %swap3A_3647 : vector<1x1x16xf32> to vector<16xf32>
    %swap3A_3649 = vector.shape_cast %get3A_3449 : vector<16xf32> to vector<1x1x16xf32>
    tpu.vector_store %arg7[%swap3A_3644, %swap3A_3645, %swap3A_3646], %swap3A_3649 {strides = array<i32>} : memref<1x32x256xf32, #tpu.memory_space<vmem>>, vector<1x1x16xf32>,
    %swap3A_3650 = arith.constant 0 : i32
    %swap3A_3651 = arith.constant 25 : i32
    %swap3A_3652 = arith.index_cast %swap3A_3650 : i32 to index
    %swap3A_3653 = arith.index_cast %swap3A_3651 : i32 to index
    %swap3A_3654 = arith.constant 208 : index
    %swap3A_3655 = tpu.vector_load %arg7[%swap3A_3652, %swap3A_3653, %swap3A_3654] {strides = array<i32>} : memref<1x32x256xf32, #tpu.memory_space<vmem>>, vector<1x1x16xf32>,
    %swap3A_3656 = vector.shape_cast %swap3A_3655 : vector<1x1x16xf32> to vector<16xf32>
    %swap3A_3657 = vector.shape_cast %get3A_3449 : vector<16xf32> to vector<1x1x16xf32>
    tpu.vector_store %arg7[%swap3A_3652, %swap3A_3653, %swap3A_3654], %swap3A_3657 {strides = array<i32>} : memref<1x32x256xf32, #tpu.memory_space<vmem>>, vector<1x1x16xf32>,
    %swap3A_3658 = arith.constant 0 : i32
    %swap3A_3659 = arith.constant 26 : i32
    %swap3A_3660 = arith.index_cast %swap3A_3658 : i32 to index
    %swap3A_3661 = arith.index_cast %swap3A_3659 : i32 to index
    %swap3A_3662 = arith.constant 208 : index
    %swap3A_3663 = tpu.vector_load %arg7[%swap3A_3660, %swap3A_3661, %swap3A_3662] {strides = array<i32>} : memref<1x32x256xf32, #tpu.memory_space<vmem>>, vector<1x1x16xf32>,
    %swap3A_3664 = vector.shape_cast %swap3A_3663 : vector<1x1x16xf32> to vector<16xf32>
    %swap3A_3665 = vector.shape_cast %get3A_3449 : vector<16xf32> to vector<1x1x16xf32>
    tpu.vector_store %arg7[%swap3A_3660, %swap3A_3661, %swap3A_3662], %swap3A_3665 {strides = array<i32>} : memref<1x32x256xf32, #tpu.memory_space<vmem>>, vector<1x1x16xf32>,
    %swap3A_3666 = arith.constant 0 : i32
    %swap3A_3667 = arith.constant 27 : i32
    %swap3A_3668 = arith.index_cast %swap3A_3666 : i32 to index
    %swap3A_3669 = arith.index_cast %swap3A_3667 : i32 to index
    %swap3A_3670 = arith.constant 208 : index
    %swap3A_3671 = tpu.vector_load %arg7[%swap3A_3668, %swap3A_3669, %swap3A_3670] {strides = array<i32>} : memref<1x32x256xf32, #tpu.memory_space<vmem>>, vector<1x1x16xf32>,
    %swap3A_3672 = vector.shape_cast %swap3A_3671 : vector<1x1x16xf32> to vector<16xf32>
    %swap3A_3673 = vector.shape_cast %get3A_3449 : vector<16xf32> to vector<1x1x16xf32>
    tpu.vector_store %arg7[%swap3A_3668, %swap3A_3669, %swap3A_3670], %swap3A_3673 {strides = array<i32>} : memref<1x32x256xf32, #tpu.memory_space<vmem>>, vector<1x1x16xf32>,
    %swap3A_3674 = arith.constant 0 : i32
    %swap3A_3675 = arith.constant 28 : i32
    %swap3A_3676 = arith.index_cast %swap3A_3674 : i32 to index
    %swap3A_3677 = arith.index_cast %swap3A_3675 : i32 to index
    %swap3A_3678 = arith.constant 208 : index
    %swap3A_3679 = tpu.vector_load %arg7[%swap3A_3676, %swap3A_3677, %swap3A_3678] {strides = array<i32>} : memref<1x32x256xf32, #tpu.memory_space<vmem>>, vector<1x1x16xf32>,
    %swap3A_3680 = vector.shape_cast %swap3A_3679 : vector<1x1x16xf32> to vector<16xf32>
    %swap3A_3681 = vector.shape_cast %get3A_3449 : vector<16xf32> to vector<1x1x16xf32>
    tpu.vector_store %arg7[%swap3A_3676, %swap3A_3677, %swap3A_3678], %swap3A_3681 {strides = array<i32>} : memref<1x32x256xf32, #tpu.memory_space<vmem>>, vector<1x1x16xf32>,
    %swap3A_3682 = arith.constant 0 : i32
    %swap3A_3683 = arith.constant 29 : i32
    %swap3A_3684 = arith.index_cast %swap3A_3682 : i32 to index
    %swap3A_3685 = arith.index_cast %swap3A_3683 : i32 to index
    %swap3A_3686 = arith.constant 208 : index
    %swap3A_3687 = tpu.vector_load %arg7[%swap3A_3684, %swap3A_3685, %swap3A_3686] {strides = array<i32>} : memref<1x32x256xf32, #tpu.memory_space<vmem>>, vector<1x1x16xf32>,
    %swap3A_3688 = vector.shape_cast %swap3A_3687 : vector<1x1x16xf32> to vector<16xf32>
    %swap3A_3689 = vector.shape_cast %get3A_3449 : vector<16xf32> to vector<1x1x16xf32>
    tpu.vector_store %arg7[%swap3A_3684, %swap3A_3685, %swap3A_3686], %swap3A_3689 {strides = array<i32>} : memref<1x32x256xf32, #tpu.memory_space<vmem>>, vector<1x1x16xf32>,
    %swap3A_3690 = arith.constant 0 : i32
    %swap3A_3691 = arith.constant 30 : i32
    %swap3A_3692 = arith.index_cast %swap3A_3690 : i32 to index
    %swap3A_3693 = arith.index_cast %swap3A_3691 : i32 to index
    %swap3A_3694 = arith.constant 208 : index
    %swap3A_3695 = tpu.vector_load %arg7[%swap3A_3692, %swap3A_3693, %swap3A_3694] {strides = array<i32>} : memref<1x32x256xf32, #tpu.memory_space<vmem>>, vector<1x1x16xf32>,
    %swap3A_3696 = vector.shape_cast %swap3A_3695 : vector<1x1x16xf32> to vector<16xf32>
    %swap3A_3697 = vector.shape_cast %get3A_3449 : vector<16xf32> to vector<1x1x16xf32>
    tpu.vector_store %arg7[%swap3A_3692, %swap3A_3693, %swap3A_3694], %swap3A_3697 {strides = array<i32>} : memref<1x32x256xf32, #tpu.memory_space<vmem>>, vector<1x1x16xf32>,
    %swap3A_3698 = arith.constant 0 : i32
    %swap3A_3699 = arith.constant 31 : i32
    %swap3A_3700 = arith.index_cast %swap3A_3698 : i32 to index
    %swap3A_3701 = arith.index_cast %swap3A_3699 : i32 to index
    %swap3A_3702 = arith.constant 208 : index
    %swap3A_3703 = tpu.vector_load %arg7[%swap3A_3700, %swap3A_3701, %swap3A_3702] {strides = array<i32>} : memref<1x32x256xf32, #tpu.memory_space<vmem>>, vector<1x1x16xf32>,
    %swap3A_3704 = vector.shape_cast %swap3A_3703 : vector<1x1x16xf32> to vector<16xf32>
    %swap3A_3705 = vector.shape_cast %get3A_3449 : vector<16xf32> to vector<1x1x16xf32>
    tpu.vector_store %arg7[%swap3A_3700, %swap3A_3701, %swap3A_3702], %swap3A_3705 {strides = array<i32>} : memref<1x32x256xf32, #tpu.memory_space<vmem>>, vector<1x1x16xf32>,
    %get3A_3706 = arith.constant 0 : i32
    %get3A_3707 = arith.constant 0 : i32
    %get3A_3708 = arith.index_cast %get3A_3706 : i32 to index
    %get3A_3709 = arith.index_cast %get3A_3707 : i32 to index
    %get3A_3710 = arith.constant 224 : index
    %get3A_3711 = tpu.vector_load %arg6[%get3A_3708, %get3A_3709, %get3A_3710] {strides = array<i32>} : memref<1x1x256xf32, #tpu.memory_space<vmem>>, vector<1x1x16xf32>,
    %get3A_3712 = vector.shape_cast %get3A_3711 : vector<1x1x16xf32> to vector<16xf32>
    %swap3A_3713 = arith.constant 0 : i32
    %swap3A_3714 = arith.constant 0 : i32
    %swap3A_3715 = arith.index_cast %swap3A_3713 : i32 to index
    %swap3A_3716 = arith.index_cast %swap3A_3714 : i32 to index
    %swap3A_3717 = arith.constant 224 : index
    %swap3A_3718 = tpu.vector_load %arg7[%swap3A_3715, %swap3A_3716, %swap3A_3717] {strides = array<i32>} : memref<1x32x256xf32, #tpu.memory_space<vmem>>, vector<1x1x16xf32>,
    %swap3A_3719 = vector.shape_cast %swap3A_3718 : vector<1x1x16xf32> to vector<16xf32>
    %swap3A_3720 = vector.shape_cast %get3A_3712 : vector<16xf32> to vector<1x1x16xf32>
    tpu.vector_store %arg7[%swap3A_3715, %swap3A_3716, %swap3A_3717], %swap3A_3720 {strides = array<i32>} : memref<1x32x256xf32, #tpu.memory_space<vmem>>, vector<1x1x16xf32>,
    %swap3A_3721 = arith.constant 0 : i32
    %swap3A_3722 = arith.constant 1 : i32
    %swap3A_3723 = arith.index_cast %swap3A_3721 : i32 to index
    %swap3A_3724 = arith.index_cast %swap3A_3722 : i32 to index
    %swap3A_3725 = arith.constant 224 : index
    %swap3A_3726 = tpu.vector_load %arg7[%swap3A_3723, %swap3A_3724, %swap3A_3725] {strides = array<i32>} : memref<1x32x256xf32, #tpu.memory_space<vmem>>, vector<1x1x16xf32>,
    %swap3A_3727 = vector.shape_cast %swap3A_3726 : vector<1x1x16xf32> to vector<16xf32>
    %swap3A_3728 = vector.shape_cast %get3A_3712 : vector<16xf32> to vector<1x1x16xf32>
    tpu.vector_store %arg7[%swap3A_3723, %swap3A_3724, %swap3A_3725], %swap3A_3728 {strides = array<i32>} : memref<1x32x256xf32, #tpu.memory_space<vmem>>, vector<1x1x16xf32>,
    %swap3A_3729 = arith.constant 0 : i32
    %swap3A_3730 = arith.constant 2 : i32
    %swap3A_3731 = arith.index_cast %swap3A_3729 : i32 to index
    %swap3A_3732 = arith.index_cast %swap3A_3730 : i32 to index
    %swap3A_3733 = arith.constant 224 : index
    %swap3A_3734 = tpu.vector_load %arg7[%swap3A_3731, %swap3A_3732, %swap3A_3733] {strides = array<i32>} : memref<1x32x256xf32, #tpu.memory_space<vmem>>, vector<1x1x16xf32>,
    %swap3A_3735 = vector.shape_cast %swap3A_3734 : vector<1x1x16xf32> to vector<16xf32>
    %swap3A_3736 = vector.shape_cast %get3A_3712 : vector<16xf32> to vector<1x1x16xf32>
    tpu.vector_store %arg7[%swap3A_3731, %swap3A_3732, %swap3A_3733], %swap3A_3736 {strides = array<i32>} : memref<1x32x256xf32, #tpu.memory_space<vmem>>, vector<1x1x16xf32>,
    %swap3A_3737 = arith.constant 0 : i32
    %swap3A_3738 = arith.constant 3 : i32
    %swap3A_3739 = arith.index_cast %swap3A_3737 : i32 to index
    %swap3A_3740 = arith.index_cast %swap3A_3738 : i32 to index
    %swap3A_3741 = arith.constant 224 : index
    %swap3A_3742 = tpu.vector_load %arg7[%swap3A_3739, %swap3A_3740, %swap3A_3741] {strides = array<i32>} : memref<1x32x256xf32, #tpu.memory_space<vmem>>, vector<1x1x16xf32>,
    %swap3A_3743 = vector.shape_cast %swap3A_3742 : vector<1x1x16xf32> to vector<16xf32>
    %swap3A_3744 = vector.shape_cast %get3A_3712 : vector<16xf32> to vector<1x1x16xf32>
    tpu.vector_store %arg7[%swap3A_3739, %swap3A_3740, %swap3A_3741], %swap3A_3744 {strides = array<i32>} : memref<1x32x256xf32, #tpu.memory_space<vmem>>, vector<1x1x16xf32>,
    %swap3A_3745 = arith.constant 0 : i32
    %swap3A_3746 = arith.constant 4 : i32
    %swap3A_3747 = arith.index_cast %swap3A_3745 : i32 to index
    %swap3A_3748 = arith.index_cast %swap3A_3746 : i32 to index
    %swap3A_3749 = arith.constant 224 : index
    %swap3A_3750 = tpu.vector_load %arg7[%swap3A_3747, %swap3A_3748, %swap3A_3749] {strides = array<i32>} : memref<1x32x256xf32, #tpu.memory_space<vmem>>, vector<1x1x16xf32>,
    %swap3A_3751 = vector.shape_cast %swap3A_3750 : vector<1x1x16xf32> to vector<16xf32>
    %swap3A_3752 = vector.shape_cast %get3A_3712 : vector<16xf32> to vector<1x1x16xf32>
    tpu.vector_store %arg7[%swap3A_3747, %swap3A_3748, %swap3A_3749], %swap3A_3752 {strides = array<i32>} : memref<1x32x256xf32, #tpu.memory_space<vmem>>, vector<1x1x16xf32>,
    %swap3A_3753 = arith.constant 0 : i32
    %swap3A_3754 = arith.constant 5 : i32
    %swap3A_3755 = arith.index_cast %swap3A_3753 : i32 to index
    %swap3A_3756 = arith.index_cast %swap3A_3754 : i32 to index
    %swap3A_3757 = arith.constant 224 : index
    %swap3A_3758 = tpu.vector_load %arg7[%swap3A_3755, %swap3A_3756, %swap3A_3757] {strides = array<i32>} : memref<1x32x256xf32, #tpu.memory_space<vmem>>, vector<1x1x16xf32>,
    %swap3A_3759 = vector.shape_cast %swap3A_3758 : vector<1x1x16xf32> to vector<16xf32>
    %swap3A_3760 = vector.shape_cast %get3A_3712 : vector<16xf32> to vector<1x1x16xf32>
    tpu.vector_store %arg7[%swap3A_3755, %swap3A_3756, %swap3A_3757], %swap3A_3760 {strides = array<i32>} : memref<1x32x256xf32, #tpu.memory_space<vmem>>, vector<1x1x16xf32>,
    %swap3A_3761 = arith.constant 0 : i32
    %swap3A_3762 = arith.constant 6 : i32
    %swap3A_3763 = arith.index_cast %swap3A_3761 : i32 to index
    %swap3A_3764 = arith.index_cast %swap3A_3762 : i32 to index
    %swap3A_3765 = arith.constant 224 : index
    %swap3A_3766 = tpu.vector_load %arg7[%swap3A_3763, %swap3A_3764, %swap3A_3765] {strides = array<i32>} : memref<1x32x256xf32, #tpu.memory_space<vmem>>, vector<1x1x16xf32>,
    %swap3A_3767 = vector.shape_cast %swap3A_3766 : vector<1x1x16xf32> to vector<16xf32>
    %swap3A_3768 = vector.shape_cast %get3A_3712 : vector<16xf32> to vector<1x1x16xf32>
    tpu.vector_store %arg7[%swap3A_3763, %swap3A_3764, %swap3A_3765], %swap3A_3768 {strides = array<i32>} : memref<1x32x256xf32, #tpu.memory_space<vmem>>, vector<1x1x16xf32>,
    %swap3A_3769 = arith.constant 0 : i32
    %swap3A_3770 = arith.constant 7 : i32
    %swap3A_3771 = arith.index_cast %swap3A_3769 : i32 to index
    %swap3A_3772 = arith.index_cast %swap3A_3770 : i32 to index
    %swap3A_3773 = arith.constant 224 : index
    %swap3A_3774 = tpu.vector_load %arg7[%swap3A_3771, %swap3A_3772, %swap3A_3773] {strides = array<i32>} : memref<1x32x256xf32, #tpu.memory_space<vmem>>, vector<1x1x16xf32>,
    %swap3A_3775 = vector.shape_cast %swap3A_3774 : vector<1x1x16xf32> to vector<16xf32>
    %swap3A_3776 = vector.shape_cast %get3A_3712 : vector<16xf32> to vector<1x1x16xf32>
    tpu.vector_store %arg7[%swap3A_3771, %swap3A_3772, %swap3A_3773], %swap3A_3776 {strides = array<i32>} : memref<1x32x256xf32, #tpu.memory_space<vmem>>, vector<1x1x16xf32>,
    %swap3A_3777 = arith.constant 0 : i32
    %swap3A_3778 = arith.constant 8 : i32
    %swap3A_3779 = arith.index_cast %swap3A_3777 : i32 to index
    %swap3A_3780 = arith.index_cast %swap3A_3778 : i32 to index
    %swap3A_3781 = arith.constant 224 : index
    %swap3A_3782 = tpu.vector_load %arg7[%swap3A_3779, %swap3A_3780, %swap3A_3781] {strides = array<i32>} : memref<1x32x256xf32, #tpu.memory_space<vmem>>, vector<1x1x16xf32>,
    %swap3A_3783 = vector.shape_cast %swap3A_3782 : vector<1x1x16xf32> to vector<16xf32>
    %swap3A_3784 = vector.shape_cast %get3A_3712 : vector<16xf32> to vector<1x1x16xf32>
    tpu.vector_store %arg7[%swap3A_3779, %swap3A_3780, %swap3A_3781], %swap3A_3784 {strides = array<i32>} : memref<1x32x256xf32, #tpu.memory_space<vmem>>, vector<1x1x16xf32>,
    %swap3A_3785 = arith.constant 0 : i32
    %swap3A_3786 = arith.constant 9 : i32
    %swap3A_3787 = arith.index_cast %swap3A_3785 : i32 to index
    %swap3A_3788 = arith.index_cast %swap3A_3786 : i32 to index
    %swap3A_3789 = arith.constant 224 : index
    %swap3A_3790 = tpu.vector_load %arg7[%swap3A_3787, %swap3A_3788, %swap3A_3789] {strides = array<i32>} : memref<1x32x256xf32, #tpu.memory_space<vmem>>, vector<1x1x16xf32>,
    %swap3A_3791 = vector.shape_cast %swap3A_3790 : vector<1x1x16xf32> to vector<16xf32>
    %swap3A_3792 = vector.shape_cast %get3A_3712 : vector<16xf32> to vector<1x1x16xf32>
    tpu.vector_store %arg7[%swap3A_3787, %swap3A_3788, %swap3A_3789], %swap3A_3792 {strides = array<i32>} : memref<1x32x256xf32, #tpu.memory_space<vmem>>, vector<1x1x16xf32>,
    %swap3A_3793 = arith.constant 0 : i32
    %swap3A_3794 = arith.constant 10 : i32
    %swap3A_3795 = arith.index_cast %swap3A_3793 : i32 to index
    %swap3A_3796 = arith.index_cast %swap3A_3794 : i32 to index
    %swap3A_3797 = arith.constant 224 : index
    %swap3A_3798 = tpu.vector_load %arg7[%swap3A_3795, %swap3A_3796, %swap3A_3797] {strides = array<i32>} : memref<1x32x256xf32, #tpu.memory_space<vmem>>, vector<1x1x16xf32>,
    %swap3A_3799 = vector.shape_cast %swap3A_3798 : vector<1x1x16xf32> to vector<16xf32>
    %swap3A_3800 = vector.shape_cast %get3A_3712 : vector<16xf32> to vector<1x1x16xf32>
    tpu.vector_store %arg7[%swap3A_3795, %swap3A_3796, %swap3A_3797], %swap3A_3800 {strides = array<i32>} : memref<1x32x256xf32, #tpu.memory_space<vmem>>, vector<1x1x16xf32>,
    %swap3A_3801 = arith.constant 0 : i32
    %swap3A_3802 = arith.constant 11 : i32
    %swap3A_3803 = arith.index_cast %swap3A_3801 : i32 to index
    %swap3A_3804 = arith.index_cast %swap3A_3802 : i32 to index
    %swap3A_3805 = arith.constant 224 : index
    %swap3A_3806 = tpu.vector_load %arg7[%swap3A_3803, %swap3A_3804, %swap3A_3805] {strides = array<i32>} : memref<1x32x256xf32, #tpu.memory_space<vmem>>, vector<1x1x16xf32>,
    %swap3A_3807 = vector.shape_cast %swap3A_3806 : vector<1x1x16xf32> to vector<16xf32>
    %swap3A_3808 = vector.shape_cast %get3A_3712 : vector<16xf32> to vector<1x1x16xf32>
    tpu.vector_store %arg7[%swap3A_3803, %swap3A_3804, %swap3A_3805], %swap3A_3808 {strides = array<i32>} : memref<1x32x256xf32, #tpu.memory_space<vmem>>, vector<1x1x16xf32>,
    %swap3A_3809 = arith.constant 0 : i32
    %swap3A_3810 = arith.constant 12 : i32
    %swap3A_3811 = arith.index_cast %swap3A_3809 : i32 to index
    %swap3A_3812 = arith.index_cast %swap3A_3810 : i32 to index
    %swap3A_3813 = arith.constant 224 : index
    %swap3A_3814 = tpu.vector_load %arg7[%swap3A_3811, %swap3A_3812, %swap3A_3813] {strides = array<i32>} : memref<1x32x256xf32, #tpu.memory_space<vmem>>, vector<1x1x16xf32>,
    %swap3A_3815 = vector.shape_cast %swap3A_3814 : vector<1x1x16xf32> to vector<16xf32>
    %swap3A_3816 = vector.shape_cast %get3A_3712 : vector<16xf32> to vector<1x1x16xf32>
    tpu.vector_store %arg7[%swap3A_3811, %swap3A_3812, %swap3A_3813], %swap3A_3816 {strides = array<i32>} : memref<1x32x256xf32, #tpu.memory_space<vmem>>, vector<1x1x16xf32>,
    %swap3A_3817 = arith.constant 0 : i32
    %swap3A_3818 = arith.constant 13 : i32
    %swap3A_3819 = arith.index_cast %swap3A_3817 : i32 to index
    %swap3A_3820 = arith.index_cast %swap3A_3818 : i32 to index
    %swap3A_3821 = arith.constant 224 : index
    %swap3A_3822 = tpu.vector_load %arg7[%swap3A_3819, %swap3A_3820, %swap3A_3821] {strides = array<i32>} : memref<1x32x256xf32, #tpu.memory_space<vmem>>, vector<1x1x16xf32>,
    %swap3A_3823 = vector.shape_cast %swap3A_3822 : vector<1x1x16xf32> to vector<16xf32>
    %swap3A_3824 = vector.shape_cast %get3A_3712 : vector<16xf32> to vector<1x1x16xf32>
    tpu.vector_store %arg7[%swap3A_3819, %swap3A_3820, %swap3A_3821], %swap3A_3824 {strides = array<i32>} : memref<1x32x256xf32, #tpu.memory_space<vmem>>, vector<1x1x16xf32>,
    %swap3A_3825 = arith.constant 0 : i32
    %swap3A_3826 = arith.constant 14 : i32
    %swap3A_3827 = arith.index_cast %swap3A_3825 : i32 to index
    %swap3A_3828 = arith.index_cast %swap3A_3826 : i32 to index
    %swap3A_3829 = arith.constant 224 : index
    %swap3A_3830 = tpu.vector_load %arg7[%swap3A_3827, %swap3A_3828, %swap3A_3829] {strides = array<i32>} : memref<1x32x256xf32, #tpu.memory_space<vmem>>, vector<1x1x16xf32>,
    %swap3A_3831 = vector.shape_cast %swap3A_3830 : vector<1x1x16xf32> to vector<16xf32>
    %swap3A_3832 = vector.shape_cast %get3A_3712 : vector<16xf32> to vector<1x1x16xf32>
    tpu.vector_store %arg7[%swap3A_3827, %swap3A_3828, %swap3A_3829], %swap3A_3832 {strides = array<i32>} : memref<1x32x256xf32, #tpu.memory_space<vmem>>, vector<1x1x16xf32>,
    %swap3A_3833 = arith.constant 0 : i32
    %swap3A_3834 = arith.constant 15 : i32
    %swap3A_3835 = arith.index_cast %swap3A_3833 : i32 to index
    %swap3A_3836 = arith.index_cast %swap3A_3834 : i32 to index
    %swap3A_3837 = arith.constant 224 : index
    %swap3A_3838 = tpu.vector_load %arg7[%swap3A_3835, %swap3A_3836, %swap3A_3837] {strides = array<i32>} : memref<1x32x256xf32, #tpu.memory_space<vmem>>, vector<1x1x16xf32>,
    %swap3A_3839 = vector.shape_cast %swap3A_3838 : vector<1x1x16xf32> to vector<16xf32>
    %swap3A_3840 = vector.shape_cast %get3A_3712 : vector<16xf32> to vector<1x1x16xf32>
    tpu.vector_store %arg7[%swap3A_3835, %swap3A_3836, %swap3A_3837], %swap3A_3840 {strides = array<i32>} : memref<1x32x256xf32, #tpu.memory_space<vmem>>, vector<1x1x16xf32>,
    %swap3A_3841 = arith.constant 0 : i32
    %swap3A_3842 = arith.constant 16 : i32
    %swap3A_3843 = arith.index_cast %swap3A_3841 : i32 to index
    %swap3A_3844 = arith.index_cast %swap3A_3842 : i32 to index
    %swap3A_3845 = arith.constant 224 : index
    %swap3A_3846 = tpu.vector_load %arg7[%swap3A_3843, %swap3A_3844, %swap3A_3845] {strides = array<i32>} : memref<1x32x256xf32, #tpu.memory_space<vmem>>, vector<1x1x16xf32>,
    %swap3A_3847 = vector.shape_cast %swap3A_3846 : vector<1x1x16xf32> to vector<16xf32>
    %swap3A_3848 = vector.shape_cast %get3A_3712 : vector<16xf32> to vector<1x1x16xf32>
    tpu.vector_store %arg7[%swap3A_3843, %swap3A_3844, %swap3A_3845], %swap3A_3848 {strides = array<i32>} : memref<1x32x256xf32, #tpu.memory_space<vmem>>, vector<1x1x16xf32>,
    %swap3A_3849 = arith.constant 0 : i32
    %swap3A_3850 = arith.constant 17 : i32
    %swap3A_3851 = arith.index_cast %swap3A_3849 : i32 to index
    %swap3A_3852 = arith.index_cast %swap3A_3850 : i32 to index
    %swap3A_3853 = arith.constant 224 : index
    %swap3A_3854 = tpu.vector_load %arg7[%swap3A_3851, %swap3A_3852, %swap3A_3853] {strides = array<i32>} : memref<1x32x256xf32, #tpu.memory_space<vmem>>, vector<1x1x16xf32>,
    %swap3A_3855 = vector.shape_cast %swap3A_3854 : vector<1x1x16xf32> to vector<16xf32>
    %swap3A_3856 = vector.shape_cast %get3A_3712 : vector<16xf32> to vector<1x1x16xf32>
    tpu.vector_store %arg7[%swap3A_3851, %swap3A_3852, %swap3A_3853], %swap3A_3856 {strides = array<i32>} : memref<1x32x256xf32, #tpu.memory_space<vmem>>, vector<1x1x16xf32>,
    %swap3A_3857 = arith.constant 0 : i32
    %swap3A_3858 = arith.constant 18 : i32
    %swap3A_3859 = arith.index_cast %swap3A_3857 : i32 to index
    %swap3A_3860 = arith.index_cast %swap3A_3858 : i32 to index
    %swap3A_3861 = arith.constant 224 : index
    %swap3A_3862 = tpu.vector_load %arg7[%swap3A_3859, %swap3A_3860, %swap3A_3861] {strides = array<i32>} : memref<1x32x256xf32, #tpu.memory_space<vmem>>, vector<1x1x16xf32>,
    %swap3A_3863 = vector.shape_cast %swap3A_3862 : vector<1x1x16xf32> to vector<16xf32>
    %swap3A_3864 = vector.shape_cast %get3A_3712 : vector<16xf32> to vector<1x1x16xf32>
    tpu.vector_store %arg7[%swap3A_3859, %swap3A_3860, %swap3A_3861], %swap3A_3864 {strides = array<i32>} : memref<1x32x256xf32, #tpu.memory_space<vmem>>, vector<1x1x16xf32>,
    %swap3A_3865 = arith.constant 0 : i32
    %swap3A_3866 = arith.constant 19 : i32
    %swap3A_3867 = arith.index_cast %swap3A_3865 : i32 to index
    %swap3A_3868 = arith.index_cast %swap3A_3866 : i32 to index
    %swap3A_3869 = arith.constant 224 : index
    %swap3A_3870 = tpu.vector_load %arg7[%swap3A_3867, %swap3A_3868, %swap3A_3869] {strides = array<i32>} : memref<1x32x256xf32, #tpu.memory_space<vmem>>, vector<1x1x16xf32>,
    %swap3A_3871 = vector.shape_cast %swap3A_3870 : vector<1x1x16xf32> to vector<16xf32>
    %swap3A_3872 = vector.shape_cast %get3A_3712 : vector<16xf32> to vector<1x1x16xf32>
    tpu.vector_store %arg7[%swap3A_3867, %swap3A_3868, %swap3A_3869], %swap3A_3872 {strides = array<i32>} : memref<1x32x256xf32, #tpu.memory_space<vmem>>, vector<1x1x16xf32>,
    %swap3A_3873 = arith.constant 0 : i32
    %swap3A_3874 = arith.constant 20 : i32
    %swap3A_3875 = arith.index_cast %swap3A_3873 : i32 to index
    %swap3A_3876 = arith.index_cast %swap3A_3874 : i32 to index
    %swap3A_3877 = arith.constant 224 : index
    %swap3A_3878 = tpu.vector_load %arg7[%swap3A_3875, %swap3A_3876, %swap3A_3877] {strides = array<i32>} : memref<1x32x256xf32, #tpu.memory_space<vmem>>, vector<1x1x16xf32>,
    %swap3A_3879 = vector.shape_cast %swap3A_3878 : vector<1x1x16xf32> to vector<16xf32>
    %swap3A_3880 = vector.shape_cast %get3A_3712 : vector<16xf32> to vector<1x1x16xf32>
    tpu.vector_store %arg7[%swap3A_3875, %swap3A_3876, %swap3A_3877], %swap3A_3880 {strides = array<i32>} : memref<1x32x256xf32, #tpu.memory_space<vmem>>, vector<1x1x16xf32>,
    %swap3A_3881 = arith.constant 0 : i32
    %swap3A_3882 = arith.constant 21 : i32
    %swap3A_3883 = arith.index_cast %swap3A_3881 : i32 to index
    %swap3A_3884 = arith.index_cast %swap3A_3882 : i32 to index
    %swap3A_3885 = arith.constant 224 : index
    %swap3A_3886 = tpu.vector_load %arg7[%swap3A_3883, %swap3A_3884, %swap3A_3885] {strides = array<i32>} : memref<1x32x256xf32, #tpu.memory_space<vmem>>, vector<1x1x16xf32>,
    %swap3A_3887 = vector.shape_cast %swap3A_3886 : vector<1x1x16xf32> to vector<16xf32>
    %swap3A_3888 = vector.shape_cast %get3A_3712 : vector<16xf32> to vector<1x1x16xf32>
    tpu.vector_store %arg7[%swap3A_3883, %swap3A_3884, %swap3A_3885], %swap3A_3888 {strides = array<i32>} : memref<1x32x256xf32, #tpu.memory_space<vmem>>, vector<1x1x16xf32>,
    %swap3A_3889 = arith.constant 0 : i32
    %swap3A_3890 = arith.constant 22 : i32
    %swap3A_3891 = arith.index_cast %swap3A_3889 : i32 to index
    %swap3A_3892 = arith.index_cast %swap3A_3890 : i32 to index
    %swap3A_3893 = arith.constant 224 : index
    %swap3A_3894 = tpu.vector_load %arg7[%swap3A_3891, %swap3A_3892, %swap3A_3893] {strides = array<i32>} : memref<1x32x256xf32, #tpu.memory_space<vmem>>, vector<1x1x16xf32>,
    %swap3A_3895 = vector.shape_cast %swap3A_3894 : vector<1x1x16xf32> to vector<16xf32>
    %swap3A_3896 = vector.shape_cast %get3A_3712 : vector<16xf32> to vector<1x1x16xf32>
    tpu.vector_store %arg7[%swap3A_3891, %swap3A_3892, %swap3A_3893], %swap3A_3896 {strides = array<i32>} : memref<1x32x256xf32, #tpu.memory_space<vmem>>, vector<1x1x16xf32>,
    %swap3A_3897 = arith.constant 0 : i32
    %swap3A_3898 = arith.constant 23 : i32
    %swap3A_3899 = arith.index_cast %swap3A_3897 : i32 to index
    %swap3A_3900 = arith.index_cast %swap3A_3898 : i32 to index
    %swap3A_3901 = arith.constant 224 : index
    %swap3A_3902 = tpu.vector_load %arg7[%swap3A_3899, %swap3A_3900, %swap3A_3901] {strides = array<i32>} : memref<1x32x256xf32, #tpu.memory_space<vmem>>, vector<1x1x16xf32>,
    %swap3A_3903 = vector.shape_cast %swap3A_3902 : vector<1x1x16xf32> to vector<16xf32>
    %swap3A_3904 = vector.shape_cast %get3A_3712 : vector<16xf32> to vector<1x1x16xf32>
    tpu.vector_store %arg7[%swap3A_3899, %swap3A_3900, %swap3A_3901], %swap3A_3904 {strides = array<i32>} : memref<1x32x256xf32, #tpu.memory_space<vmem>>, vector<1x1x16xf32>,
    %swap3A_3905 = arith.constant 0 : i32
    %swap3A_3906 = arith.constant 24 : i32
    %swap3A_3907 = arith.index_cast %swap3A_3905 : i32 to index
    %swap3A_3908 = arith.index_cast %swap3A_3906 : i32 to index
    %swap3A_3909 = arith.constant 224 : index
    %swap3A_3910 = tpu.vector_load %arg7[%swap3A_3907, %swap3A_3908, %swap3A_3909] {strides = array<i32>} : memref<1x32x256xf32, #tpu.memory_space<vmem>>, vector<1x1x16xf32>,
    %swap3A_3911 = vector.shape_cast %swap3A_3910 : vector<1x1x16xf32> to vector<16xf32>
    %swap3A_3912 = vector.shape_cast %get3A_3712 : vector<16xf32> to vector<1x1x16xf32>
    tpu.vector_store %arg7[%swap3A_3907, %swap3A_3908, %swap3A_3909], %swap3A_3912 {strides = array<i32>} : memref<1x32x256xf32, #tpu.memory_space<vmem>>, vector<1x1x16xf32>,
    %swap3A_3913 = arith.constant 0 : i32
    %swap3A_3914 = arith.constant 25 : i32
    %swap3A_3915 = arith.index_cast %swap3A_3913 : i32 to index
    %swap3A_3916 = arith.index_cast %swap3A_3914 : i32 to index
    %swap3A_3917 = arith.constant 224 : index
    %swap3A_3918 = tpu.vector_load %arg7[%swap3A_3915, %swap3A_3916, %swap3A_3917] {strides = array<i32>} : memref<1x32x256xf32, #tpu.memory_space<vmem>>, vector<1x1x16xf32>,
    %swap3A_3919 = vector.shape_cast %swap3A_3918 : vector<1x1x16xf32> to vector<16xf32>
    %swap3A_3920 = vector.shape_cast %get3A_3712 : vector<16xf32> to vector<1x1x16xf32>
    tpu.vector_store %arg7[%swap3A_3915, %swap3A_3916, %swap3A_3917], %swap3A_3920 {strides = array<i32>} : memref<1x32x256xf32, #tpu.memory_space<vmem>>, vector<1x1x16xf32>,
    %swap3A_3921 = arith.constant 0 : i32
    %swap3A_3922 = arith.constant 26 : i32
    %swap3A_3923 = arith.index_cast %swap3A_3921 : i32 to index
    %swap3A_3924 = arith.index_cast %swap3A_3922 : i32 to index
    %swap3A_3925 = arith.constant 224 : index
    %swap3A_3926 = tpu.vector_load %arg7[%swap3A_3923, %swap3A_3924, %swap3A_3925] {strides = array<i32>} : memref<1x32x256xf32, #tpu.memory_space<vmem>>, vector<1x1x16xf32>,
    %swap3A_3927 = vector.shape_cast %swap3A_3926 : vector<1x1x16xf32> to vector<16xf32>
    %swap3A_3928 = vector.shape_cast %get3A_3712 : vector<16xf32> to vector<1x1x16xf32>
    tpu.vector_store %arg7[%swap3A_3923, %swap3A_3924, %swap3A_3925], %swap3A_3928 {strides = array<i32>} : memref<1x32x256xf32, #tpu.memory_space<vmem>>, vector<1x1x16xf32>,
    %swap3A_3929 = arith.constant 0 : i32
    %swap3A_3930 = arith.constant 27 : i32
    %swap3A_3931 = arith.index_cast %swap3A_3929 : i32 to index
    %swap3A_3932 = arith.index_cast %swap3A_3930 : i32 to index
    %swap3A_3933 = arith.constant 224 : index
    %swap3A_3934 = tpu.vector_load %arg7[%swap3A_3931, %swap3A_3932, %swap3A_3933] {strides = array<i32>} : memref<1x32x256xf32, #tpu.memory_space<vmem>>, vector<1x1x16xf32>,
    %swap3A_3935 = vector.shape_cast %swap3A_3934 : vector<1x1x16xf32> to vector<16xf32>
    %swap3A_3936 = vector.shape_cast %get3A_3712 : vector<16xf32> to vector<1x1x16xf32>
    tpu.vector_store %arg7[%swap3A_3931, %swap3A_3932, %swap3A_3933], %swap3A_3936 {strides = array<i32>} : memref<1x32x256xf32, #tpu.memory_space<vmem>>, vector<1x1x16xf32>,
    %swap3A_3937 = arith.constant 0 : i32
    %swap3A_3938 = arith.constant 28 : i32
    %swap3A_3939 = arith.index_cast %swap3A_3937 : i32 to index
    %swap3A_3940 = arith.index_cast %swap3A_3938 : i32 to index
    %swap3A_3941 = arith.constant 224 : index
    %swap3A_3942 = tpu.vector_load %arg7[%swap3A_3939, %swap3A_3940, %swap3A_3941] {strides = array<i32>} : memref<1x32x256xf32, #tpu.memory_space<vmem>>, vector<1x1x16xf32>,
    %swap3A_3943 = vector.shape_cast %swap3A_3942 : vector<1x1x16xf32> to vector<16xf32>
    %swap3A_3944 = vector.shape_cast %get3A_3712 : vector<16xf32> to vector<1x1x16xf32>
    tpu.vector_store %arg7[%swap3A_3939, %swap3A_3940, %swap3A_3941], %swap3A_3944 {strides = array<i32>} : memref<1x32x256xf32, #tpu.memory_space<vmem>>, vector<1x1x16xf32>,
    %swap3A_3945 = arith.constant 0 : i32
    %swap3A_3946 = arith.constant 29 : i32
    %swap3A_3947 = arith.index_cast %swap3A_3945 : i32 to index
    %swap3A_3948 = arith.index_cast %swap3A_3946 : i32 to index
    %swap3A_3949 = arith.constant 224 : index
    %swap3A_3950 = tpu.vector_load %arg7[%swap3A_3947, %swap3A_3948, %swap3A_3949] {strides = array<i32>} : memref<1x32x256xf32, #tpu.memory_space<vmem>>, vector<1x1x16xf32>,
    %swap3A_3951 = vector.shape_cast %swap3A_3950 : vector<1x1x16xf32> to vector<16xf32>
    %swap3A_3952 = vector.shape_cast %get3A_3712 : vector<16xf32> to vector<1x1x16xf32>
    tpu.vector_store %arg7[%swap3A_3947, %swap3A_3948, %swap3A_3949], %swap3A_3952 {strides = array<i32>} : memref<1x32x256xf32, #tpu.memory_space<vmem>>, vector<1x1x16xf32>,
    %swap3A_3953 = arith.constant 0 : i32
    %swap3A_3954 = arith.constant 30 : i32
    %swap3A_3955 = arith.index_cast %swap3A_3953 : i32 to index
    %swap3A_3956 = arith.index_cast %swap3A_3954 : i32 to index
    %swap3A_3957 = arith.constant 224 : index
    %swap3A_3958 = tpu.vector_load %arg7[%swap3A_3955, %swap3A_3956, %swap3A_3957] {strides = array<i32>} : memref<1x32x256xf32, #tpu.memory_space<vmem>>, vector<1x1x16xf32>,
    %swap3A_3959 = vector.shape_cast %swap3A_3958 : vector<1x1x16xf32> to vector<16xf32>
    %swap3A_3960 = vector.shape_cast %get3A_3712 : vector<16xf32> to vector<1x1x16xf32>
    tpu.vector_store %arg7[%swap3A_3955, %swap3A_3956, %swap3A_3957], %swap3A_3960 {strides = array<i32>} : memref<1x32x256xf32, #tpu.memory_space<vmem>>, vector<1x1x16xf32>,
    %swap3A_3961 = arith.constant 0 : i32
    %swap3A_3962 = arith.constant 31 : i32
    %swap3A_3963 = arith.index_cast %swap3A_3961 : i32 to index
    %swap3A_3964 = arith.index_cast %swap3A_3962 : i32 to index
    %swap3A_3965 = arith.constant 224 : index
    %swap3A_3966 = tpu.vector_load %arg7[%swap3A_3963, %swap3A_3964, %swap3A_3965] {strides = array<i32>} : memref<1x32x256xf32, #tpu.memory_space<vmem>>, vector<1x1x16xf32>,
    %swap3A_3967 = vector.shape_cast %swap3A_3966 : vector<1x1x16xf32> to vector<16xf32>
    %swap3A_3968 = vector.shape_cast %get3A_3712 : vector<16xf32> to vector<1x1x16xf32>
    tpu.vector_store %arg7[%swap3A_3963, %swap3A_3964, %swap3A_3965], %swap3A_3968 {strides = array<i32>} : memref<1x32x256xf32, #tpu.memory_space<vmem>>, vector<1x1x16xf32>,
    %get3A_3969 = arith.constant 0 : i32
    %get3A_3970 = arith.constant 0 : i32
    %get3A_3971 = arith.index_cast %get3A_3969 : i32 to index
    %get3A_3972 = arith.index_cast %get3A_3970 : i32 to index
    %get3A_3973 = arith.constant 240 : index
    %get3A_3974 = tpu.vector_load %arg6[%get3A_3971, %get3A_3972, %get3A_3973] {strides = array<i32>} : memref<1x1x256xf32, #tpu.memory_space<vmem>>, vector<1x1x16xf32>,
    %get3A_3975 = vector.shape_cast %get3A_3974 : vector<1x1x16xf32> to vector<16xf32>
    %swap3A_3976 = arith.constant 0 : i32
    %swap3A_3977 = arith.constant 0 : i32
    %swap3A_3978 = arith.index_cast %swap3A_3976 : i32 to index
    %swap3A_3979 = arith.index_cast %swap3A_3977 : i32 to index
    %swap3A_3980 = arith.constant 240 : index
    %swap3A_3981 = tpu.vector_load %arg7[%swap3A_3978, %swap3A_3979, %swap3A_3980] {strides = array<i32>} : memref<1x32x256xf32, #tpu.memory_space<vmem>>, vector<1x1x16xf32>,
    %swap3A_3982 = vector.shape_cast %swap3A_3981 : vector<1x1x16xf32> to vector<16xf32>
    %swap3A_3983 = vector.shape_cast %get3A_3975 : vector<16xf32> to vector<1x1x16xf32>
    tpu.vector_store %arg7[%swap3A_3978, %swap3A_3979, %swap3A_3980], %swap3A_3983 {strides = array<i32>} : memref<1x32x256xf32, #tpu.memory_space<vmem>>, vector<1x1x16xf32>,
    %swap3A_3984 = arith.constant 0 : i32
    %swap3A_3985 = arith.constant 1 : i32
    %swap3A_3986 = arith.index_cast %swap3A_3984 : i32 to index
    %swap3A_3987 = arith.index_cast %swap3A_3985 : i32 to index
    %swap3A_3988 = arith.constant 240 : index
    %swap3A_3989 = tpu.vector_load %arg7[%swap3A_3986, %swap3A_3987, %swap3A_3988] {strides = array<i32>} : memref<1x32x256xf32, #tpu.memory_space<vmem>>, vector<1x1x16xf32>,
    %swap3A_3990 = vector.shape_cast %swap3A_3989 : vector<1x1x16xf32> to vector<16xf32>
    %swap3A_3991 = vector.shape_cast %get3A_3975 : vector<16xf32> to vector<1x1x16xf32>
    tpu.vector_store %arg7[%swap3A_3986, %swap3A_3987, %swap3A_3988], %swap3A_3991 {strides = array<i32>} : memref<1x32x256xf32, #tpu.memory_space<vmem>>, vector<1x1x16xf32>,
    %swap3A_3992 = arith.constant 0 : i32
    %swap3A_3993 = arith.constant 2 : i32
    %swap3A_3994 = arith.index_cast %swap3A_3992 : i32 to index
    %swap3A_3995 = arith.index_cast %swap3A_3993 : i32 to index
    %swap3A_3996 = arith.constant 240 : index
    %swap3A_3997 = tpu.vector_load %arg7[%swap3A_3994, %swap3A_3995, %swap3A_3996] {strides = array<i32>} : memref<1x32x256xf32, #tpu.memory_space<vmem>>, vector<1x1x16xf32>,
    %swap3A_3998 = vector.shape_cast %swap3A_3997 : vector<1x1x16xf32> to vector<16xf32>
    %swap3A_3999 = vector.shape_cast %get3A_3975 : vector<16xf32> to vector<1x1x16xf32>
    tpu.vector_store %arg7[%swap3A_3994, %swap3A_3995, %swap3A_3996], %swap3A_3999 {strides = array<i32>} : memref<1x32x256xf32, #tpu.memory_space<vmem>>, vector<1x1x16xf32>,
    %swap3A_4000 = arith.constant 0 : i32
    %swap3A_4001 = arith.constant 3 : i32
    %swap3A_4002 = arith.index_cast %swap3A_4000 : i32 to index
    %swap3A_4003 = arith.index_cast %swap3A_4001 : i32 to index
    %swap3A_4004 = arith.constant 240 : index
    %swap3A_4005 = tpu.vector_load %arg7[%swap3A_4002, %swap3A_4003, %swap3A_4004] {strides = array<i32>} : memref<1x32x256xf32, #tpu.memory_space<vmem>>, vector<1x1x16xf32>,
    %swap3A_4006 = vector.shape_cast %swap3A_4005 : vector<1x1x16xf32> to vector<16xf32>
    %swap3A_4007 = vector.shape_cast %get3A_3975 : vector<16xf32> to vector<1x1x16xf32>
    tpu.vector_store %arg7[%swap3A_4002, %swap3A_4003, %swap3A_4004], %swap3A_4007 {strides = array<i32>} : memref<1x32x256xf32, #tpu.memory_space<vmem>>, vector<1x1x16xf32>,
    %swap3A_4008 = arith.constant 0 : i32
    %swap3A_4009 = arith.constant 4 : i32
    %swap3A_4010 = arith.index_cast %swap3A_4008 : i32 to index
    %swap3A_4011 = arith.index_cast %swap3A_4009 : i32 to index
    %swap3A_4012 = arith.constant 240 : index
    %swap3A_4013 = tpu.vector_load %arg7[%swap3A_4010, %swap3A_4011, %swap3A_4012] {strides = array<i32>} : memref<1x32x256xf32, #tpu.memory_space<vmem>>, vector<1x1x16xf32>,
    %swap3A_4014 = vector.shape_cast %swap3A_4013 : vector<1x1x16xf32> to vector<16xf32>
    %swap3A_4015 = vector.shape_cast %get3A_3975 : vector<16xf32> to vector<1x1x16xf32>
    tpu.vector_store %arg7[%swap3A_4010, %swap3A_4011, %swap3A_4012], %swap3A_4015 {strides = array<i32>} : memref<1x32x256xf32, #tpu.memory_space<vmem>>, vector<1x1x16xf32>,
    %swap3A_4016 = arith.constant 0 : i32
    %swap3A_4017 = arith.constant 5 : i32
    %swap3A_4018 = arith.index_cast %swap3A_4016 : i32 to index
    %swap3A_4019 = arith.index_cast %swap3A_4017 : i32 to index
    %swap3A_4020 = arith.constant 240 : index
    %swap3A_4021 = tpu.vector_load %arg7[%swap3A_4018, %swap3A_4019, %swap3A_4020] {strides = array<i32>} : memref<1x32x256xf32, #tpu.memory_space<vmem>>, vector<1x1x16xf32>,
    %swap3A_4022 = vector.shape_cast %swap3A_4021 : vector<1x1x16xf32> to vector<16xf32>
    %swap3A_4023 = vector.shape_cast %get3A_3975 : vector<16xf32> to vector<1x1x16xf32>
    tpu.vector_store %arg7[%swap3A_4018, %swap3A_4019, %swap3A_4020], %swap3A_4023 {strides = array<i32>} : memref<1x32x256xf32, #tpu.memory_space<vmem>>, vector<1x1x16xf32>,
    %swap3A_4024 = arith.constant 0 : i32
    %swap3A_4025 = arith.constant 6 : i32
    %swap3A_4026 = arith.index_cast %swap3A_4024 : i32 to index
    %swap3A_4027 = arith.index_cast %swap3A_4025 : i32 to index
    %swap3A_4028 = arith.constant 240 : index
    %swap3A_4029 = tpu.vector_load %arg7[%swap3A_4026, %swap3A_4027, %swap3A_4028] {strides = array<i32>} : memref<1x32x256xf32, #tpu.memory_space<vmem>>, vector<1x1x16xf32>,
    %swap3A_4030 = vector.shape_cast %swap3A_4029 : vector<1x1x16xf32> to vector<16xf32>
    %swap3A_4031 = vector.shape_cast %get3A_3975 : vector<16xf32> to vector<1x1x16xf32>
    tpu.vector_store %arg7[%swap3A_4026, %swap3A_4027, %swap3A_4028], %swap3A_4031 {strides = array<i32>} : memref<1x32x256xf32, #tpu.memory_space<vmem>>, vector<1x1x16xf32>,
    %swap3A_4032 = arith.constant 0 : i32
    %swap3A_4033 = arith.constant 7 : i32
    %swap3A_4034 = arith.index_cast %swap3A_4032 : i32 to index
    %swap3A_4035 = arith.index_cast %swap3A_4033 : i32 to index
    %swap3A_4036 = arith.constant 240 : index
    %swap3A_4037 = tpu.vector_load %arg7[%swap3A_4034, %swap3A_4035, %swap3A_4036] {strides = array<i32>} : memref<1x32x256xf32, #tpu.memory_space<vmem>>, vector<1x1x16xf32>,
    %swap3A_4038 = vector.shape_cast %swap3A_4037 : vector<1x1x16xf32> to vector<16xf32>
    %swap3A_4039 = vector.shape_cast %get3A_3975 : vector<16xf32> to vector<1x1x16xf32>
    tpu.vector_store %arg7[%swap3A_4034, %swap3A_4035, %swap3A_4036], %swap3A_4039 {strides = array<i32>} : memref<1x32x256xf32, #tpu.memory_space<vmem>>, vector<1x1x16xf32>,
    %swap3A_4040 = arith.constant 0 : i32
    %swap3A_4041 = arith.constant 8 : i32
    %swap3A_4042 = arith.index_cast %swap3A_4040 : i32 to index
    %swap3A_4043 = arith.index_cast %swap3A_4041 : i32 to index
    %swap3A_4044 = arith.constant 240 : index
    %swap3A_4045 = tpu.vector_load %arg7[%swap3A_4042, %swap3A_4043, %swap3A_4044] {strides = array<i32>} : memref<1x32x256xf32, #tpu.memory_space<vmem>>, vector<1x1x16xf32>,
    %swap3A_4046 = vector.shape_cast %swap3A_4045 : vector<1x1x16xf32> to vector<16xf32>
    %swap3A_4047 = vector.shape_cast %get3A_3975 : vector<16xf32> to vector<1x1x16xf32>
    tpu.vector_store %arg7[%swap3A_4042, %swap3A_4043, %swap3A_4044], %swap3A_4047 {strides = array<i32>} : memref<1x32x256xf32, #tpu.memory_space<vmem>>, vector<1x1x16xf32>,
    %swap3A_4048 = arith.constant 0 : i32
    %swap3A_4049 = arith.constant 9 : i32
    %swap3A_4050 = arith.index_cast %swap3A_4048 : i32 to index
    %swap3A_4051 = arith.index_cast %swap3A_4049 : i32 to index
    %swap3A_4052 = arith.constant 240 : index
    %swap3A_4053 = tpu.vector_load %arg7[%swap3A_4050, %swap3A_4051, %swap3A_4052] {strides = array<i32>} : memref<1x32x256xf32, #tpu.memory_space<vmem>>, vector<1x1x16xf32>,
    %swap3A_4054 = vector.shape_cast %swap3A_4053 : vector<1x1x16xf32> to vector<16xf32>
    %swap3A_4055 = vector.shape_cast %get3A_3975 : vector<16xf32> to vector<1x1x16xf32>
    tpu.vector_store %arg7[%swap3A_4050, %swap3A_4051, %swap3A_4052], %swap3A_4055 {strides = array<i32>} : memref<1x32x256xf32, #tpu.memory_space<vmem>>, vector<1x1x16xf32>,
    %swap3A_4056 = arith.constant 0 : i32
    %swap3A_4057 = arith.constant 10 : i32
    %swap3A_4058 = arith.index_cast %swap3A_4056 : i32 to index
    %swap3A_4059 = arith.index_cast %swap3A_4057 : i32 to index
    %swap3A_4060 = arith.constant 240 : index
    %swap3A_4061 = tpu.vector_load %arg7[%swap3A_4058, %swap3A_4059, %swap3A_4060] {strides = array<i32>} : memref<1x32x256xf32, #tpu.memory_space<vmem>>, vector<1x1x16xf32>,
    %swap3A_4062 = vector.shape_cast %swap3A_4061 : vector<1x1x16xf32> to vector<16xf32>
    %swap3A_4063 = vector.shape_cast %get3A_3975 : vector<16xf32> to vector<1x1x16xf32>
    tpu.vector_store %arg7[%swap3A_4058, %swap3A_4059, %swap3A_4060], %swap3A_4063 {strides = array<i32>} : memref<1x32x256xf32, #tpu.memory_space<vmem>>, vector<1x1x16xf32>,
    %swap3A_4064 = arith.constant 0 : i32
    %swap3A_4065 = arith.constant 11 : i32
    %swap3A_4066 = arith.index_cast %swap3A_4064 : i32 to index
    %swap3A_4067 = arith.index_cast %swap3A_4065 : i32 to index
    %swap3A_4068 = arith.constant 240 : index
    %swap3A_4069 = tpu.vector_load %arg7[%swap3A_4066, %swap3A_4067, %swap3A_4068] {strides = array<i32>} : memref<1x32x256xf32, #tpu.memory_space<vmem>>, vector<1x1x16xf32>,
    %swap3A_4070 = vector.shape_cast %swap3A_4069 : vector<1x1x16xf32> to vector<16xf32>
    %swap3A_4071 = vector.shape_cast %get3A_3975 : vector<16xf32> to vector<1x1x16xf32>
    tpu.vector_store %arg7[%swap3A_4066, %swap3A_4067, %swap3A_4068], %swap3A_4071 {strides = array<i32>} : memref<1x32x256xf32, #tpu.memory_space<vmem>>, vector<1x1x16xf32>,
    %swap3A_4072 = arith.constant 0 : i32
    %swap3A_4073 = arith.constant 12 : i32
    %swap3A_4074 = arith.index_cast %swap3A_4072 : i32 to index
    %swap3A_4075 = arith.index_cast %swap3A_4073 : i32 to index
    %swap3A_4076 = arith.constant 240 : index
    %swap3A_4077 = tpu.vector_load %arg7[%swap3A_4074, %swap3A_4075, %swap3A_4076] {strides = array<i32>} : memref<1x32x256xf32, #tpu.memory_space<vmem>>, vector<1x1x16xf32>,
    %swap3A_4078 = vector.shape_cast %swap3A_4077 : vector<1x1x16xf32> to vector<16xf32>
    %swap3A_4079 = vector.shape_cast %get3A_3975 : vector<16xf32> to vector<1x1x16xf32>
    tpu.vector_store %arg7[%swap3A_4074, %swap3A_4075, %swap3A_4076], %swap3A_4079 {strides = array<i32>} : memref<1x32x256xf32, #tpu.memory_space<vmem>>, vector<1x1x16xf32>,
    %swap3A_4080 = arith.constant 0 : i32
    %swap3A_4081 = arith.constant 13 : i32
    %swap3A_4082 = arith.index_cast %swap3A_4080 : i32 to index
    %swap3A_4083 = arith.index_cast %swap3A_4081 : i32 to index
    %swap3A_4084 = arith.constant 240 : index
    %swap3A_4085 = tpu.vector_load %arg7[%swap3A_4082, %swap3A_4083, %swap3A_4084] {strides = array<i32>} : memref<1x32x256xf32, #tpu.memory_space<vmem>>, vector<1x1x16xf32>,
    %swap3A_4086 = vector.shape_cast %swap3A_4085 : vector<1x1x16xf32> to vector<16xf32>
    %swap3A_4087 = vector.shape_cast %get3A_3975 : vector<16xf32> to vector<1x1x16xf32>
    tpu.vector_store %arg7[%swap3A_4082, %swap3A_4083, %swap3A_4084], %swap3A_4087 {strides = array<i32>} : memref<1x32x256xf32, #tpu.memory_space<vmem>>, vector<1x1x16xf32>,
    %swap3A_4088 = arith.constant 0 : i32
    %swap3A_4089 = arith.constant 14 : i32
    %swap3A_4090 = arith.index_cast %swap3A_4088 : i32 to index
    %swap3A_4091 = arith.index_cast %swap3A_4089 : i32 to index
    %swap3A_4092 = arith.constant 240 : index
    %swap3A_4093 = tpu.vector_load %arg7[%swap3A_4090, %swap3A_4091, %swap3A_4092] {strides = array<i32>} : memref<1x32x256xf32, #tpu.memory_space<vmem>>, vector<1x1x16xf32>,
    %swap3A_4094 = vector.shape_cast %swap3A_4093 : vector<1x1x16xf32> to vector<16xf32>
    %swap3A_4095 = vector.shape_cast %get3A_3975 : vector<16xf32> to vector<1x1x16xf32>
    tpu.vector_store %arg7[%swap3A_4090, %swap3A_4091, %swap3A_4092], %swap3A_4095 {strides = array<i32>} : memref<1x32x256xf32, #tpu.memory_space<vmem>>, vector<1x1x16xf32>,
    %swap3A_4096 = arith.constant 0 : i32
    %swap3A_4097 = arith.constant 15 : i32
    %swap3A_4098 = arith.index_cast %swap3A_4096 : i32 to index
    %swap3A_4099 = arith.index_cast %swap3A_4097 : i32 to index
    %swap3A_4100 = arith.constant 240 : index
    %swap3A_4101 = tpu.vector_load %arg7[%swap3A_4098, %swap3A_4099, %swap3A_4100] {strides = array<i32>} : memref<1x32x256xf32, #tpu.memory_space<vmem>>, vector<1x1x16xf32>,
    %swap3A_4102 = vector.shape_cast %swap3A_4101 : vector<1x1x16xf32> to vector<16xf32>
    %swap3A_4103 = vector.shape_cast %get3A_3975 : vector<16xf32> to vector<1x1x16xf32>
    tpu.vector_store %arg7[%swap3A_4098, %swap3A_4099, %swap3A_4100], %swap3A_4103 {strides = array<i32>} : memref<1x32x256xf32, #tpu.memory_space<vmem>>, vector<1x1x16xf32>,
    %swap3A_4104 = arith.constant 0 : i32
    %swap3A_4105 = arith.constant 16 : i32
    %swap3A_4106 = arith.index_cast %swap3A_4104 : i32 to index
    %swap3A_4107 = arith.index_cast %swap3A_4105 : i32 to index
    %swap3A_4108 = arith.constant 240 : index
    %swap3A_4109 = tpu.vector_load %arg7[%swap3A_4106, %swap3A_4107, %swap3A_4108] {strides = array<i32>} : memref<1x32x256xf32, #tpu.memory_space<vmem>>, vector<1x1x16xf32>,
    %swap3A_4110 = vector.shape_cast %swap3A_4109 : vector<1x1x16xf32> to vector<16xf32>
    %swap3A_4111 = vector.shape_cast %get3A_3975 : vector<16xf32> to vector<1x1x16xf32>
    tpu.vector_store %arg7[%swap3A_4106, %swap3A_4107, %swap3A_4108], %swap3A_4111 {strides = array<i32>} : memref<1x32x256xf32, #tpu.memory_space<vmem>>, vector<1x1x16xf32>,
    %swap3A_4112 = arith.constant 0 : i32
    %swap3A_4113 = arith.constant 17 : i32
    %swap3A_4114 = arith.index_cast %swap3A_4112 : i32 to index
    %swap3A_4115 = arith.index_cast %swap3A_4113 : i32 to index
    %swap3A_4116 = arith.constant 240 : index
    %swap3A_4117 = tpu.vector_load %arg7[%swap3A_4114, %swap3A_4115, %swap3A_4116] {strides = array<i32>} : memref<1x32x256xf32, #tpu.memory_space<vmem>>, vector<1x1x16xf32>,
    %swap3A_4118 = vector.shape_cast %swap3A_4117 : vector<1x1x16xf32> to vector<16xf32>
    %swap3A_4119 = vector.shape_cast %get3A_3975 : vector<16xf32> to vector<1x1x16xf32>
    tpu.vector_store %arg7[%swap3A_4114, %swap3A_4115, %swap3A_4116], %swap3A_4119 {strides = array<i32>} : memref<1x32x256xf32, #tpu.memory_space<vmem>>, vector<1x1x16xf32>,
    %swap3A_4120 = arith.constant 0 : i32
    %swap3A_4121 = arith.constant 18 : i32
    %swap3A_4122 = arith.index_cast %swap3A_4120 : i32 to index
    %swap3A_4123 = arith.index_cast %swap3A_4121 : i32 to index
    %swap3A_4124 = arith.constant 240 : index
    %swap3A_4125 = tpu.vector_load %arg7[%swap3A_4122, %swap3A_4123, %swap3A_4124] {strides = array<i32>} : memref<1x32x256xf32, #tpu.memory_space<vmem>>, vector<1x1x16xf32>,
    %swap3A_4126 = vector.shape_cast %swap3A_4125 : vector<1x1x16xf32> to vector<16xf32>
    %swap3A_4127 = vector.shape_cast %get3A_3975 : vector<16xf32> to vector<1x1x16xf32>
    tpu.vector_store %arg7[%swap3A_4122, %swap3A_4123, %swap3A_4124], %swap3A_4127 {strides = array<i32>} : memref<1x32x256xf32, #tpu.memory_space<vmem>>, vector<1x1x16xf32>,
    %swap3A_4128 = arith.constant 0 : i32
    %swap3A_4129 = arith.constant 19 : i32
    %swap3A_4130 = arith.index_cast %swap3A_4128 : i32 to index
    %swap3A_4131 = arith.index_cast %swap3A_4129 : i32 to index
    %swap3A_4132 = arith.constant 240 : index
    %swap3A_4133 = tpu.vector_load %arg7[%swap3A_4130, %swap3A_4131, %swap3A_4132] {strides = array<i32>} : memref<1x32x256xf32, #tpu.memory_space<vmem>>, vector<1x1x16xf32>,
    %swap3A_4134 = vector.shape_cast %swap3A_4133 : vector<1x1x16xf32> to vector<16xf32>
    %swap3A_4135 = vector.shape_cast %get3A_3975 : vector<16xf32> to vector<1x1x16xf32>
    tpu.vector_store %arg7[%swap3A_4130, %swap3A_4131, %swap3A_4132], %swap3A_4135 {strides = array<i32>} : memref<1x32x256xf32, #tpu.memory_space<vmem>>, vector<1x1x16xf32>,
    %swap3A_4136 = arith.constant 0 : i32
    %swap3A_4137 = arith.constant 20 : i32
    %swap3A_4138 = arith.index_cast %swap3A_4136 : i32 to index
    %swap3A_4139 = arith.index_cast %swap3A_4137 : i32 to index
    %swap3A_4140 = arith.constant 240 : index
    %swap3A_4141 = tpu.vector_load %arg7[%swap3A_4138, %swap3A_4139, %swap3A_4140] {strides = array<i32>} : memref<1x32x256xf32, #tpu.memory_space<vmem>>, vector<1x1x16xf32>,
    %swap3A_4142 = vector.shape_cast %swap3A_4141 : vector<1x1x16xf32> to vector<16xf32>
    %swap3A_4143 = vector.shape_cast %get3A_3975 : vector<16xf32> to vector<1x1x16xf32>
    tpu.vector_store %arg7[%swap3A_4138, %swap3A_4139, %swap3A_4140], %swap3A_4143 {strides = array<i32>} : memref<1x32x256xf32, #tpu.memory_space<vmem>>, vector<1x1x16xf32>,
    %swap3A_4144 = arith.constant 0 : i32
    %swap3A_4145 = arith.constant 21 : i32
    %swap3A_4146 = arith.index_cast %swap3A_4144 : i32 to index
    %swap3A_4147 = arith.index_cast %swap3A_4145 : i32 to index
    %swap3A_4148 = arith.constant 240 : index
    %swap3A_4149 = tpu.vector_load %arg7[%swap3A_4146, %swap3A_4147, %swap3A_4148] {strides = array<i32>} : memref<1x32x256xf32, #tpu.memory_space<vmem>>, vector<1x1x16xf32>,
    %swap3A_4150 = vector.shape_cast %swap3A_4149 : vector<1x1x16xf32> to vector<16xf32>
    %swap3A_4151 = vector.shape_cast %get3A_3975 : vector<16xf32> to vector<1x1x16xf32>
    tpu.vector_store %arg7[%swap3A_4146, %swap3A_4147, %swap3A_4148], %swap3A_4151 {strides = array<i32>} : memref<1x32x256xf32, #tpu.memory_space<vmem>>, vector<1x1x16xf32>,
    %swap3A_4152 = arith.constant 0 : i32
    %swap3A_4153 = arith.constant 22 : i32
    %swap3A_4154 = arith.index_cast %swap3A_4152 : i32 to index
    %swap3A_4155 = arith.index_cast %swap3A_4153 : i32 to index
    %swap3A_4156 = arith.constant 240 : index
    %swap3A_4157 = tpu.vector_load %arg7[%swap3A_4154, %swap3A_4155, %swap3A_4156] {strides = array<i32>} : memref<1x32x256xf32, #tpu.memory_space<vmem>>, vector<1x1x16xf32>,
    %swap3A_4158 = vector.shape_cast %swap3A_4157 : vector<1x1x16xf32> to vector<16xf32>
    %swap3A_4159 = vector.shape_cast %get3A_3975 : vector<16xf32> to vector<1x1x16xf32>
    tpu.vector_store %arg7[%swap3A_4154, %swap3A_4155, %swap3A_4156], %swap3A_4159 {strides = array<i32>} : memref<1x32x256xf32, #tpu.memory_space<vmem>>, vector<1x1x16xf32>,
    %swap3A_4160 = arith.constant 0 : i32
    %swap3A_4161 = arith.constant 23 : i32
    %swap3A_4162 = arith.index_cast %swap3A_4160 : i32 to index
    %swap3A_4163 = arith.index_cast %swap3A_4161 : i32 to index
    %swap3A_4164 = arith.constant 240 : index
    %swap3A_4165 = tpu.vector_load %arg7[%swap3A_4162, %swap3A_4163, %swap3A_4164] {strides = array<i32>} : memref<1x32x256xf32, #tpu.memory_space<vmem>>, vector<1x1x16xf32>,
    %swap3A_4166 = vector.shape_cast %swap3A_4165 : vector<1x1x16xf32> to vector<16xf32>
    %swap3A_4167 = vector.shape_cast %get3A_3975 : vector<16xf32> to vector<1x1x16xf32>
    tpu.vector_store %arg7[%swap3A_4162, %swap3A_4163, %swap3A_4164], %swap3A_4167 {strides = array<i32>} : memref<1x32x256xf32, #tpu.memory_space<vmem>>, vector<1x1x16xf32>,
    %swap3A_4168 = arith.constant 0 : i32
    %swap3A_4169 = arith.constant 24 : i32
    %swap3A_4170 = arith.index_cast %swap3A_4168 : i32 to index
    %swap3A_4171 = arith.index_cast %swap3A_4169 : i32 to index
    %swap3A_4172 = arith.constant 240 : index
    %swap3A_4173 = tpu.vector_load %arg7[%swap3A_4170, %swap3A_4171, %swap3A_4172] {strides = array<i32>} : memref<1x32x256xf32, #tpu.memory_space<vmem>>, vector<1x1x16xf32>,
    %swap3A_4174 = vector.shape_cast %swap3A_4173 : vector<1x1x16xf32> to vector<16xf32>
    %swap3A_4175 = vector.shape_cast %get3A_3975 : vector<16xf32> to vector<1x1x16xf32>
    tpu.vector_store %arg7[%swap3A_4170, %swap3A_4171, %swap3A_4172], %swap3A_4175 {strides = array<i32>} : memref<1x32x256xf32, #tpu.memory_space<vmem>>, vector<1x1x16xf32>,
    %swap3A_4176 = arith.constant 0 : i32
    %swap3A_4177 = arith.constant 25 : i32
    %swap3A_4178 = arith.index_cast %swap3A_4176 : i32 to index
    %swap3A_4179 = arith.index_cast %swap3A_4177 : i32 to index
    %swap3A_4180 = arith.constant 240 : index
    %swap3A_4181 = tpu.vector_load %arg7[%swap3A_4178, %swap3A_4179, %swap3A_4180] {strides = array<i32>} : memref<1x32x256xf32, #tpu.memory_space<vmem>>, vector<1x1x16xf32>,
    %swap3A_4182 = vector.shape_cast %swap3A_4181 : vector<1x1x16xf32> to vector<16xf32>
    %swap3A_4183 = vector.shape_cast %get3A_3975 : vector<16xf32> to vector<1x1x16xf32>
    tpu.vector_store %arg7[%swap3A_4178, %swap3A_4179, %swap3A_4180], %swap3A_4183 {strides = array<i32>} : memref<1x32x256xf32, #tpu.memory_space<vmem>>, vector<1x1x16xf32>,
    %swap3A_4184 = arith.constant 0 : i32
    %swap3A_4185 = arith.constant 26 : i32
    %swap3A_4186 = arith.index_cast %swap3A_4184 : i32 to index
    %swap3A_4187 = arith.index_cast %swap3A_4185 : i32 to index
    %swap3A_4188 = arith.constant 240 : index
    %swap3A_4189 = tpu.vector_load %arg7[%swap3A_4186, %swap3A_4187, %swap3A_4188] {strides = array<i32>} : memref<1x32x256xf32, #tpu.memory_space<vmem>>, vector<1x1x16xf32>,
    %swap3A_4190 = vector.shape_cast %swap3A_4189 : vector<1x1x16xf32> to vector<16xf32>
    %swap3A_4191 = vector.shape_cast %get3A_3975 : vector<16xf32> to vector<1x1x16xf32>
    tpu.vector_store %arg7[%swap3A_4186, %swap3A_4187, %swap3A_4188], %swap3A_4191 {strides = array<i32>} : memref<1x32x256xf32, #tpu.memory_space<vmem>>, vector<1x1x16xf32>,
    %swap3A_4192 = arith.constant 0 : i32
    %swap3A_4193 = arith.constant 27 : i32
    %swap3A_4194 = arith.index_cast %swap3A_4192 : i32 to index
    %swap3A_4195 = arith.index_cast %swap3A_4193 : i32 to index
    %swap3A_4196 = arith.constant 240 : index
    %swap3A_4197 = tpu.vector_load %arg7[%swap3A_4194, %swap3A_4195, %swap3A_4196] {strides = array<i32>} : memref<1x32x256xf32, #tpu.memory_space<vmem>>, vector<1x1x16xf32>,
    %swap3A_4198 = vector.shape_cast %swap3A_4197 : vector<1x1x16xf32> to vector<16xf32>
    %swap3A_4199 = vector.shape_cast %get3A_3975 : vector<16xf32> to vector<1x1x16xf32>
    tpu.vector_store %arg7[%swap3A_4194, %swap3A_4195, %swap3A_4196], %swap3A_4199 {strides = array<i32>} : memref<1x32x256xf32, #tpu.memory_space<vmem>>, vector<1x1x16xf32>,
    %swap3A_4200 = arith.constant 0 : i32
    %swap3A_4201 = arith.constant 28 : i32
    %swap3A_4202 = arith.index_cast %swap3A_4200 : i32 to index
    %swap3A_4203 = arith.index_cast %swap3A_4201 : i32 to index
    %swap3A_4204 = arith.constant 240 : index
    %swap3A_4205 = tpu.vector_load %arg7[%swap3A_4202, %swap3A_4203, %swap3A_4204] {strides = array<i32>} : memref<1x32x256xf32, #tpu.memory_space<vmem>>, vector<1x1x16xf32>,
    %swap3A_4206 = vector.shape_cast %swap3A_4205 : vector<1x1x16xf32> to vector<16xf32>
    %swap3A_4207 = vector.shape_cast %get3A_3975 : vector<16xf32> to vector<1x1x16xf32>
    tpu.vector_store %arg7[%swap3A_4202, %swap3A_4203, %swap3A_4204], %swap3A_4207 {strides = array<i32>} : memref<1x32x256xf32, #tpu.memory_space<vmem>>, vector<1x1x16xf32>,
    %swap3A_4208 = arith.constant 0 : i32
    %swap3A_4209 = arith.constant 29 : i32
    %swap3A_4210 = arith.index_cast %swap3A_4208 : i32 to index
    %swap3A_4211 = arith.index_cast %swap3A_4209 : i32 to index
    %swap3A_4212 = arith.constant 240 : index
    %swap3A_4213 = tpu.vector_load %arg7[%swap3A_4210, %swap3A_4211, %swap3A_4212] {strides = array<i32>} : memref<1x32x256xf32, #tpu.memory_space<vmem>>, vector<1x1x16xf32>,
    %swap3A_4214 = vector.shape_cast %swap3A_4213 : vector<1x1x16xf32> to vector<16xf32>
    %swap3A_4215 = vector.shape_cast %get3A_3975 : vector<16xf32> to vector<1x1x16xf32>
    tpu.vector_store %arg7[%swap3A_4210, %swap3A_4211, %swap3A_4212], %swap3A_4215 {strides = array<i32>} : memref<1x32x256xf32, #tpu.memory_space<vmem>>, vector<1x1x16xf32>,
    %swap3A_4216 = arith.constant 0 : i32
    %swap3A_4217 = arith.constant 30 : i32
    %swap3A_4218 = arith.index_cast %swap3A_4216 : i32 to index
    %swap3A_4219 = arith.index_cast %swap3A_4217 : i32 to index
    %swap3A_4220 = arith.constant 240 : index
    %swap3A_4221 = tpu.vector_load %arg7[%swap3A_4218, %swap3A_4219, %swap3A_4220] {strides = array<i32>} : memref<1x32x256xf32, #tpu.memory_space<vmem>>, vector<1x1x16xf32>,
    %swap3A_4222 = vector.shape_cast %swap3A_4221 : vector<1x1x16xf32> to vector<16xf32>
    %swap3A_4223 = vector.shape_cast %get3A_3975 : vector<16xf32> to vector<1x1x16xf32>
    tpu.vector_store %arg7[%swap3A_4218, %swap3A_4219, %swap3A_4220], %swap3A_4223 {strides = array<i32>} : memref<1x32x256xf32, #tpu.memory_space<vmem>>, vector<1x1x16xf32>,
    %swap3A_4224 = arith.constant 0 : i32
    %swap3A_4225 = arith.constant 31 : i32
    %swap3A_4226 = arith.index_cast %swap3A_4224 : i32 to index
    %swap3A_4227 = arith.index_cast %swap3A_4225 : i32 to index
    %swap3A_4228 = arith.constant 240 : index
    %swap3A_4229 = tpu.vector_load %arg7[%swap3A_4226, %swap3A_4227, %swap3A_4228] {strides = array<i32>} : memref<1x32x256xf32, #tpu.memory_space<vmem>>, vector<1x1x16xf32>,
    %swap3A_4230 = vector.shape_cast %swap3A_4229 : vector<1x1x16xf32> to vector<16xf32>
    %swap3A_4231 = vector.shape_cast %get3A_3975 : vector<16xf32> to vector<1x1x16xf32>
    tpu.vector_store %arg7[%swap3A_4226, %swap3A_4227, %swap3A_4228], %swap3A_4231 {strides = array<i32>} : memref<1x32x256xf32, #tpu.memory_space<vmem>>, vector<1x1x16xf32>,
    %mul3A_4232 = arith.constant 2 : i32
    %mul3A_4233 = arith.muli %mul3A_4232, %add3A : i32
    %add3A_4234 = arith.constant 1 : i32
    %add3A_4235 = arith.addi %mul3A_4233, %add3A_4234 : i32
    %dma_start3A_4236 = arith.constant 0 : i32
    %dma_start3A_4237 = arith.constant 0 : i32
    %dma_start3A_4238 = tpu.memref_slice %arg4[%add3A_4235, %dma_start3A_4236, %dma_start3A_4237] : memref<64x32x256xf32, #tpu.memory_space<hbm>> -> memref<1x32x256xf32, #tpu.memory_space<hbm>>
    %dma_start3A_4239 = arith.constant 0 : i32
    %dma_start3A_4240 = arith.constant 0 : i32
    %dma_start3A_4241 = tpu.memref_slice %arg4[%add3A_4235, %dma_start3A_4239, %dma_start3A_4240] : memref<64x32x256xf32, #tpu.memory_space<hbm>> -> memref<1x32x256xf32, #tpu.memory_space<hbm>>
    tpu.enqueue_dma source(%arg7 : memref<1x32x256xf32, #tpu.memory_space<vmem>>) target(%dma_start3A_4241 : memref<1x32x256xf32, #tpu.memory_space<hbm>>) target_semaphore(%arg11 : memref<!tpu.dma_semaphore, #tpu.memory_space<semaphore_mem>>)
    %dma_wait3A_4242 = arith.constant 0 : i32
    %dma_wait3A_4243 = arith.constant 0 : i32
    %dma_wait3A_4244 = tpu.memref_slice %arg2[%add3A_4, %dma_wait3A_4242, %dma_wait3A_4243] : memref<2048x32x256xf32, #tpu.memory_space<hbm>> -> memref<1x32x256xf32, #tpu.memory_space<hbm>>
    %dma_wait3A_4245 = arith.constant 0 : i32
    %dma_wait3A_4246 = arith.constant 0 : i32
    %dma_wait3A_4247 = tpu.memref_slice %arg2[%add3A_4, %dma_wait3A_4245, %dma_wait3A_4246] : memref<2048x32x256xf32, #tpu.memory_space<hbm>> -> memref<1x32x256xf32, #tpu.memory_space<hbm>>
    tpu.wait_dma2 semaphore(%arg8 : memref<!tpu.dma_semaphore, #tpu.memory_space<semaphore_mem>>) src(%dma_wait3A_4247 : memref<1x32x256xf32, #tpu.memory_space<hbm>>) dst(%arg5 : memref<1x32x256xf32, #tpu.memory_space<vmem>>)
    %mul3A_4248 = arith.constant 2 : i32
    %mul3A_4249 = arith.muli %mul3A_4248, %add3A : i32
    %dma_start3A_4250 = arith.constant 0 : i32
    %dma_start3A_4251 = arith.constant 0 : i32
    %dma_start3A_4252 = tpu.memref_slice %arg4[%mul3A_4249, %dma_start3A_4250, %dma_start3A_4251] : memref<64x32x256xf32, #tpu.memory_space<hbm>> -> memref<1x32x256xf32, #tpu.memory_space<hbm>>
    %dma_start3A_4253 = arith.constant 0 : i32
    %dma_start3A_4254 = arith.constant 0 : i32
    %dma_start3A_4255 = tpu.memref_slice %arg4[%mul3A_4249, %dma_start3A_4253, %dma_start3A_4254] : memref<64x32x256xf32, #tpu.memory_space<hbm>> -> memref<1x32x256xf32, #tpu.memory_space<hbm>>
    tpu.enqueue_dma source(%arg5 : memref<1x32x256xf32, #tpu.memory_space<vmem>>) target(%dma_start3A_4255 : memref<1x32x256xf32, #tpu.memory_space<hbm>>) target_semaphore(%arg10 : memref<!tpu.dma_semaphore, #tpu.memory_space<semaphore_mem>>)
    %dma_wait3A_4256 = arith.constant 0 : i32
    %dma_wait3A_4257 = arith.constant 0 : i32
    %dma_wait3A_4258 = tpu.memref_slice %arg4[%add3A_4235, %dma_wait3A_4256, %dma_wait3A_4257] : memref<64x32x256xf32, #tpu.memory_space<hbm>> -> memref<1x32x256xf32, #tpu.memory_space<hbm>>
    %dma_wait3A_4259 = arith.constant 0 : i32
    %dma_wait3A_4260 = arith.constant 0 : i32
    %dma_wait3A_4261 = tpu.memref_slice %arg4[%add3A_4235, %dma_wait3A_4259, %dma_wait3A_4260] : memref<64x32x256xf32, #tpu.memory_space<hbm>> -> memref<1x32x256xf32, #tpu.memory_space<hbm>>
    tpu.wait_dma2 semaphore(%arg11 : memref<!tpu.dma_semaphore, #tpu.memory_space<semaphore_mem>>) src(%arg7 : memref<1x32x256xf32, #tpu.memory_space<vmem>>) dst(%dma_wait3A_4261 : memref<1x32x256xf32, #tpu.memory_space<hbm>>)
    %dma_wait3A_4262 = arith.constant 0 : i32
    %dma_wait3A_4263 = arith.constant 0 : i32
    %dma_wait3A_4264 = tpu.memref_slice %arg4[%mul3A_4249, %dma_wait3A_4262, %dma_wait3A_4263] : memref<64x32x256xf32, #tpu.memory_space<hbm>> -> memref<1x32x256xf32, #tpu.memory_space<hbm>>
    %dma_wait3A_4265 = arith.constant 0 : i32
    %dma_wait3A_4266 = arith.constant 0 : i32
    %dma_wait3A_4267 = tpu.memref_slice %arg4[%mul3A_4249, %dma_wait3A_4265, %dma_wait3A_4266] : memref<64x32x256xf32, #tpu.memory_space<hbm>> -> memref<1x32x256xf32, #tpu.memory_space<hbm>>
    tpu.wait_dma2 semaphore(%arg10 : memref<!tpu.dma_semaphore, #tpu.memory_space<semaphore_mem>>) src(%arg5 : memref<1x32x256xf32, #tpu.memory_space<vmem>>) dst(%dma_wait3A_4267 : memref<1x32x256xf32, #tpu.memory_space<hbm>>)
    return
  }
}

</mosaic_0001>

<sc_bundles>
// kernel: kernel.3.cloned.1.call-start
scs
__scs_entry_jumppad:
0x0: {  	(pc) =	sbr.rel $0x88, $3  }
0x1: {  	(tag) =	ssettag $0x0;
	lr =	simm.s32 $0x1  }
0x2: {  	[smem:$0x3F9F] =	sst lr;
	_ =	strace $0xD0000000  }
0x3: {  	_ = 	snop  }
0x4: {  	_ = 	snop  }
0x5: {  	_ = 	snop  }
0x6: {  	_ = 	snop  }
0x7: {  	_ = 	snop  }
__scs_overlays_trampoline_lowered:
0x8: {  	[smem:$0x3FAE] =	sst s0  }
0x9: {  	[smem:$0x3FAF] =	sst s1  }
0xa: {  	[smem:$0x3FB0] =	sst s2  }
0xb: {  	[smem:$0x3FB1] =	sst s3  }
0xc: {  	[smem:$0x3FB2] =	sst s4  }
0xd: {  	[smem:$0x3FB3] =	sst s5  }
0xe: {  	[smem:$0x3FB4] =	sst s6  }
0xf: {  	[smem:$0x3FB5] =	sst s7  }
0x10: {  	[smem:$0x3FB6] =	sst s8  }
0x11: {  	[smem:$0x3FB7] =	sst s9;
	s0 =	simm.s32 @!p0 $0x0  }
0x12: {  	s1 =	sld [smem:$0x3F9D];
	s0 =	simm.s32 @p0 $0x1  }
0x13: {  	[smem:$0x3FB8] =	sst s0;
	s0 =	simm.s32 @!p1 $0x0  }
0x14: {  	s2 =	sld [smem:$0x3F9C];
	s0 =	simm.s32 @p1 $0x1  }
0x15: {  	[smem:$0x3FB9] =	sst s0;
	s0 =	simm.s32 @!p2 $0x0  }
0x16: {  	s3 =	sld [smem:$0x3FDB];
	s0 =	simm.s32 @p2 $0x1  }
0x17: {  	s4 =	simm.s32 $0x1BF5;
	[smem:$0x3FBB] =	sst s0  }
0x18: {  	s0 =	sld [smem:$0x3F9E];
	_ =	swait.ge [sflag:s4], $0x0  }
0x19: {  	s7 =	sld [smem:$0x3F9F]  }
0x1a: {  	s8 =	sadd.s32 $0xFFFFE003, lr  }
0x1b: {  	s9 =	sadd.s32 $0xFFFFFEF7, lr;
	s5 =	simm.s32 $0xFFFFFFFF;
	p2 =	slt.u32 s8, $0xFFFFF086  }
0x1c: {  	p1 =	slt.u32 s9, $0xF7A;
	s5 =	simm.s32 @!p2 $0x0  }
0x1d: {  	s5 =	simm.s32 @p1 $0x1;
	p0 =	seq.s32 s7, s2  }
0x1e: {  	s7 =	smul.u32 @!p0 $0xF7A, s2;
	p2 =	seq.s32 @!p0 s5, $0x0  }
0x1f: {  	s9 =	smul.u32 $0xF7A, s1;
	s8 =	simm.s32 @!p0 $0x1BF5;
	p2 =	por !p2, p0  }
0x20: {  	[sflag:s8] =	ssyncset.s32 @!p0 $0xFFFFF086;
	s6 =	sadd.s32 @!p0 s3, s7;
	s7 =	simm.s32 @!p0 $0x108  }
0x21: {  	s3 =	sadd.s32 s3, s9;
	s6 =	sadd.s32 @!p0 $0x88, s6;
	s7 =	simm.s32 @p2 $0x1082  }
0x22: {  	[simem:s7], [sflag:s8] =	dma.local @!p0 [hbm:s6], $0xF7A  }
0x23: {  	s9 =	sor.u32 $0xD0000000, s2;
	s6 =	simm.s32 $0x108;
	_ =	swait.ge @!p0 [sflag:s8], $0x0  }
0x24: {  	s3 =	sadd.s32 $0x88, s3;
	s6 =	simm.s32 @!p1 $0x1082;
	[sflag:s4] =	ssyncset.s32 $0xFFFFF086  }
0x25: {  	[simem:s6], [sflag:s4] =	dma.local [hbm:s3], $0xF7A  }
0x26: {  	[smem:$0x3F9F] =	sst s1;
	(tag) =	ssettag s2;
	_ =	strace s9  }
0x27: {  	s1 =	sld [smem:$0x3FAF]  }
0x28: {  	s2 =	sld [smem:$0x3FB0]  }
0x29: {  	s4 =	sld [smem:$0x3FB2]  }
0x2a: {  	p0 =	seq.s32 s5, $0x0;
	s5 =	sld [smem:$0x3FB3]  }
0x2b: {  	s6 =	sld [smem:$0x3FB4]  }
0x2c: {  	s7 =	sld [smem:$0x3FB5]  }
0x2d: {  	s3 =	simm.s32 $0x108;
	s8 =	sld [smem:$0x3FB6]  }
0x2e: {  	s3 =	simm.s32 @!p0 $0x1082;
	s9 =	sld [smem:$0x3FB7]  }
0x2f: {  	lr =	sadd.s32 s0, s3;
	s0 =	sld [smem:$0x3FAE]  }
0x30: {  	s3 =	sld [smem:$0x3FB1]  }
0x31: {  	[smem:$0x3FBA] =	sst s10  }
0x32: {  	s10 =	sld [smem:$0x3FB8];
	_ =	sdelay $0x3  }
0x33: {  	p0 =	seq.s32 s10, $0x1;
	s10 =	sld [smem:$0x3FBA];
	_ =	sdelay $0x3  }
0x34: {  	[smem:$0x3FBA] =	sst s10  }
0x35: {  	s10 =	sld [smem:$0x3FB9];
	_ =	sdelay $0x3  }
0x36: {  	p1 =	seq.s32 s10, $0x1;
	s10 =	sld [smem:$0x3FBA];
	_ =	sdelay $0x3  }
0x37: {  	[smem:$0x3FBA] =	sst s10  }
0x38: {  	s10 =	sld [smem:$0x3FBB]  }
0x39: {  	_ = 	snop;
	(pc) =	sbr.ind lr, $3  }
0x3a: {  	_ = 	snop  }
0x3b: {  	_ = 	snop  }
0x3c: {  	p2 =	seq.s32 s10, $0x1;
	s10 =	sld [smem:$0x3FBA]  }
0x3d: {  	_ =	shalt  }
0x3e: {  	_ =	shalt  }
0x3f: {  	_ =	shalt  }
0x40: {  	_ =	shalt  }
0x41: {  	_ =	shalt  }
0x42: {  	_ =	shalt  }
0x43: {  	_ =	shalt  }
0x44: {  	_ =	shalt  }
0x45: {  	_ =	shalt  }
0x46: {  	_ =	shalt  }
0x47: {  	_ =	shalt  }
0x48: {  	_ =	shalt  }
0x49: {  	_ =	shalt  }
0x4a: {  	_ =	shalt  }
0x4b: {  	_ =	shalt  }
0x4c: {  	_ =	shalt  }
0x4d: {  	_ =	shalt  }
0x4e: {  	_ =	shalt  }
0x4f: {  	_ =	shalt  }
0x50: {  	_ =	shalt  }
0x51: {  	_ =	shalt  }
0x52: {  	_ =	shalt  }
0x53: {  	_ =	shalt  }
0x54: {  	_ =	shalt  }
0x55: {  	_ =	shalt  }
0x56: {  	_ =	shalt  }
0x57: {  	_ =	shalt  }
0x58: {  	_ =	shalt  }
0x59: {  	_ =	shalt  }
0x5a: {  	_ =	shalt  }
0x5b: {  	_ =	shalt  }
0x5c: {  	_ =	shalt  }
0x5d: {  	_ =	shalt  }
0x5e: {  	_ =	shalt  }
0x5f: {  	_ =	shalt  }
0x60: {  	_ =	shalt  }
0x61: {  	_ =	shalt  }
0x62: {  	_ =	shalt  }
0x63: {  	_ =	shalt  }
0x64: {  	_ =	shalt  }
0x65: {  	_ =	shalt  }
0x66: {  	_ =	shalt  }
0x67: {  	_ =	shalt  }
0x68: {  	_ =	shalt  }
0x69: {  	_ =	shalt  }
0x6a: {  	_ =	shalt  }
0x6b: {  	_ =	shalt  }
0x6c: {  	_ =	shalt  }
0x6d: {  	_ =	shalt  }
0x6e: {  	_ =	shalt  }
0x6f: {  	_ =	shalt  }
0x70: {  	_ =	shalt  }
0x71: {  	_ =	shalt  }
0x72: {  	_ =	shalt  }
0x73: {  	_ =	shalt  }
0x74: {  	_ =	shalt  }
0x75: {  	_ =	shalt  }
0x76: {  	_ =	shalt  }
0x77: {  	_ =	shalt  }
0x78: {  	_ =	shalt  }
0x79: {  	_ =	shalt  }
0x7a: {  	_ =	shalt  }
0x7b: {  	_ =	shalt  }
0x7c: {  	_ =	shalt  }
0x7d: {  	_ =	shalt  }
0x7e: {  	_ =	shalt  }
0x7f: {  	_ =	shalt  }
0x80: {  	_ =	shalt  }
0x81: {  	_ =	shalt  }
0x82: {  	_ =	shalt  }
0x83: {  	_ =	shalt  }
0x84: {  	_ =	shalt  }
0x85: {  	_ =	shalt  }
0x86: {  	_ =	shalt  }
0x87: {  	_ =	shalt  }
.Lfunc_end0:
.L_simem_size_0:
called_computation_lowered:
.L_overlay_start_0:
0x88: {  	s2 =	sld [smem:$0x3FD9]  }
0x89: {  	s3 =	sld [smem:$0x3FFE];
	_ =	sdelay $0x1  }
0x8a: {  	s1 =	srdreg.scid  }
0x8b: {  	s0 =	sand.u32 $0x1, s1  }
0x8c: {  	s18 =	sshll.u32 s0, $0xA;
	s2 =	sadd.s32 s3, s2  }
0x8d: {  	s2 =	sadd.s32 s2, s18  }
0x8e: {  	[smem:$0x3FC6] =	sst s2  }
0x8f: {  	_ = 	snop  }
0x90: {  	s2 =	sld [smem:$0x3FC9]  }
0x91: {  	s19 =	sld [smem:$0x3FC8]  }
0x92: {  	s4 =	sld [smem:$0x3FD0];
	(tm) =	ssettm $0x1  }
0x93: {  	s5 =	sld [smem:$0x3FFB];
	_ =	sdelay $0x3  }
0x94: {  	_ =	strace s5  }
0x95: {  	s5 =	sld [smem:$0x3FFC];
	_ =	sdelay $0x3  }
0x96: {  	_ =	strace s5  }
0x97: {  	s5 =	sld [smem:$0x3FFD];
	_ =	sdelay $0x3  }
0x98: {  	_ =	strace s5  }
0x99: {  	_ =	strace $0x8FFFFFFF  }
0x9a: {  	s20 =	sld [smem:$0x3FDB];
	_ =	sdelay $0x1  }
0x9b: {  	s6 =	simm.s32 $_scs_section_size  }
0x9c: {  	s7 =	simm.s32 $_size__tile_overlayer_lowered;
	s8 =	simm.s32 $_tile_overlayer_lowered  }
0x9d: {  	s23 =	simm.s32 $0x1BFF;
	s22 =	sshll.u32 s8, $0x1;
	s5 =	sadd.s32 s6, s20  }
0x9e: {  	s9 =	simm.s32 $0x0;
	s21 =	sshll.u32 s7, $0x1;
	s7 =	sadd.s32 s22, s5  }
0x9f: {  	[timem:s9], [sflag:s23] =	dma.local [hbm:s7], s21  }
0xa0: {  	_ =	swait.ge [sflag:s23], s21  }
0xa1: {  	s6 =	ssub.s32 $0x0, s21;
	[sflag:s23] =	ssyncset.done $0x0  }
0xa2: {  	[sflag:s23] =	ssyncadd.s32 s6;
	_ =	sdelay $0x1  }
0xa3: {  	s24 =	simm.s32 $0x1B8B  }
0xa4: {  	_ =	swait.ge [sflag:s24], $0x1  }
0xa5: {  	[sflag:s24] =	ssyncset.done $0x0  }
0xa6: {  	s25 =	simm.s32 $0x1B8E;
	[sflag:s24] =	ssyncadd.s32 $0xFFFFFFFF  }
0xa7: {  	s26 =	simm.s32 $execute0_lowered;
	[smem:$0x3FD2] =	sst s25  }
0xa8: {  	s6 =	sshll.u32 s26, $0x1;
	_ =	strace $0x80000046;
	[dreg:$0x1] =	wrdreg $0xFFFFFFFF  }
0xa9: {  	s28 =	simm.s32 $_size_execute0_lowered;
	s5 =	sadd.s32 s5, s6;
	[dreg:$0x0] =	wrdreg $0x0  }
0xaa: {  	s6 =	sshll.u32 s28, $0x1;
	[dreg:$0x2] =	wrdreg s5  }
0xab: {  	[dreg:$0x3] =	wrdreg s6  }
0xac: {  	[dreg:$0x4] =	wrdreg $0xC0  }
0xad: {  	_ =	task [dreg:s9], $0x5FFFF  }
0xae: {  	[dreg:$0x1] =	wrdreg $0xFFFFFFFF  }
0xaf: {  	[dreg:$0x0] =	wrdreg $0x60  }
0xb0: {  	[dreg:$0x2] =	wrdreg s2  }
0xb1: {  	[dreg:$0x3] =	wrdreg s19  }
0xb2: {  	[dreg:$0x4] =	wrdreg s4  }
0xb3: {  	[dreg:$0x5] =	wrdreg $0x9  }
0xb4: {  	_ =	task.clear_ibuf [dreg:s9], $0x6FFFF;
	_ =	strace $0x90000046  }
0xb5: {  	s29 =	simm.s32 $0x9;
	_ =	strace $0x80000048  }
0xb6: {  	_ =	swait.ge [sflag:s29], $0x1  }
0xb7: {  	[sflag:s29] =	ssyncadd.s32 $0xFFFFFFFF  }
0xb8: {  	_ =	strace $0x90000048  }
0xb9: {  	_ =	sfence  }
0xba: {  	s30 =	sld [smem:$0x0];
	_ =	sdelay $0x2  }
0xbb: {  	s31 =	sshll.u32 s1, $0xD;
	s1 =	sshrl.u32 s1, $0x2  }
0xbc: {  	s3 =	sand.u32 $0x4000, s31;
	s1 =	sadd.s32 s1, s30  }
0xbd: {  	s0 =	sor.u32 s3, s0;
	s1 =	sshll.u32 s1, $0x11  }
0xbe: {  	s0 =	sor.u32 s1, s0  }
0xbf: {  	s0 =	sadd.s32 $0x8F2B, s0  }
0xc0: {  	[sflag:s0] =	ssyncadd.remote.s32 $0x1  }
0xc1: {  	_ =	sfence.sel $0xFFFF  }
0xc2: {  	[dreg:$0x0] =	wrdreg $0xFFFFFFFF;
	(pc) =	sbr.abs _section_cstart, $3  }
0xc3: {  	[dreg:$0x1] =	wrdreg $0xFFFFFFFF  }
0xc4: {  	_ =	task.clear_ibuf [dreg:s9], $0x2FFFF;
	_ =	strace $0x9FFFFFFF  }
0xc5: {  	(tm) =	ssettm $0x7FFFFFFF  }
tec
execute0_lowered:
.L_overlay_start_1:
0x0: {  	(tag) =	ssettag $0x1  }
0x1: {  	s3 =	rddreg [dreg:$0x0]  }
0x2: {  	s5 =	rddreg [dreg:$0x1];
	s1 =	srdreg.scid  }
0x3: {  	s0 =	stileid.u32;
	s4 =	rddreg [dreg:$0x2];
	s11 =	simm.s32 $0x1  }
0x4: {  	s12 =	simm.s32 $0x4;
	s6 =	sand.u32 $0x1, s1;
	s2 =	sshll.u32 s0, $0x1  }
0x5: {  	s13 =	simm.s32 $0x3;
	s1 =	rddreg [dreg:$0x3];
	s7 =	sor.u32 s6, s2  }
0x6: {  	s2 =	simm.s32 $0x0;
	s6 =	ssub.s32 $0x2, s6;
	s8 =	smul.u32 $0x7A000, s7  }
0x7: {  	[smem:$0x7FF] =	sst s2;
	s9 =	sshrl.u32 s6, $0x1;
	s10 =	smul.u32 $0xC20, s7  }
0x8: {  	s7 =	sshll.u32 s7, $0xB;
	_ =	strace $0x80000047;
	s9 =	ssub.s32 s6, s9  }
0x9: {  	s4 =	sadd.s32 s4, s7;
	s30 =	sshrl.u32 s8, $0x3;
	s31 =	sadd.s32 $0x1A0, s10  }
0xa: {  	s7 =	smax.u32 s9, $0x1;
	s8 =	simm.s32 $0x2000;
	s9 =	simm.s32 $0x2  }
0xb: {  	s10 =	simm.s32 $0x2100;
	s3 =	sadd.s32 s3, s30;
	s6 =	sand.u32 $0xFFE0, s31  }
0xc: {  	s3 =	sadd.s32 $0x1C00, s3;
	s5 =	sadd.s32 s5, s6;
	s6 =	sadd.s32 $0x400, s4  }
.LBB2_1:
0xd: {  	[tilespmem:s2], [sflag:$0x1] =	stream.linear.gather [hbm4b:s3+s2], $0x2000, $0x38;
	[tilespmem:$0x4100] =	vst v63  }
0xe: {  	_ = 	snop  }
0xf: {  	[tilespmem:s8], [sflag:$0x2] =	stream.linear.gather [hbm4b:s5+s2], $0x100, $0x38;
	[tilespmem:$0x4100] =	vst v63  }
0x10: {  	_ =	swait.ge [sflag:s9], $0x100  }
0x11: {  	[sflag:s9] =	ssyncset.done $0x0  }
0x12: {  	[sflag:s9] =	ssyncadd.s32 $0xFFFFFF00  }
0x13: {  	v0 =	vld [tilespmem:$0x2000];
	_ =	sdelay $0x4  }
0x14: {  	[tilespmem:$0x2100] =	vst v0  }
0x15: {  	[tilespmem:$0x2180] =	vst v0  }
0x16: {  	[tilespmem:$0x2200] =	vst v0  }
0x17: {  	[tilespmem:$0x2280] =	vst v0  }
0x18: {  	[tilespmem:$0x2300] =	vst v0  }
0x19: {  	[tilespmem:$0x2380] =	vst v0  }
0x1a: {  	[tilespmem:$0x2400] =	vst v0  }
0x1b: {  	[tilespmem:$0x2480] =	vst v0  }
0x1c: {  	[tilespmem:$0x2900] =	vst v0  }
0x1d: {  	[tilespmem:$0x2980] =	vst v0  }
0x1e: {  	[tilespmem:$0x2A00] =	vst v0  }
0x1f: {  	[tilespmem:$0x2A80] =	vst v0  }
0x20: {  	[tilespmem:$0x2B00] =	vst v0  }
0x21: {  	[tilespmem:$0x2B80] =	vst v0  }
0x22: {  	[tilespmem:$0x2C00] =	vst v0  }
0x23: {  	[tilespmem:$0x2C80] =	vst v0  }
0x24: {  	[tilespmem:$0x3100] =	vst v0  }
0x25: {  	[tilespmem:$0x3180] =	vst v0  }
0x26: {  	[tilespmem:$0x3200] =	vst v0  }
0x27: {  	[tilespmem:$0x3280] =	vst v0  }
0x28: {  	[tilespmem:$0x3300] =	vst v0  }
0x29: {  	[tilespmem:$0x3380] =	vst v0  }
0x2a: {  	[tilespmem:$0x3400] =	vst v0  }
0x2b: {  	[tilespmem:$0x3480] =	vst v0  }
0x2c: {  	[tilespmem:$0x3900] =	vst v0  }
0x2d: {  	[tilespmem:$0x3980] =	vst v0  }
0x2e: {  	[tilespmem:$0x3A00] =	vst v0  }
0x2f: {  	v1 =	vld [tilespmem:$0x2010];
	[tilespmem:$0x3A80] =	vst v0  }
0x30: {  	[tilespmem:$0x3B00] =	vst v0  }
0x31: {  	[tilespmem:$0x3B80] =	vst v0  }
0x32: {  	[tilespmem:$0x3C00] =	vst v0  }
0x33: {  	[tilespmem:$0x3C80] =	vst v0  }
0x34: {  	[tilespmem:$0x2110] =	vst v1  }
0x35: {  	[tilespmem:$0x2190] =	vst v1  }
0x36: {  	[tilespmem:$0x2210] =	vst v1  }
0x37: {  	[tilespmem:$0x2290] =	vst v1  }
0x38: {  	[tilespmem:$0x2310] =	vst v1  }
0x39: {  	[tilespmem:$0x2390] =	vst v1  }
0x3a: {  	[tilespmem:$0x2410] =	vst v1  }
0x3b: {  	[tilespmem:$0x2490] =	vst v1  }
0x3c: {  	[tilespmem:$0x2910] =	vst v1  }
0x3d: {  	[tilespmem:$0x2990] =	vst v1  }
0x3e: {  	[tilespmem:$0x2A10] =	vst v1  }
0x3f: {  	[tilespmem:$0x2A90] =	vst v1  }
0x40: {  	[tilespmem:$0x2B10] =	vst v1  }
0x41: {  	[tilespmem:$0x2B90] =	vst v1  }
0x42: {  	[tilespmem:$0x2C10] =	vst v1  }
0x43: {  	[tilespmem:$0x2C90] =	vst v1  }
0x44: {  	[tilespmem:$0x3110] =	vst v1  }
0x45: {  	[tilespmem:$0x3190] =	vst v1  }
0x46: {  	[tilespmem:$0x3210] =	vst v1  }
0x47: {  	[tilespmem:$0x3290] =	vst v1  }
0x48: {  	[tilespmem:$0x3310] =	vst v1  }
0x49: {  	[tilespmem:$0x3390] =	vst v1  }
0x4a: {  	[tilespmem:$0x3410] =	vst v1  }
0x4b: {  	[tilespmem:$0x3490] =	vst v1  }
0x4c: {  	[tilespmem:$0x3910] =	vst v1  }
0x4d: {  	[tilespmem:$0x3990] =	vst v1  }
0x4e: {  	[tilespmem:$0x3A10] =	vst v1  }
0x4f: {  	[tilespmem:$0x3A90] =	vst v1;
	v52 =	vld [tilespmem:$0x2020]  }
0x50: {  	[tilespmem:$0x3B10] =	vst v1  }
0x51: {  	[tilespmem:$0x3B90] =	vst v1  }
0x52: {  	[tilespmem:$0x3C10] =	vst v1  }
0x53: {  	[tilespmem:$0x3C90] =	vst v1  }
0x54: {  	[tilespmem:$0x2120] =	vst v52  }
0x55: {  	[tilespmem:$0x21A0] =	vst v52  }
0x56: {  	[tilespmem:$0x2220] =	vst v52  }
0x57: {  	[tilespmem:$0x22A0] =	vst v52  }
0x58: {  	[tilespmem:$0x2320] =	vst v52  }
0x59: {  	[tilespmem:$0x23A0] =	vst v52  }
0x5a: {  	[tilespmem:$0x2420] =	vst v52  }
0x5b: {  	[tilespmem:$0x24A0] =	vst v52  }
0x5c: {  	[tilespmem:$0x2920] =	vst v52  }
0x5d: {  	[tilespmem:$0x29A0] =	vst v52  }
0x5e: {  	[tilespmem:$0x2A20] =	vst v52  }
0x5f: {  	[tilespmem:$0x2AA0] =	vst v52  }
0x60: {  	[tilespmem:$0x2B20] =	vst v52  }
0x61: {  	[tilespmem:$0x2BA0] =	vst v52  }
0x62: {  	[tilespmem:$0x2C20] =	vst v52  }
0x63: {  	[tilespmem:$0x2CA0] =	vst v52  }
0x64: {  	[tilespmem:$0x3120] =	vst v52  }
0x65: {  	[tilespmem:$0x31A0] =	vst v52  }
0x66: {  	[tilespmem:$0x3220] =	vst v52  }
0x67: {  	[tilespmem:$0x32A0] =	vst v52  }
0x68: {  	[tilespmem:$0x3320] =	vst v52  }
0x69: {  	[tilespmem:$0x33A0] =	vst v52  }
0x6a: {  	[tilespmem:$0x3420] =	vst v52  }
0x6b: {  	[tilespmem:$0x34A0] =	vst v52  }
0x6c: {  	[tilespmem:$0x3920] =	vst v52  }
0x6d: {  	[tilespmem:$0x39A0] =	vst v52  }
0x6e: {  	[tilespmem:$0x3A20] =	vst v52  }
0x6f: {  	v53 =	vld [tilespmem:$0x2030];
	[tilespmem:$0x3AA0] =	vst v52  }
0x70: {  	[tilespmem:$0x3B20] =	vst v52  }
0x71: {  	[tilespmem:$0x3BA0] =	vst v52  }
0x72: {  	[tilespmem:$0x3C20] =	vst v52  }
0x73: {  	[tilespmem:$0x3CA0] =	vst v52  }
0x74: {  	[tilespmem:$0x2130] =	vst v53  }
0x75: {  	[tilespmem:$0x21B0] =	vst v53  }
0x76: {  	[tilespmem:$0x2230] =	vst v53  }
0x77: {  	[tilespmem:$0x22B0] =	vst v53  }
0x78: {  	[tilespmem:$0x2330] =	vst v53  }
0x79: {  	[tilespmem:$0x23B0] =	vst v53  }
0x7a: {  	[tilespmem:$0x2430] =	vst v53  }
0x7b: {  	[tilespmem:$0x24B0] =	vst v53  }
0x7c: {  	[tilespmem:$0x2930] =	vst v53  }
0x7d: {  	[tilespmem:$0x29B0] =	vst v53  }
0x7e: {  	[tilespmem:$0x2A30] =	vst v53  }
0x7f: {  	[tilespmem:$0x2AB0] =	vst v53  }
0x80: {  	[tilespmem:$0x2B30] =	vst v53  }
0x81: {  	[tilespmem:$0x2BB0] =	vst v53  }
0x82: {  	[tilespmem:$0x2C30] =	vst v53  }
0x83: {  	[tilespmem:$0x2CB0] =	vst v53  }
0x84: {  	[tilespmem:$0x3130] =	vst v53  }
0x85: {  	[tilespmem:$0x31B0] =	vst v53  }
0x86: {  	[tilespmem:$0x3230] =	vst v53  }
0x87: {  	[tilespmem:$0x32B0] =	vst v53  }
0x88: {  	[tilespmem:$0x3330] =	vst v53  }
0x89: {  	[tilespmem:$0x33B0] =	vst v53  }
0x8a: {  	[tilespmem:$0x3430] =	vst v53  }
0x8b: {  	[tilespmem:$0x34B0] =	vst v53  }
0x8c: {  	[tilespmem:$0x3930] =	vst v53  }
0x8d: {  	[tilespmem:$0x39B0] =	vst v53  }
0x8e: {  	[tilespmem:$0x3A30] =	vst v53  }
0x8f: {  	v54 =	vld [tilespmem:$0x2040];
	[tilespmem:$0x3AB0] =	vst v53  }
0x90: {  	[tilespmem:$0x3B30] =	vst v53  }
0x91: {  	[tilespmem:$0x3BB0] =	vst v53  }
0x92: {  	[tilespmem:$0x3C30] =	vst v53  }
0x93: {  	[tilespmem:$0x3CB0] =	vst v53  }
0x94: {  	[tilespmem:$0x2140] =	vst v54  }
0x95: {  	[tilespmem:$0x21C0] =	vst v54  }
0x96: {  	[tilespmem:$0x2240] =	vst v54  }
0x97: {  	[tilespmem:$0x22C0] =	vst v54  }
0x98: {  	[tilespmem:$0x2340] =	vst v54  }
0x99: {  	[tilespmem:$0x23C0] =	vst v54  }
0x9a: {  	[tilespmem:$0x2440] =	vst v54  }
0x9b: {  	[tilespmem:$0x24C0] =	vst v54  }
0x9c: {  	[tilespmem:$0x2940] =	vst v54  }
0x9d: {  	[tilespmem:$0x29C0] =	vst v54  }
0x9e: {  	[tilespmem:$0x2A40] =	vst v54  }
0x9f: {  	[tilespmem:$0x2AC0] =	vst v54  }
0xa0: {  	[tilespmem:$0x2B40] =	vst v54  }
0xa1: {  	[tilespmem:$0x2BC0] =	vst v54  }
0xa2: {  	[tilespmem:$0x2C40] =	vst v54  }
0xa3: {  	[tilespmem:$0x2CC0] =	vst v54  }
0xa4: {  	[tilespmem:$0x3140] =	vst v54  }
0xa5: {  	[tilespmem:$0x31C0] =	vst v54  }
0xa6: {  	[tilespmem:$0x3240] =	vst v54  }
0xa7: {  	[tilespmem:$0x32C0] =	vst v54  }
0xa8: {  	[tilespmem:$0x3340] =	vst v54  }
0xa9: {  	[tilespmem:$0x33C0] =	vst v54  }
0xaa: {  	[tilespmem:$0x3440] =	vst v54  }
0xab: {  	[tilespmem:$0x34C0] =	vst v54  }
0xac: {  	[tilespmem:$0x3940] =	vst v54  }
0xad: {  	[tilespmem:$0x39C0] =	vst v54  }
0xae: {  	[tilespmem:$0x3A40] =	vst v54  }
0xaf: {  	v55 =	vld [tilespmem:$0x2050];
	[tilespmem:$0x3AC0] =	vst v54  }
0xb0: {  	[tilespmem:$0x3B40] =	vst v54  }
0xb1: {  	[tilespmem:$0x3BC0] =	vst v54  }
0xb2: {  	[tilespmem:$0x3C40] =	vst v54  }
0xb3: {  	[tilespmem:$0x3CC0] =	vst v54  }
0xb4: {  	[tilespmem:$0x2150] =	vst v55  }
0xb5: {  	[tilespmem:$0x21D0] =	vst v55  }
0xb6: {  	[tilespmem:$0x2250] =	vst v55  }
0xb7: {  	[tilespmem:$0x22D0] =	vst v55  }
0xb8: {  	[tilespmem:$0x2350] =	vst v55  }
0xb9: {  	[tilespmem:$0x23D0] =	vst v55  }
0xba: {  	[tilespmem:$0x2450] =	vst v55  }
0xbb: {  	[tilespmem:$0x24D0] =	vst v55  }
0xbc: {  	[tilespmem:$0x2950] =	vst v55  }
0xbd: {  	[tilespmem:$0x29D0] =	vst v55  }
0xbe: {  	[tilespmem:$0x2A50] =	vst v55  }
0xbf: {  	[tilespmem:$0x2AD0] =	vst v55  }
0xc0: {  	[tilespmem:$0x2B50] =	vst v55  }
0xc1: {  	[tilespmem:$0x2BD0] =	vst v55  }
0xc2: {  	[tilespmem:$0x2C50] =	vst v55  }
0xc3: {  	[tilespmem:$0x2CD0] =	vst v55  }
0xc4: {  	[tilespmem:$0x3150] =	vst v55  }
0xc5: {  	[tilespmem:$0x31D0] =	vst v55  }
0xc6: {  	[tilespmem:$0x3250] =	vst v55  }
0xc7: {  	[tilespmem:$0x32D0] =	vst v55  }
0xc8: {  	[tilespmem:$0x3350] =	vst v55  }
0xc9: {  	[tilespmem:$0x33D0] =	vst v55  }
0xca: {  	[tilespmem:$0x3450] =	vst v55  }
0xcb: {  	[tilespmem:$0x34D0] =	vst v55  }
0xcc: {  	[tilespmem:$0x3950] =	vst v55  }
0xcd: {  	[tilespmem:$0x39D0] =	vst v55  }
0xce: {  	[tilespmem:$0x3A50] =	vst v55  }
0xcf: {  	v56 =	vld [tilespmem:$0x2060];
	[tilespmem:$0x3AD0] =	vst v55  }
0xd0: {  	[tilespmem:$0x3B50] =	vst v55  }
0xd1: {  	[tilespmem:$0x3BD0] =	vst v55  }
0xd2: {  	[tilespmem:$0x3C50] =	vst v55  }
0xd3: {  	[tilespmem:$0x3CD0] =	vst v55  }
0xd4: {  	[tilespmem:$0x2160] =	vst v56  }
0xd5: {  	[tilespmem:$0x21E0] =	vst v56  }
0xd6: {  	[tilespmem:$0x2260] =	vst v56  }
0xd7: {  	[tilespmem:$0x22E0] =	vst v56  }
0xd8: {  	[tilespmem:$0x2360] =	vst v56  }
0xd9: {  	[tilespmem:$0x23E0] =	vst v56  }
0xda: {  	[tilespmem:$0x2460] =	vst v56  }
0xdb: {  	[tilespmem:$0x24E0] =	vst v56  }
0xdc: {  	[tilespmem:$0x2960] =	vst v56  }
0xdd: {  	[tilespmem:$0x29E0] =	vst v56  }
0xde: {  	[tilespmem:$0x2A60] =	vst v56  }
0xdf: {  	[tilespmem:$0x2AE0] =	vst v56  }
0xe0: {  	[tilespmem:$0x2B60] =	vst v56  }
0xe1: {  	[tilespmem:$0x2BE0] =	vst v56  }
0xe2: {  	[tilespmem:$0x2C60] =	vst v56  }
0xe3: {  	[tilespmem:$0x2CE0] =	vst v56  }
0xe4: {  	[tilespmem:$0x3160] =	vst v56  }
0xe5: {  	[tilespmem:$0x31E0] =	vst v56  }
0xe6: {  	[tilespmem:$0x3260] =	vst v56  }
0xe7: {  	[tilespmem:$0x32E0] =	vst v56  }
0xe8: {  	[tilespmem:$0x3360] =	vst v56  }
0xe9: {  	[tilespmem:$0x33E0] =	vst v56  }
0xea: {  	[tilespmem:$0x3460] =	vst v56  }
0xeb: {  	[tilespmem:$0x34E0] =	vst v56  }
0xec: {  	[tilespmem:$0x3960] =	vst v56  }
0xed: {  	[tilespmem:$0x39E0] =	vst v56  }
0xee: {  	[tilespmem:$0x3A60] =	vst v56  }
0xef: {  	v57 =	vld [tilespmem:$0x2070];
	[tilespmem:$0x3AE0] =	vst v56  }
0xf0: {  	[tilespmem:$0x3B60] =	vst v56  }
0xf1: {  	[tilespmem:$0x3BE0] =	vst v56  }
0xf2: {  	[tilespmem:$0x3C60] =	vst v56  }
0xf3: {  	[tilespmem:$0x3CE0] =	vst v56  }
0xf4: {  	[tilespmem:$0x2170] =	vst v57  }
0xf5: {  	[tilespmem:$0x21F0] =	vst v57  }
0xf6: {  	[tilespmem:$0x2270] =	vst v57  }
0xf7: {  	[tilespmem:$0x22F0] =	vst v57  }
0xf8: {  	[tilespmem:$0x2370] =	vst v57  }
0xf9: {  	[tilespmem:$0x23F0] =	vst v57  }
0xfa: {  	[tilespmem:$0x2470] =	vst v57  }
0xfb: {  	[tilespmem:$0x24F0] =	vst v57  }
0xfc: {  	[tilespmem:$0x2970] =	vst v57  }
0xfd: {  	[tilespmem:$0x29F0] =	vst v57  }
0xfe: {  	[tilespmem:$0x2A70] =	vst v57  }
0xff: {  	[tilespmem:$0x2AF0] =	vst v57  }
0x100: {  	[tilespmem:$0x2B70] =	vst v57  }
0x101: {  	[tilespmem:$0x2BF0] =	vst v57  }
0x102: {  	[tilespmem:$0x2C70] =	vst v57  }
0x103: {  	[tilespmem:$0x2CF0] =	vst v57  }
0x104: {  	[tilespmem:$0x3170] =	vst v57  }
0x105: {  	[tilespmem:$0x31F0] =	vst v57  }
0x106: {  	[tilespmem:$0x3270] =	vst v57  }
0x107: {  	[tilespmem:$0x32F0] =	vst v57  }
0x108: {  	[tilespmem:$0x3370] =	vst v57  }
0x109: {  	[tilespmem:$0x33F0] =	vst v57  }
0x10a: {  	[tilespmem:$0x3470] =	vst v57  }
0x10b: {  	[tilespmem:$0x34F0] =	vst v57  }
0x10c: {  	[tilespmem:$0x3970] =	vst v57  }
0x10d: {  	[tilespmem:$0x39F0] =	vst v57  }
0x10e: {  	[tilespmem:$0x3A70] =	vst v57  }
0x10f: {  	v2 =	vld [tilespmem:$0x2080];
	[tilespmem:$0x3AF0] =	vst v57  }
0x110: {  	[tilespmem:$0x3B70] =	vst v57  }
0x111: {  	[tilespmem:$0x3BF0] =	vst v57  }
0x112: {  	[tilespmem:$0x3C70] =	vst v57  }
0x113: {  	[tilespmem:$0x3CF0] =	vst v57  }
0x114: {  	[tilespmem:$0x2500] =	vst v2  }
0x115: {  	[tilespmem:$0x2580] =	vst v2  }
0x116: {  	[tilespmem:$0x2600] =	vst v2  }
0x117: {  	[tilespmem:$0x2680] =	vst v2  }
0x118: {  	[tilespmem:$0x2700] =	vst v2  }
0x119: {  	[tilespmem:$0x2780] =	vst v2  }
0x11a: {  	[tilespmem:$0x2800] =	vst v2  }
0x11b: {  	[tilespmem:$0x2880] =	vst v2  }
0x11c: {  	[tilespmem:$0x2D00] =	vst v2  }
0x11d: {  	[tilespmem:$0x2D80] =	vst v2  }
0x11e: {  	[tilespmem:$0x2E00] =	vst v2  }
0x11f: {  	[tilespmem:$0x2E80] =	vst v2  }
0x120: {  	[tilespmem:$0x2F00] =	vst v2  }
0x121: {  	[tilespmem:$0x2F80] =	vst v2  }
0x122: {  	[tilespmem:$0x3000] =	vst v2  }
0x123: {  	[tilespmem:$0x3080] =	vst v2  }
0x124: {  	[tilespmem:$0x3500] =	vst v2  }
0x125: {  	[tilespmem:$0x3580] =	vst v2  }
0x126: {  	[tilespmem:$0x3600] =	vst v2  }
0x127: {  	[tilespmem:$0x3680] =	vst v2  }
0x128: {  	[tilespmem:$0x3700] =	vst v2  }
0x129: {  	[tilespmem:$0x3780] =	vst v2  }
0x12a: {  	[tilespmem:$0x3800] =	vst v2  }
0x12b: {  	[tilespmem:$0x3880] =	vst v2  }
0x12c: {  	[tilespmem:$0x3D00] =	vst v2  }
0x12d: {  	[tilespmem:$0x3D80] =	vst v2  }
0x12e: {  	[tilespmem:$0x3E00] =	vst v2  }
0x12f: {  	v58 =	vld [tilespmem:$0x20C0];
	[tilespmem:$0x3E80] =	vst v2  }
0x130: {  	v63 =	vld [tilespmem:$0x2090];
	[tilespmem:$0x3F00] =	vst v2  }
0x131: {  	[tilespmem:$0x3F80] =	vst v2  }
0x132: {  	[tilespmem:$0x4000] =	vst v2  }
0x133: {  	[tilespmem:$0x4080] =	vst v2  }
0x134: {  	[tilespmem:$0x2540] =	vst v58  }
0x135: {  	[tilespmem:$0x3E10] =	vst v63  }
0x136: {  	[tilespmem:$0x3D90] =	vst v63  }
0x137: {  	[tilespmem:$0x2690] =	vst v63  }
0x138: {  	[tilespmem:$0x2710] =	vst v63  }
0x139: {  	[tilespmem:$0x2790] =	vst v63  }
0x13a: {  	[tilespmem:$0x2810] =	vst v63  }
0x13b: {  	[tilespmem:$0x2890] =	vst v63  }
0x13c: {  	[tilespmem:$0x2D10] =	vst v63  }
0x13d: {  	[tilespmem:$0x2D90] =	vst v63  }
0x13e: {  	[tilespmem:$0x2E10] =	vst v63  }
0x13f: {  	[tilespmem:$0x2E90] =	vst v63  }
0x140: {  	[tilespmem:$0x2F10] =	vst v63  }
0x141: {  	[tilespmem:$0x2F90] =	vst v63  }
0x142: {  	[tilespmem:$0x3010] =	vst v63  }
0x143: {  	[tilespmem:$0x3090] =	vst v63  }
0x144: {  	[tilespmem:$0x3510] =	vst v63  }
0x145: {  	[tilespmem:$0x3590] =	vst v63  }
0x146: {  	[tilespmem:$0x3610] =	vst v63  }
0x147: {  	[tilespmem:$0x3690] =	vst v63  }
0x148: {  	[tilespmem:$0x3710] =	vst v63  }
0x149: {  	[tilespmem:$0x3790] =	vst v63  }
0x14a: {  	[tilespmem:$0x3810] =	vst v63  }
0x14b: {  	[tilespmem:$0x3890] =	vst v63  }
0x14c: {  	[tilespmem:$0x3D10] =	vst v63  }
0x14d: {  	v61 =	vld [tilespmem:$0x20A0];
	[tilespmem:$0x4090] =	vst v63  }
0x14e: {  	[tilespmem:$0x3E90] =	vst v63  }
0x14f: {  	[tilespmem:$0x3F10] =	vst v63  }
0x150: {  	[tilespmem:$0x3F90] =	vst v63  }
0x151: {  	[tilespmem:$0x4010] =	vst v63  }
0x152: {  	v59 =	vld [tilespmem:$0x20F0];
	[tilespmem:$0x38A0] =	vst v61  }
0x153: {  	[tilespmem:$0x2590] =	vst v63  }
0x154: {  	[tilespmem:$0x2510] =	vst v63  }
0x155: {  	[tilespmem:$0x3820] =	vst v61  }
0x156: {  	[tilespmem:$0x2620] =	vst v61  }
0x157: {  	[tilespmem:$0x4070] =	vst v59  }
0x158: {  	[tilespmem:$0x26A0] =	vst v61  }
0x159: {  	[tilespmem:$0x2720] =	vst v61  }
0x15a: {  	[tilespmem:$0x25A0] =	vst v61  }
0x15b: {  	[tilespmem:$0x28A0] =	vst v61  }
0x15c: {  	[tilespmem:$0x2D20] =	vst v61  }
0x15d: {  	[tilespmem:$0x2DA0] =	vst v61  }
0x15e: {  	[tilespmem:$0x2E20] =	vst v61  }
0x15f: {  	[tilespmem:$0x2EA0] =	vst v61  }
0x160: {  	[tilespmem:$0x2F20] =	vst v61  }
0x161: {  	[tilespmem:$0x2FA0] =	vst v61  }
0x162: {  	[tilespmem:$0x3020] =	vst v61  }
0x163: {  	[tilespmem:$0x30A0] =	vst v61  }
0x164: {  	[tilespmem:$0x3520] =	vst v61  }
0x165: {  	[tilespmem:$0x35A0] =	vst v61  }
0x166: {  	[tilespmem:$0x3620] =	vst v61  }
0x167: {  	[tilespmem:$0x36A0] =	vst v61  }
0x168: {  	[tilespmem:$0x3720] =	vst v61  }
0x169: {  	[tilespmem:$0x37A0] =	vst v61  }
0x16a: {  	v60 =	vld [tilespmem:$0x20D0];
	[tilespmem:$0x3F20] =	vst v61  }
0x16b: {  	[tilespmem:$0x3D20] =	vst v61  }
0x16c: {  	[tilespmem:$0x3DA0] =	vst v61  }
0x16d: {  	[tilespmem:$0x3E20] =	vst v61  }
0x16e: {  	[tilespmem:$0x3EA0] =	vst v61  }
0x16f: {  	v62 =	vld [tilespmem:$0x20B0];
	[tilespmem:$0x3F50] =	vst v60  }
0x170: {  	[tilespmem:$0x3FA0] =	vst v61  }
0x171: {  	[tilespmem:$0x4020] =	vst v61  }
0x172: {  	[tilespmem:$0x3ED0] =	vst v60  }
0x173: {  	[tilespmem:$0x40A0] =	vst v61  }
0x174: {  	[tilespmem:$0x2530] =	vst v62  }
0x175: {  	[tilespmem:$0x25B0] =	vst v62  }
0x176: {  	[tilespmem:$0x2630] =	vst v62  }
0x177: {  	[tilespmem:$0x26B0] =	vst v62  }
0x178: {  	[tilespmem:$0x2730] =	vst v62  }
0x179: {  	[tilespmem:$0x27B0] =	vst v62  }
0x17a: {  	[tilespmem:$0x2830] =	vst v62  }
0x17b: {  	[tilespmem:$0x28B0] =	vst v62  }
0x17c: {  	[tilespmem:$0x2D30] =	vst v62  }
0x17d: {  	[tilespmem:$0x2DB0] =	vst v62  }
0x17e: {  	[tilespmem:$0x2E30] =	vst v62  }
0x17f: {  	[tilespmem:$0x2EB0] =	vst v62  }
0x180: {  	[tilespmem:$0x2F30] =	vst v62  }
0x181: {  	[tilespmem:$0x2FB0] =	vst v62  }
0x182: {  	[tilespmem:$0x3030] =	vst v62  }
0x183: {  	[tilespmem:$0x30B0] =	vst v62  }
0x184: {  	[tilespmem:$0x3530] =	vst v62  }
0x185: {  	[tilespmem:$0x35B0] =	vst v62  }
0x186: {  	[tilespmem:$0x3630] =	vst v62  }
0x187: {  	[tilespmem:$0x36B0] =	vst v62  }
0x188: {  	[tilespmem:$0x3730] =	vst v62  }
0x189: {  	[tilespmem:$0x37B0] =	vst v62  }
0x18a: {  	[tilespmem:$0x3830] =	vst v62  }
0x18b: {  	[tilespmem:$0x38B0] =	vst v62  }
0x18c: {  	[tilespmem:$0x3D30] =	vst v62  }
0x18d: {  	[tilespmem:$0x3DB0] =	vst v62  }
0x18e: {  	[tilespmem:$0x3E30] =	vst v62  }
0x18f: {  	[tilespmem:$0x3EB0] =	vst v62  }
0x190: {  	[tilespmem:$0x3F30] =	vst v62  }
0x191: {  	[tilespmem:$0x3FB0] =	vst v62  }
0x192: {  	[tilespmem:$0x4030] =	vst v62  }
0x193: {  	[tilespmem:$0x40B0] =	vst v62  }
0x194: {  	[tilespmem:$0x2820] =	vst v61  }
0x195: {  	[tilespmem:$0x27A0] =	vst v61  }
0x196: {  	[tilespmem:$0x2520] =	vst v61  }
0x197: {  	[tilespmem:$0x2640] =	vst v58  }
0x198: {  	[tilespmem:$0x25C0] =	vst v58  }
0x199: {  	[tilespmem:$0x2740] =	vst v58  }
0x19a: {  	[tilespmem:$0x27C0] =	vst v58  }
0x19b: {  	[tilespmem:$0x2840] =	vst v58  }
0x19c: {  	[tilespmem:$0x28C0] =	vst v58  }
0x19d: {  	[tilespmem:$0x2DC0] =	vst v58  }
0x19e: {  	[tilespmem:$0x2E40] =	vst v58  }
0x19f: {  	[tilespmem:$0x2EC0] =	vst v58  }
0x1a0: {  	[tilespmem:$0x2F40] =	vst v58  }
0x1a1: {  	[tilespmem:$0x2FC0] =	vst v58  }
0x1a2: {  	[tilespmem:$0x3040] =	vst v58  }
0x1a3: {  	[tilespmem:$0x30C0] =	vst v58  }
0x1a4: {  	[tilespmem:$0x3540] =	vst v58  }
0x1a5: {  	[tilespmem:$0x35C0] =	vst v58  }
0x1a6: {  	[tilespmem:$0x3640] =	vst v58  }
0x1a7: {  	[tilespmem:$0x36C0] =	vst v58  }
0x1a8: {  	[tilespmem:$0x3740] =	vst v58  }
0x1a9: {  	[tilespmem:$0x37C0] =	vst v58  }
0x1aa: {  	[tilespmem:$0x3840] =	vst v58  }
0x1ab: {  	[tilespmem:$0x38C0] =	vst v58  }
0x1ac: {  	[tilespmem:$0x3D40] =	vst v58  }
0x1ad: {  	[tilespmem:$0x3DC0] =	vst v58  }
0x1ae: {  	[tilespmem:$0x3E40] =	vst v58  }
0x1af: {  	[tilespmem:$0x3EC0] =	vst v58  }
0x1b0: {  	[tilespmem:$0x3F40] =	vst v58  }
0x1b1: {  	[tilespmem:$0x3FC0] =	vst v58  }
0x1b2: {  	[tilespmem:$0x4040] =	vst v58  }
0x1b3: {  	[tilespmem:$0x40C0] =	vst v58  }
0x1b4: {  	[tilespmem:$0x2550] =	vst v60  }
0x1b5: {  	[tilespmem:$0x25D0] =	vst v60  }
0x1b6: {  	[tilespmem:$0x2650] =	vst v60  }
0x1b7: {  	[tilespmem:$0x26D0] =	vst v60  }
0x1b8: {  	[tilespmem:$0x2750] =	vst v60  }
0x1b9: {  	[tilespmem:$0x27D0] =	vst v60  }
0x1ba: {  	[tilespmem:$0x2850] =	vst v60  }
0x1bb: {  	[tilespmem:$0x28D0] =	vst v60  }
0x1bc: {  	[tilespmem:$0x2D50] =	vst v60  }
0x1bd: {  	[tilespmem:$0x2DD0] =	vst v60  }
0x1be: {  	[tilespmem:$0x2E50] =	vst v60  }
0x1bf: {  	[tilespmem:$0x2ED0] =	vst v60  }
0x1c0: {  	[tilespmem:$0x2F50] =	vst v60  }
0x1c1: {  	[tilespmem:$0x2FD0] =	vst v60  }
0x1c2: {  	[tilespmem:$0x3050] =	vst v60  }
0x1c3: {  	[tilespmem:$0x30D0] =	vst v60  }
0x1c4: {  	[tilespmem:$0x3550] =	vst v60  }
0x1c5: {  	[tilespmem:$0x35D0] =	vst v60  }
0x1c6: {  	[tilespmem:$0x3650] =	vst v60  }
0x1c7: {  	[tilespmem:$0x36D0] =	vst v60  }
0x1c8: {  	[tilespmem:$0x3750] =	vst v60  }
0x1c9: {  	[tilespmem:$0x37D0] =	vst v60  }
0x1ca: {  	[tilespmem:$0x3850] =	vst v60  }
0x1cb: {  	[tilespmem:$0x38D0] =	vst v60  }
0x1cc: {  	[tilespmem:$0x3D50] =	vst v60  }
0x1cd: {  	[tilespmem:$0x3DD0] =	vst v60  }
0x1ce: {  	[tilespmem:$0x3E50] =	vst v60  }
0x1cf: {  	v3 =	vld [tilespmem:$0x20E0];
	[tilespmem:$0x26C0] =	vst v58  }
0x1d0: {  	[tilespmem:$0x3FD0] =	vst v60  }
0x1d1: {  	[tilespmem:$0x4050] =	vst v60  }
0x1d2: {  	[tilespmem:$0x2610] =	vst v63  }
0x1d3: {  	[tilespmem:$0x40D0] =	vst v60  }
0x1d4: {  	[tilespmem:$0x2560] =	vst v3  }
0x1d5: {  	[tilespmem:$0x2D40] =	vst v58  }
0x1d6: {  	[tilespmem:$0x25E0] =	vst v3  }
0x1d7: {  	[tilespmem:$0x2660] =	vst v3  }
0x1d8: {  	[tilespmem:$0x2760] =	vst v3  }
0x1d9: {  	[tilespmem:$0x27E0] =	vst v3  }
0x1da: {  	[tilespmem:$0x2860] =	vst v3  }
0x1db: {  	[tilespmem:$0x28E0] =	vst v3  }
0x1dc: {  	[tilespmem:$0x2D60] =	vst v3  }
0x1dd: {  	[tilespmem:$0x2DE0] =	vst v3  }
0x1de: {  	[tilespmem:$0x2E60] =	vst v3  }
0x1df: {  	[tilespmem:$0x2EE0] =	vst v3  }
0x1e0: {  	[tilespmem:$0x2F60] =	vst v3  }
0x1e1: {  	[tilespmem:$0x2FE0] =	vst v3  }
0x1e2: {  	[tilespmem:$0x3060] =	vst v3  }
0x1e3: {  	[tilespmem:$0x30E0] =	vst v3  }
0x1e4: {  	[tilespmem:$0x3560] =	vst v3  }
0x1e5: {  	[tilespmem:$0x35E0] =	vst v3  }
0x1e6: {  	[tilespmem:$0x3660] =	vst v3  }
0x1e7: {  	[tilespmem:$0x36E0] =	vst v3  }
0x1e8: {  	[tilespmem:$0x3760] =	vst v3  }
0x1e9: {  	[tilespmem:$0x37E0] =	vst v3  }
0x1ea: {  	[tilespmem:$0x3860] =	vst v3  }
0x1eb: {  	[tilespmem:$0x38E0] =	vst v3  }
0x1ec: {  	[tilespmem:$0x3D60] =	vst v3  }
0x1ed: {  	[tilespmem:$0x3DE0] =	vst v3  }
0x1ee: {  	[tilespmem:$0x3E60] =	vst v3  }
0x1ef: {  	[tilespmem:$0x3EE0] =	vst v3  }
0x1f0: {  	[tilespmem:$0x3F60] =	vst v3  }
0x1f1: {  	[tilespmem:$0x3FE0] =	vst v3  }
0x1f2: {  	[tilespmem:$0x4060] =	vst v3  }
0x1f3: {  	[tilespmem:$0x40E0] =	vst v3  }
0x1f4: {  	[tilespmem:$0x2570] =	vst v59  }
0x1f5: {  	[tilespmem:$0x25F0] =	vst v59  }
0x1f6: {  	[tilespmem:$0x2670] =	vst v59  }
0x1f7: {  	[tilespmem:$0x26F0] =	vst v59  }
0x1f8: {  	[tilespmem:$0x2770] =	vst v59  }
0x1f9: {  	[tilespmem:$0x27F0] =	vst v59  }
0x1fa: {  	[tilespmem:$0x2870] =	vst v59  }
0x1fb: {  	[tilespmem:$0x28F0] =	vst v59  }
0x1fc: {  	[tilespmem:$0x2D70] =	vst v59  }
0x1fd: {  	[tilespmem:$0x2DF0] =	vst v59  }
0x1fe: {  	[tilespmem:$0x2E70] =	vst v59  }
0x1ff: {  	[tilespmem:$0x2EF0] =	vst v59  }
0x200: {  	[tilespmem:$0x2F70] =	vst v59  }
0x201: {  	[tilespmem:$0x2FF0] =	vst v59  }
0x202: {  	[tilespmem:$0x3070] =	vst v59  }
0x203: {  	[tilespmem:$0x30F0] =	vst v59  }
0x204: {  	[tilespmem:$0x3570] =	vst v59  }
0x205: {  	[tilespmem:$0x35F0] =	vst v59  }
0x206: {  	[tilespmem:$0x3670] =	vst v59  }
0x207: {  	[tilespmem:$0x36F0] =	vst v59  }
0x208: {  	[tilespmem:$0x3770] =	vst v59  }
0x209: {  	[tilespmem:$0x37F0] =	vst v59  }
0x20a: {  	[tilespmem:$0x3870] =	vst v59  }
0x20b: {  	[tilespmem:$0x38F0] =	vst v59  }
0x20c: {  	[tilespmem:$0x3D70] =	vst v59  }
0x20d: {  	[tilespmem:$0x3DF0] =	vst v59  }
0x20e: {  	[tilespmem:$0x3E70] =	vst v59  }
0x20f: {  	[tilespmem:$0x3EF0] =	vst v59  }
0x210: {  	[tilespmem:$0x3F70] =	vst v59  }
0x211: {  	[tilespmem:$0x3FF0] =	vst v59  }
0x212: {  	[tilespmem:$0x26E0] =	vst v3  }
0x213: {  	[tilespmem:$0x40F0] =	vst v59  }
0x214: {  	[hbm4b:s6+s2] =	stream.linear.scatter [tilespmem:s10], [sflag:$0x4], $0x2000, $0x38;
	[tilespmem:$0x4100] =	vst v63  }
0x215: {  	_ =	swait.ge [sflag:s11], $0x2000  }
0x216: {  	[sflag:s11] =	ssyncset.done $0x0  }
0x217: {  	[sflag:s11] =	ssyncadd.s32 $0xFFFFE000  }
0x218: {  	[hbm4b:s4+s2] =	stream.linear.scatter [tilespmem:s2], [sflag:$0x3], $0x2000, $0x38;
	[tilespmem:$0x4100] =	vst v63  }
0x219: {  	p0 =	sne.s32 s7, $0x1;
	_ =	swait.ge [sflag:s12], $0x2000  }
.Ltmp0:
0x21a: {  	[sflag:s12] =	ssyncset.done $0x0;
	(pc) =	sbr.rel @p0 .LBB2_1-.Ltmp0, $4  }
0x21b: {  	[sflag:s12] =	ssyncadd.s32 $0xFFFFE000  }
0x21c: {  	_ =	swait.ge [sflag:s13], $0x2000  }
0x21d: {  	[sflag:s13] =	ssyncset.done $0x0  }
0x21e: {  	s7 =	sadd.s32 $0xFFFFFFFF, s7;
	[sflag:s13] =	ssyncadd.s32 $0xFFFFE000  }
0x21f: {  	_ =	sfence.sel $0x180000  }
0x220: {  	[bflag:$0x0] =	sbarrier.arrive $0xFFFF  }
0x221: {  	p0 =	sne.s32 s0, $0x0;
	_ =	strace $0x90000047  }
0x222: {  	s0 =	sadd.s32 @!p0 $0x100000, s1;
	[bflag:$0x2] =	sbarrier.arrive $0xFFFF  }
0x223: {  	[sflag:s0] =	ssyncadd.tile.s32 @!p0 $0x1;
	_ =	shalt  }
.Lfunc_end2:
_tile_overlayer_lowered:
.L_overlay_start_2:
0x224: {  	(tag) =	ssettag $0x2  }
0x225: {  	s0 =	rddreg [dreg:$0x0];
	s2 =	stileid.u32  }
0x226: {  	s1 =	rddreg [dreg:$0x1];
	p0 =	sne.s32 s2, $0x0  }
0x227: {  	s3 =	rddreg [dreg:$0x2];
	[bflag:$0x3] =	sbarrier.arrive $0xFFFF;
	s2 =	simm.s32 @!p0 $0x1C05  }
0x228: {  	[timem:s3], [sflag:s2] =	dma.local @!p0 [hbm:s0], s1  }
0x229: {  	s0 =	simm.s32 @!p0 $0x5  }
0x22a: {  	_ =	swait.ge @!p0 [sflag:s0], s1  }
0x22b: {  	s1 =	ssub.s32 @!p0 $0x0, s1;
	[sflag:s0] =	ssyncset.done @!p0 $0x0  }
0x22c: {  	[sflag:s0] =	ssyncadd.s32 @!p0 s1  }
0x22d: {  	[bflag:$0x3] =	sbarrier.arrive $0xFFFF  }
0x22e: {  	_ =	shalt  }

</sc_bundles>
